<compile_context>
chip_gen: v7x
topology: tpu7x:2x2x1
jax: 0.10.2.dev20260603
libtpu: 0.0.44.dev20260713+nightly
codegen_flags: <defaults>
</compile_context>

<pallas_src>
import functools

import jax
import jax.numpy as jnp
from jax import lax
from jax.experimental import pallas as pl
from jax.experimental.pallas import tpu as pltpu
from jax.experimental.pallas import tpu_sc as plsc

NN = 10000
EE = 640000
RR = 7
HID = 128

NW = 32
CH = 128
IB = 16
KF = 160
KS = 160
KTOT = 320
FAST_CORE = 0
TOTCH = 16 * KTOT
EPAD = TOTCH * CH
ACC_ROWS = 10240
RPT = ACC_ROWS // 16

BN = 1000
NB = NN // BN

def _sc_body(t_hbm, gidx_hbm, dst_hbm, out_hbm, idx_v, didx_v, rows_a, rows_b,
             acc_sh, gsem_a, gsem_b, ssem_a, ssem_b):
    c = lax.axis_index("c")
    s = lax.axis_index("s")
    on_fast = c == FAST_CORE
    base_chunk = jnp.where(on_fast, s * KF, 16 * KF + s * KS)
    nblk = jnp.where(on_fast, KF // IB, KS // IB)

    zv = jnp.zeros((16,), jnp.float32)

    def _zrow(i, carry):
        for t in range(HID // 16):
            rows_a[i, pl.ds(t * 16, 16)] = zv
        return carry

    lax.fori_loop(0, CH, _zrow, 0)
    for kk in range(RPT // CH):
        pltpu.sync_copy(rows_a, acc_sh.at[pl.ds(s * RPT + kk * CH, CH)])
    plsc.subcore_barrier()

    def _iblock(ib, carry):
        pltpu.sync_copy(gidx_hbm.at[pl.ds(base_chunk + ib * IB, IB)], idx_v)
        pltpu.sync_copy(dst_hbm.at[pl.ds(base_chunk + ib * IB, IB)], didx_v)
        pltpu.async_copy(t_hbm.at[idx_v.at[0]], rows_a, gsem_a)
        pltpu.async_copy(t_hbm.at[idx_v.at[1]], rows_b, gsem_b)

        def _pair(i, c2):
            j = 2 * i
            pltpu.make_async_copy(t_hbm.at[idx_v.at[j]], rows_a, gsem_a).wait()
            pltpu.async_copy(rows_a, acc_sh.at[didx_v.at[j]], ssem_a, add=True)
            pltpu.make_async_copy(t_hbm.at[idx_v.at[j + 1]], rows_b,
                                  gsem_b).wait()
            pltpu.async_copy(rows_b, acc_sh.at[didx_v.at[j + 1]], ssem_b,
                             add=True)

            @pl.when(j + 2 < IB)
            def _():
                pltpu.make_async_copy(rows_a, acc_sh.at[didx_v.at[j]],
                                      ssem_a).wait()
                pltpu.async_copy(t_hbm.at[idx_v.at[j + 2]], rows_a, gsem_a)
                pltpu.make_async_copy(rows_b, acc_sh.at[didx_v.at[j + 1]],
                                      ssem_b).wait()
                pltpu.async_copy(t_hbm.at[idx_v.at[j + 3]], rows_b, gsem_b)

            return c2

        lax.fori_loop(0, IB // 2, _pair, 0)
        pltpu.make_async_copy(rows_a, acc_sh.at[didx_v.at[0]], ssem_a).wait()
        pltpu.make_async_copy(rows_b, acc_sh.at[didx_v.at[0]], ssem_b).wait()
        return carry

    lax.fori_loop(0, nblk, _iblock, 0)

    plsc.subcore_barrier()
    pltpu.sync_copy(acc_sh.at[pl.ds(s * RPT, RPT)],
                    out_hbm.at[c, pl.ds(s * RPT, RPT)])


@functools.lru_cache(maxsize=None)
def _get_sc_aggregate():
    mesh = plsc.VectorSubcoreMesh(core_axis_name="c", subcore_axis_name="s")
    return pl.kernel(
        _sc_body,
        out_type=jax.ShapeDtypeStruct((2, ACC_ROWS, HID), jnp.float32),
        mesh=mesh,
        scratch_types=[
            pltpu.VMEM((IB, CH), jnp.int32),
            pltpu.VMEM((IB, CH), jnp.int32),
            pltpu.VMEM((CH, HID), jnp.float32),
            pltpu.VMEM((CH, HID), jnp.float32),
            pltpu.VMEM_SHARED((ACC_ROWS, HID), jnp.float32),
            pltpu.SemaphoreType.DMA,
            pltpu.SemaphoreType.DMA,
            pltpu.SemaphoreType.DMA,
            pltpu.SemaphoreType.DMA,
        ],
    )


def _sc_aggregate(t2, gidx3, dst3):
    return _get_sc_aggregate()(t2, gidx3, dst3)


def _mm_body(h_ref, w2_ref, ws_ref, t_ref, s_ref):
    h = h_ref[...]
    t_ref[...] = jnp.dot(h, w2_ref[...], preferred_element_type=jnp.float32,
                         precision=lax.Precision.HIGHEST)
    s_ref[...] = jnp.dot(h, ws_ref[...], preferred_element_type=jnp.float32,
                         precision=lax.Precision.HIGHEST)


_matmuls = pl.pallas_call(
    _mm_body,
    grid=(NB,),
    in_specs=[
        pl.BlockSpec((BN, HID), lambda j: (j, 0)),
        pl.BlockSpec((HID, RR * HID), lambda j: (0, 0)),
        pl.BlockSpec((HID, HID), lambda j: (0, 0)),
    ],
    out_specs=[
        pl.BlockSpec((BN, RR * HID), lambda j: (j, 0)),
        pl.BlockSpec((BN, HID), lambda j: (j, 0)),
    ],
    out_shape=[
        jax.ShapeDtypeStruct((NN, RR * HID), jnp.float32),
        jax.ShapeDtypeStruct((NN, HID), jnp.float32),
    ],
)


def _norm_body(p_ref, s_ref, b_ref, g_ref, be_ref, o_ref, pre_buf, stats):
    ph = pl.program_id(0)
    j = pl.program_id(1)

    @pl.when(ph == 0)
    def _():
        pre = p_ref[0] + p_ref[1] + s_ref[...] + b_ref[...]
        pre_buf[pl.ds(j * BN, BN)] = pre

        @pl.when(j == 0)
        def _():
            stats[...] = jnp.zeros_like(stats)

        stats[0:1, :] += jnp.sum(pre, axis=0, keepdims=True)
        stats[1:2, :] += jnp.sum(pre * pre, axis=0, keepdims=True)
        o_ref[...] = pre

    @pl.when(ph == 1)
    def _():
        @pl.when(j == 0)
        def _():
            mean = stats[0:1, :] * (1.0 / NN)
            var = stats[1:2, :] * (1.0 / NN) - mean * mean
            scale = g_ref[...] * lax.rsqrt(var + 1e-5)
            shift = be_ref[...] - mean * scale
            stats[0:1, :] = scale
            stats[1:2, :] = shift

        pre = pre_buf[pl.ds(j * BN, BN)]
        o_ref[...] = jnp.maximum(pre * stats[0:1, :] + stats[1:2, :], 0.0)


_norm = pl.pallas_call(
    _norm_body,
    grid=(2, NB),
    in_specs=[
        pl.BlockSpec((2, BN, HID), lambda p, j: (0, j, 0)),
        pl.BlockSpec((BN, HID), lambda p, j: (j, 0)),
        pl.BlockSpec((1, HID), lambda p, j: (0, 0)),
        pl.BlockSpec((1, HID), lambda p, j: (0, 0)),
        pl.BlockSpec((1, HID), lambda p, j: (0, 0)),
    ],
    out_specs=pl.BlockSpec((BN, HID), lambda p, j: (j, 0)),
    out_shape=jax.ShapeDtypeStruct((NN, HID), jnp.float32),
    scratch_shapes=[
        pltpu.VMEM((NN, HID), jnp.float32),
        pltpu.VMEM((2, HID), jnp.float32),
    ],
)


def _regroup_w(w_rel, din):
    w3 = w_rel.reshape(RR, din, HID)
    if din < HID:
        w3 = jnp.pad(w3, ((0, 0), (0, HID - din), (0, 0)))
    return w3.transpose(1, 0, 2).reshape(HID, RR * HID)


def _pad_cols(a, din):
    if din < HID:
        return jnp.pad(a, ((0, 0), (0, HID - din)))
    return a


def kernel(x, edge_index, edge_type, W_rel_0, b_0, W_self_0, gamma_0, beta_0,
           W_rel_1, b_1, W_self_1, gamma_1, beta_1, W_rel_2, b_2, W_self_2,
           gamma_2, beta_2):
    src = edge_index[0]
    dst = edge_index[1]
    gidx = src * RR + edge_type
    npad = EPAD - EE
    gidx3 = jnp.concatenate(
        [gidx, jnp.zeros((npad,), jnp.int32)]).reshape(TOTCH, CH)
    pad_dst = NN + (jnp.arange(npad, dtype=jnp.int32) % (ACC_ROWS - NN))
    dst3 = jnp.concatenate([dst, pad_dst]).reshape(TOTCH, CH)

    h = _pad_cols(x, x.shape[1])
    dins = [x.shape[1], HID, HID]
    params = [
        (W_rel_0, b_0, W_self_0, gamma_0, beta_0),
        (W_rel_1, b_1, W_self_1, gamma_1, beta_1),
        (W_rel_2, b_2, W_self_2, gamma_2, beta_2),
    ]
    outs = []
    for l, (wr, b, ws, g, be) in enumerate(params):
        w2 = _regroup_w(wr, dins[l])
        wsp = jnp.pad(ws, ((0, HID - dins[l]), (0, 0))) if dins[l] < HID else ws
        t2, s = _matmuls(h, w2, wsp)
        part = _sc_aggregate(t2.reshape(NN * RR, HID), gidx3, dst3)
        h = _norm(part, s, b.reshape(1, HID), g.reshape(1, HID),
                  be.reshape(1, HID))
        outs.append(h)
    return jnp.concatenate(outs, axis=-1)

# --- scband reference (transcript-rebuilt; emitter-appended) ---
"""Pipeline reference for scband-pretrained-gnnwrapper-86053964742818 (READ-ONLY COPY).

The authoritative reference and input builder live on the scoring server;
editing this copy changes nothing except your own understanding.
"""

import jax, jax.numpy as jnp
import numpy as np

N = 10000
E = 640000
R = 7
IN_DIM = 21
HID = 128
DIMS = [IN_DIM, HID, HID, HID]

def setup_inputs(seed: int = 0):
    key = jax.random.key(seed)
    inp = {}
    inp['x'] = jax.random.uniform(jax.random.fold_in(key, 0), (N, IN_DIM), dtype=jnp.float32)
    inp['edge_index'] = jax.random.randint(jax.random.fold_in(key, 1), (2, E), 0, N, dtype=jnp.int32)
    inp['edge_type'] = jax.random.randint(jax.random.fold_in(key, 2), (E,), 0, R, dtype=jnp.int32)
    for l in range(3):
        din, dout = DIMS[l], DIMS[l + 1]
        inp['W_rel_%d' % l] = jax.random.normal(jax.random.fold_in(key, 10 + l), (R * din, dout), dtype=jnp.float32) / np.sqrt(R * din)
        inp['b_%d' % l] = jnp.zeros((dout,), dtype=jnp.float32)
        inp['W_self_%d' % l] = jax.random.normal(jax.random.fold_in(key, 20 + l), (din, dout), dtype=jnp.float32) / np.sqrt(din)
        inp['gamma_%d' % l] = jnp.ones((dout,), dtype=jnp.float32)
        inp['beta_%d' % l] = jnp.zeros((dout,), dtype=jnp.float32)
    return inp

def _layer(h, src, dst, etype, Wr, b, Ws, g, be):
    msg = h[src]
    seg = dst * R + etype
    agg = jax.ops.segment_sum(msg, seg, num_segments=N * R)
    agg = agg.reshape(N, R * h.shape[1])
    out = agg @ Wr + b + h @ Ws
    mean = out.mean(axis=0)
    var = out.var(axis=0)
    out = (out - mean) / jnp.sqrt(var + 1e-5) * g + be
    return jax.nn.relu(out)

def reference(x, edge_index, edge_type, W_rel_0, b_0, W_self_0, gamma_0, beta_0, W_rel_1, b_1, W_self_1, gamma_1, beta_1, W_rel_2, b_2, W_self_2, gamma_2, beta_2):
    src = edge_index[0]
    dst = edge_index[1]
    params = [(W_rel_0, b_0, W_self_0, gamma_0, beta_0), (W_rel_1, b_1, W_self_1, gamma_1, beta_1), (W_rel_2, b_2, W_self_2, gamma_2, beta_2)]
    h = x
    outs = []
    for Wr, b, Ws, g, be in params:
        h = _layer(h, src, dst, edge_type, Wr, b, Ws, g, be)
        outs.append(h)
    return jnp.concatenate(outs, axis=-1)

if __name__ == "__main__":
    import jax
    _d = setup_inputs()
    print(jax.jit(kernel)(*tuple(_d.values())))

</pallas_src>

<mosaic_0001>
#map = affine_map<(d0, d1) -> (0, 0)>
#map1 = affine_map<(d0, d1) -> (0, 0, 0)>
module attributes {stable_mosaic.version = 14 : i64} {
  func.func @_sc_body(%arg0: i32, %arg1: i32, %arg2: memref<70000x128xf32, #tpu.memory_space<hbm>>, %arg3: memref<5120x128xi32, #tpu.memory_space<hbm>>, %arg4: memref<5120x128xi32, #tpu.memory_space<hbm>>, %arg5: memref<2x10240x128xf32, #tpu.memory_space<hbm>>, %arg6: memref<16x128xi32, #tpu.memory_space<vmem>>, %arg7: memref<16x128xi32, #tpu.memory_space<vmem>>, %arg8: memref<128x128xf32, #tpu.memory_space<vmem>>, %arg9: memref<128x128xf32, #tpu.memory_space<vmem>>, %arg10: memref<10240x128xf32, #tpu.memory_space<vmem_shared>>, %arg11: memref<!tpu.dma_semaphore, #tpu.memory_space<semaphore_mem>>, %arg12: memref<!tpu.dma_semaphore, #tpu.memory_space<semaphore_mem>>, %arg13: memref<!tpu.dma_semaphore, #tpu.memory_space<semaphore_mem>>, %arg14: memref<!tpu.dma_semaphore, #tpu.memory_space<semaphore_mem>>) attributes {dimension_semantics = [#tpu.dimension_semantics<core_parallel>, #tpu.dimension_semantics<subcore_parallel>], iteration_bounds = array<i64: 2, 16>, scalar_prefetch = 0 : i64, scratch_operands = 9 : i64, tpu.core_type = #tpu.core_type<sc_vector_subcore>, window_params = [{transform_indices = #map}, {transform_indices = #map}, {transform_indices = #map}, {transform_indices = #map1}]} {
    %eq3A = arith.constant 0 : i32
    %eq3A_0 = arith.cmpi eq, %arg0, %eq3A : i32
    %mul3A = arith.constant 160 : i32
    %mul3A_1 = arith.muli %arg1, %mul3A : i32
    %mul3A_2 = arith.constant 160 : i32
    %mul3A_3 = arith.muli %arg1, %mul3A_2 : i32
    %add3A = arith.constant 2560 : i32
    %add3A_4 = arith.addi %add3A, %mul3A_3 : i32
    %select_n3A = arith.select %eq3A_0, %mul3A_1, %add3A_4 : i32
    %jit3A = arith.constant 10 : i32
    %jit3A_5 = arith.constant 10 : i32
    %select_n3A_6 = arith.select %eq3A_0, %jit3A, %jit3A_5 : i32
    %broadcast_in_dim3A = arith.constant 0.000000e+00 : f32
    %broadcast_in_dim3A_7 = vector.broadcast %broadcast_in_dim3A : f32 to vector<16xf32>
    %scan3A = arith.constant 0 : i32
    %scan3A_8 = arith.constant 0 : i32
    %scan3A_9 = arith.constant 128 : i32
    %scan3A_10 = arith.addi %scan3A_8, %scan3A_9 : i32
    %scan3A_11 = arith.constant 1 : i32
    scf.for %scan3A_47 = %scan3A_8 to %scan3A_10 step %scan3A_11  : i32 {
      %swap3A = arith.index_cast %scan3A_47 : i32 to index
      %swap3A_48 = arith.constant 0 : index
      %swap3A_49 = tpu.vector_load %arg8[%swap3A, %swap3A_48] {strides = array<i32>} : memref<128x128xf32, #tpu.memory_space<vmem>>, vector<1x16xf32>,
      %swap3A_50 = vector.shape_cast %swap3A_49 : vector<1x16xf32> to vector<16xf32>
      %swap3A_51 = vector.shape_cast %broadcast_in_dim3A_7 : vector<16xf32> to vector<1x16xf32>
      tpu.vector_store %arg8[%swap3A, %swap3A_48], %swap3A_51 {strides = array<i32>} : memref<128x128xf32, #tpu.memory_space<vmem>>, vector<1x16xf32>,
      %swap3A_52 = arith.index_cast %scan3A_47 : i32 to index
      %swap3A_53 = arith.constant 16 : index
      %swap3A_54 = tpu.vector_load %arg8[%swap3A_52, %swap3A_53] {strides = array<i32>} : memref<128x128xf32, #tpu.memory_space<vmem>>, vector<1x16xf32>,
      %swap3A_55 = vector.shape_cast %swap3A_54 : vector<1x16xf32> to vector<16xf32>
      %swap3A_56 = vector.shape_cast %broadcast_in_dim3A_7 : vector<16xf32> to vector<1x16xf32>
      tpu.vector_store %arg8[%swap3A_52, %swap3A_53], %swap3A_56 {strides = array<i32>} : memref<128x128xf32, #tpu.memory_space<vmem>>, vector<1x16xf32>,
      %swap3A_57 = arith.index_cast %scan3A_47 : i32 to index
      %swap3A_58 = arith.constant 32 : index
      %swap3A_59 = tpu.vector_load %arg8[%swap3A_57, %swap3A_58] {strides = array<i32>} : memref<128x128xf32, #tpu.memory_space<vmem>>, vector<1x16xf32>,
      %swap3A_60 = vector.shape_cast %swap3A_59 : vector<1x16xf32> to vector<16xf32>
      %swap3A_61 = vector.shape_cast %broadcast_in_dim3A_7 : vector<16xf32> to vector<1x16xf32>
      tpu.vector_store %arg8[%swap3A_57, %swap3A_58], %swap3A_61 {strides = array<i32>} : memref<128x128xf32, #tpu.memory_space<vmem>>, vector<1x16xf32>,
      %swap3A_62 = arith.index_cast %scan3A_47 : i32 to index
      %swap3A_63 = arith.constant 48 : index
      %swap3A_64 = tpu.vector_load %arg8[%swap3A_62, %swap3A_63] {strides = array<i32>} : memref<128x128xf32, #tpu.memory_space<vmem>>, vector<1x16xf32>,
      %swap3A_65 = vector.shape_cast %swap3A_64 : vector<1x16xf32> to vector<16xf32>
      %swap3A_66 = vector.shape_cast %broadcast_in_dim3A_7 : vector<16xf32> to vector<1x16xf32>
      tpu.vector_store %arg8[%swap3A_62, %swap3A_63], %swap3A_66 {strides = array<i32>} : memref<128x128xf32, #tpu.memory_space<vmem>>, vector<1x16xf32>,
      %swap3A_67 = arith.index_cast %scan3A_47 : i32 to index
      %swap3A_68 = arith.constant 64 : index
      %swap3A_69 = tpu.vector_load %arg8[%swap3A_67, %swap3A_68] {strides = array<i32>} : memref<128x128xf32, #tpu.memory_space<vmem>>, vector<1x16xf32>,
      %swap3A_70 = vector.shape_cast %swap3A_69 : vector<1x16xf32> to vector<16xf32>
      %swap3A_71 = vector.shape_cast %broadcast_in_dim3A_7 : vector<16xf32> to vector<1x16xf32>
      tpu.vector_store %arg8[%swap3A_67, %swap3A_68], %swap3A_71 {strides = array<i32>} : memref<128x128xf32, #tpu.memory_space<vmem>>, vector<1x16xf32>,
      %swap3A_72 = arith.index_cast %scan3A_47 : i32 to index
      %swap3A_73 = arith.constant 80 : index
      %swap3A_74 = tpu.vector_load %arg8[%swap3A_72, %swap3A_73] {strides = array<i32>} : memref<128x128xf32, #tpu.memory_space<vmem>>, vector<1x16xf32>,
      %swap3A_75 = vector.shape_cast %swap3A_74 : vector<1x16xf32> to vector<16xf32>
      %swap3A_76 = vector.shape_cast %broadcast_in_dim3A_7 : vector<16xf32> to vector<1x16xf32>
      tpu.vector_store %arg8[%swap3A_72, %swap3A_73], %swap3A_76 {strides = array<i32>} : memref<128x128xf32, #tpu.memory_space<vmem>>, vector<1x16xf32>,
      %swap3A_77 = arith.index_cast %scan3A_47 : i32 to index
      %swap3A_78 = arith.constant 96 : index
      %swap3A_79 = tpu.vector_load %arg8[%swap3A_77, %swap3A_78] {strides = array<i32>} : memref<128x128xf32, #tpu.memory_space<vmem>>, vector<1x16xf32>,
      %swap3A_80 = vector.shape_cast %swap3A_79 : vector<1x16xf32> to vector<16xf32>
      %swap3A_81 = vector.shape_cast %broadcast_in_dim3A_7 : vector<16xf32> to vector<1x16xf32>
      tpu.vector_store %arg8[%swap3A_77, %swap3A_78], %swap3A_81 {strides = array<i32>} : memref<128x128xf32, #tpu.memory_space<vmem>>, vector<1x16xf32>,
      %swap3A_82 = arith.index_cast %scan3A_47 : i32 to index
      %swap3A_83 = arith.constant 112 : index
      %swap3A_84 = tpu.vector_load %arg8[%swap3A_82, %swap3A_83] {strides = array<i32>} : memref<128x128xf32, #tpu.memory_space<vmem>>, vector<1x16xf32>,
      %swap3A_85 = vector.shape_cast %swap3A_84 : vector<1x16xf32> to vector<16xf32>
      %swap3A_86 = vector.shape_cast %broadcast_in_dim3A_7 : vector<16xf32> to vector<1x16xf32>
      tpu.vector_store %arg8[%swap3A_82, %swap3A_83], %swap3A_86 {strides = array<i32>} : memref<128x128xf32, #tpu.memory_space<vmem>>, vector<1x16xf32>,
    }
    %scan3A_12 = arith.constant 128 : i32
    %mul3A_13 = arith.constant 640 : i32
    %mul3A_14 = arith.muli %arg1, %mul3A_13 : i32
    %add3A_15 = arith.constant 0 : i32
    %add3A_16 = arith.addi %mul3A_14, %add3A_15 : i32
    "tpu.region"() ({
      %run_scoped3A = tpu.sem_alloc : memref<!tpu.dma_semaphore, #tpu.memory_space<semaphore_mem>>
      %dma_start3A = arith.constant 0 : i32
      %dma_start3A_47 = tpu.memref_slice %arg10[%add3A_16, %dma_start3A] : memref<10240x128xf32, #tpu.memory_space<vmem_shared>> -> memref<128x128xf32, #tpu.memory_space<vmem_shared>>
      %dma_start3A_48 = arith.constant 0 : i32
      %dma_start3A_49 = tpu.memref_slice %arg10[%add3A_16, %dma_start3A_48] : memref<10240x128xf32, #tpu.memory_space<vmem_shared>> -> memref<128x128xf32, #tpu.memory_space<vmem_shared>>
      tpu.enqueue_dma source(%arg8 : memref<128x128xf32, #tpu.memory_space<vmem>>) target(%dma_start3A_49 : memref<128x128xf32, #tpu.memory_space<vmem_shared>>) target_semaphore(%run_scoped3A : memref<!tpu.dma_semaphore, #tpu.memory_space<semaphore_mem>>)
      %dma_wait3A = arith.constant 0 : i32
      %dma_wait3A_50 = tpu.memref_slice %arg10[%add3A_16, %dma_wait3A] : memref<10240x128xf32, #tpu.memory_space<vmem_shared>> -> memref<128x128xf32, #tpu.memory_space<vmem_shared>>
      %dma_wait3A_51 = arith.constant 0 : i32
      %dma_wait3A_52 = tpu.memref_slice %arg10[%add3A_16, %dma_wait3A_51] : memref<10240x128xf32, #tpu.memory_space<vmem_shared>> -> memref<128x128xf32, #tpu.memory_space<vmem_shared>>
      tpu.wait_dma2 semaphore(%run_scoped3A : memref<!tpu.dma_semaphore, #tpu.memory_space<semaphore_mem>>) src(%arg8 : memref<128x128xf32, #tpu.memory_space<vmem>>) dst(%dma_wait3A_52 : memref<128x128xf32, #tpu.memory_space<vmem_shared>>)
      tpu.yield
    }) : () -> ()
    %mul3A_17 = arith.constant 640 : i32
    %mul3A_18 = arith.muli %arg1, %mul3A_17 : i32
    %add3A_19 = arith.constant 128 : i32
    %add3A_20 = arith.addi %mul3A_18, %add3A_19 : i32
    "tpu.region"() ({
      %run_scoped3A = tpu.sem_alloc : memref<!tpu.dma_semaphore, #tpu.memory_space<semaphore_mem>>
      %dma_start3A = arith.constant 0 : i32
      %dma_start3A_47 = tpu.memref_slice %arg10[%add3A_20, %dma_start3A] : memref<10240x128xf32, #tpu.memory_space<vmem_shared>> -> memref<128x128xf32, #tpu.memory_space<vmem_shared>>
      %dma_start3A_48 = arith.constant 0 : i32
      %dma_start3A_49 = tpu.memref_slice %arg10[%add3A_20, %dma_start3A_48] : memref<10240x128xf32, #tpu.memory_space<vmem_shared>> -> memref<128x128xf32, #tpu.memory_space<vmem_shared>>
      tpu.enqueue_dma source(%arg8 : memref<128x128xf32, #tpu.memory_space<vmem>>) target(%dma_start3A_49 : memref<128x128xf32, #tpu.memory_space<vmem_shared>>) target_semaphore(%run_scoped3A : memref<!tpu.dma_semaphore, #tpu.memory_space<semaphore_mem>>)
      %dma_wait3A = arith.constant 0 : i32
      %dma_wait3A_50 = tpu.memref_slice %arg10[%add3A_20, %dma_wait3A] : memref<10240x128xf32, #tpu.memory_space<vmem_shared>> -> memref<128x128xf32, #tpu.memory_space<vmem_shared>>
      %dma_wait3A_51 = arith.constant 0 : i32
      %dma_wait3A_52 = tpu.memref_slice %arg10[%add3A_20, %dma_wait3A_51] : memref<10240x128xf32, #tpu.memory_space<vmem_shared>> -> memref<128x128xf32, #tpu.memory_space<vmem_shared>>
      tpu.wait_dma2 semaphore(%run_scoped3A : memref<!tpu.dma_semaphore, #tpu.memory_space<semaphore_mem>>) src(%arg8 : memref<128x128xf32, #tpu.memory_space<vmem>>) dst(%dma_wait3A_52 : memref<128x128xf32, #tpu.memory_space<vmem_shared>>)
      tpu.yield
    }) : () -> ()
    %mul3A_21 = arith.constant 640 : i32
    %mul3A_22 = arith.muli %arg1, %mul3A_21 : i32
    %add3A_23 = arith.constant 256 : i32
    %add3A_24 = arith.addi %mul3A_22, %add3A_23 : i32
    "tpu.region"() ({
      %run_scoped3A = tpu.sem_alloc : memref<!tpu.dma_semaphore, #tpu.memory_space<semaphore_mem>>
      %dma_start3A = arith.constant 0 : i32
      %dma_start3A_47 = tpu.memref_slice %arg10[%add3A_24, %dma_start3A] : memref<10240x128xf32, #tpu.memory_space<vmem_shared>> -> memref<128x128xf32, #tpu.memory_space<vmem_shared>>
      %dma_start3A_48 = arith.constant 0 : i32
      %dma_start3A_49 = tpu.memref_slice %arg10[%add3A_24, %dma_start3A_48] : memref<10240x128xf32, #tpu.memory_space<vmem_shared>> -> memref<128x128xf32, #tpu.memory_space<vmem_shared>>
      tpu.enqueue_dma source(%arg8 : memref<128x128xf32, #tpu.memory_space<vmem>>) target(%dma_start3A_49 : memref<128x128xf32, #tpu.memory_space<vmem_shared>>) target_semaphore(%run_scoped3A : memref<!tpu.dma_semaphore, #tpu.memory_space<semaphore_mem>>)
      %dma_wait3A = arith.constant 0 : i32
      %dma_wait3A_50 = tpu.memref_slice %arg10[%add3A_24, %dma_wait3A] : memref<10240x128xf32, #tpu.memory_space<vmem_shared>> -> memref<128x128xf32, #tpu.memory_space<vmem_shared>>
      %dma_wait3A_51 = arith.constant 0 : i32
      %dma_wait3A_52 = tpu.memref_slice %arg10[%add3A_24, %dma_wait3A_51] : memref<10240x128xf32, #tpu.memory_space<vmem_shared>> -> memref<128x128xf32, #tpu.memory_space<vmem_shared>>
      tpu.wait_dma2 semaphore(%run_scoped3A : memref<!tpu.dma_semaphore, #tpu.memory_space<semaphore_mem>>) src(%arg8 : memref<128x128xf32, #tpu.memory_space<vmem>>) dst(%dma_wait3A_52 : memref<128x128xf32, #tpu.memory_space<vmem_shared>>)
      tpu.yield
    }) : () -> ()
    %mul3A_25 = arith.constant 640 : i32
    %mul3A_26 = arith.muli %arg1, %mul3A_25 : i32
    %add3A_27 = arith.constant 384 : i32
    %add3A_28 = arith.addi %mul3A_26, %add3A_27 : i32
    "tpu.region"() ({
      %run_scoped3A = tpu.sem_alloc : memref<!tpu.dma_semaphore, #tpu.memory_space<semaphore_mem>>
      %dma_start3A = arith.constant 0 : i32
      %dma_start3A_47 = tpu.memref_slice %arg10[%add3A_28, %dma_start3A] : memref<10240x128xf32, #tpu.memory_space<vmem_shared>> -> memref<128x128xf32, #tpu.memory_space<vmem_shared>>
      %dma_start3A_48 = arith.constant 0 : i32
      %dma_start3A_49 = tpu.memref_slice %arg10[%add3A_28, %dma_start3A_48] : memref<10240x128xf32, #tpu.memory_space<vmem_shared>> -> memref<128x128xf32, #tpu.memory_space<vmem_shared>>
      tpu.enqueue_dma source(%arg8 : memref<128x128xf32, #tpu.memory_space<vmem>>) target(%dma_start3A_49 : memref<128x128xf32, #tpu.memory_space<vmem_shared>>) target_semaphore(%run_scoped3A : memref<!tpu.dma_semaphore, #tpu.memory_space<semaphore_mem>>)
      %dma_wait3A = arith.constant 0 : i32
      %dma_wait3A_50 = tpu.memref_slice %arg10[%add3A_28, %dma_wait3A] : memref<10240x128xf32, #tpu.memory_space<vmem_shared>> -> memref<128x128xf32, #tpu.memory_space<vmem_shared>>
      %dma_wait3A_51 = arith.constant 0 : i32
      %dma_wait3A_52 = tpu.memref_slice %arg10[%add3A_28, %dma_wait3A_51] : memref<10240x128xf32, #tpu.memory_space<vmem_shared>> -> memref<128x128xf32, #tpu.memory_space<vmem_shared>>
      tpu.wait_dma2 semaphore(%run_scoped3A : memref<!tpu.dma_semaphore, #tpu.memory_space<semaphore_mem>>) src(%arg8 : memref<128x128xf32, #tpu.memory_space<vmem>>) dst(%dma_wait3A_52 : memref<128x128xf32, #tpu.memory_space<vmem_shared>>)
      tpu.yield
    }) : () -> ()
    %mul3A_29 = arith.constant 640 : i32
    %mul3A_30 = arith.muli %arg1, %mul3A_29 : i32
    %add3A_31 = arith.constant 512 : i32
    %add3A_32 = arith.addi %mul3A_30, %add3A_31 : i32
    "tpu.region"() ({
      %run_scoped3A = tpu.sem_alloc : memref<!tpu.dma_semaphore, #tpu.memory_space<semaphore_mem>>
      %dma_start3A = arith.constant 0 : i32
      %dma_start3A_47 = tpu.memref_slice %arg10[%add3A_32, %dma_start3A] : memref<10240x128xf32, #tpu.memory_space<vmem_shared>> -> memref<128x128xf32, #tpu.memory_space<vmem_shared>>
      %dma_start3A_48 = arith.constant 0 : i32
      %dma_start3A_49 = tpu.memref_slice %arg10[%add3A_32, %dma_start3A_48] : memref<10240x128xf32, #tpu.memory_space<vmem_shared>> -> memref<128x128xf32, #tpu.memory_space<vmem_shared>>
      tpu.enqueue_dma source(%arg8 : memref<128x128xf32, #tpu.memory_space<vmem>>) target(%dma_start3A_49 : memref<128x128xf32, #tpu.memory_space<vmem_shared>>) target_semaphore(%run_scoped3A : memref<!tpu.dma_semaphore, #tpu.memory_space<semaphore_mem>>)
      %dma_wait3A = arith.constant 0 : i32
      %dma_wait3A_50 = tpu.memref_slice %arg10[%add3A_32, %dma_wait3A] : memref<10240x128xf32, #tpu.memory_space<vmem_shared>> -> memref<128x128xf32, #tpu.memory_space<vmem_shared>>
      %dma_wait3A_51 = arith.constant 0 : i32
      %dma_wait3A_52 = tpu.memref_slice %arg10[%add3A_32, %dma_wait3A_51] : memref<10240x128xf32, #tpu.memory_space<vmem_shared>> -> memref<128x128xf32, #tpu.memory_space<vmem_shared>>
      tpu.wait_dma2 semaphore(%run_scoped3A : memref<!tpu.dma_semaphore, #tpu.memory_space<semaphore_mem>>) src(%arg8 : memref<128x128xf32, #tpu.memory_space<vmem>>) dst(%dma_wait3A_52 : memref<128x128xf32, #tpu.memory_space<vmem_shared>>)
      tpu.yield
    }) : () -> ()
    %barrier3A = arith.constant 0 : index
    tpu.barrier barrier_id(%barrier3A)
    %while3A = arith.constant 0 : i32
    %while3A_33 = arith.constant 0 : i32
    %while3A_34 = arith.subi %select_n3A_6, %while3A_33 : i32
    %while3A_35 = arith.addi %while3A_33, %while3A_34 : i32
    %while3A_36 = arith.constant 1 : i32
    %while3A_37 = arith.divsi %while3A_34, %while3A_36 : i32
    %while3A_38 = arith.muli %while3A_37, %while3A_36 : i32
    %while3A_39 = arith.addi %while3A_33, %while3A_38 : i32
    %while3A_40 = arith.constant 1 : i32
    scf.for %while3A_47 = %while3A_33 to %while3A_39 step %while3A_40  : i32 {
      %mul3A_48 = arith.constant 16 : i32
      %mul3A_49 = arith.muli %while3A_47, %mul3A_48 : i32
      %add3A_50 = arith.addi %select_n3A, %mul3A_49 : i32
      "tpu.region"() ({
        %run_scoped3A = tpu.sem_alloc : memref<!tpu.dma_semaphore, #tpu.memory_space<semaphore_mem>>
        %dma_start3A_86 = arith.constant 0 : i32
        %dma_start3A_87 = tpu.memref_slice %arg3[%add3A_50, %dma_start3A_86] : memref<5120x128xi32, #tpu.memory_space<hbm>> -> memref<16x128xi32, #tpu.memory_space<hbm>>
        %dma_start3A_88 = arith.constant 0 : i32
        %dma_start3A_89 = tpu.memref_slice %arg3[%add3A_50, %dma_start3A_88] : memref<5120x128xi32, #tpu.memory_space<hbm>> -> memref<16x128xi32, #tpu.memory_space<hbm>>
        tpu.enqueue_dma source(%dma_start3A_89 : memref<16x128xi32, #tpu.memory_space<hbm>>) target(%arg6 : memref<16x128xi32, #tpu.memory_space<vmem>>) target_semaphore(%run_scoped3A : memref<!tpu.dma_semaphore, #tpu.memory_space<semaphore_mem>>)
        %dma_wait3A_90 = arith.constant 0 : i32
        %dma_wait3A_91 = tpu.memref_slice %arg3[%add3A_50, %dma_wait3A_90] : memref<5120x128xi32, #tpu.memory_space<hbm>> -> memref<16x128xi32, #tpu.memory_space<hbm>>
        %dma_wait3A_92 = arith.constant 0 : i32
        %dma_wait3A_93 = tpu.memref_slice %arg3[%add3A_50, %dma_wait3A_92] : memref<5120x128xi32, #tpu.memory_space<hbm>> -> memref<16x128xi32, #tpu.memory_space<hbm>>
        tpu.wait_dma2 semaphore(%run_scoped3A : memref<!tpu.dma_semaphore, #tpu.memory_space<semaphore_mem>>) src(%dma_wait3A_93 : memref<16x128xi32, #tpu.memory_space<hbm>>) dst(%arg6 : memref<16x128xi32, #tpu.memory_space<vmem>>)
        tpu.yield
      }) : () -> ()
      %mul3A_51 = arith.constant 16 : i32
      %mul3A_52 = arith.muli %while3A_47, %mul3A_51 : i32
      %add3A_53 = arith.addi %select_n3A, %mul3A_52 : i32
      "tpu.region"() ({
        %run_scoped3A = tpu.sem_alloc : memref<!tpu.dma_semaphore, #tpu.memory_space<semaphore_mem>>
        %dma_start3A_86 = arith.constant 0 : i32
        %dma_start3A_87 = tpu.memref_slice %arg4[%add3A_53, %dma_start3A_86] : memref<5120x128xi32, #tpu.memory_space<hbm>> -> memref<16x128xi32, #tpu.memory_space<hbm>>
        %dma_start3A_88 = arith.constant 0 : i32
        %dma_start3A_89 = tpu.memref_slice %arg4[%add3A_53, %dma_start3A_88] : memref<5120x128xi32, #tpu.memory_space<hbm>> -> memref<16x128xi32, #tpu.memory_space<hbm>>
        tpu.enqueue_dma source(%dma_start3A_89 : memref<16x128xi32, #tpu.memory_space<hbm>>) target(%arg7 : memref<16x128xi32, #tpu.memory_space<vmem>>) target_semaphore(%run_scoped3A : memref<!tpu.dma_semaphore, #tpu.memory_space<semaphore_mem>>)
        %dma_wait3A_90 = arith.constant 0 : i32
        %dma_wait3A_91 = tpu.memref_slice %arg4[%add3A_53, %dma_wait3A_90] : memref<5120x128xi32, #tpu.memory_space<hbm>> -> memref<16x128xi32, #tpu.memory_space<hbm>>
        %dma_wait3A_92 = arith.constant 0 : i32
        %dma_wait3A_93 = tpu.memref_slice %arg4[%add3A_53, %dma_wait3A_92] : memref<5120x128xi32, #tpu.memory_space<hbm>> -> memref<16x128xi32, #tpu.memory_space<hbm>>
        tpu.wait_dma2 semaphore(%run_scoped3A : memref<!tpu.dma_semaphore, #tpu.memory_space<semaphore_mem>>) src(%dma_wait3A_93 : memref<16x128xi32, #tpu.memory_space<hbm>>) dst(%arg7 : memref<16x128xi32, #tpu.memory_space<vmem>>)
        tpu.yield
      }) : () -> ()
      %dma_start3A = arith.constant 0 : i32
      %dma_start3A_54 = arith.constant 0 : i32
      %dma_start3A_55 = tpu.memref_slice %arg6[%dma_start3A, %dma_start3A_54] : memref<16x128xi32, #tpu.memory_space<vmem>> -> memref<1x128xi32, #tpu.memory_space<vmem>>
      %dma_start3A_56 = tpu.memref_squeeze %dma_start3A_55 : memref<1x128xi32, #tpu.memory_space<vmem>> -> memref<128xi32, #tpu.memory_space<vmem>>
      %dma_start3A_57 = arith.constant 0 : i32
      %dma_start3A_58 = arith.constant 0 : i32
      %dma_start3A_59 = tpu.memref_slice %arg2[%dma_start3A_57, %dma_start3A_58] : memref<70000x128xf32, #tpu.memory_space<hbm>> -> memref<70000x128xf32, #tpu.memory_space<hbm>>
      tpu.enqueue_indirect_dma source(%dma_start3A_59 : memref<70000x128xf32, #tpu.memory_space<hbm>>) target(%arg8 : memref<128x128xf32, #tpu.memory_space<vmem>>) offsets(%dma_start3A_56 : memref<128xi32, #tpu.memory_space<vmem>>) semaphore(%arg11 : memref<!tpu.dma_semaphore, #tpu.memory_space<semaphore_mem>>)
      %dma_start3A_60 = arith.constant 1 : i32
      %dma_start3A_61 = arith.constant 0 : i32
      %dma_start3A_62 = tpu.memref_slice %arg6[%dma_start3A_60, %dma_start3A_61] : memref<16x128xi32, #tpu.memory_space<vmem>> -> memref<1x128xi32, #tpu.memory_space<vmem>>
      %dma_start3A_63 = tpu.memref_squeeze %dma_start3A_62 : memref<1x128xi32, #tpu.memory_space<vmem>> -> memref<128xi32, #tpu.memory_space<vmem>>
      %dma_start3A_64 = arith.constant 0 : i32
      %dma_start3A_65 = arith.constant 0 : i32
      %dma_start3A_66 = tpu.memref_slice %arg2[%dma_start3A_64, %dma_start3A_65] : memref<70000x128xf32, #tpu.memory_space<hbm>> -> memref<70000x128xf32, #tpu.memory_space<hbm>>
      tpu.enqueue_indirect_dma source(%dma_start3A_66 : memref<70000x128xf32, #tpu.memory_space<hbm>>) target(%arg9 : memref<128x128xf32, #tpu.memory_space<vmem>>) offsets(%dma_start3A_63 : memref<128xi32, #tpu.memory_space<vmem>>) semaphore(%arg12 : memref<!tpu.dma_semaphore, #tpu.memory_space<semaphore_mem>>)
      %scan3A_67 = arith.constant 0 : i32
      %scan3A_68 = arith.constant 0 : i32
      %scan3A_69 = arith.constant 8 : i32
      %scan3A_70 = arith.addi %scan3A_68, %scan3A_69 : i32
      %scan3A_71 = arith.constant 1 : i32
      scf.for %scan3A_86 = %scan3A_68 to %scan3A_70 step %scan3A_71  : i32 {
        %mul3A_87 = arith.constant 2 : i32
        %mul3A_88 = arith.muli %mul3A_87, %scan3A_86 : i32
        %dma_wait3A_89 = arith.constant 0 : i32
        %dma_wait3A_90 = tpu.memref_slice %arg6[%mul3A_88, %dma_wait3A_89] : memref<16x128xi32, #tpu.memory_space<vmem>> -> memref<1x128xi32, #tpu.memory_space<vmem>>
        %dma_wait3A_91 = tpu.memref_squeeze %dma_wait3A_90 : memref<1x128xi32, #tpu.memory_space<vmem>> -> memref<128xi32, #tpu.memory_space<vmem>>
        %dma_wait3A_92 = arith.constant 0 : i32
        %dma_wait3A_93 = arith.constant 0 : i32
        %dma_wait3A_94 = tpu.memref_slice %arg2[%dma_wait3A_92, %dma_wait3A_93] : memref<70000x128xf32, #tpu.memory_space<hbm>> -> memref<70000x128xf32, #tpu.memory_space<hbm>>
        tpu.wait_indirect_dma semaphore(%arg11 : memref<!tpu.dma_semaphore, #tpu.memory_space<semaphore_mem>>) src(%dma_wait3A_94 : memref<70000x128xf32, #tpu.memory_space<hbm>>) dst(%arg8 : memref<128x128xf32, #tpu.memory_space<vmem>>)
        %dma_start3A_95 = arith.constant 0 : i32
        %dma_start3A_96 = tpu.memref_slice %arg7[%mul3A_88, %dma_start3A_95] : memref<16x128xi32, #tpu.memory_space<vmem>> -> memref<1x128xi32, #tpu.memory_space<vmem>>
        %dma_start3A_97 = tpu.memref_squeeze %dma_start3A_96 : memref<1x128xi32, #tpu.memory_space<vmem>> -> memref<128xi32, #tpu.memory_space<vmem>>
        %dma_start3A_98 = arith.constant 0 : i32
        %dma_start3A_99 = arith.constant 0 : i32
        %dma_start3A_100 = tpu.memref_slice %arg10[%dma_start3A_98, %dma_start3A_99] : memref<10240x128xf32, #tpu.memory_space<vmem_shared>> -> memref<10240x128xf32, #tpu.memory_space<vmem_shared>>
        tpu.enqueue_indirect_dma source(%arg8 : memref<128x128xf32, #tpu.memory_space<vmem>>) target(%dma_start3A_100 : memref<10240x128xf32, #tpu.memory_space<vmem_shared>>) offsets(%dma_start3A_97 : memref<128xi32, #tpu.memory_space<vmem>>) semaphore(%arg13 : memref<!tpu.dma_semaphore, #tpu.memory_space<semaphore_mem>>) {add = true}
        %add3A_101 = arith.constant 1 : i32
        %add3A_102 = arith.addi %mul3A_88, %add3A_101 : i32
        %dma_wait3A_103 = arith.constant 0 : i32
        %dma_wait3A_104 = tpu.memref_slice %arg6[%add3A_102, %dma_wait3A_103] : memref<16x128xi32, #tpu.memory_space<vmem>> -> memref<1x128xi32, #tpu.memory_space<vmem>>
        %dma_wait3A_105 = tpu.memref_squeeze %dma_wait3A_104 : memref<1x128xi32, #tpu.memory_space<vmem>> -> memref<128xi32, #tpu.memory_space<vmem>>
        %dma_wait3A_106 = arith.constant 0 : i32
        %dma_wait3A_107 = arith.constant 0 : i32
        %dma_wait3A_108 = tpu.memref_slice %arg2[%dma_wait3A_106, %dma_wait3A_107] : memref<70000x128xf32, #tpu.memory_space<hbm>> -> memref<70000x128xf32, #tpu.memory_space<hbm>>
        tpu.wait_indirect_dma semaphore(%arg12 : memref<!tpu.dma_semaphore, #tpu.memory_space<semaphore_mem>>) src(%dma_wait3A_108 : memref<70000x128xf32, #tpu.memory_space<hbm>>) dst(%arg9 : memref<128x128xf32, #tpu.memory_space<vmem>>)
        %add3A_109 = arith.constant 1 : i32
        %add3A_110 = arith.addi %mul3A_88, %add3A_109 : i32
        %dma_start3A_111 = arith.constant 0 : i32
        %dma_start3A_112 = tpu.memref_slice %arg7[%add3A_110, %dma_start3A_111] : memref<16x128xi32, #tpu.memory_space<vmem>> -> memref<1x128xi32, #tpu.memory_space<vmem>>
        %dma_start3A_113 = tpu.memref_squeeze %dma_start3A_112 : memref<1x128xi32, #tpu.memory_space<vmem>> -> memref<128xi32, #tpu.memory_space<vmem>>
        %dma_start3A_114 = arith.constant 0 : i32
        %dma_start3A_115 = arith.constant 0 : i32
        %dma_start3A_116 = tpu.memref_slice %arg10[%dma_start3A_114, %dma_start3A_115] : memref<10240x128xf32, #tpu.memory_space<vmem_shared>> -> memref<10240x128xf32, #tpu.memory_space<vmem_shared>>
        tpu.enqueue_indirect_dma source(%arg9 : memref<128x128xf32, #tpu.memory_space<vmem>>) target(%dma_start3A_116 : memref<10240x128xf32, #tpu.memory_space<vmem_shared>>) offsets(%dma_start3A_113 : memref<128xi32, #tpu.memory_space<vmem>>) semaphore(%arg14 : memref<!tpu.dma_semaphore, #tpu.memory_space<semaphore_mem>>) {add = true}
        %add3A_117 = arith.constant 2 : i32
        %add3A_118 = arith.addi %mul3A_88, %add3A_117 : i32
        %lt3A = arith.constant 16 : i32
        %lt3A_119 = arith.cmpi slt, %add3A_118, %lt3A : i32
        %convert_element_type3A = arith.extui %lt3A_119 : i1 to i32
        %cond3A = arith.constant 0 : i32
        %cond3A_120 = arith.cmpi ne, %convert_element_type3A, %cond3A : i32
        scf.if %cond3A_120 {
          %dma_wait3A_121 = arith.constant 0 : i32
          %dma_wait3A_122 = tpu.memref_slice %arg7[%mul3A_88, %dma_wait3A_121] : memref<16x128xi32, #tpu.memory_space<vmem>> -> memref<1x128xi32, #tpu.memory_space<vmem>>
          %dma_wait3A_123 = tpu.memref_squeeze %dma_wait3A_122 : memref<1x128xi32, #tpu.memory_space<vmem>> -> memref<128xi32, #tpu.memory_space<vmem>>
          %dma_wait3A_124 = arith.constant 0 : i32
          %dma_wait3A_125 = arith.constant 0 : i32
          %dma_wait3A_126 = tpu.memref_slice %arg10[%dma_wait3A_124, %dma_wait3A_125] : memref<10240x128xf32, #tpu.memory_space<vmem_shared>> -> memref<10240x128xf32, #tpu.memory_space<vmem_shared>>
          tpu.wait_indirect_dma semaphore(%arg13 : memref<!tpu.dma_semaphore, #tpu.memory_space<semaphore_mem>>) src(%arg8 : memref<128x128xf32, #tpu.memory_space<vmem>>) dst(%dma_wait3A_126 : memref<10240x128xf32, #tpu.memory_space<vmem_shared>>)
          %add3A_127 = arith.constant 2 : i32
          %add3A_128 = arith.addi %mul3A_88, %add3A_127 : i32
          %dma_start3A_129 = arith.constant 0 : i32
          %dma_start3A_130 = tpu.memref_slice %arg6[%add3A_128, %dma_start3A_129] : memref<16x128xi32, #tpu.memory_space<vmem>> -> memref<1x128xi32, #tpu.memory_space<vmem>>
          %dma_start3A_131 = tpu.memref_squeeze %dma_start3A_130 : memref<1x128xi32, #tpu.memory_space<vmem>> -> memref<128xi32, #tpu.memory_space<vmem>>
          %dma_start3A_132 = arith.constant 0 : i32
          %dma_start3A_133 = arith.constant 0 : i32
          %dma_start3A_134 = tpu.memref_slice %arg2[%dma_start3A_132, %dma_start3A_133] : memref<70000x128xf32, #tpu.memory_space<hbm>> -> memref<70000x128xf32, #tpu.memory_space<hbm>>
          tpu.enqueue_indirect_dma source(%dma_start3A_134 : memref<70000x128xf32, #tpu.memory_space<hbm>>) target(%arg8 : memref<128x128xf32, #tpu.memory_space<vmem>>) offsets(%dma_start3A_131 : memref<128xi32, #tpu.memory_space<vmem>>) semaphore(%arg11 : memref<!tpu.dma_semaphore, #tpu.memory_space<semaphore_mem>>)
          %add3A_135 = arith.constant 1 : i32
          %add3A_136 = arith.addi %mul3A_88, %add3A_135 : i32
          %dma_wait3A_137 = arith.constant 0 : i32
          %dma_wait3A_138 = tpu.memref_slice %arg7[%add3A_136, %dma_wait3A_137] : memref<16x128xi32, #tpu.memory_space<vmem>> -> memref<1x128xi32, #tpu.memory_space<vmem>>
          %dma_wait3A_139 = tpu.memref_squeeze %dma_wait3A_138 : memref<1x128xi32, #tpu.memory_space<vmem>> -> memref<128xi32, #tpu.memory_space<vmem>>
          %dma_wait3A_140 = arith.constant 0 : i32
          %dma_wait3A_141 = arith.constant 0 : i32
          %dma_wait3A_142 = tpu.memref_slice %arg10[%dma_wait3A_140, %dma_wait3A_141] : memref<10240x128xf32, #tpu.memory_space<vmem_shared>> -> memref<10240x128xf32, #tpu.memory_space<vmem_shared>>
          tpu.wait_indirect_dma semaphore(%arg14 : memref<!tpu.dma_semaphore, #tpu.memory_space<semaphore_mem>>) src(%arg9 : memref<128x128xf32, #tpu.memory_space<vmem>>) dst(%dma_wait3A_142 : memref<10240x128xf32, #tpu.memory_space<vmem_shared>>)
          %add3A_143 = arith.constant 3 : i32
          %add3A_144 = arith.addi %mul3A_88, %add3A_143 : i32
          %dma_start3A_145 = arith.constant 0 : i32
          %dma_start3A_146 = tpu.memref_slice %arg6[%add3A_144, %dma_start3A_145] : memref<16x128xi32, #tpu.memory_space<vmem>> -> memref<1x128xi32, #tpu.memory_space<vmem>>
          %dma_start3A_147 = tpu.memref_squeeze %dma_start3A_146 : memref<1x128xi32, #tpu.memory_space<vmem>> -> memref<128xi32, #tpu.memory_space<vmem>>
          %dma_start3A_148 = arith.constant 0 : i32
          %dma_start3A_149 = arith.constant 0 : i32
          %dma_start3A_150 = tpu.memref_slice %arg2[%dma_start3A_148, %dma_start3A_149] : memref<70000x128xf32, #tpu.memory_space<hbm>> -> memref<70000x128xf32, #tpu.memory_space<hbm>>
          tpu.enqueue_indirect_dma source(%dma_start3A_150 : memref<70000x128xf32, #tpu.memory_space<hbm>>) target(%arg9 : memref<128x128xf32, #tpu.memory_space<vmem>>) offsets(%dma_start3A_147 : memref<128xi32, #tpu.memory_space<vmem>>) semaphore(%arg12 : memref<!tpu.dma_semaphore, #tpu.memory_space<semaphore_mem>>)
        } else {
        }
      }
      %scan3A_72 = arith.constant 8 : i32
      %dma_wait3A = arith.constant 0 : i32
      %dma_wait3A_73 = arith.constant 0 : i32
      %dma_wait3A_74 = tpu.memref_slice %arg7[%dma_wait3A, %dma_wait3A_73] : memref<16x128xi32, #tpu.memory_space<vmem>> -> memref<1x128xi32, #tpu.memory_space<vmem>>
      %dma_wait3A_75 = tpu.memref_squeeze %dma_wait3A_74 : memref<1x128xi32, #tpu.memory_space<vmem>> -> memref<128xi32, #tpu.memory_space<vmem>>
      %dma_wait3A_76 = arith.constant 0 : i32
      %dma_wait3A_77 = arith.constant 0 : i32
      %dma_wait3A_78 = tpu.memref_slice %arg10[%dma_wait3A_76, %dma_wait3A_77] : memref<10240x128xf32, #tpu.memory_space<vmem_shared>> -> memref<10240x128xf32, #tpu.memory_space<vmem_shared>>
      tpu.wait_indirect_dma semaphore(%arg13 : memref<!tpu.dma_semaphore, #tpu.memory_space<semaphore_mem>>) src(%arg8 : memref<128x128xf32, #tpu.memory_space<vmem>>) dst(%dma_wait3A_78 : memref<10240x128xf32, #tpu.memory_space<vmem_shared>>)
      %dma_wait3A_79 = arith.constant 0 : i32
      %dma_wait3A_80 = arith.constant 0 : i32
      %dma_wait3A_81 = tpu.memref_slice %arg7[%dma_wait3A_79, %dma_wait3A_80] : memref<16x128xi32, #tpu.memory_space<vmem>> -> memref<1x128xi32, #tpu.memory_space<vmem>>
      %dma_wait3A_82 = tpu.memref_squeeze %dma_wait3A_81 : memref<1x128xi32, #tpu.memory_space<vmem>> -> memref<128xi32, #tpu.memory_space<vmem>>
      %dma_wait3A_83 = arith.constant 0 : i32
      %dma_wait3A_84 = arith.constant 0 : i32
      %dma_wait3A_85 = tpu.memref_slice %arg10[%dma_wait3A_83, %dma_wait3A_84] : memref<10240x128xf32, #tpu.memory_space<vmem_shared>> -> memref<10240x128xf32, #tpu.memory_space<vmem_shared>>
      tpu.wait_indirect_dma semaphore(%arg14 : memref<!tpu.dma_semaphore, #tpu.memory_space<semaphore_mem>>) src(%arg9 : memref<128x128xf32, #tpu.memory_space<vmem>>) dst(%dma_wait3A_85 : memref<10240x128xf32, #tpu.memory_space<vmem_shared>>)
    }
    %while3A_41 = arith.constant 1 : i32
    scf.for %while3A_47 = %while3A_39 to %while3A_35 step %while3A_41  : i32 {
      %mul3A_48 = arith.constant 16 : i32
      %mul3A_49 = arith.muli %while3A_47, %mul3A_48 : i32
      %add3A_50 = arith.addi %select_n3A, %mul3A_49 : i32
      "tpu.region"() ({
        %run_scoped3A = tpu.sem_alloc : memref<!tpu.dma_semaphore, #tpu.memory_space<semaphore_mem>>
        %dma_start3A_86 = arith.constant 0 : i32
        %dma_start3A_87 = tpu.memref_slice %arg3[%add3A_50, %dma_start3A_86] : memref<5120x128xi32, #tpu.memory_space<hbm>> -> memref<16x128xi32, #tpu.memory_space<hbm>>
        %dma_start3A_88 = arith.constant 0 : i32
        %dma_start3A_89 = tpu.memref_slice %arg3[%add3A_50, %dma_start3A_88] : memref<5120x128xi32, #tpu.memory_space<hbm>> -> memref<16x128xi32, #tpu.memory_space<hbm>>
        tpu.enqueue_dma source(%dma_start3A_89 : memref<16x128xi32, #tpu.memory_space<hbm>>) target(%arg6 : memref<16x128xi32, #tpu.memory_space<vmem>>) target_semaphore(%run_scoped3A : memref<!tpu.dma_semaphore, #tpu.memory_space<semaphore_mem>>)
        %dma_wait3A_90 = arith.constant 0 : i32
        %dma_wait3A_91 = tpu.memref_slice %arg3[%add3A_50, %dma_wait3A_90] : memref<5120x128xi32, #tpu.memory_space<hbm>> -> memref<16x128xi32, #tpu.memory_space<hbm>>
        %dma_wait3A_92 = arith.constant 0 : i32
        %dma_wait3A_93 = tpu.memref_slice %arg3[%add3A_50, %dma_wait3A_92] : memref<5120x128xi32, #tpu.memory_space<hbm>> -> memref<16x128xi32, #tpu.memory_space<hbm>>
        tpu.wait_dma2 semaphore(%run_scoped3A : memref<!tpu.dma_semaphore, #tpu.memory_space<semaphore_mem>>) src(%dma_wait3A_93 : memref<16x128xi32, #tpu.memory_space<hbm>>) dst(%arg6 : memref<16x128xi32, #tpu.memory_space<vmem>>)
        tpu.yield
      }) : () -> ()
      %mul3A_51 = arith.constant 16 : i32
      %mul3A_52 = arith.muli %while3A_47, %mul3A_51 : i32
      %add3A_53 = arith.addi %select_n3A, %mul3A_52 : i32
      "tpu.region"() ({
        %run_scoped3A = tpu.sem_alloc : memref<!tpu.dma_semaphore, #tpu.memory_space<semaphore_mem>>
        %dma_start3A_86 = arith.constant 0 : i32
        %dma_start3A_87 = tpu.memref_slice %arg4[%add3A_53, %dma_start3A_86] : memref<5120x128xi32, #tpu.memory_space<hbm>> -> memref<16x128xi32, #tpu.memory_space<hbm>>
        %dma_start3A_88 = arith.constant 0 : i32
        %dma_start3A_89 = tpu.memref_slice %arg4[%add3A_53, %dma_start3A_88] : memref<5120x128xi32, #tpu.memory_space<hbm>> -> memref<16x128xi32, #tpu.memory_space<hbm>>
        tpu.enqueue_dma source(%dma_start3A_89 : memref<16x128xi32, #tpu.memory_space<hbm>>) target(%arg7 : memref<16x128xi32, #tpu.memory_space<vmem>>) target_semaphore(%run_scoped3A : memref<!tpu.dma_semaphore, #tpu.memory_space<semaphore_mem>>)
        %dma_wait3A_90 = arith.constant 0 : i32
        %dma_wait3A_91 = tpu.memref_slice %arg4[%add3A_53, %dma_wait3A_90] : memref<5120x128xi32, #tpu.memory_space<hbm>> -> memref<16x128xi32, #tpu.memory_space<hbm>>
        %dma_wait3A_92 = arith.constant 0 : i32
        %dma_wait3A_93 = tpu.memref_slice %arg4[%add3A_53, %dma_wait3A_92] : memref<5120x128xi32, #tpu.memory_space<hbm>> -> memref<16x128xi32, #tpu.memory_space<hbm>>
        tpu.wait_dma2 semaphore(%run_scoped3A : memref<!tpu.dma_semaphore, #tpu.memory_space<semaphore_mem>>) src(%dma_wait3A_93 : memref<16x128xi32, #tpu.memory_space<hbm>>) dst(%arg7 : memref<16x128xi32, #tpu.memory_space<vmem>>)
        tpu.yield
      }) : () -> ()
      %dma_start3A = arith.constant 0 : i32
      %dma_start3A_54 = arith.constant 0 : i32
      %dma_start3A_55 = tpu.memref_slice %arg6[%dma_start3A, %dma_start3A_54] : memref<16x128xi32, #tpu.memory_space<vmem>> -> memref<1x128xi32, #tpu.memory_space<vmem>>
      %dma_start3A_56 = tpu.memref_squeeze %dma_start3A_55 : memref<1x128xi32, #tpu.memory_space<vmem>> -> memref<128xi32, #tpu.memory_space<vmem>>
      %dma_start3A_57 = arith.constant 0 : i32
      %dma_start3A_58 = arith.constant 0 : i32
      %dma_start3A_59 = tpu.memref_slice %arg2[%dma_start3A_57, %dma_start3A_58] : memref<70000x128xf32, #tpu.memory_space<hbm>> -> memref<70000x128xf32, #tpu.memory_space<hbm>>
      tpu.enqueue_indirect_dma source(%dma_start3A_59 : memref<70000x128xf32, #tpu.memory_space<hbm>>) target(%arg8 : memref<128x128xf32, #tpu.memory_space<vmem>>) offsets(%dma_start3A_56 : memref<128xi32, #tpu.memory_space<vmem>>) semaphore(%arg11 : memref<!tpu.dma_semaphore, #tpu.memory_space<semaphore_mem>>)
      %dma_start3A_60 = arith.constant 1 : i32
      %dma_start3A_61 = arith.constant 0 : i32
      %dma_start3A_62 = tpu.memref_slice %arg6[%dma_start3A_60, %dma_start3A_61] : memref<16x128xi32, #tpu.memory_space<vmem>> -> memref<1x128xi32, #tpu.memory_space<vmem>>
      %dma_start3A_63 = tpu.memref_squeeze %dma_start3A_62 : memref<1x128xi32, #tpu.memory_space<vmem>> -> memref<128xi32, #tpu.memory_space<vmem>>
      %dma_start3A_64 = arith.constant 0 : i32
      %dma_start3A_65 = arith.constant 0 : i32
      %dma_start3A_66 = tpu.memref_slice %arg2[%dma_start3A_64, %dma_start3A_65] : memref<70000x128xf32, #tpu.memory_space<hbm>> -> memref<70000x128xf32, #tpu.memory_space<hbm>>
      tpu.enqueue_indirect_dma source(%dma_start3A_66 : memref<70000x128xf32, #tpu.memory_space<hbm>>) target(%arg9 : memref<128x128xf32, #tpu.memory_space<vmem>>) offsets(%dma_start3A_63 : memref<128xi32, #tpu.memory_space<vmem>>) semaphore(%arg12 : memref<!tpu.dma_semaphore, #tpu.memory_space<semaphore_mem>>)
      %scan3A_67 = arith.constant 0 : i32
      %scan3A_68 = arith.constant 0 : i32
      %scan3A_69 = arith.constant 8 : i32
      %scan3A_70 = arith.addi %scan3A_68, %scan3A_69 : i32
      %scan3A_71 = arith.constant 1 : i32
      scf.for %scan3A_86 = %scan3A_68 to %scan3A_70 step %scan3A_71  : i32 {
        %mul3A_87 = arith.constant 2 : i32
        %mul3A_88 = arith.muli %mul3A_87, %scan3A_86 : i32
        %dma_wait3A_89 = arith.constant 0 : i32
        %dma_wait3A_90 = tpu.memref_slice %arg6[%mul3A_88, %dma_wait3A_89] : memref<16x128xi32, #tpu.memory_space<vmem>> -> memref<1x128xi32, #tpu.memory_space<vmem>>
        %dma_wait3A_91 = tpu.memref_squeeze %dma_wait3A_90 : memref<1x128xi32, #tpu.memory_space<vmem>> -> memref<128xi32, #tpu.memory_space<vmem>>
        %dma_wait3A_92 = arith.constant 0 : i32
        %dma_wait3A_93 = arith.constant 0 : i32
        %dma_wait3A_94 = tpu.memref_slice %arg2[%dma_wait3A_92, %dma_wait3A_93] : memref<70000x128xf32, #tpu.memory_space<hbm>> -> memref<70000x128xf32, #tpu.memory_space<hbm>>
        tpu.wait_indirect_dma semaphore(%arg11 : memref<!tpu.dma_semaphore, #tpu.memory_space<semaphore_mem>>) src(%dma_wait3A_94 : memref<70000x128xf32, #tpu.memory_space<hbm>>) dst(%arg8 : memref<128x128xf32, #tpu.memory_space<vmem>>)
        %dma_start3A_95 = arith.constant 0 : i32
        %dma_start3A_96 = tpu.memref_slice %arg7[%mul3A_88, %dma_start3A_95] : memref<16x128xi32, #tpu.memory_space<vmem>> -> memref<1x128xi32, #tpu.memory_space<vmem>>
        %dma_start3A_97 = tpu.memref_squeeze %dma_start3A_96 : memref<1x128xi32, #tpu.memory_space<vmem>> -> memref<128xi32, #tpu.memory_space<vmem>>
        %dma_start3A_98 = arith.constant 0 : i32
        %dma_start3A_99 = arith.constant 0 : i32
        %dma_start3A_100 = tpu.memref_slice %arg10[%dma_start3A_98, %dma_start3A_99] : memref<10240x128xf32, #tpu.memory_space<vmem_shared>> -> memref<10240x128xf32, #tpu.memory_space<vmem_shared>>
        tpu.enqueue_indirect_dma source(%arg8 : memref<128x128xf32, #tpu.memory_space<vmem>>) target(%dma_start3A_100 : memref<10240x128xf32, #tpu.memory_space<vmem_shared>>) offsets(%dma_start3A_97 : memref<128xi32, #tpu.memory_space<vmem>>) semaphore(%arg13 : memref<!tpu.dma_semaphore, #tpu.memory_space<semaphore_mem>>) {add = true}
        %add3A_101 = arith.constant 1 : i32
        %add3A_102 = arith.addi %mul3A_88, %add3A_101 : i32
        %dma_wait3A_103 = arith.constant 0 : i32
        %dma_wait3A_104 = tpu.memref_slice %arg6[%add3A_102, %dma_wait3A_103] : memref<16x128xi32, #tpu.memory_space<vmem>> -> memref<1x128xi32, #tpu.memory_space<vmem>>
        %dma_wait3A_105 = tpu.memref_squeeze %dma_wait3A_104 : memref<1x128xi32, #tpu.memory_space<vmem>> -> memref<128xi32, #tpu.memory_space<vmem>>
        %dma_wait3A_106 = arith.constant 0 : i32
        %dma_wait3A_107 = arith.constant 0 : i32
        %dma_wait3A_108 = tpu.memref_slice %arg2[%dma_wait3A_106, %dma_wait3A_107] : memref<70000x128xf32, #tpu.memory_space<hbm>> -> memref<70000x128xf32, #tpu.memory_space<hbm>>
        tpu.wait_indirect_dma semaphore(%arg12 : memref<!tpu.dma_semaphore, #tpu.memory_space<semaphore_mem>>) src(%dma_wait3A_108 : memref<70000x128xf32, #tpu.memory_space<hbm>>) dst(%arg9 : memref<128x128xf32, #tpu.memory_space<vmem>>)
        %add3A_109 = arith.constant 1 : i32
        %add3A_110 = arith.addi %mul3A_88, %add3A_109 : i32
        %dma_start3A_111 = arith.constant 0 : i32
        %dma_start3A_112 = tpu.memref_slice %arg7[%add3A_110, %dma_start3A_111] : memref<16x128xi32, #tpu.memory_space<vmem>> -> memref<1x128xi32, #tpu.memory_space<vmem>>
        %dma_start3A_113 = tpu.memref_squeeze %dma_start3A_112 : memref<1x128xi32, #tpu.memory_space<vmem>> -> memref<128xi32, #tpu.memory_space<vmem>>
        %dma_start3A_114 = arith.constant 0 : i32
        %dma_start3A_115 = arith.constant 0 : i32
        %dma_start3A_116 = tpu.memref_slice %arg10[%dma_start3A_114, %dma_start3A_115] : memref<10240x128xf32, #tpu.memory_space<vmem_shared>> -> memref<10240x128xf32, #tpu.memory_space<vmem_shared>>
        tpu.enqueue_indirect_dma source(%arg9 : memref<128x128xf32, #tpu.memory_space<vmem>>) target(%dma_start3A_116 : memref<10240x128xf32, #tpu.memory_space<vmem_shared>>) offsets(%dma_start3A_113 : memref<128xi32, #tpu.memory_space<vmem>>) semaphore(%arg14 : memref<!tpu.dma_semaphore, #tpu.memory_space<semaphore_mem>>) {add = true}
        %add3A_117 = arith.constant 2 : i32
        %add3A_118 = arith.addi %mul3A_88, %add3A_117 : i32
        %lt3A = arith.constant 16 : i32
        %lt3A_119 = arith.cmpi slt, %add3A_118, %lt3A : i32
        %convert_element_type3A = arith.extui %lt3A_119 : i1 to i32
        %cond3A = arith.constant 0 : i32
        %cond3A_120 = arith.cmpi ne, %convert_element_type3A, %cond3A : i32
        scf.if %cond3A_120 {
          %dma_wait3A_121 = arith.constant 0 : i32
          %dma_wait3A_122 = tpu.memref_slice %arg7[%mul3A_88, %dma_wait3A_121] : memref<16x128xi32, #tpu.memory_space<vmem>> -> memref<1x128xi32, #tpu.memory_space<vmem>>
          %dma_wait3A_123 = tpu.memref_squeeze %dma_wait3A_122 : memref<1x128xi32, #tpu.memory_space<vmem>> -> memref<128xi32, #tpu.memory_space<vmem>>
          %dma_wait3A_124 = arith.constant 0 : i32
          %dma_wait3A_125 = arith.constant 0 : i32
          %dma_wait3A_126 = tpu.memref_slice %arg10[%dma_wait3A_124, %dma_wait3A_125] : memref<10240x128xf32, #tpu.memory_space<vmem_shared>> -> memref<10240x128xf32, #tpu.memory_space<vmem_shared>>
          tpu.wait_indirect_dma semaphore(%arg13 : memref<!tpu.dma_semaphore, #tpu.memory_space<semaphore_mem>>) src(%arg8 : memref<128x128xf32, #tpu.memory_space<vmem>>) dst(%dma_wait3A_126 : memref<10240x128xf32, #tpu.memory_space<vmem_shared>>)
          %add3A_127 = arith.constant 2 : i32
          %add3A_128 = arith.addi %mul3A_88, %add3A_127 : i32
          %dma_start3A_129 = arith.constant 0 : i32
          %dma_start3A_130 = tpu.memref_slice %arg6[%add3A_128, %dma_start3A_129] : memref<16x128xi32, #tpu.memory_space<vmem>> -> memref<1x128xi32, #tpu.memory_space<vmem>>
          %dma_start3A_131 = tpu.memref_squeeze %dma_start3A_130 : memref<1x128xi32, #tpu.memory_space<vmem>> -> memref<128xi32, #tpu.memory_space<vmem>>
          %dma_start3A_132 = arith.constant 0 : i32
          %dma_start3A_133 = arith.constant 0 : i32
          %dma_start3A_134 = tpu.memref_slice %arg2[%dma_start3A_132, %dma_start3A_133] : memref<70000x128xf32, #tpu.memory_space<hbm>> -> memref<70000x128xf32, #tpu.memory_space<hbm>>
          tpu.enqueue_indirect_dma source(%dma_start3A_134 : memref<70000x128xf32, #tpu.memory_space<hbm>>) target(%arg8 : memref<128x128xf32, #tpu.memory_space<vmem>>) offsets(%dma_start3A_131 : memref<128xi32, #tpu.memory_space<vmem>>) semaphore(%arg11 : memref<!tpu.dma_semaphore, #tpu.memory_space<semaphore_mem>>)
          %add3A_135 = arith.constant 1 : i32
          %add3A_136 = arith.addi %mul3A_88, %add3A_135 : i32
          %dma_wait3A_137 = arith.constant 0 : i32
          %dma_wait3A_138 = tpu.memref_slice %arg7[%add3A_136, %dma_wait3A_137] : memref<16x128xi32, #tpu.memory_space<vmem>> -> memref<1x128xi32, #tpu.memory_space<vmem>>
          %dma_wait3A_139 = tpu.memref_squeeze %dma_wait3A_138 : memref<1x128xi32, #tpu.memory_space<vmem>> -> memref<128xi32, #tpu.memory_space<vmem>>
          %dma_wait3A_140 = arith.constant 0 : i32
          %dma_wait3A_141 = arith.constant 0 : i32
          %dma_wait3A_142 = tpu.memref_slice %arg10[%dma_wait3A_140, %dma_wait3A_141] : memref<10240x128xf32, #tpu.memory_space<vmem_shared>> -> memref<10240x128xf32, #tpu.memory_space<vmem_shared>>
          tpu.wait_indirect_dma semaphore(%arg14 : memref<!tpu.dma_semaphore, #tpu.memory_space<semaphore_mem>>) src(%arg9 : memref<128x128xf32, #tpu.memory_space<vmem>>) dst(%dma_wait3A_142 : memref<10240x128xf32, #tpu.memory_space<vmem_shared>>)
          %add3A_143 = arith.constant 3 : i32
          %add3A_144 = arith.addi %mul3A_88, %add3A_143 : i32
          %dma_start3A_145 = arith.constant 0 : i32
          %dma_start3A_146 = tpu.memref_slice %arg6[%add3A_144, %dma_start3A_145] : memref<16x128xi32, #tpu.memory_space<vmem>> -> memref<1x128xi32, #tpu.memory_space<vmem>>
          %dma_start3A_147 = tpu.memref_squeeze %dma_start3A_146 : memref<1x128xi32, #tpu.memory_space<vmem>> -> memref<128xi32, #tpu.memory_space<vmem>>
          %dma_start3A_148 = arith.constant 0 : i32
          %dma_start3A_149 = arith.constant 0 : i32
          %dma_start3A_150 = tpu.memref_slice %arg2[%dma_start3A_148, %dma_start3A_149] : memref<70000x128xf32, #tpu.memory_space<hbm>> -> memref<70000x128xf32, #tpu.memory_space<hbm>>
          tpu.enqueue_indirect_dma source(%dma_start3A_150 : memref<70000x128xf32, #tpu.memory_space<hbm>>) target(%arg9 : memref<128x128xf32, #tpu.memory_space<vmem>>) offsets(%dma_start3A_147 : memref<128xi32, #tpu.memory_space<vmem>>) semaphore(%arg12 : memref<!tpu.dma_semaphore, #tpu.memory_space<semaphore_mem>>)
        } else {
        }
      }
      %scan3A_72 = arith.constant 8 : i32
      %dma_wait3A = arith.constant 0 : i32
      %dma_wait3A_73 = arith.constant 0 : i32
      %dma_wait3A_74 = tpu.memref_slice %arg7[%dma_wait3A, %dma_wait3A_73] : memref<16x128xi32, #tpu.memory_space<vmem>> -> memref<1x128xi32, #tpu.memory_space<vmem>>
      %dma_wait3A_75 = tpu.memref_squeeze %dma_wait3A_74 : memref<1x128xi32, #tpu.memory_space<vmem>> -> memref<128xi32, #tpu.memory_space<vmem>>
      %dma_wait3A_76 = arith.constant 0 : i32
      %dma_wait3A_77 = arith.constant 0 : i32
      %dma_wait3A_78 = tpu.memref_slice %arg10[%dma_wait3A_76, %dma_wait3A_77] : memref<10240x128xf32, #tpu.memory_space<vmem_shared>> -> memref<10240x128xf32, #tpu.memory_space<vmem_shared>>
      tpu.wait_indirect_dma semaphore(%arg13 : memref<!tpu.dma_semaphore, #tpu.memory_space<semaphore_mem>>) src(%arg8 : memref<128x128xf32, #tpu.memory_space<vmem>>) dst(%dma_wait3A_78 : memref<10240x128xf32, #tpu.memory_space<vmem_shared>>)
      %dma_wait3A_79 = arith.constant 0 : i32
      %dma_wait3A_80 = arith.constant 0 : i32
      %dma_wait3A_81 = tpu.memref_slice %arg7[%dma_wait3A_79, %dma_wait3A_80] : memref<16x128xi32, #tpu.memory_space<vmem>> -> memref<1x128xi32, #tpu.memory_space<vmem>>
      %dma_wait3A_82 = tpu.memref_squeeze %dma_wait3A_81 : memref<1x128xi32, #tpu.memory_space<vmem>> -> memref<128xi32, #tpu.memory_space<vmem>>
      %dma_wait3A_83 = arith.constant 0 : i32
      %dma_wait3A_84 = arith.constant 0 : i32
      %dma_wait3A_85 = tpu.memref_slice %arg10[%dma_wait3A_83, %dma_wait3A_84] : memref<10240x128xf32, #tpu.memory_space<vmem_shared>> -> memref<10240x128xf32, #tpu.memory_space<vmem_shared>>
      tpu.wait_indirect_dma semaphore(%arg14 : memref<!tpu.dma_semaphore, #tpu.memory_space<semaphore_mem>>) src(%arg9 : memref<128x128xf32, #tpu.memory_space<vmem>>) dst(%dma_wait3A_85 : memref<10240x128xf32, #tpu.memory_space<vmem_shared>>)
    }
    %barrier3A_42 = arith.constant 0 : index
    tpu.barrier barrier_id(%barrier3A_42)
    %mul3A_43 = arith.constant 640 : i32
    %mul3A_44 = arith.muli %arg1, %mul3A_43 : i32
    %mul3A_45 = arith.constant 640 : i32
    %mul3A_46 = arith.muli %arg1, %mul3A_45 : i32
    "tpu.region"() ({
      %run_scoped3A = tpu.sem_alloc : memref<!tpu.dma_semaphore, #tpu.memory_space<semaphore_mem>>
      %dma_start3A = arith.constant 0 : i32
      %dma_start3A_47 = tpu.memref_slice %arg5[%arg0, %mul3A_46, %dma_start3A] : memref<2x10240x128xf32, #tpu.memory_space<hbm>> -> memref<1x640x128xf32, #tpu.memory_space<hbm>>
      %dma_start3A_48 = tpu.memref_squeeze %dma_start3A_47 : memref<1x640x128xf32, #tpu.memory_space<hbm>> -> memref<640x128xf32, #tpu.memory_space<hbm>>
      %dma_start3A_49 = arith.constant 0 : i32
      %dma_start3A_50 = tpu.memref_slice %arg10[%mul3A_44, %dma_start3A_49] : memref<10240x128xf32, #tpu.memory_space<vmem_shared>> -> memref<640x128xf32, #tpu.memory_space<vmem_shared>>
      tpu.enqueue_dma source(%dma_start3A_50 : memref<640x128xf32, #tpu.memory_space<vmem_shared>>) target(%dma_start3A_48 : memref<640x128xf32, #tpu.memory_space<hbm>>) target_semaphore(%run_scoped3A : memref<!tpu.dma_semaphore, #tpu.memory_space<semaphore_mem>>)
      %dma_wait3A = arith.constant 0 : i32
      %dma_wait3A_51 = tpu.memref_slice %arg5[%arg0, %mul3A_46, %dma_wait3A] : memref<2x10240x128xf32, #tpu.memory_space<hbm>> -> memref<1x640x128xf32, #tpu.memory_space<hbm>>
      %dma_wait3A_52 = tpu.memref_squeeze %dma_wait3A_51 : memref<1x640x128xf32, #tpu.memory_space<hbm>> -> memref<640x128xf32, #tpu.memory_space<hbm>>
      %dma_wait3A_53 = arith.constant 0 : i32
      %dma_wait3A_54 = tpu.memref_slice %arg10[%mul3A_44, %dma_wait3A_53] : memref<10240x128xf32, #tpu.memory_space<vmem_shared>> -> memref<640x128xf32, #tpu.memory_space<vmem_shared>>
      tpu.wait_dma2 semaphore(%run_scoped3A : memref<!tpu.dma_semaphore, #tpu.memory_space<semaphore_mem>>) src(%dma_wait3A_54 : memref<640x128xf32, #tpu.memory_space<vmem_shared>>) dst(%dma_wait3A_52 : memref<640x128xf32, #tpu.memory_space<hbm>>)
      tpu.yield
    }) : () -> ()
    return
  }
}

#map = affine_map<(d0, d1) -> (0, 0)>
#map1 = affine_map<(d0, d1) -> (0, 0, 0)>
module attributes {stable_mosaic.version = 14 : i64} {
  func.func @_sc_body(%arg0: i32, %arg1: i32, %arg2: memref<70000x128xf32, #tpu.memory_space<hbm>>, %arg3: memref<5120x128xi32, #tpu.memory_space<hbm>>, %arg4: memref<5120x128xi32, #tpu.memory_space<hbm>>, %arg5: memref<2x10240x128xf32, #tpu.memory_space<hbm>>, %arg6: memref<16x128xi32, #tpu.memory_space<vmem>>, %arg7: memref<16x128xi32, #tpu.memory_space<vmem>>, %arg8: memref<128x128xf32, #tpu.memory_space<vmem>>, %arg9: memref<128x128xf32, #tpu.memory_space<vmem>>, %arg10: memref<10240x128xf32, #tpu.memory_space<vmem_shared>>, %arg11: memref<!tpu.dma_semaphore, #tpu.memory_space<semaphore_mem>>, %arg12: memref<!tpu.dma_semaphore, #tpu.memory_space<semaphore_mem>>, %arg13: memref<!tpu.dma_semaphore, #tpu.memory_space<semaphore_mem>>, %arg14: memref<!tpu.dma_semaphore, #tpu.memory_space<semaphore_mem>>) attributes {dimension_semantics = [#tpu.dimension_semantics<core_parallel>, #tpu.dimension_semantics<subcore_parallel>], iteration_bounds = array<i64: 2, 16>, scalar_prefetch = 0 : i64, scratch_operands = 9 : i64, tpu.core_type = #tpu.core_type<sc_vector_subcore>, window_params = [{transform_indices = #map}, {transform_indices = #map}, {transform_indices = #map}, {transform_indices = #map1}]} {
    %eq3A = arith.constant 0 : i32
    %eq3A_0 = arith.cmpi eq, %arg0, %eq3A : i32
    %mul3A = arith.constant 160 : i32
    %mul3A_1 = arith.muli %arg1, %mul3A : i32
    %mul3A_2 = arith.constant 160 : i32
    %mul3A_3 = arith.muli %arg1, %mul3A_2 : i32
    %add3A = arith.constant 2560 : i32
    %add3A_4 = arith.addi %add3A, %mul3A_3 : i32
    %select_n3A = arith.select %eq3A_0, %mul3A_1, %add3A_4 : i32
    %jit3A = arith.constant 10 : i32
    %jit3A_5 = arith.constant 10 : i32
    %select_n3A_6 = arith.select %eq3A_0, %jit3A, %jit3A_5 : i32
    %broadcast_in_dim3A = arith.constant 0.000000e+00 : f32
    %broadcast_in_dim3A_7 = vector.broadcast %broadcast_in_dim3A : f32 to vector<16xf32>
    %scan3A = arith.constant 0 : i32
    %scan3A_8 = arith.constant 0 : i32
    %scan3A_9 = arith.constant 128 : i32
    %scan3A_10 = arith.addi %scan3A_8, %scan3A_9 : i32
    %scan3A_11 = arith.constant 1 : i32
    scf.for %scan3A_47 = %scan3A_8 to %scan3A_10 step %scan3A_11  : i32 {
      %swap3A = arith.index_cast %scan3A_47 : i32 to index
      %swap3A_48 = arith.constant 0 : index
      %swap3A_49 = tpu.vector_load %arg8[%swap3A, %swap3A_48] {strides = array<i32>} : memref<128x128xf32, #tpu.memory_space<vmem>>, vector<1x16xf32>,
      %swap3A_50 = vector.shape_cast %swap3A_49 : vector<1x16xf32> to vector<16xf32>
      %swap3A_51 = vector.shape_cast %broadcast_in_dim3A_7 : vector<16xf32> to vector<1x16xf32>
      tpu.vector_store %arg8[%swap3A, %swap3A_48], %swap3A_51 {strides = array<i32>} : memref<128x128xf32, #tpu.memory_space<vmem>>, vector<1x16xf32>,
      %swap3A_52 = arith.index_cast %scan3A_47 : i32 to index
      %swap3A_53 = arith.constant 16 : index
      %swap3A_54 = tpu.vector_load %arg8[%swap3A_52, %swap3A_53] {strides = array<i32>} : memref<128x128xf32, #tpu.memory_space<vmem>>, vector<1x16xf32>,
      %swap3A_55 = vector.shape_cast %swap3A_54 : vector<1x16xf32> to vector<16xf32>
      %swap3A_56 = vector.shape_cast %broadcast_in_dim3A_7 : vector<16xf32> to vector<1x16xf32>
      tpu.vector_store %arg8[%swap3A_52, %swap3A_53], %swap3A_56 {strides = array<i32>} : memref<128x128xf32, #tpu.memory_space<vmem>>, vector<1x16xf32>,
      %swap3A_57 = arith.index_cast %scan3A_47 : i32 to index
      %swap3A_58 = arith.constant 32 : index
      %swap3A_59 = tpu.vector_load %arg8[%swap3A_57, %swap3A_58] {strides = array<i32>} : memref<128x128xf32, #tpu.memory_space<vmem>>, vector<1x16xf32>,
      %swap3A_60 = vector.shape_cast %swap3A_59 : vector<1x16xf32> to vector<16xf32>
      %swap3A_61 = vector.shape_cast %broadcast_in_dim3A_7 : vector<16xf32> to vector<1x16xf32>
      tpu.vector_store %arg8[%swap3A_57, %swap3A_58], %swap3A_61 {strides = array<i32>} : memref<128x128xf32, #tpu.memory_space<vmem>>, vector<1x16xf32>,
      %swap3A_62 = arith.index_cast %scan3A_47 : i32 to index
      %swap3A_63 = arith.constant 48 : index
      %swap3A_64 = tpu.vector_load %arg8[%swap3A_62, %swap3A_63] {strides = array<i32>} : memref<128x128xf32, #tpu.memory_space<vmem>>, vector<1x16xf32>,
      %swap3A_65 = vector.shape_cast %swap3A_64 : vector<1x16xf32> to vector<16xf32>
      %swap3A_66 = vector.shape_cast %broadcast_in_dim3A_7 : vector<16xf32> to vector<1x16xf32>
      tpu.vector_store %arg8[%swap3A_62, %swap3A_63], %swap3A_66 {strides = array<i32>} : memref<128x128xf32, #tpu.memory_space<vmem>>, vector<1x16xf32>,
      %swap3A_67 = arith.index_cast %scan3A_47 : i32 to index
      %swap3A_68 = arith.constant 64 : index
      %swap3A_69 = tpu.vector_load %arg8[%swap3A_67, %swap3A_68] {strides = array<i32>} : memref<128x128xf32, #tpu.memory_space<vmem>>, vector<1x16xf32>,
      %swap3A_70 = vector.shape_cast %swap3A_69 : vector<1x16xf32> to vector<16xf32>
      %swap3A_71 = vector.shape_cast %broadcast_in_dim3A_7 : vector<16xf32> to vector<1x16xf32>
      tpu.vector_store %arg8[%swap3A_67, %swap3A_68], %swap3A_71 {strides = array<i32>} : memref<128x128xf32, #tpu.memory_space<vmem>>, vector<1x16xf32>,
      %swap3A_72 = arith.index_cast %scan3A_47 : i32 to index
      %swap3A_73 = arith.constant 80 : index
      %swap3A_74 = tpu.vector_load %arg8[%swap3A_72, %swap3A_73] {strides = array<i32>} : memref<128x128xf32, #tpu.memory_space<vmem>>, vector<1x16xf32>,
      %swap3A_75 = vector.shape_cast %swap3A_74 : vector<1x16xf32> to vector<16xf32>
      %swap3A_76 = vector.shape_cast %broadcast_in_dim3A_7 : vector<16xf32> to vector<1x16xf32>
      tpu.vector_store %arg8[%swap3A_72, %swap3A_73], %swap3A_76 {strides = array<i32>} : memref<128x128xf32, #tpu.memory_space<vmem>>, vector<1x16xf32>,
      %swap3A_77 = arith.index_cast %scan3A_47 : i32 to index
      %swap3A_78 = arith.constant 96 : index
      %swap3A_79 = tpu.vector_load %arg8[%swap3A_77, %swap3A_78] {strides = array<i32>} : memref<128x128xf32, #tpu.memory_space<vmem>>, vector<1x16xf32>,
      %swap3A_80 = vector.shape_cast %swap3A_79 : vector<1x16xf32> to vector<16xf32>
      %swap3A_81 = vector.shape_cast %broadcast_in_dim3A_7 : vector<16xf32> to vector<1x16xf32>
      tpu.vector_store %arg8[%swap3A_77, %swap3A_78], %swap3A_81 {strides = array<i32>} : memref<128x128xf32, #tpu.memory_space<vmem>>, vector<1x16xf32>,
      %swap3A_82 = arith.index_cast %scan3A_47 : i32 to index
      %swap3A_83 = arith.constant 112 : index
      %swap3A_84 = tpu.vector_load %arg8[%swap3A_82, %swap3A_83] {strides = array<i32>} : memref<128x128xf32, #tpu.memory_space<vmem>>, vector<1x16xf32>,
      %swap3A_85 = vector.shape_cast %swap3A_84 : vector<1x16xf32> to vector<16xf32>
      %swap3A_86 = vector.shape_cast %broadcast_in_dim3A_7 : vector<16xf32> to vector<1x16xf32>
      tpu.vector_store %arg8[%swap3A_82, %swap3A_83], %swap3A_86 {strides = array<i32>} : memref<128x128xf32, #tpu.memory_space<vmem>>, vector<1x16xf32>,
    }
    %scan3A_12 = arith.constant 128 : i32
    %mul3A_13 = arith.constant 640 : i32
    %mul3A_14 = arith.muli %arg1, %mul3A_13 : i32
    %add3A_15 = arith.constant 0 : i32
    %add3A_16 = arith.addi %mul3A_14, %add3A_15 : i32
    "tpu.region"() ({
      %run_scoped3A = tpu.sem_alloc : memref<!tpu.dma_semaphore, #tpu.memory_space<semaphore_mem>>
      %dma_start3A = arith.constant 0 : i32
      %dma_start3A_47 = tpu.memref_slice %arg10[%add3A_16, %dma_start3A] : memref<10240x128xf32, #tpu.memory_space<vmem_shared>> -> memref<128x128xf32, #tpu.memory_space<vmem_shared>>
      %dma_start3A_48 = arith.constant 0 : i32
      %dma_start3A_49 = tpu.memref_slice %arg10[%add3A_16, %dma_start3A_48] : memref<10240x128xf32, #tpu.memory_space<vmem_shared>> -> memref<128x128xf32, #tpu.memory_space<vmem_shared>>
      tpu.enqueue_dma source(%arg8 : memref<128x128xf32, #tpu.memory_space<vmem>>) target(%dma_start3A_49 : memref<128x128xf32, #tpu.memory_space<vmem_shared>>) target_semaphore(%run_scoped3A : memref<!tpu.dma_semaphore, #tpu.memory_space<semaphore_mem>>)
      %dma_wait3A = arith.constant 0 : i32
      %dma_wait3A_50 = tpu.memref_slice %arg10[%add3A_16, %dma_wait3A] : memref<10240x128xf32, #tpu.memory_space<vmem_shared>> -> memref<128x128xf32, #tpu.memory_space<vmem_shared>>
      %dma_wait3A_51 = arith.constant 0 : i32
      %dma_wait3A_52 = tpu.memref_slice %arg10[%add3A_16, %dma_wait3A_51] : memref<10240x128xf32, #tpu.memory_space<vmem_shared>> -> memref<128x128xf32, #tpu.memory_space<vmem_shared>>
      tpu.wait_dma2 semaphore(%run_scoped3A : memref<!tpu.dma_semaphore, #tpu.memory_space<semaphore_mem>>) src(%arg8 : memref<128x128xf32, #tpu.memory_space<vmem>>) dst(%dma_wait3A_52 : memref<128x128xf32, #tpu.memory_space<vmem_shared>>)
      tpu.yield
    }) : () -> ()
    %mul3A_17 = arith.constant 640 : i32
    %mul3A_18 = arith.muli %arg1, %mul3A_17 : i32
    %add3A_19 = arith.constant 128 : i32
    %add3A_20 = arith.addi %mul3A_18, %add3A_19 : i32
    "tpu.region"() ({
      %run_scoped3A = tpu.sem_alloc : memref<!tpu.dma_semaphore, #tpu.memory_space<semaphore_mem>>
      %dma_start3A = arith.constant 0 : i32
      %dma_start3A_47 = tpu.memref_slice %arg10[%add3A_20, %dma_start3A] : memref<10240x128xf32, #tpu.memory_space<vmem_shared>> -> memref<128x128xf32, #tpu.memory_space<vmem_shared>>
      %dma_start3A_48 = arith.constant 0 : i32
      %dma_start3A_49 = tpu.memref_slice %arg10[%add3A_20, %dma_start3A_48] : memref<10240x128xf32, #tpu.memory_space<vmem_shared>> -> memref<128x128xf32, #tpu.memory_space<vmem_shared>>
      tpu.enqueue_dma source(%arg8 : memref<128x128xf32, #tpu.memory_space<vmem>>) target(%dma_start3A_49 : memref<128x128xf32, #tpu.memory_space<vmem_shared>>) target_semaphore(%run_scoped3A : memref<!tpu.dma_semaphore, #tpu.memory_space<semaphore_mem>>)
      %dma_wait3A = arith.constant 0 : i32
      %dma_wait3A_50 = tpu.memref_slice %arg10[%add3A_20, %dma_wait3A] : memref<10240x128xf32, #tpu.memory_space<vmem_shared>> -> memref<128x128xf32, #tpu.memory_space<vmem_shared>>
      %dma_wait3A_51 = arith.constant 0 : i32
      %dma_wait3A_52 = tpu.memref_slice %arg10[%add3A_20, %dma_wait3A_51] : memref<10240x128xf32, #tpu.memory_space<vmem_shared>> -> memref<128x128xf32, #tpu.memory_space<vmem_shared>>
      tpu.wait_dma2 semaphore(%run_scoped3A : memref<!tpu.dma_semaphore, #tpu.memory_space<semaphore_mem>>) src(%arg8 : memref<128x128xf32, #tpu.memory_space<vmem>>) dst(%dma_wait3A_52 : memref<128x128xf32, #tpu.memory_space<vmem_shared>>)
      tpu.yield
    }) : () -> ()
    %mul3A_21 = arith.constant 640 : i32
    %mul3A_22 = arith.muli %arg1, %mul3A_21 : i32
    %add3A_23 = arith.constant 256 : i32
    %add3A_24 = arith.addi %mul3A_22, %add3A_23 : i32
    "tpu.region"() ({
      %run_scoped3A = tpu.sem_alloc : memref<!tpu.dma_semaphore, #tpu.memory_space<semaphore_mem>>
      %dma_start3A = arith.constant 0 : i32
      %dma_start3A_47 = tpu.memref_slice %arg10[%add3A_24, %dma_start3A] : memref<10240x128xf32, #tpu.memory_space<vmem_shared>> -> memref<128x128xf32, #tpu.memory_space<vmem_shared>>
      %dma_start3A_48 = arith.constant 0 : i32
      %dma_start3A_49 = tpu.memref_slice %arg10[%add3A_24, %dma_start3A_48] : memref<10240x128xf32, #tpu.memory_space<vmem_shared>> -> memref<128x128xf32, #tpu.memory_space<vmem_shared>>
      tpu.enqueue_dma source(%arg8 : memref<128x128xf32, #tpu.memory_space<vmem>>) target(%dma_start3A_49 : memref<128x128xf32, #tpu.memory_space<vmem_shared>>) target_semaphore(%run_scoped3A : memref<!tpu.dma_semaphore, #tpu.memory_space<semaphore_mem>>)
      %dma_wait3A = arith.constant 0 : i32
      %dma_wait3A_50 = tpu.memref_slice %arg10[%add3A_24, %dma_wait3A] : memref<10240x128xf32, #tpu.memory_space<vmem_shared>> -> memref<128x128xf32, #tpu.memory_space<vmem_shared>>
      %dma_wait3A_51 = arith.constant 0 : i32
      %dma_wait3A_52 = tpu.memref_slice %arg10[%add3A_24, %dma_wait3A_51] : memref<10240x128xf32, #tpu.memory_space<vmem_shared>> -> memref<128x128xf32, #tpu.memory_space<vmem_shared>>
      tpu.wait_dma2 semaphore(%run_scoped3A : memref<!tpu.dma_semaphore, #tpu.memory_space<semaphore_mem>>) src(%arg8 : memref<128x128xf32, #tpu.memory_space<vmem>>) dst(%dma_wait3A_52 : memref<128x128xf32, #tpu.memory_space<vmem_shared>>)
      tpu.yield
    }) : () -> ()
    %mul3A_25 = arith.constant 640 : i32
    %mul3A_26 = arith.muli %arg1, %mul3A_25 : i32
    %add3A_27 = arith.constant 384 : i32
    %add3A_28 = arith.addi %mul3A_26, %add3A_27 : i32
    "tpu.region"() ({
      %run_scoped3A = tpu.sem_alloc : memref<!tpu.dma_semaphore, #tpu.memory_space<semaphore_mem>>
      %dma_start3A = arith.constant 0 : i32
      %dma_start3A_47 = tpu.memref_slice %arg10[%add3A_28, %dma_start3A] : memref<10240x128xf32, #tpu.memory_space<vmem_shared>> -> memref<128x128xf32, #tpu.memory_space<vmem_shared>>
      %dma_start3A_48 = arith.constant 0 : i32
      %dma_start3A_49 = tpu.memref_slice %arg10[%add3A_28, %dma_start3A_48] : memref<10240x128xf32, #tpu.memory_space<vmem_shared>> -> memref<128x128xf32, #tpu.memory_space<vmem_shared>>
      tpu.enqueue_dma source(%arg8 : memref<128x128xf32, #tpu.memory_space<vmem>>) target(%dma_start3A_49 : memref<128x128xf32, #tpu.memory_space<vmem_shared>>) target_semaphore(%run_scoped3A : memref<!tpu.dma_semaphore, #tpu.memory_space<semaphore_mem>>)
      %dma_wait3A = arith.constant 0 : i32
      %dma_wait3A_50 = tpu.memref_slice %arg10[%add3A_28, %dma_wait3A] : memref<10240x128xf32, #tpu.memory_space<vmem_shared>> -> memref<128x128xf32, #tpu.memory_space<vmem_shared>>
      %dma_wait3A_51 = arith.constant 0 : i32
      %dma_wait3A_52 = tpu.memref_slice %arg10[%add3A_28, %dma_wait3A_51] : memref<10240x128xf32, #tpu.memory_space<vmem_shared>> -> memref<128x128xf32, #tpu.memory_space<vmem_shared>>
      tpu.wait_dma2 semaphore(%run_scoped3A : memref<!tpu.dma_semaphore, #tpu.memory_space<semaphore_mem>>) src(%arg8 : memref<128x128xf32, #tpu.memory_space<vmem>>) dst(%dma_wait3A_52 : memref<128x128xf32, #tpu.memory_space<vmem_shared>>)
      tpu.yield
    }) : () -> ()
    %mul3A_29 = arith.constant 640 : i32
    %mul3A_30 = arith.muli %arg1, %mul3A_29 : i32
    %add3A_31 = arith.constant 512 : i32
    %add3A_32 = arith.addi %mul3A_30, %add3A_31 : i32
    "tpu.region"() ({
      %run_scoped3A = tpu.sem_alloc : memref<!tpu.dma_semaphore, #tpu.memory_space<semaphore_mem>>
      %dma_start3A = arith.constant 0 : i32
      %dma_start3A_47 = tpu.memref_slice %arg10[%add3A_32, %dma_start3A] : memref<10240x128xf32, #tpu.memory_space<vmem_shared>> -> memref<128x128xf32, #tpu.memory_space<vmem_shared>>
      %dma_start3A_48 = arith.constant 0 : i32
      %dma_start3A_49 = tpu.memref_slice %arg10[%add3A_32, %dma_start3A_48] : memref<10240x128xf32, #tpu.memory_space<vmem_shared>> -> memref<128x128xf32, #tpu.memory_space<vmem_shared>>
      tpu.enqueue_dma source(%arg8 : memref<128x128xf32, #tpu.memory_space<vmem>>) target(%dma_start3A_49 : memref<128x128xf32, #tpu.memory_space<vmem_shared>>) target_semaphore(%run_scoped3A : memref<!tpu.dma_semaphore, #tpu.memory_space<semaphore_mem>>)
      %dma_wait3A = arith.constant 0 : i32
      %dma_wait3A_50 = tpu.memref_slice %arg10[%add3A_32, %dma_wait3A] : memref<10240x128xf32, #tpu.memory_space<vmem_shared>> -> memref<128x128xf32, #tpu.memory_space<vmem_shared>>
      %dma_wait3A_51 = arith.constant 0 : i32
      %dma_wait3A_52 = tpu.memref_slice %arg10[%add3A_32, %dma_wait3A_51] : memref<10240x128xf32, #tpu.memory_space<vmem_shared>> -> memref<128x128xf32, #tpu.memory_space<vmem_shared>>
      tpu.wait_dma2 semaphore(%run_scoped3A : memref<!tpu.dma_semaphore, #tpu.memory_space<semaphore_mem>>) src(%arg8 : memref<128x128xf32, #tpu.memory_space<vmem>>) dst(%dma_wait3A_52 : memref<128x128xf32, #tpu.memory_space<vmem_shared>>)
      tpu.yield
    }) : () -> ()
    %barrier3A = arith.constant 0 : index
    tpu.barrier barrier_id(%barrier3A)
    %while3A = arith.constant 0 : i32
    %while3A_33 = arith.constant 0 : i32
    %while3A_34 = arith.subi %select_n3A_6, %while3A_33 : i32
    %while3A_35 = arith.addi %while3A_33, %while3A_34 : i32
    %while3A_36 = arith.constant 1 : i32
    %while3A_37 = arith.divsi %while3A_34, %while3A_36 : i32
    %while3A_38 = arith.muli %while3A_37, %while3A_36 : i32
    %while3A_39 = arith.addi %while3A_33, %while3A_38 : i32
    %while3A_40 = arith.constant 1 : i32
    scf.for %while3A_47 = %while3A_33 to %while3A_39 step %while3A_40  : i32 {
      %mul3A_48 = arith.constant 16 : i32
      %mul3A_49 = arith.muli %while3A_47, %mul3A_48 : i32
      %add3A_50 = arith.addi %select_n3A, %mul3A_49 : i32
      "tpu.region"() ({
        %run_scoped3A = tpu.sem_alloc : memref<!tpu.dma_semaphore, #tpu.memory_space<semaphore_mem>>
        %dma_start3A_86 = arith.constant 0 : i32
        %dma_start3A_87 = tpu.memref_slice %arg3[%add3A_50, %dma_start3A_86] : memref<5120x128xi32, #tpu.memory_space<hbm>> -> memref<16x128xi32, #tpu.memory_space<hbm>>
        %dma_start3A_88 = arith.constant 0 : i32
        %dma_start3A_89 = tpu.memref_slice %arg3[%add3A_50, %dma_start3A_88] : memref<5120x128xi32, #tpu.memory_space<hbm>> -> memref<16x128xi32, #tpu.memory_space<hbm>>
        tpu.enqueue_dma source(%dma_start3A_89 : memref<16x128xi32, #tpu.memory_space<hbm>>) target(%arg6 : memref<16x128xi32, #tpu.memory_space<vmem>>) target_semaphore(%run_scoped3A : memref<!tpu.dma_semaphore, #tpu.memory_space<semaphore_mem>>)
        %dma_wait3A_90 = arith.constant 0 : i32
        %dma_wait3A_91 = tpu.memref_slice %arg3[%add3A_50, %dma_wait3A_90] : memref<5120x128xi32, #tpu.memory_space<hbm>> -> memref<16x128xi32, #tpu.memory_space<hbm>>
        %dma_wait3A_92 = arith.constant 0 : i32
        %dma_wait3A_93 = tpu.memref_slice %arg3[%add3A_50, %dma_wait3A_92] : memref<5120x128xi32, #tpu.memory_space<hbm>> -> memref<16x128xi32, #tpu.memory_space<hbm>>
        tpu.wait_dma2 semaphore(%run_scoped3A : memref<!tpu.dma_semaphore, #tpu.memory_space<semaphore_mem>>) src(%dma_wait3A_93 : memref<16x128xi32, #tpu.memory_space<hbm>>) dst(%arg6 : memref<16x128xi32, #tpu.memory_space<vmem>>)
        tpu.yield
      }) : () -> ()
      %mul3A_51 = arith.constant 16 : i32
      %mul3A_52 = arith.muli %while3A_47, %mul3A_51 : i32
      %add3A_53 = arith.addi %select_n3A, %mul3A_52 : i32
      "tpu.region"() ({
        %run_scoped3A = tpu.sem_alloc : memref<!tpu.dma_semaphore, #tpu.memory_space<semaphore_mem>>
        %dma_start3A_86 = arith.constant 0 : i32
        %dma_start3A_87 = tpu.memref_slice %arg4[%add3A_53, %dma_start3A_86] : memref<5120x128xi32, #tpu.memory_space<hbm>> -> memref<16x128xi32, #tpu.memory_space<hbm>>
        %dma_start3A_88 = arith.constant 0 : i32
        %dma_start3A_89 = tpu.memref_slice %arg4[%add3A_53, %dma_start3A_88] : memref<5120x128xi32, #tpu.memory_space<hbm>> -> memref<16x128xi32, #tpu.memory_space<hbm>>
        tpu.enqueue_dma source(%dma_start3A_89 : memref<16x128xi32, #tpu.memory_space<hbm>>) target(%arg7 : memref<16x128xi32, #tpu.memory_space<vmem>>) target_semaphore(%run_scoped3A : memref<!tpu.dma_semaphore, #tpu.memory_space<semaphore_mem>>)
        %dma_wait3A_90 = arith.constant 0 : i32
        %dma_wait3A_91 = tpu.memref_slice %arg4[%add3A_53, %dma_wait3A_90] : memref<5120x128xi32, #tpu.memory_space<hbm>> -> memref<16x128xi32, #tpu.memory_space<hbm>>
        %dma_wait3A_92 = arith.constant 0 : i32
        %dma_wait3A_93 = tpu.memref_slice %arg4[%add3A_53, %dma_wait3A_92] : memref<5120x128xi32, #tpu.memory_space<hbm>> -> memref<16x128xi32, #tpu.memory_space<hbm>>
        tpu.wait_dma2 semaphore(%run_scoped3A : memref<!tpu.dma_semaphore, #tpu.memory_space<semaphore_mem>>) src(%dma_wait3A_93 : memref<16x128xi32, #tpu.memory_space<hbm>>) dst(%arg7 : memref<16x128xi32, #tpu.memory_space<vmem>>)
        tpu.yield
      }) : () -> ()
      %dma_start3A = arith.constant 0 : i32
      %dma_start3A_54 = arith.constant 0 : i32
      %dma_start3A_55 = tpu.memref_slice %arg6[%dma_start3A, %dma_start3A_54] : memref<16x128xi32, #tpu.memory_space<vmem>> -> memref<1x128xi32, #tpu.memory_space<vmem>>
      %dma_start3A_56 = tpu.memref_squeeze %dma_start3A_55 : memref<1x128xi32, #tpu.memory_space<vmem>> -> memref<128xi32, #tpu.memory_space<vmem>>
      %dma_start3A_57 = arith.constant 0 : i32
      %dma_start3A_58 = arith.constant 0 : i32
      %dma_start3A_59 = tpu.memref_slice %arg2[%dma_start3A_57, %dma_start3A_58] : memref<70000x128xf32, #tpu.memory_space<hbm>> -> memref<70000x128xf32, #tpu.memory_space<hbm>>
      tpu.enqueue_indirect_dma source(%dma_start3A_59 : memref<70000x128xf32, #tpu.memory_space<hbm>>) target(%arg8 : memref<128x128xf32, #tpu.memory_space<vmem>>) offsets(%dma_start3A_56 : memref<128xi32, #tpu.memory_space<vmem>>) semaphore(%arg11 : memref<!tpu.dma_semaphore, #tpu.memory_space<semaphore_mem>>)
      %dma_start3A_60 = arith.constant 1 : i32
      %dma_start3A_61 = arith.constant 0 : i32
      %dma_start3A_62 = tpu.memref_slice %arg6[%dma_start3A_60, %dma_start3A_61] : memref<16x128xi32, #tpu.memory_space<vmem>> -> memref<1x128xi32, #tpu.memory_space<vmem>>
      %dma_start3A_63 = tpu.memref_squeeze %dma_start3A_62 : memref<1x128xi32, #tpu.memory_space<vmem>> -> memref<128xi32, #tpu.memory_space<vmem>>
      %dma_start3A_64 = arith.constant 0 : i32
      %dma_start3A_65 = arith.constant 0 : i32
      %dma_start3A_66 = tpu.memref_slice %arg2[%dma_start3A_64, %dma_start3A_65] : memref<70000x128xf32, #tpu.memory_space<hbm>> -> memref<70000x128xf32, #tpu.memory_space<hbm>>
      tpu.enqueue_indirect_dma source(%dma_start3A_66 : memref<70000x128xf32, #tpu.memory_space<hbm>>) target(%arg9 : memref<128x128xf32, #tpu.memory_space<vmem>>) offsets(%dma_start3A_63 : memref<128xi32, #tpu.memory_space<vmem>>) semaphore(%arg12 : memref<!tpu.dma_semaphore, #tpu.memory_space<semaphore_mem>>)
      %scan3A_67 = arith.constant 0 : i32
      %scan3A_68 = arith.constant 0 : i32
      %scan3A_69 = arith.constant 8 : i32
      %scan3A_70 = arith.addi %scan3A_68, %scan3A_69 : i32
      %scan3A_71 = arith.constant 1 : i32
      scf.for %scan3A_86 = %scan3A_68 to %scan3A_70 step %scan3A_71  : i32 {
        %mul3A_87 = arith.constant 2 : i32
        %mul3A_88 = arith.muli %mul3A_87, %scan3A_86 : i32
        %dma_wait3A_89 = arith.constant 0 : i32
        %dma_wait3A_90 = tpu.memref_slice %arg6[%mul3A_88, %dma_wait3A_89] : memref<16x128xi32, #tpu.memory_space<vmem>> -> memref<1x128xi32, #tpu.memory_space<vmem>>
        %dma_wait3A_91 = tpu.memref_squeeze %dma_wait3A_90 : memref<1x128xi32, #tpu.memory_space<vmem>> -> memref<128xi32, #tpu.memory_space<vmem>>
        %dma_wait3A_92 = arith.constant 0 : i32
        %dma_wait3A_93 = arith.constant 0 : i32
        %dma_wait3A_94 = tpu.memref_slice %arg2[%dma_wait3A_92, %dma_wait3A_93] : memref<70000x128xf32, #tpu.memory_space<hbm>> -> memref<70000x128xf32, #tpu.memory_space<hbm>>
        tpu.wait_indirect_dma semaphore(%arg11 : memref<!tpu.dma_semaphore, #tpu.memory_space<semaphore_mem>>) src(%dma_wait3A_94 : memref<70000x128xf32, #tpu.memory_space<hbm>>) dst(%arg8 : memref<128x128xf32, #tpu.memory_space<vmem>>)
        %dma_start3A_95 = arith.constant 0 : i32
        %dma_start3A_96 = tpu.memref_slice %arg7[%mul3A_88, %dma_start3A_95] : memref<16x128xi32, #tpu.memory_space<vmem>> -> memref<1x128xi32, #tpu.memory_space<vmem>>
        %dma_start3A_97 = tpu.memref_squeeze %dma_start3A_96 : memref<1x128xi32, #tpu.memory_space<vmem>> -> memref<128xi32, #tpu.memory_space<vmem>>
        %dma_start3A_98 = arith.constant 0 : i32
        %dma_start3A_99 = arith.constant 0 : i32
        %dma_start3A_100 = tpu.memref_slice %arg10[%dma_start3A_98, %dma_start3A_99] : memref<10240x128xf32, #tpu.memory_space<vmem_shared>> -> memref<10240x128xf32, #tpu.memory_space<vmem_shared>>
        tpu.enqueue_indirect_dma source(%arg8 : memref<128x128xf32, #tpu.memory_space<vmem>>) target(%dma_start3A_100 : memref<10240x128xf32, #tpu.memory_space<vmem_shared>>) offsets(%dma_start3A_97 : memref<128xi32, #tpu.memory_space<vmem>>) semaphore(%arg13 : memref<!tpu.dma_semaphore, #tpu.memory_space<semaphore_mem>>) {add = true}
        %add3A_101 = arith.constant 1 : i32
        %add3A_102 = arith.addi %mul3A_88, %add3A_101 : i32
        %dma_wait3A_103 = arith.constant 0 : i32
        %dma_wait3A_104 = tpu.memref_slice %arg6[%add3A_102, %dma_wait3A_103] : memref<16x128xi32, #tpu.memory_space<vmem>> -> memref<1x128xi32, #tpu.memory_space<vmem>>
        %dma_wait3A_105 = tpu.memref_squeeze %dma_wait3A_104 : memref<1x128xi32, #tpu.memory_space<vmem>> -> memref<128xi32, #tpu.memory_space<vmem>>
        %dma_wait3A_106 = arith.constant 0 : i32
        %dma_wait3A_107 = arith.constant 0 : i32
        %dma_wait3A_108 = tpu.memref_slice %arg2[%dma_wait3A_106, %dma_wait3A_107] : memref<70000x128xf32, #tpu.memory_space<hbm>> -> memref<70000x128xf32, #tpu.memory_space<hbm>>
        tpu.wait_indirect_dma semaphore(%arg12 : memref<!tpu.dma_semaphore, #tpu.memory_space<semaphore_mem>>) src(%dma_wait3A_108 : memref<70000x128xf32, #tpu.memory_space<hbm>>) dst(%arg9 : memref<128x128xf32, #tpu.memory_space<vmem>>)
        %add3A_109 = arith.constant 1 : i32
        %add3A_110 = arith.addi %mul3A_88, %add3A_109 : i32
        %dma_start3A_111 = arith.constant 0 : i32
        %dma_start3A_112 = tpu.memref_slice %arg7[%add3A_110, %dma_start3A_111] : memref<16x128xi32, #tpu.memory_space<vmem>> -> memref<1x128xi32, #tpu.memory_space<vmem>>
        %dma_start3A_113 = tpu.memref_squeeze %dma_start3A_112 : memref<1x128xi32, #tpu.memory_space<vmem>> -> memref<128xi32, #tpu.memory_space<vmem>>
        %dma_start3A_114 = arith.constant 0 : i32
        %dma_start3A_115 = arith.constant 0 : i32
        %dma_start3A_116 = tpu.memref_slice %arg10[%dma_start3A_114, %dma_start3A_115] : memref<10240x128xf32, #tpu.memory_space<vmem_shared>> -> memref<10240x128xf32, #tpu.memory_space<vmem_shared>>
        tpu.enqueue_indirect_dma source(%arg9 : memref<128x128xf32, #tpu.memory_space<vmem>>) target(%dma_start3A_116 : memref<10240x128xf32, #tpu.memory_space<vmem_shared>>) offsets(%dma_start3A_113 : memref<128xi32, #tpu.memory_space<vmem>>) semaphore(%arg14 : memref<!tpu.dma_semaphore, #tpu.memory_space<semaphore_mem>>) {add = true}
        %add3A_117 = arith.constant 2 : i32
        %add3A_118 = arith.addi %mul3A_88, %add3A_117 : i32
        %lt3A = arith.constant 16 : i32
        %lt3A_119 = arith.cmpi slt, %add3A_118, %lt3A : i32
        %convert_element_type3A = arith.extui %lt3A_119 : i1 to i32
        %cond3A = arith.constant 0 : i32
        %cond3A_120 = arith.cmpi ne, %convert_element_type3A, %cond3A : i32
        scf.if %cond3A_120 {
          %dma_wait3A_121 = arith.constant 0 : i32
          %dma_wait3A_122 = tpu.memref_slice %arg7[%mul3A_88, %dma_wait3A_121] : memref<16x128xi32, #tpu.memory_space<vmem>> -> memref<1x128xi32, #tpu.memory_space<vmem>>
          %dma_wait3A_123 = tpu.memref_squeeze %dma_wait3A_122 : memref<1x128xi32, #tpu.memory_space<vmem>> -> memref<128xi32, #tpu.memory_space<vmem>>
          %dma_wait3A_124 = arith.constant 0 : i32
          %dma_wait3A_125 = arith.constant 0 : i32
          %dma_wait3A_126 = tpu.memref_slice %arg10[%dma_wait3A_124, %dma_wait3A_125] : memref<10240x128xf32, #tpu.memory_space<vmem_shared>> -> memref<10240x128xf32, #tpu.memory_space<vmem_shared>>
          tpu.wait_indirect_dma semaphore(%arg13 : memref<!tpu.dma_semaphore, #tpu.memory_space<semaphore_mem>>) src(%arg8 : memref<128x128xf32, #tpu.memory_space<vmem>>) dst(%dma_wait3A_126 : memref<10240x128xf32, #tpu.memory_space<vmem_shared>>)
          %add3A_127 = arith.constant 2 : i32
          %add3A_128 = arith.addi %mul3A_88, %add3A_127 : i32
          %dma_start3A_129 = arith.constant 0 : i32
          %dma_start3A_130 = tpu.memref_slice %arg6[%add3A_128, %dma_start3A_129] : memref<16x128xi32, #tpu.memory_space<vmem>> -> memref<1x128xi32, #tpu.memory_space<vmem>>
          %dma_start3A_131 = tpu.memref_squeeze %dma_start3A_130 : memref<1x128xi32, #tpu.memory_space<vmem>> -> memref<128xi32, #tpu.memory_space<vmem>>
          %dma_start3A_132 = arith.constant 0 : i32
          %dma_start3A_133 = arith.constant 0 : i32
          %dma_start3A_134 = tpu.memref_slice %arg2[%dma_start3A_132, %dma_start3A_133] : memref<70000x128xf32, #tpu.memory_space<hbm>> -> memref<70000x128xf32, #tpu.memory_space<hbm>>
          tpu.enqueue_indirect_dma source(%dma_start3A_134 : memref<70000x128xf32, #tpu.memory_space<hbm>>) target(%arg8 : memref<128x128xf32, #tpu.memory_space<vmem>>) offsets(%dma_start3A_131 : memref<128xi32, #tpu.memory_space<vmem>>) semaphore(%arg11 : memref<!tpu.dma_semaphore, #tpu.memory_space<semaphore_mem>>)
          %add3A_135 = arith.constant 1 : i32
          %add3A_136 = arith.addi %mul3A_88, %add3A_135 : i32
          %dma_wait3A_137 = arith.constant 0 : i32
          %dma_wait3A_138 = tpu.memref_slice %arg7[%add3A_136, %dma_wait3A_137] : memref<16x128xi32, #tpu.memory_space<vmem>> -> memref<1x128xi32, #tpu.memory_space<vmem>>
          %dma_wait3A_139 = tpu.memref_squeeze %dma_wait3A_138 : memref<1x128xi32, #tpu.memory_space<vmem>> -> memref<128xi32, #tpu.memory_space<vmem>>
          %dma_wait3A_140 = arith.constant 0 : i32
          %dma_wait3A_141 = arith.constant 0 : i32
          %dma_wait3A_142 = tpu.memref_slice %arg10[%dma_wait3A_140, %dma_wait3A_141] : memref<10240x128xf32, #tpu.memory_space<vmem_shared>> -> memref<10240x128xf32, #tpu.memory_space<vmem_shared>>
          tpu.wait_indirect_dma semaphore(%arg14 : memref<!tpu.dma_semaphore, #tpu.memory_space<semaphore_mem>>) src(%arg9 : memref<128x128xf32, #tpu.memory_space<vmem>>) dst(%dma_wait3A_142 : memref<10240x128xf32, #tpu.memory_space<vmem_shared>>)
          %add3A_143 = arith.constant 3 : i32
          %add3A_144 = arith.addi %mul3A_88, %add3A_143 : i32
          %dma_start3A_145 = arith.constant 0 : i32
          %dma_start3A_146 = tpu.memref_slice %arg6[%add3A_144, %dma_start3A_145] : memref<16x128xi32, #tpu.memory_space<vmem>> -> memref<1x128xi32, #tpu.memory_space<vmem>>
          %dma_start3A_147 = tpu.memref_squeeze %dma_start3A_146 : memref<1x128xi32, #tpu.memory_space<vmem>> -> memref<128xi32, #tpu.memory_space<vmem>>
          %dma_start3A_148 = arith.constant 0 : i32
          %dma_start3A_149 = arith.constant 0 : i32
          %dma_start3A_150 = tpu.memref_slice %arg2[%dma_start3A_148, %dma_start3A_149] : memref<70000x128xf32, #tpu.memory_space<hbm>> -> memref<70000x128xf32, #tpu.memory_space<hbm>>
          tpu.enqueue_indirect_dma source(%dma_start3A_150 : memref<70000x128xf32, #tpu.memory_space<hbm>>) target(%arg9 : memref<128x128xf32, #tpu.memory_space<vmem>>) offsets(%dma_start3A_147 : memref<128xi32, #tpu.memory_space<vmem>>) semaphore(%arg12 : memref<!tpu.dma_semaphore, #tpu.memory_space<semaphore_mem>>)
        } else {
        }
      }
      %scan3A_72 = arith.constant 8 : i32
      %dma_wait3A = arith.constant 0 : i32
      %dma_wait3A_73 = arith.constant 0 : i32
      %dma_wait3A_74 = tpu.memref_slice %arg7[%dma_wait3A, %dma_wait3A_73] : memref<16x128xi32, #tpu.memory_space<vmem>> -> memref<1x128xi32, #tpu.memory_space<vmem>>
      %dma_wait3A_75 = tpu.memref_squeeze %dma_wait3A_74 : memref<1x128xi32, #tpu.memory_space<vmem>> -> memref<128xi32, #tpu.memory_space<vmem>>
      %dma_wait3A_76 = arith.constant 0 : i32
      %dma_wait3A_77 = arith.constant 0 : i32
      %dma_wait3A_78 = tpu.memref_slice %arg10[%dma_wait3A_76, %dma_wait3A_77] : memref<10240x128xf32, #tpu.memory_space<vmem_shared>> -> memref<10240x128xf32, #tpu.memory_space<vmem_shared>>
      tpu.wait_indirect_dma semaphore(%arg13 : memref<!tpu.dma_semaphore, #tpu.memory_space<semaphore_mem>>) src(%arg8 : memref<128x128xf32, #tpu.memory_space<vmem>>) dst(%dma_wait3A_78 : memref<10240x128xf32, #tpu.memory_space<vmem_shared>>)
      %dma_wait3A_79 = arith.constant 0 : i32
      %dma_wait3A_80 = arith.constant 0 : i32
      %dma_wait3A_81 = tpu.memref_slice %arg7[%dma_wait3A_79, %dma_wait3A_80] : memref<16x128xi32, #tpu.memory_space<vmem>> -> memref<1x128xi32, #tpu.memory_space<vmem>>
      %dma_wait3A_82 = tpu.memref_squeeze %dma_wait3A_81 : memref<1x128xi32, #tpu.memory_space<vmem>> -> memref<128xi32, #tpu.memory_space<vmem>>
      %dma_wait3A_83 = arith.constant 0 : i32
      %dma_wait3A_84 = arith.constant 0 : i32
      %dma_wait3A_85 = tpu.memref_slice %arg10[%dma_wait3A_83, %dma_wait3A_84] : memref<10240x128xf32, #tpu.memory_space<vmem_shared>> -> memref<10240x128xf32, #tpu.memory_space<vmem_shared>>
      tpu.wait_indirect_dma semaphore(%arg14 : memref<!tpu.dma_semaphore, #tpu.memory_space<semaphore_mem>>) src(%arg9 : memref<128x128xf32, #tpu.memory_space<vmem>>) dst(%dma_wait3A_85 : memref<10240x128xf32, #tpu.memory_space<vmem_shared>>)
    }
    %while3A_41 = arith.constant 1 : i32
    scf.for %while3A_47 = %while3A_39 to %while3A_35 step %while3A_41  : i32 {
      %mul3A_48 = arith.constant 16 : i32
      %mul3A_49 = arith.muli %while3A_47, %mul3A_48 : i32
      %add3A_50 = arith.addi %select_n3A, %mul3A_49 : i32
      "tpu.region"() ({
        %run_scoped3A = tpu.sem_alloc : memref<!tpu.dma_semaphore, #tpu.memory_space<semaphore_mem>>
        %dma_start3A_86 = arith.constant 0 : i32
        %dma_start3A_87 = tpu.memref_slice %arg3[%add3A_50, %dma_start3A_86] : memref<5120x128xi32, #tpu.memory_space<hbm>> -> memref<16x128xi32, #tpu.memory_space<hbm>>
        %dma_start3A_88 = arith.constant 0 : i32
        %dma_start3A_89 = tpu.memref_slice %arg3[%add3A_50, %dma_start3A_88] : memref<5120x128xi32, #tpu.memory_space<hbm>> -> memref<16x128xi32, #tpu.memory_space<hbm>>
        tpu.enqueue_dma source(%dma_start3A_89 : memref<16x128xi32, #tpu.memory_space<hbm>>) target(%arg6 : memref<16x128xi32, #tpu.memory_space<vmem>>) target_semaphore(%run_scoped3A : memref<!tpu.dma_semaphore, #tpu.memory_space<semaphore_mem>>)
        %dma_wait3A_90 = arith.constant 0 : i32
        %dma_wait3A_91 = tpu.memref_slice %arg3[%add3A_50, %dma_wait3A_90] : memref<5120x128xi32, #tpu.memory_space<hbm>> -> memref<16x128xi32, #tpu.memory_space<hbm>>
        %dma_wait3A_92 = arith.constant 0 : i32
        %dma_wait3A_93 = tpu.memref_slice %arg3[%add3A_50, %dma_wait3A_92] : memref<5120x128xi32, #tpu.memory_space<hbm>> -> memref<16x128xi32, #tpu.memory_space<hbm>>
        tpu.wait_dma2 semaphore(%run_scoped3A : memref<!tpu.dma_semaphore, #tpu.memory_space<semaphore_mem>>) src(%dma_wait3A_93 : memref<16x128xi32, #tpu.memory_space<hbm>>) dst(%arg6 : memref<16x128xi32, #tpu.memory_space<vmem>>)
        tpu.yield
      }) : () -> ()
      %mul3A_51 = arith.constant 16 : i32
      %mul3A_52 = arith.muli %while3A_47, %mul3A_51 : i32
      %add3A_53 = arith.addi %select_n3A, %mul3A_52 : i32
      "tpu.region"() ({
        %run_scoped3A = tpu.sem_alloc : memref<!tpu.dma_semaphore, #tpu.memory_space<semaphore_mem>>
        %dma_start3A_86 = arith.constant 0 : i32
        %dma_start3A_87 = tpu.memref_slice %arg4[%add3A_53, %dma_start3A_86] : memref<5120x128xi32, #tpu.memory_space<hbm>> -> memref<16x128xi32, #tpu.memory_space<hbm>>
        %dma_start3A_88 = arith.constant 0 : i32
        %dma_start3A_89 = tpu.memref_slice %arg4[%add3A_53, %dma_start3A_88] : memref<5120x128xi32, #tpu.memory_space<hbm>> -> memref<16x128xi32, #tpu.memory_space<hbm>>
        tpu.enqueue_dma source(%dma_start3A_89 : memref<16x128xi32, #tpu.memory_space<hbm>>) target(%arg7 : memref<16x128xi32, #tpu.memory_space<vmem>>) target_semaphore(%run_scoped3A : memref<!tpu.dma_semaphore, #tpu.memory_space<semaphore_mem>>)
        %dma_wait3A_90 = arith.constant 0 : i32
        %dma_wait3A_91 = tpu.memref_slice %arg4[%add3A_53, %dma_wait3A_90] : memref<5120x128xi32, #tpu.memory_space<hbm>> -> memref<16x128xi32, #tpu.memory_space<hbm>>
        %dma_wait3A_92 = arith.constant 0 : i32
        %dma_wait3A_93 = tpu.memref_slice %arg4[%add3A_53, %dma_wait3A_92] : memref<5120x128xi32, #tpu.memory_space<hbm>> -> memref<16x128xi32, #tpu.memory_space<hbm>>
        tpu.wait_dma2 semaphore(%run_scoped3A : memref<!tpu.dma_semaphore, #tpu.memory_space<semaphore_mem>>) src(%dma_wait3A_93 : memref<16x128xi32, #tpu.memory_space<hbm>>) dst(%arg7 : memref<16x128xi32, #tpu.memory_space<vmem>>)
        tpu.yield
      }) : () -> ()
      %dma_start3A = arith.constant 0 : i32
      %dma_start3A_54 = arith.constant 0 : i32
      %dma_start3A_55 = tpu.memref_slice %arg6[%dma_start3A, %dma_start3A_54] : memref<16x128xi32, #tpu.memory_space<vmem>> -> memref<1x128xi32, #tpu.memory_space<vmem>>
      %dma_start3A_56 = tpu.memref_squeeze %dma_start3A_55 : memref<1x128xi32, #tpu.memory_space<vmem>> -> memref<128xi32, #tpu.memory_space<vmem>>
      %dma_start3A_57 = arith.constant 0 : i32
      %dma_start3A_58 = arith.constant 0 : i32
      %dma_start3A_59 = tpu.memref_slice %arg2[%dma_start3A_57, %dma_start3A_58] : memref<70000x128xf32, #tpu.memory_space<hbm>> -> memref<70000x128xf32, #tpu.memory_space<hbm>>
      tpu.enqueue_indirect_dma source(%dma_start3A_59 : memref<70000x128xf32, #tpu.memory_space<hbm>>) target(%arg8 : memref<128x128xf32, #tpu.memory_space<vmem>>) offsets(%dma_start3A_56 : memref<128xi32, #tpu.memory_space<vmem>>) semaphore(%arg11 : memref<!tpu.dma_semaphore, #tpu.memory_space<semaphore_mem>>)
      %dma_start3A_60 = arith.constant 1 : i32
      %dma_start3A_61 = arith.constant 0 : i32
      %dma_start3A_62 = tpu.memref_slice %arg6[%dma_start3A_60, %dma_start3A_61] : memref<16x128xi32, #tpu.memory_space<vmem>> -> memref<1x128xi32, #tpu.memory_space<vmem>>
      %dma_start3A_63 = tpu.memref_squeeze %dma_start3A_62 : memref<1x128xi32, #tpu.memory_space<vmem>> -> memref<128xi32, #tpu.memory_space<vmem>>
      %dma_start3A_64 = arith.constant 0 : i32
      %dma_start3A_65 = arith.constant 0 : i32
      %dma_start3A_66 = tpu.memref_slice %arg2[%dma_start3A_64, %dma_start3A_65] : memref<70000x128xf32, #tpu.memory_space<hbm>> -> memref<70000x128xf32, #tpu.memory_space<hbm>>
      tpu.enqueue_indirect_dma source(%dma_start3A_66 : memref<70000x128xf32, #tpu.memory_space<hbm>>) target(%arg9 : memref<128x128xf32, #tpu.memory_space<vmem>>) offsets(%dma_start3A_63 : memref<128xi32, #tpu.memory_space<vmem>>) semaphore(%arg12 : memref<!tpu.dma_semaphore, #tpu.memory_space<semaphore_mem>>)
      %scan3A_67 = arith.constant 0 : i32
      %scan3A_68 = arith.constant 0 : i32
      %scan3A_69 = arith.constant 8 : i32
      %scan3A_70 = arith.addi %scan3A_68, %scan3A_69 : i32
      %scan3A_71 = arith.constant 1 : i32
      scf.for %scan3A_86 = %scan3A_68 to %scan3A_70 step %scan3A_71  : i32 {
        %mul3A_87 = arith.constant 2 : i32
        %mul3A_88 = arith.muli %mul3A_87, %scan3A_86 : i32
        %dma_wait3A_89 = arith.constant 0 : i32
        %dma_wait3A_90 = tpu.memref_slice %arg6[%mul3A_88, %dma_wait3A_89] : memref<16x128xi32, #tpu.memory_space<vmem>> -> memref<1x128xi32, #tpu.memory_space<vmem>>
        %dma_wait3A_91 = tpu.memref_squeeze %dma_wait3A_90 : memref<1x128xi32, #tpu.memory_space<vmem>> -> memref<128xi32, #tpu.memory_space<vmem>>
        %dma_wait3A_92 = arith.constant 0 : i32
        %dma_wait3A_93 = arith.constant 0 : i32
        %dma_wait3A_94 = tpu.memref_slice %arg2[%dma_wait3A_92, %dma_wait3A_93] : memref<70000x128xf32, #tpu.memory_space<hbm>> -> memref<70000x128xf32, #tpu.memory_space<hbm>>
        tpu.wait_indirect_dma semaphore(%arg11 : memref<!tpu.dma_semaphore, #tpu.memory_space<semaphore_mem>>) src(%dma_wait3A_94 : memref<70000x128xf32, #tpu.memory_space<hbm>>) dst(%arg8 : memref<128x128xf32, #tpu.memory_space<vmem>>)
        %dma_start3A_95 = arith.constant 0 : i32
        %dma_start3A_96 = tpu.memref_slice %arg7[%mul3A_88, %dma_start3A_95] : memref<16x128xi32, #tpu.memory_space<vmem>> -> memref<1x128xi32, #tpu.memory_space<vmem>>
        %dma_start3A_97 = tpu.memref_squeeze %dma_start3A_96 : memref<1x128xi32, #tpu.memory_space<vmem>> -> memref<128xi32, #tpu.memory_space<vmem>>
        %dma_start3A_98 = arith.constant 0 : i32
        %dma_start3A_99 = arith.constant 0 : i32
        %dma_start3A_100 = tpu.memref_slice %arg10[%dma_start3A_98, %dma_start3A_99] : memref<10240x128xf32, #tpu.memory_space<vmem_shared>> -> memref<10240x128xf32, #tpu.memory_space<vmem_shared>>
        tpu.enqueue_indirect_dma source(%arg8 : memref<128x128xf32, #tpu.memory_space<vmem>>) target(%dma_start3A_100 : memref<10240x128xf32, #tpu.memory_space<vmem_shared>>) offsets(%dma_start3A_97 : memref<128xi32, #tpu.memory_space<vmem>>) semaphore(%arg13 : memref<!tpu.dma_semaphore, #tpu.memory_space<semaphore_mem>>) {add = true}
        %add3A_101 = arith.constant 1 : i32
        %add3A_102 = arith.addi %mul3A_88, %add3A_101 : i32
        %dma_wait3A_103 = arith.constant 0 : i32
        %dma_wait3A_104 = tpu.memref_slice %arg6[%add3A_102, %dma_wait3A_103] : memref<16x128xi32, #tpu.memory_space<vmem>> -> memref<1x128xi32, #tpu.memory_space<vmem>>
        %dma_wait3A_105 = tpu.memref_squeeze %dma_wait3A_104 : memref<1x128xi32, #tpu.memory_space<vmem>> -> memref<128xi32, #tpu.memory_space<vmem>>
        %dma_wait3A_106 = arith.constant 0 : i32
        %dma_wait3A_107 = arith.constant 0 : i32
        %dma_wait3A_108 = tpu.memref_slice %arg2[%dma_wait3A_106, %dma_wait3A_107] : memref<70000x128xf32, #tpu.memory_space<hbm>> -> memref<70000x128xf32, #tpu.memory_space<hbm>>
        tpu.wait_indirect_dma semaphore(%arg12 : memref<!tpu.dma_semaphore, #tpu.memory_space<semaphore_mem>>) src(%dma_wait3A_108 : memref<70000x128xf32, #tpu.memory_space<hbm>>) dst(%arg9 : memref<128x128xf32, #tpu.memory_space<vmem>>)
        %add3A_109 = arith.constant 1 : i32
        %add3A_110 = arith.addi %mul3A_88, %add3A_109 : i32
        %dma_start3A_111 = arith.constant 0 : i32
        %dma_start3A_112 = tpu.memref_slice %arg7[%add3A_110, %dma_start3A_111] : memref<16x128xi32, #tpu.memory_space<vmem>> -> memref<1x128xi32, #tpu.memory_space<vmem>>
        %dma_start3A_113 = tpu.memref_squeeze %dma_start3A_112 : memref<1x128xi32, #tpu.memory_space<vmem>> -> memref<128xi32, #tpu.memory_space<vmem>>
        %dma_start3A_114 = arith.constant 0 : i32
        %dma_start3A_115 = arith.constant 0 : i32
        %dma_start3A_116 = tpu.memref_slice %arg10[%dma_start3A_114, %dma_start3A_115] : memref<10240x128xf32, #tpu.memory_space<vmem_shared>> -> memref<10240x128xf32, #tpu.memory_space<vmem_shared>>
        tpu.enqueue_indirect_dma source(%arg9 : memref<128x128xf32, #tpu.memory_space<vmem>>) target(%dma_start3A_116 : memref<10240x128xf32, #tpu.memory_space<vmem_shared>>) offsets(%dma_start3A_113 : memref<128xi32, #tpu.memory_space<vmem>>) semaphore(%arg14 : memref<!tpu.dma_semaphore, #tpu.memory_space<semaphore_mem>>) {add = true}
        %add3A_117 = arith.constant 2 : i32
        %add3A_118 = arith.addi %mul3A_88, %add3A_117 : i32
        %lt3A = arith.constant 16 : i32
        %lt3A_119 = arith.cmpi slt, %add3A_118, %lt3A : i32
        %convert_element_type3A = arith.extui %lt3A_119 : i1 to i32
        %cond3A = arith.constant 0 : i32
        %cond3A_120 = arith.cmpi ne, %convert_element_type3A, %cond3A : i32
        scf.if %cond3A_120 {
          %dma_wait3A_121 = arith.constant 0 : i32
          %dma_wait3A_122 = tpu.memref_slice %arg7[%mul3A_88, %dma_wait3A_121] : memref<16x128xi32, #tpu.memory_space<vmem>> -> memref<1x128xi32, #tpu.memory_space<vmem>>
          %dma_wait3A_123 = tpu.memref_squeeze %dma_wait3A_122 : memref<1x128xi32, #tpu.memory_space<vmem>> -> memref<128xi32, #tpu.memory_space<vmem>>
          %dma_wait3A_124 = arith.constant 0 : i32
          %dma_wait3A_125 = arith.constant 0 : i32
          %dma_wait3A_126 = tpu.memref_slice %arg10[%dma_wait3A_124, %dma_wait3A_125] : memref<10240x128xf32, #tpu.memory_space<vmem_shared>> -> memref<10240x128xf32, #tpu.memory_space<vmem_shared>>
          tpu.wait_indirect_dma semaphore(%arg13 : memref<!tpu.dma_semaphore, #tpu.memory_space<semaphore_mem>>) src(%arg8 : memref<128x128xf32, #tpu.memory_space<vmem>>) dst(%dma_wait3A_126 : memref<10240x128xf32, #tpu.memory_space<vmem_shared>>)
          %add3A_127 = arith.constant 2 : i32
          %add3A_128 = arith.addi %mul3A_88, %add3A_127 : i32
          %dma_start3A_129 = arith.constant 0 : i32
          %dma_start3A_130 = tpu.memref_slice %arg6[%add3A_128, %dma_start3A_129] : memref<16x128xi32, #tpu.memory_space<vmem>> -> memref<1x128xi32, #tpu.memory_space<vmem>>
          %dma_start3A_131 = tpu.memref_squeeze %dma_start3A_130 : memref<1x128xi32, #tpu.memory_space<vmem>> -> memref<128xi32, #tpu.memory_space<vmem>>
          %dma_start3A_132 = arith.constant 0 : i32
          %dma_start3A_133 = arith.constant 0 : i32
          %dma_start3A_134 = tpu.memref_slice %arg2[%dma_start3A_132, %dma_start3A_133] : memref<70000x128xf32, #tpu.memory_space<hbm>> -> memref<70000x128xf32, #tpu.memory_space<hbm>>
          tpu.enqueue_indirect_dma source(%dma_start3A_134 : memref<70000x128xf32, #tpu.memory_space<hbm>>) target(%arg8 : memref<128x128xf32, #tpu.memory_space<vmem>>) offsets(%dma_start3A_131 : memref<128xi32, #tpu.memory_space<vmem>>) semaphore(%arg11 : memref<!tpu.dma_semaphore, #tpu.memory_space<semaphore_mem>>)
          %add3A_135 = arith.constant 1 : i32
          %add3A_136 = arith.addi %mul3A_88, %add3A_135 : i32
          %dma_wait3A_137 = arith.constant 0 : i32
          %dma_wait3A_138 = tpu.memref_slice %arg7[%add3A_136, %dma_wait3A_137] : memref<16x128xi32, #tpu.memory_space<vmem>> -> memref<1x128xi32, #tpu.memory_space<vmem>>
          %dma_wait3A_139 = tpu.memref_squeeze %dma_wait3A_138 : memref<1x128xi32, #tpu.memory_space<vmem>> -> memref<128xi32, #tpu.memory_space<vmem>>
          %dma_wait3A_140 = arith.constant 0 : i32
          %dma_wait3A_141 = arith.constant 0 : i32
          %dma_wait3A_142 = tpu.memref_slice %arg10[%dma_wait3A_140, %dma_wait3A_141] : memref<10240x128xf32, #tpu.memory_space<vmem_shared>> -> memref<10240x128xf32, #tpu.memory_space<vmem_shared>>
          tpu.wait_indirect_dma semaphore(%arg14 : memref<!tpu.dma_semaphore, #tpu.memory_space<semaphore_mem>>) src(%arg9 : memref<128x128xf32, #tpu.memory_space<vmem>>) dst(%dma_wait3A_142 : memref<10240x128xf32, #tpu.memory_space<vmem_shared>>)
          %add3A_143 = arith.constant 3 : i32
          %add3A_144 = arith.addi %mul3A_88, %add3A_143 : i32
          %dma_start3A_145 = arith.constant 0 : i32
          %dma_start3A_146 = tpu.memref_slice %arg6[%add3A_144, %dma_start3A_145] : memref<16x128xi32, #tpu.memory_space<vmem>> -> memref<1x128xi32, #tpu.memory_space<vmem>>
          %dma_start3A_147 = tpu.memref_squeeze %dma_start3A_146 : memref<1x128xi32, #tpu.memory_space<vmem>> -> memref<128xi32, #tpu.memory_space<vmem>>
          %dma_start3A_148 = arith.constant 0 : i32
          %dma_start3A_149 = arith.constant 0 : i32
          %dma_start3A_150 = tpu.memref_slice %arg2[%dma_start3A_148, %dma_start3A_149] : memref<70000x128xf32, #tpu.memory_space<hbm>> -> memref<70000x128xf32, #tpu.memory_space<hbm>>
          tpu.enqueue_indirect_dma source(%dma_start3A_150 : memref<70000x128xf32, #tpu.memory_space<hbm>>) target(%arg9 : memref<128x128xf32, #tpu.memory_space<vmem>>) offsets(%dma_start3A_147 : memref<128xi32, #tpu.memory_space<vmem>>) semaphore(%arg12 : memref<!tpu.dma_semaphore, #tpu.memory_space<semaphore_mem>>)
        } else {
        }
      }
      %scan3A_72 = arith.constant 8 : i32
      %dma_wait3A = arith.constant 0 : i32
      %dma_wait3A_73 = arith.constant 0 : i32
      %dma_wait3A_74 = tpu.memref_slice %arg7[%dma_wait3A, %dma_wait3A_73] : memref<16x128xi32, #tpu.memory_space<vmem>> -> memref<1x128xi32, #tpu.memory_space<vmem>>
      %dma_wait3A_75 = tpu.memref_squeeze %dma_wait3A_74 : memref<1x128xi32, #tpu.memory_space<vmem>> -> memref<128xi32, #tpu.memory_space<vmem>>
      %dma_wait3A_76 = arith.constant 0 : i32
      %dma_wait3A_77 = arith.constant 0 : i32
      %dma_wait3A_78 = tpu.memref_slice %arg10[%dma_wait3A_76, %dma_wait3A_77] : memref<10240x128xf32, #tpu.memory_space<vmem_shared>> -> memref<10240x128xf32, #tpu.memory_space<vmem_shared>>
      tpu.wait_indirect_dma semaphore(%arg13 : memref<!tpu.dma_semaphore, #tpu.memory_space<semaphore_mem>>) src(%arg8 : memref<128x128xf32, #tpu.memory_space<vmem>>) dst(%dma_wait3A_78 : memref<10240x128xf32, #tpu.memory_space<vmem_shared>>)
      %dma_wait3A_79 = arith.constant 0 : i32
      %dma_wait3A_80 = arith.constant 0 : i32
      %dma_wait3A_81 = tpu.memref_slice %arg7[%dma_wait3A_79, %dma_wait3A_80] : memref<16x128xi32, #tpu.memory_space<vmem>> -> memref<1x128xi32, #tpu.memory_space<vmem>>
      %dma_wait3A_82 = tpu.memref_squeeze %dma_wait3A_81 : memref<1x128xi32, #tpu.memory_space<vmem>> -> memref<128xi32, #tpu.memory_space<vmem>>
      %dma_wait3A_83 = arith.constant 0 : i32
      %dma_wait3A_84 = arith.constant 0 : i32
      %dma_wait3A_85 = tpu.memref_slice %arg10[%dma_wait3A_83, %dma_wait3A_84] : memref<10240x128xf32, #tpu.memory_space<vmem_shared>> -> memref<10240x128xf32, #tpu.memory_space<vmem_shared>>
      tpu.wait_indirect_dma semaphore(%arg14 : memref<!tpu.dma_semaphore, #tpu.memory_space<semaphore_mem>>) src(%arg9 : memref<128x128xf32, #tpu.memory_space<vmem>>) dst(%dma_wait3A_85 : memref<10240x128xf32, #tpu.memory_space<vmem_shared>>)
    }
    %barrier3A_42 = arith.constant 0 : index
    tpu.barrier barrier_id(%barrier3A_42)
    %mul3A_43 = arith.constant 640 : i32
    %mul3A_44 = arith.muli %arg1, %mul3A_43 : i32
    %mul3A_45 = arith.constant 640 : i32
    %mul3A_46 = arith.muli %arg1, %mul3A_45 : i32
    "tpu.region"() ({
      %run_scoped3A = tpu.sem_alloc : memref<!tpu.dma_semaphore, #tpu.memory_space<semaphore_mem>>
      %dma_start3A = arith.constant 0 : i32
      %dma_start3A_47 = tpu.memref_slice %arg5[%arg0, %mul3A_46, %dma_start3A] : memref<2x10240x128xf32, #tpu.memory_space<hbm>> -> memref<1x640x128xf32, #tpu.memory_space<hbm>>
      %dma_start3A_48 = tpu.memref_squeeze %dma_start3A_47 : memref<1x640x128xf32, #tpu.memory_space<hbm>> -> memref<640x128xf32, #tpu.memory_space<hbm>>
      %dma_start3A_49 = arith.constant 0 : i32
      %dma_start3A_50 = tpu.memref_slice %arg10[%mul3A_44, %dma_start3A_49] : memref<10240x128xf32, #tpu.memory_space<vmem_shared>> -> memref<640x128xf32, #tpu.memory_space<vmem_shared>>
      tpu.enqueue_dma source(%dma_start3A_50 : memref<640x128xf32, #tpu.memory_space<vmem_shared>>) target(%dma_start3A_48 : memref<640x128xf32, #tpu.memory_space<hbm>>) target_semaphore(%run_scoped3A : memref<!tpu.dma_semaphore, #tpu.memory_space<semaphore_mem>>)
      %dma_wait3A = arith.constant 0 : i32
      %dma_wait3A_51 = tpu.memref_slice %arg5[%arg0, %mul3A_46, %dma_wait3A] : memref<2x10240x128xf32, #tpu.memory_space<hbm>> -> memref<1x640x128xf32, #tpu.memory_space<hbm>>
      %dma_wait3A_52 = tpu.memref_squeeze %dma_wait3A_51 : memref<1x640x128xf32, #tpu.memory_space<hbm>> -> memref<640x128xf32, #tpu.memory_space<hbm>>
      %dma_wait3A_53 = arith.constant 0 : i32
      %dma_wait3A_54 = tpu.memref_slice %arg10[%mul3A_44, %dma_wait3A_53] : memref<10240x128xf32, #tpu.memory_space<vmem_shared>> -> memref<640x128xf32, #tpu.memory_space<vmem_shared>>
      tpu.wait_dma2 semaphore(%run_scoped3A : memref<!tpu.dma_semaphore, #tpu.memory_space<semaphore_mem>>) src(%dma_wait3A_54 : memref<640x128xf32, #tpu.memory_space<vmem_shared>>) dst(%dma_wait3A_52 : memref<640x128xf32, #tpu.memory_space<hbm>>)
      tpu.yield
    }) : () -> ()
    return
  }
}

#map = affine_map<(d0, d1) -> (0, 0)>
#map1 = affine_map<(d0, d1) -> (0, 0, 0)>
module attributes {stable_mosaic.version = 14 : i64} {
  func.func @_sc_body(%arg0: i32, %arg1: i32, %arg2: memref<70000x128xf32, #tpu.memory_space<hbm>>, %arg3: memref<5120x128xi32, #tpu.memory_space<hbm>>, %arg4: memref<5120x128xi32, #tpu.memory_space<hbm>>, %arg5: memref<2x10240x128xf32, #tpu.memory_space<hbm>>, %arg6: memref<16x128xi32, #tpu.memory_space<vmem>>, %arg7: memref<16x128xi32, #tpu.memory_space<vmem>>, %arg8: memref<128x128xf32, #tpu.memory_space<vmem>>, %arg9: memref<128x128xf32, #tpu.memory_space<vmem>>, %arg10: memref<10240x128xf32, #tpu.memory_space<vmem_shared>>, %arg11: memref<!tpu.dma_semaphore, #tpu.memory_space<semaphore_mem>>, %arg12: memref<!tpu.dma_semaphore, #tpu.memory_space<semaphore_mem>>, %arg13: memref<!tpu.dma_semaphore, #tpu.memory_space<semaphore_mem>>, %arg14: memref<!tpu.dma_semaphore, #tpu.memory_space<semaphore_mem>>) attributes {dimension_semantics = [#tpu.dimension_semantics<core_parallel>, #tpu.dimension_semantics<subcore_parallel>], iteration_bounds = array<i64: 2, 16>, scalar_prefetch = 0 : i64, scratch_operands = 9 : i64, tpu.core_type = #tpu.core_type<sc_vector_subcore>, window_params = [{transform_indices = #map}, {transform_indices = #map}, {transform_indices = #map}, {transform_indices = #map1}]} {
    %eq3A = arith.constant 0 : i32
    %eq3A_0 = arith.cmpi eq, %arg0, %eq3A : i32
    %mul3A = arith.constant 160 : i32
    %mul3A_1 = arith.muli %arg1, %mul3A : i32
    %mul3A_2 = arith.constant 160 : i32
    %mul3A_3 = arith.muli %arg1, %mul3A_2 : i32
    %add3A = arith.constant 2560 : i32
    %add3A_4 = arith.addi %add3A, %mul3A_3 : i32
    %select_n3A = arith.select %eq3A_0, %mul3A_1, %add3A_4 : i32
    %jit3A = arith.constant 10 : i32
    %jit3A_5 = arith.constant 10 : i32
    %select_n3A_6 = arith.select %eq3A_0, %jit3A, %jit3A_5 : i32
    %broadcast_in_dim3A = arith.constant 0.000000e+00 : f32
    %broadcast_in_dim3A_7 = vector.broadcast %broadcast_in_dim3A : f32 to vector<16xf32>
    %scan3A = arith.constant 0 : i32
    %scan3A_8 = arith.constant 0 : i32
    %scan3A_9 = arith.constant 128 : i32
    %scan3A_10 = arith.addi %scan3A_8, %scan3A_9 : i32
    %scan3A_11 = arith.constant 1 : i32
    scf.for %scan3A_47 = %scan3A_8 to %scan3A_10 step %scan3A_11  : i32 {
      %swap3A = arith.index_cast %scan3A_47 : i32 to index
      %swap3A_48 = arith.constant 0 : index
      %swap3A_49 = tpu.vector_load %arg8[%swap3A, %swap3A_48] {strides = array<i32>} : memref<128x128xf32, #tpu.memory_space<vmem>>, vector<1x16xf32>,
      %swap3A_50 = vector.shape_cast %swap3A_49 : vector<1x16xf32> to vector<16xf32>
      %swap3A_51 = vector.shape_cast %broadcast_in_dim3A_7 : vector<16xf32> to vector<1x16xf32>
      tpu.vector_store %arg8[%swap3A, %swap3A_48], %swap3A_51 {strides = array<i32>} : memref<128x128xf32, #tpu.memory_space<vmem>>, vector<1x16xf32>,
      %swap3A_52 = arith.index_cast %scan3A_47 : i32 to index
      %swap3A_53 = arith.constant 16 : index
      %swap3A_54 = tpu.vector_load %arg8[%swap3A_52, %swap3A_53] {strides = array<i32>} : memref<128x128xf32, #tpu.memory_space<vmem>>, vector<1x16xf32>,
      %swap3A_55 = vector.shape_cast %swap3A_54 : vector<1x16xf32> to vector<16xf32>
      %swap3A_56 = vector.shape_cast %broadcast_in_dim3A_7 : vector<16xf32> to vector<1x16xf32>
      tpu.vector_store %arg8[%swap3A_52, %swap3A_53], %swap3A_56 {strides = array<i32>} : memref<128x128xf32, #tpu.memory_space<vmem>>, vector<1x16xf32>,
      %swap3A_57 = arith.index_cast %scan3A_47 : i32 to index
      %swap3A_58 = arith.constant 32 : index
      %swap3A_59 = tpu.vector_load %arg8[%swap3A_57, %swap3A_58] {strides = array<i32>} : memref<128x128xf32, #tpu.memory_space<vmem>>, vector<1x16xf32>,
      %swap3A_60 = vector.shape_cast %swap3A_59 : vector<1x16xf32> to vector<16xf32>
      %swap3A_61 = vector.shape_cast %broadcast_in_dim3A_7 : vector<16xf32> to vector<1x16xf32>
      tpu.vector_store %arg8[%swap3A_57, %swap3A_58], %swap3A_61 {strides = array<i32>} : memref<128x128xf32, #tpu.memory_space<vmem>>, vector<1x16xf32>,
      %swap3A_62 = arith.index_cast %scan3A_47 : i32 to index
      %swap3A_63 = arith.constant 48 : index
      %swap3A_64 = tpu.vector_load %arg8[%swap3A_62, %swap3A_63] {strides = array<i32>} : memref<128x128xf32, #tpu.memory_space<vmem>>, vector<1x16xf32>,
      %swap3A_65 = vector.shape_cast %swap3A_64 : vector<1x16xf32> to vector<16xf32>
      %swap3A_66 = vector.shape_cast %broadcast_in_dim3A_7 : vector<16xf32> to vector<1x16xf32>
      tpu.vector_store %arg8[%swap3A_62, %swap3A_63], %swap3A_66 {strides = array<i32>} : memref<128x128xf32, #tpu.memory_space<vmem>>, vector<1x16xf32>,
      %swap3A_67 = arith.index_cast %scan3A_47 : i32 to index
      %swap3A_68 = arith.constant 64 : index
      %swap3A_69 = tpu.vector_load %arg8[%swap3A_67, %swap3A_68] {strides = array<i32>} : memref<128x128xf32, #tpu.memory_space<vmem>>, vector<1x16xf32>,
      %swap3A_70 = vector.shape_cast %swap3A_69 : vector<1x16xf32> to vector<16xf32>
      %swap3A_71 = vector.shape_cast %broadcast_in_dim3A_7 : vector<16xf32> to vector<1x16xf32>
      tpu.vector_store %arg8[%swap3A_67, %swap3A_68], %swap3A_71 {strides = array<i32>} : memref<128x128xf32, #tpu.memory_space<vmem>>, vector<1x16xf32>,
      %swap3A_72 = arith.index_cast %scan3A_47 : i32 to index
      %swap3A_73 = arith.constant 80 : index
      %swap3A_74 = tpu.vector_load %arg8[%swap3A_72, %swap3A_73] {strides = array<i32>} : memref<128x128xf32, #tpu.memory_space<vmem>>, vector<1x16xf32>,
      %swap3A_75 = vector.shape_cast %swap3A_74 : vector<1x16xf32> to vector<16xf32>
      %swap3A_76 = vector.shape_cast %broadcast_in_dim3A_7 : vector<16xf32> to vector<1x16xf32>
      tpu.vector_store %arg8[%swap3A_72, %swap3A_73], %swap3A_76 {strides = array<i32>} : memref<128x128xf32, #tpu.memory_space<vmem>>, vector<1x16xf32>,
      %swap3A_77 = arith.index_cast %scan3A_47 : i32 to index
      %swap3A_78 = arith.constant 96 : index
      %swap3A_79 = tpu.vector_load %arg8[%swap3A_77, %swap3A_78] {strides = array<i32>} : memref<128x128xf32, #tpu.memory_space<vmem>>, vector<1x16xf32>,
      %swap3A_80 = vector.shape_cast %swap3A_79 : vector<1x16xf32> to vector<16xf32>
      %swap3A_81 = vector.shape_cast %broadcast_in_dim3A_7 : vector<16xf32> to vector<1x16xf32>
      tpu.vector_store %arg8[%swap3A_77, %swap3A_78], %swap3A_81 {strides = array<i32>} : memref<128x128xf32, #tpu.memory_space<vmem>>, vector<1x16xf32>,
      %swap3A_82 = arith.index_cast %scan3A_47 : i32 to index
      %swap3A_83 = arith.constant 112 : index
      %swap3A_84 = tpu.vector_load %arg8[%swap3A_82, %swap3A_83] {strides = array<i32>} : memref<128x128xf32, #tpu.memory_space<vmem>>, vector<1x16xf32>,
      %swap3A_85 = vector.shape_cast %swap3A_84 : vector<1x16xf32> to vector<16xf32>
      %swap3A_86 = vector.shape_cast %broadcast_in_dim3A_7 : vector<16xf32> to vector<1x16xf32>
      tpu.vector_store %arg8[%swap3A_82, %swap3A_83], %swap3A_86 {strides = array<i32>} : memref<128x128xf32, #tpu.memory_space<vmem>>, vector<1x16xf32>,
    }
    %scan3A_12 = arith.constant 128 : i32
    %mul3A_13 = arith.constant 640 : i32
    %mul3A_14 = arith.muli %arg1, %mul3A_13 : i32
    %add3A_15 = arith.constant 0 : i32
    %add3A_16 = arith.addi %mul3A_14, %add3A_15 : i32
    "tpu.region"() ({
      %run_scoped3A = tpu.sem_alloc : memref<!tpu.dma_semaphore, #tpu.memory_space<semaphore_mem>>
      %dma_start3A = arith.constant 0 : i32
      %dma_start3A_47 = tpu.memref_slice %arg10[%add3A_16, %dma_start3A] : memref<10240x128xf32, #tpu.memory_space<vmem_shared>> -> memref<128x128xf32, #tpu.memory_space<vmem_shared>>
      %dma_start3A_48 = arith.constant 0 : i32
      %dma_start3A_49 = tpu.memref_slice %arg10[%add3A_16, %dma_start3A_48] : memref<10240x128xf32, #tpu.memory_space<vmem_shared>> -> memref<128x128xf32, #tpu.memory_space<vmem_shared>>
      tpu.enqueue_dma source(%arg8 : memref<128x128xf32, #tpu.memory_space<vmem>>) target(%dma_start3A_49 : memref<128x128xf32, #tpu.memory_space<vmem_shared>>) target_semaphore(%run_scoped3A : memref<!tpu.dma_semaphore, #tpu.memory_space<semaphore_mem>>)
      %dma_wait3A = arith.constant 0 : i32
      %dma_wait3A_50 = tpu.memref_slice %arg10[%add3A_16, %dma_wait3A] : memref<10240x128xf32, #tpu.memory_space<vmem_shared>> -> memref<128x128xf32, #tpu.memory_space<vmem_shared>>
      %dma_wait3A_51 = arith.constant 0 : i32
      %dma_wait3A_52 = tpu.memref_slice %arg10[%add3A_16, %dma_wait3A_51] : memref<10240x128xf32, #tpu.memory_space<vmem_shared>> -> memref<128x128xf32, #tpu.memory_space<vmem_shared>>
      tpu.wait_dma2 semaphore(%run_scoped3A : memref<!tpu.dma_semaphore, #tpu.memory_space<semaphore_mem>>) src(%arg8 : memref<128x128xf32, #tpu.memory_space<vmem>>) dst(%dma_wait3A_52 : memref<128x128xf32, #tpu.memory_space<vmem_shared>>)
      tpu.yield
    }) : () -> ()
    %mul3A_17 = arith.constant 640 : i32
    %mul3A_18 = arith.muli %arg1, %mul3A_17 : i32
    %add3A_19 = arith.constant 128 : i32
    %add3A_20 = arith.addi %mul3A_18, %add3A_19 : i32
    "tpu.region"() ({
      %run_scoped3A = tpu.sem_alloc : memref<!tpu.dma_semaphore, #tpu.memory_space<semaphore_mem>>
      %dma_start3A = arith.constant 0 : i32
      %dma_start3A_47 = tpu.memref_slice %arg10[%add3A_20, %dma_start3A] : memref<10240x128xf32, #tpu.memory_space<vmem_shared>> -> memref<128x128xf32, #tpu.memory_space<vmem_shared>>
      %dma_start3A_48 = arith.constant 0 : i32
      %dma_start3A_49 = tpu.memref_slice %arg10[%add3A_20, %dma_start3A_48] : memref<10240x128xf32, #tpu.memory_space<vmem_shared>> -> memref<128x128xf32, #tpu.memory_space<vmem_shared>>
      tpu.enqueue_dma source(%arg8 : memref<128x128xf32, #tpu.memory_space<vmem>>) target(%dma_start3A_49 : memref<128x128xf32, #tpu.memory_space<vmem_shared>>) target_semaphore(%run_scoped3A : memref<!tpu.dma_semaphore, #tpu.memory_space<semaphore_mem>>)
      %dma_wait3A = arith.constant 0 : i32
      %dma_wait3A_50 = tpu.memref_slice %arg10[%add3A_20, %dma_wait3A] : memref<10240x128xf32, #tpu.memory_space<vmem_shared>> -> memref<128x128xf32, #tpu.memory_space<vmem_shared>>
      %dma_wait3A_51 = arith.constant 0 : i32
      %dma_wait3A_52 = tpu.memref_slice %arg10[%add3A_20, %dma_wait3A_51] : memref<10240x128xf32, #tpu.memory_space<vmem_shared>> -> memref<128x128xf32, #tpu.memory_space<vmem_shared>>
      tpu.wait_dma2 semaphore(%run_scoped3A : memref<!tpu.dma_semaphore, #tpu.memory_space<semaphore_mem>>) src(%arg8 : memref<128x128xf32, #tpu.memory_space<vmem>>) dst(%dma_wait3A_52 : memref<128x128xf32, #tpu.memory_space<vmem_shared>>)
      tpu.yield
    }) : () -> ()
    %mul3A_21 = arith.constant 640 : i32
    %mul3A_22 = arith.muli %arg1, %mul3A_21 : i32
    %add3A_23 = arith.constant 256 : i32
    %add3A_24 = arith.addi %mul3A_22, %add3A_23 : i32
    "tpu.region"() ({
      %run_scoped3A = tpu.sem_alloc : memref<!tpu.dma_semaphore, #tpu.memory_space<semaphore_mem>>
      %dma_start3A = arith.constant 0 : i32
      %dma_start3A_47 = tpu.memref_slice %arg10[%add3A_24, %dma_start3A] : memref<10240x128xf32, #tpu.memory_space<vmem_shared>> -> memref<128x128xf32, #tpu.memory_space<vmem_shared>>
      %dma_start3A_48 = arith.constant 0 : i32
      %dma_start3A_49 = tpu.memref_slice %arg10[%add3A_24, %dma_start3A_48] : memref<10240x128xf32, #tpu.memory_space<vmem_shared>> -> memref<128x128xf32, #tpu.memory_space<vmem_shared>>
      tpu.enqueue_dma source(%arg8 : memref<128x128xf32, #tpu.memory_space<vmem>>) target(%dma_start3A_49 : memref<128x128xf32, #tpu.memory_space<vmem_shared>>) target_semaphore(%run_scoped3A : memref<!tpu.dma_semaphore, #tpu.memory_space<semaphore_mem>>)
      %dma_wait3A = arith.constant 0 : i32
      %dma_wait3A_50 = tpu.memref_slice %arg10[%add3A_24, %dma_wait3A] : memref<10240x128xf32, #tpu.memory_space<vmem_shared>> -> memref<128x128xf32, #tpu.memory_space<vmem_shared>>
      %dma_wait3A_51 = arith.constant 0 : i32
      %dma_wait3A_52 = tpu.memref_slice %arg10[%add3A_24, %dma_wait3A_51] : memref<10240x128xf32, #tpu.memory_space<vmem_shared>> -> memref<128x128xf32, #tpu.memory_space<vmem_shared>>
      tpu.wait_dma2 semaphore(%run_scoped3A : memref<!tpu.dma_semaphore, #tpu.memory_space<semaphore_mem>>) src(%arg8 : memref<128x128xf32, #tpu.memory_space<vmem>>) dst(%dma_wait3A_52 : memref<128x128xf32, #tpu.memory_space<vmem_shared>>)
      tpu.yield
    }) : () -> ()
    %mul3A_25 = arith.constant 640 : i32
    %mul3A_26 = arith.muli %arg1, %mul3A_25 : i32
    %add3A_27 = arith.constant 384 : i32
    %add3A_28 = arith.addi %mul3A_26, %add3A_27 : i32
    "tpu.region"() ({
      %run_scoped3A = tpu.sem_alloc : memref<!tpu.dma_semaphore, #tpu.memory_space<semaphore_mem>>
      %dma_start3A = arith.constant 0 : i32
      %dma_start3A_47 = tpu.memref_slice %arg10[%add3A_28, %dma_start3A] : memref<10240x128xf32, #tpu.memory_space<vmem_shared>> -> memref<128x128xf32, #tpu.memory_space<vmem_shared>>
      %dma_start3A_48 = arith.constant 0 : i32
      %dma_start3A_49 = tpu.memref_slice %arg10[%add3A_28, %dma_start3A_48] : memref<10240x128xf32, #tpu.memory_space<vmem_shared>> -> memref<128x128xf32, #tpu.memory_space<vmem_shared>>
      tpu.enqueue_dma source(%arg8 : memref<128x128xf32, #tpu.memory_space<vmem>>) target(%dma_start3A_49 : memref<128x128xf32, #tpu.memory_space<vmem_shared>>) target_semaphore(%run_scoped3A : memref<!tpu.dma_semaphore, #tpu.memory_space<semaphore_mem>>)
      %dma_wait3A = arith.constant 0 : i32
      %dma_wait3A_50 = tpu.memref_slice %arg10[%add3A_28, %dma_wait3A] : memref<10240x128xf32, #tpu.memory_space<vmem_shared>> -> memref<128x128xf32, #tpu.memory_space<vmem_shared>>
      %dma_wait3A_51 = arith.constant 0 : i32
      %dma_wait3A_52 = tpu.memref_slice %arg10[%add3A_28, %dma_wait3A_51] : memref<10240x128xf32, #tpu.memory_space<vmem_shared>> -> memref<128x128xf32, #tpu.memory_space<vmem_shared>>
      tpu.wait_dma2 semaphore(%run_scoped3A : memref<!tpu.dma_semaphore, #tpu.memory_space<semaphore_mem>>) src(%arg8 : memref<128x128xf32, #tpu.memory_space<vmem>>) dst(%dma_wait3A_52 : memref<128x128xf32, #tpu.memory_space<vmem_shared>>)
      tpu.yield
    }) : () -> ()
    %mul3A_29 = arith.constant 640 : i32
    %mul3A_30 = arith.muli %arg1, %mul3A_29 : i32
    %add3A_31 = arith.constant 512 : i32
    %add3A_32 = arith.addi %mul3A_30, %add3A_31 : i32
    "tpu.region"() ({
      %run_scoped3A = tpu.sem_alloc : memref<!tpu.dma_semaphore, #tpu.memory_space<semaphore_mem>>
      %dma_start3A = arith.constant 0 : i32
      %dma_start3A_47 = tpu.memref_slice %arg10[%add3A_32, %dma_start3A] : memref<10240x128xf32, #tpu.memory_space<vmem_shared>> -> memref<128x128xf32, #tpu.memory_space<vmem_shared>>
      %dma_start3A_48 = arith.constant 0 : i32
      %dma_start3A_49 = tpu.memref_slice %arg10[%add3A_32, %dma_start3A_48] : memref<10240x128xf32, #tpu.memory_space<vmem_shared>> -> memref<128x128xf32, #tpu.memory_space<vmem_shared>>
      tpu.enqueue_dma source(%arg8 : memref<128x128xf32, #tpu.memory_space<vmem>>) target(%dma_start3A_49 : memref<128x128xf32, #tpu.memory_space<vmem_shared>>) target_semaphore(%run_scoped3A : memref<!tpu.dma_semaphore, #tpu.memory_space<semaphore_mem>>)
      %dma_wait3A = arith.constant 0 : i32
      %dma_wait3A_50 = tpu.memref_slice %arg10[%add3A_32, %dma_wait3A] : memref<10240x128xf32, #tpu.memory_space<vmem_shared>> -> memref<128x128xf32, #tpu.memory_space<vmem_shared>>
      %dma_wait3A_51 = arith.constant 0 : i32
      %dma_wait3A_52 = tpu.memref_slice %arg10[%add3A_32, %dma_wait3A_51] : memref<10240x128xf32, #tpu.memory_space<vmem_shared>> -> memref<128x128xf32, #tpu.memory_space<vmem_shared>>
      tpu.wait_dma2 semaphore(%run_scoped3A : memref<!tpu.dma_semaphore, #tpu.memory_space<semaphore_mem>>) src(%arg8 : memref<128x128xf32, #tpu.memory_space<vmem>>) dst(%dma_wait3A_52 : memref<128x128xf32, #tpu.memory_space<vmem_shared>>)
      tpu.yield
    }) : () -> ()
    %barrier3A = arith.constant 0 : index
    tpu.barrier barrier_id(%barrier3A)
    %while3A = arith.constant 0 : i32
    %while3A_33 = arith.constant 0 : i32
    %while3A_34 = arith.subi %select_n3A_6, %while3A_33 : i32
    %while3A_35 = arith.addi %while3A_33, %while3A_34 : i32
    %while3A_36 = arith.constant 1 : i32
    %while3A_37 = arith.divsi %while3A_34, %while3A_36 : i32
    %while3A_38 = arith.muli %while3A_37, %while3A_36 : i32
    %while3A_39 = arith.addi %while3A_33, %while3A_38 : i32
    %while3A_40 = arith.constant 1 : i32
    scf.for %while3A_47 = %while3A_33 to %while3A_39 step %while3A_40  : i32 {
      %mul3A_48 = arith.constant 16 : i32
      %mul3A_49 = arith.muli %while3A_47, %mul3A_48 : i32
      %add3A_50 = arith.addi %select_n3A, %mul3A_49 : i32
      "tpu.region"() ({
        %run_scoped3A = tpu.sem_alloc : memref<!tpu.dma_semaphore, #tpu.memory_space<semaphore_mem>>
        %dma_start3A_86 = arith.constant 0 : i32
        %dma_start3A_87 = tpu.memref_slice %arg3[%add3A_50, %dma_start3A_86] : memref<5120x128xi32, #tpu.memory_space<hbm>> -> memref<16x128xi32, #tpu.memory_space<hbm>>
        %dma_start3A_88 = arith.constant 0 : i32
        %dma_start3A_89 = tpu.memref_slice %arg3[%add3A_50, %dma_start3A_88] : memref<5120x128xi32, #tpu.memory_space<hbm>> -> memref<16x128xi32, #tpu.memory_space<hbm>>
        tpu.enqueue_dma source(%dma_start3A_89 : memref<16x128xi32, #tpu.memory_space<hbm>>) target(%arg6 : memref<16x128xi32, #tpu.memory_space<vmem>>) target_semaphore(%run_scoped3A : memref<!tpu.dma_semaphore, #tpu.memory_space<semaphore_mem>>)
        %dma_wait3A_90 = arith.constant 0 : i32
        %dma_wait3A_91 = tpu.memref_slice %arg3[%add3A_50, %dma_wait3A_90] : memref<5120x128xi32, #tpu.memory_space<hbm>> -> memref<16x128xi32, #tpu.memory_space<hbm>>
        %dma_wait3A_92 = arith.constant 0 : i32
        %dma_wait3A_93 = tpu.memref_slice %arg3[%add3A_50, %dma_wait3A_92] : memref<5120x128xi32, #tpu.memory_space<hbm>> -> memref<16x128xi32, #tpu.memory_space<hbm>>
        tpu.wait_dma2 semaphore(%run_scoped3A : memref<!tpu.dma_semaphore, #tpu.memory_space<semaphore_mem>>) src(%dma_wait3A_93 : memref<16x128xi32, #tpu.memory_space<hbm>>) dst(%arg6 : memref<16x128xi32, #tpu.memory_space<vmem>>)
        tpu.yield
      }) : () -> ()
      %mul3A_51 = arith.constant 16 : i32
      %mul3A_52 = arith.muli %while3A_47, %mul3A_51 : i32
      %add3A_53 = arith.addi %select_n3A, %mul3A_52 : i32
      "tpu.region"() ({
        %run_scoped3A = tpu.sem_alloc : memref<!tpu.dma_semaphore, #tpu.memory_space<semaphore_mem>>
        %dma_start3A_86 = arith.constant 0 : i32
        %dma_start3A_87 = tpu.memref_slice %arg4[%add3A_53, %dma_start3A_86] : memref<5120x128xi32, #tpu.memory_space<hbm>> -> memref<16x128xi32, #tpu.memory_space<hbm>>
        %dma_start3A_88 = arith.constant 0 : i32
        %dma_start3A_89 = tpu.memref_slice %arg4[%add3A_53, %dma_start3A_88] : memref<5120x128xi32, #tpu.memory_space<hbm>> -> memref<16x128xi32, #tpu.memory_space<hbm>>
        tpu.enqueue_dma source(%dma_start3A_89 : memref<16x128xi32, #tpu.memory_space<hbm>>) target(%arg7 : memref<16x128xi32, #tpu.memory_space<vmem>>) target_semaphore(%run_scoped3A : memref<!tpu.dma_semaphore, #tpu.memory_space<semaphore_mem>>)
        %dma_wait3A_90 = arith.constant 0 : i32
        %dma_wait3A_91 = tpu.memref_slice %arg4[%add3A_53, %dma_wait3A_90] : memref<5120x128xi32, #tpu.memory_space<hbm>> -> memref<16x128xi32, #tpu.memory_space<hbm>>
        %dma_wait3A_92 = arith.constant 0 : i32
        %dma_wait3A_93 = tpu.memref_slice %arg4[%add3A_53, %dma_wait3A_92] : memref<5120x128xi32, #tpu.memory_space<hbm>> -> memref<16x128xi32, #tpu.memory_space<hbm>>
        tpu.wait_dma2 semaphore(%run_scoped3A : memref<!tpu.dma_semaphore, #tpu.memory_space<semaphore_mem>>) src(%dma_wait3A_93 : memref<16x128xi32, #tpu.memory_space<hbm>>) dst(%arg7 : memref<16x128xi32, #tpu.memory_space<vmem>>)
        tpu.yield
      }) : () -> ()
      %dma_start3A = arith.constant 0 : i32
      %dma_start3A_54 = arith.constant 0 : i32
      %dma_start3A_55 = tpu.memref_slice %arg6[%dma_start3A, %dma_start3A_54] : memref<16x128xi32, #tpu.memory_space<vmem>> -> memref<1x128xi32, #tpu.memory_space<vmem>>
      %dma_start3A_56 = tpu.memref_squeeze %dma_start3A_55 : memref<1x128xi32, #tpu.memory_space<vmem>> -> memref<128xi32, #tpu.memory_space<vmem>>
      %dma_start3A_57 = arith.constant 0 : i32
      %dma_start3A_58 = arith.constant 0 : i32
      %dma_start3A_59 = tpu.memref_slice %arg2[%dma_start3A_57, %dma_start3A_58] : memref<70000x128xf32, #tpu.memory_space<hbm>> -> memref<70000x128xf32, #tpu.memory_space<hbm>>
      tpu.enqueue_indirect_dma source(%dma_start3A_59 : memref<70000x128xf32, #tpu.memory_space<hbm>>) target(%arg8 : memref<128x128xf32, #tpu.memory_space<vmem>>) offsets(%dma_start3A_56 : memref<128xi32, #tpu.memory_space<vmem>>) semaphore(%arg11 : memref<!tpu.dma_semaphore, #tpu.memory_space<semaphore_mem>>)
      %dma_start3A_60 = arith.constant 1 : i32
      %dma_start3A_61 = arith.constant 0 : i32
      %dma_start3A_62 = tpu.memref_slice %arg6[%dma_start3A_60, %dma_start3A_61] : memref<16x128xi32, #tpu.memory_space<vmem>> -> memref<1x128xi32, #tpu.memory_space<vmem>>
      %dma_start3A_63 = tpu.memref_squeeze %dma_start3A_62 : memref<1x128xi32, #tpu.memory_space<vmem>> -> memref<128xi32, #tpu.memory_space<vmem>>
      %dma_start3A_64 = arith.constant 0 : i32
      %dma_start3A_65 = arith.constant 0 : i32
      %dma_start3A_66 = tpu.memref_slice %arg2[%dma_start3A_64, %dma_start3A_65] : memref<70000x128xf32, #tpu.memory_space<hbm>> -> memref<70000x128xf32, #tpu.memory_space<hbm>>
      tpu.enqueue_indirect_dma source(%dma_start3A_66 : memref<70000x128xf32, #tpu.memory_space<hbm>>) target(%arg9 : memref<128x128xf32, #tpu.memory_space<vmem>>) offsets(%dma_start3A_63 : memref<128xi32, #tpu.memory_space<vmem>>) semaphore(%arg12 : memref<!tpu.dma_semaphore, #tpu.memory_space<semaphore_mem>>)
      %scan3A_67 = arith.constant 0 : i32
      %scan3A_68 = arith.constant 0 : i32
      %scan3A_69 = arith.constant 8 : i32
      %scan3A_70 = arith.addi %scan3A_68, %scan3A_69 : i32
      %scan3A_71 = arith.constant 1 : i32
      scf.for %scan3A_86 = %scan3A_68 to %scan3A_70 step %scan3A_71  : i32 {
        %mul3A_87 = arith.constant 2 : i32
        %mul3A_88 = arith.muli %mul3A_87, %scan3A_86 : i32
        %dma_wait3A_89 = arith.constant 0 : i32
        %dma_wait3A_90 = tpu.memref_slice %arg6[%mul3A_88, %dma_wait3A_89] : memref<16x128xi32, #tpu.memory_space<vmem>> -> memref<1x128xi32, #tpu.memory_space<vmem>>
        %dma_wait3A_91 = tpu.memref_squeeze %dma_wait3A_90 : memref<1x128xi32, #tpu.memory_space<vmem>> -> memref<128xi32, #tpu.memory_space<vmem>>
        %dma_wait3A_92 = arith.constant 0 : i32
        %dma_wait3A_93 = arith.constant 0 : i32
        %dma_wait3A_94 = tpu.memref_slice %arg2[%dma_wait3A_92, %dma_wait3A_93] : memref<70000x128xf32, #tpu.memory_space<hbm>> -> memref<70000x128xf32, #tpu.memory_space<hbm>>
        tpu.wait_indirect_dma semaphore(%arg11 : memref<!tpu.dma_semaphore, #tpu.memory_space<semaphore_mem>>) src(%dma_wait3A_94 : memref<70000x128xf32, #tpu.memory_space<hbm>>) dst(%arg8 : memref<128x128xf32, #tpu.memory_space<vmem>>)
        %dma_start3A_95 = arith.constant 0 : i32
        %dma_start3A_96 = tpu.memref_slice %arg7[%mul3A_88, %dma_start3A_95] : memref<16x128xi32, #tpu.memory_space<vmem>> -> memref<1x128xi32, #tpu.memory_space<vmem>>
        %dma_start3A_97 = tpu.memref_squeeze %dma_start3A_96 : memref<1x128xi32, #tpu.memory_space<vmem>> -> memref<128xi32, #tpu.memory_space<vmem>>
        %dma_start3A_98 = arith.constant 0 : i32
        %dma_start3A_99 = arith.constant 0 : i32
        %dma_start3A_100 = tpu.memref_slice %arg10[%dma_start3A_98, %dma_start3A_99] : memref<10240x128xf32, #tpu.memory_space<vmem_shared>> -> memref<10240x128xf32, #tpu.memory_space<vmem_shared>>
        tpu.enqueue_indirect_dma source(%arg8 : memref<128x128xf32, #tpu.memory_space<vmem>>) target(%dma_start3A_100 : memref<10240x128xf32, #tpu.memory_space<vmem_shared>>) offsets(%dma_start3A_97 : memref<128xi32, #tpu.memory_space<vmem>>) semaphore(%arg13 : memref<!tpu.dma_semaphore, #tpu.memory_space<semaphore_mem>>) {add = true}
        %add3A_101 = arith.constant 1 : i32
        %add3A_102 = arith.addi %mul3A_88, %add3A_101 : i32
        %dma_wait3A_103 = arith.constant 0 : i32
        %dma_wait3A_104 = tpu.memref_slice %arg6[%add3A_102, %dma_wait3A_103] : memref<16x128xi32, #tpu.memory_space<vmem>> -> memref<1x128xi32, #tpu.memory_space<vmem>>
        %dma_wait3A_105 = tpu.memref_squeeze %dma_wait3A_104 : memref<1x128xi32, #tpu.memory_space<vmem>> -> memref<128xi32, #tpu.memory_space<vmem>>
        %dma_wait3A_106 = arith.constant 0 : i32
        %dma_wait3A_107 = arith.constant 0 : i32
        %dma_wait3A_108 = tpu.memref_slice %arg2[%dma_wait3A_106, %dma_wait3A_107] : memref<70000x128xf32, #tpu.memory_space<hbm>> -> memref<70000x128xf32, #tpu.memory_space<hbm>>
        tpu.wait_indirect_dma semaphore(%arg12 : memref<!tpu.dma_semaphore, #tpu.memory_space<semaphore_mem>>) src(%dma_wait3A_108 : memref<70000x128xf32, #tpu.memory_space<hbm>>) dst(%arg9 : memref<128x128xf32, #tpu.memory_space<vmem>>)
        %add3A_109 = arith.constant 1 : i32
        %add3A_110 = arith.addi %mul3A_88, %add3A_109 : i32
        %dma_start3A_111 = arith.constant 0 : i32
        %dma_start3A_112 = tpu.memref_slice %arg7[%add3A_110, %dma_start3A_111] : memref<16x128xi32, #tpu.memory_space<vmem>> -> memref<1x128xi32, #tpu.memory_space<vmem>>
        %dma_start3A_113 = tpu.memref_squeeze %dma_start3A_112 : memref<1x128xi32, #tpu.memory_space<vmem>> -> memref<128xi32, #tpu.memory_space<vmem>>
        %dma_start3A_114 = arith.constant 0 : i32
        %dma_start3A_115 = arith.constant 0 : i32
        %dma_start3A_116 = tpu.memref_slice %arg10[%dma_start3A_114, %dma_start3A_115] : memref<10240x128xf32, #tpu.memory_space<vmem_shared>> -> memref<10240x128xf32, #tpu.memory_space<vmem_shared>>
        tpu.enqueue_indirect_dma source(%arg9 : memref<128x128xf32, #tpu.memory_space<vmem>>) target(%dma_start3A_116 : memref<10240x128xf32, #tpu.memory_space<vmem_shared>>) offsets(%dma_start3A_113 : memref<128xi32, #tpu.memory_space<vmem>>) semaphore(%arg14 : memref<!tpu.dma_semaphore, #tpu.memory_space<semaphore_mem>>) {add = true}
        %add3A_117 = arith.constant 2 : i32
        %add3A_118 = arith.addi %mul3A_88, %add3A_117 : i32
        %lt3A = arith.constant 16 : i32
        %lt3A_119 = arith.cmpi slt, %add3A_118, %lt3A : i32
        %convert_element_type3A = arith.extui %lt3A_119 : i1 to i32
        %cond3A = arith.constant 0 : i32
        %cond3A_120 = arith.cmpi ne, %convert_element_type3A, %cond3A : i32
        scf.if %cond3A_120 {
          %dma_wait3A_121 = arith.constant 0 : i32
          %dma_wait3A_122 = tpu.memref_slice %arg7[%mul3A_88, %dma_wait3A_121] : memref<16x128xi32, #tpu.memory_space<vmem>> -> memref<1x128xi32, #tpu.memory_space<vmem>>
          %dma_wait3A_123 = tpu.memref_squeeze %dma_wait3A_122 : memref<1x128xi32, #tpu.memory_space<vmem>> -> memref<128xi32, #tpu.memory_space<vmem>>
          %dma_wait3A_124 = arith.constant 0 : i32
          %dma_wait3A_125 = arith.constant 0 : i32
          %dma_wait3A_126 = tpu.memref_slice %arg10[%dma_wait3A_124, %dma_wait3A_125] : memref<10240x128xf32, #tpu.memory_space<vmem_shared>> -> memref<10240x128xf32, #tpu.memory_space<vmem_shared>>
          tpu.wait_indirect_dma semaphore(%arg13 : memref<!tpu.dma_semaphore, #tpu.memory_space<semaphore_mem>>) src(%arg8 : memref<128x128xf32, #tpu.memory_space<vmem>>) dst(%dma_wait3A_126 : memref<10240x128xf32, #tpu.memory_space<vmem_shared>>)
          %add3A_127 = arith.constant 2 : i32
          %add3A_128 = arith.addi %mul3A_88, %add3A_127 : i32
          %dma_start3A_129 = arith.constant 0 : i32
          %dma_start3A_130 = tpu.memref_slice %arg6[%add3A_128, %dma_start3A_129] : memref<16x128xi32, #tpu.memory_space<vmem>> -> memref<1x128xi32, #tpu.memory_space<vmem>>
          %dma_start3A_131 = tpu.memref_squeeze %dma_start3A_130 : memref<1x128xi32, #tpu.memory_space<vmem>> -> memref<128xi32, #tpu.memory_space<vmem>>
          %dma_start3A_132 = arith.constant 0 : i32
          %dma_start3A_133 = arith.constant 0 : i32
          %dma_start3A_134 = tpu.memref_slice %arg2[%dma_start3A_132, %dma_start3A_133] : memref<70000x128xf32, #tpu.memory_space<hbm>> -> memref<70000x128xf32, #tpu.memory_space<hbm>>
          tpu.enqueue_indirect_dma source(%dma_start3A_134 : memref<70000x128xf32, #tpu.memory_space<hbm>>) target(%arg8 : memref<128x128xf32, #tpu.memory_space<vmem>>) offsets(%dma_start3A_131 : memref<128xi32, #tpu.memory_space<vmem>>) semaphore(%arg11 : memref<!tpu.dma_semaphore, #tpu.memory_space<semaphore_mem>>)
          %add3A_135 = arith.constant 1 : i32
          %add3A_136 = arith.addi %mul3A_88, %add3A_135 : i32
          %dma_wait3A_137 = arith.constant 0 : i32
          %dma_wait3A_138 = tpu.memref_slice %arg7[%add3A_136, %dma_wait3A_137] : memref<16x128xi32, #tpu.memory_space<vmem>> -> memref<1x128xi32, #tpu.memory_space<vmem>>
          %dma_wait3A_139 = tpu.memref_squeeze %dma_wait3A_138 : memref<1x128xi32, #tpu.memory_space<vmem>> -> memref<128xi32, #tpu.memory_space<vmem>>
          %dma_wait3A_140 = arith.constant 0 : i32
          %dma_wait3A_141 = arith.constant 0 : i32
          %dma_wait3A_142 = tpu.memref_slice %arg10[%dma_wait3A_140, %dma_wait3A_141] : memref<10240x128xf32, #tpu.memory_space<vmem_shared>> -> memref<10240x128xf32, #tpu.memory_space<vmem_shared>>
          tpu.wait_indirect_dma semaphore(%arg14 : memref<!tpu.dma_semaphore, #tpu.memory_space<semaphore_mem>>) src(%arg9 : memref<128x128xf32, #tpu.memory_space<vmem>>) dst(%dma_wait3A_142 : memref<10240x128xf32, #tpu.memory_space<vmem_shared>>)
          %add3A_143 = arith.constant 3 : i32
          %add3A_144 = arith.addi %mul3A_88, %add3A_143 : i32
          %dma_start3A_145 = arith.constant 0 : i32
          %dma_start3A_146 = tpu.memref_slice %arg6[%add3A_144, %dma_start3A_145] : memref<16x128xi32, #tpu.memory_space<vmem>> -> memref<1x128xi32, #tpu.memory_space<vmem>>
          %dma_start3A_147 = tpu.memref_squeeze %dma_start3A_146 : memref<1x128xi32, #tpu.memory_space<vmem>> -> memref<128xi32, #tpu.memory_space<vmem>>
          %dma_start3A_148 = arith.constant 0 : i32
          %dma_start3A_149 = arith.constant 0 : i32
          %dma_start3A_150 = tpu.memref_slice %arg2[%dma_start3A_148, %dma_start3A_149] : memref<70000x128xf32, #tpu.memory_space<hbm>> -> memref<70000x128xf32, #tpu.memory_space<hbm>>
          tpu.enqueue_indirect_dma source(%dma_start3A_150 : memref<70000x128xf32, #tpu.memory_space<hbm>>) target(%arg9 : memref<128x128xf32, #tpu.memory_space<vmem>>) offsets(%dma_start3A_147 : memref<128xi32, #tpu.memory_space<vmem>>) semaphore(%arg12 : memref<!tpu.dma_semaphore, #tpu.memory_space<semaphore_mem>>)
        } else {
        }
      }
      %scan3A_72 = arith.constant 8 : i32
      %dma_wait3A = arith.constant 0 : i32
      %dma_wait3A_73 = arith.constant 0 : i32
      %dma_wait3A_74 = tpu.memref_slice %arg7[%dma_wait3A, %dma_wait3A_73] : memref<16x128xi32, #tpu.memory_space<vmem>> -> memref<1x128xi32, #tpu.memory_space<vmem>>
      %dma_wait3A_75 = tpu.memref_squeeze %dma_wait3A_74 : memref<1x128xi32, #tpu.memory_space<vmem>> -> memref<128xi32, #tpu.memory_space<vmem>>
      %dma_wait3A_76 = arith.constant 0 : i32
      %dma_wait3A_77 = arith.constant 0 : i32
      %dma_wait3A_78 = tpu.memref_slice %arg10[%dma_wait3A_76, %dma_wait3A_77] : memref<10240x128xf32, #tpu.memory_space<vmem_shared>> -> memref<10240x128xf32, #tpu.memory_space<vmem_shared>>
      tpu.wait_indirect_dma semaphore(%arg13 : memref<!tpu.dma_semaphore, #tpu.memory_space<semaphore_mem>>) src(%arg8 : memref<128x128xf32, #tpu.memory_space<vmem>>) dst(%dma_wait3A_78 : memref<10240x128xf32, #tpu.memory_space<vmem_shared>>)
      %dma_wait3A_79 = arith.constant 0 : i32
      %dma_wait3A_80 = arith.constant 0 : i32
      %dma_wait3A_81 = tpu.memref_slice %arg7[%dma_wait3A_79, %dma_wait3A_80] : memref<16x128xi32, #tpu.memory_space<vmem>> -> memref<1x128xi32, #tpu.memory_space<vmem>>
      %dma_wait3A_82 = tpu.memref_squeeze %dma_wait3A_81 : memref<1x128xi32, #tpu.memory_space<vmem>> -> memref<128xi32, #tpu.memory_space<vmem>>
      %dma_wait3A_83 = arith.constant 0 : i32
      %dma_wait3A_84 = arith.constant 0 : i32
      %dma_wait3A_85 = tpu.memref_slice %arg10[%dma_wait3A_83, %dma_wait3A_84] : memref<10240x128xf32, #tpu.memory_space<vmem_shared>> -> memref<10240x128xf32, #tpu.memory_space<vmem_shared>>
      tpu.wait_indirect_dma semaphore(%arg14 : memref<!tpu.dma_semaphore, #tpu.memory_space<semaphore_mem>>) src(%arg9 : memref<128x128xf32, #tpu.memory_space<vmem>>) dst(%dma_wait3A_85 : memref<10240x128xf32, #tpu.memory_space<vmem_shared>>)
    }
    %while3A_41 = arith.constant 1 : i32
    scf.for %while3A_47 = %while3A_39 to %while3A_35 step %while3A_41  : i32 {
      %mul3A_48 = arith.constant 16 : i32
      %mul3A_49 = arith.muli %while3A_47, %mul3A_48 : i32
      %add3A_50 = arith.addi %select_n3A, %mul3A_49 : i32
      "tpu.region"() ({
        %run_scoped3A = tpu.sem_alloc : memref<!tpu.dma_semaphore, #tpu.memory_space<semaphore_mem>>
        %dma_start3A_86 = arith.constant 0 : i32
        %dma_start3A_87 = tpu.memref_slice %arg3[%add3A_50, %dma_start3A_86] : memref<5120x128xi32, #tpu.memory_space<hbm>> -> memref<16x128xi32, #tpu.memory_space<hbm>>
        %dma_start3A_88 = arith.constant 0 : i32
        %dma_start3A_89 = tpu.memref_slice %arg3[%add3A_50, %dma_start3A_88] : memref<5120x128xi32, #tpu.memory_space<hbm>> -> memref<16x128xi32, #tpu.memory_space<hbm>>
        tpu.enqueue_dma source(%dma_start3A_89 : memref<16x128xi32, #tpu.memory_space<hbm>>) target(%arg6 : memref<16x128xi32, #tpu.memory_space<vmem>>) target_semaphore(%run_scoped3A : memref<!tpu.dma_semaphore, #tpu.memory_space<semaphore_mem>>)
        %dma_wait3A_90 = arith.constant 0 : i32
        %dma_wait3A_91 = tpu.memref_slice %arg3[%add3A_50, %dma_wait3A_90] : memref<5120x128xi32, #tpu.memory_space<hbm>> -> memref<16x128xi32, #tpu.memory_space<hbm>>
        %dma_wait3A_92 = arith.constant 0 : i32
        %dma_wait3A_93 = tpu.memref_slice %arg3[%add3A_50, %dma_wait3A_92] : memref<5120x128xi32, #tpu.memory_space<hbm>> -> memref<16x128xi32, #tpu.memory_space<hbm>>
        tpu.wait_dma2 semaphore(%run_scoped3A : memref<!tpu.dma_semaphore, #tpu.memory_space<semaphore_mem>>) src(%dma_wait3A_93 : memref<16x128xi32, #tpu.memory_space<hbm>>) dst(%arg6 : memref<16x128xi32, #tpu.memory_space<vmem>>)
        tpu.yield
      }) : () -> ()
      %mul3A_51 = arith.constant 16 : i32
      %mul3A_52 = arith.muli %while3A_47, %mul3A_51 : i32
      %add3A_53 = arith.addi %select_n3A, %mul3A_52 : i32
      "tpu.region"() ({
        %run_scoped3A = tpu.sem_alloc : memref<!tpu.dma_semaphore, #tpu.memory_space<semaphore_mem>>
        %dma_start3A_86 = arith.constant 0 : i32
        %dma_start3A_87 = tpu.memref_slice %arg4[%add3A_53, %dma_start3A_86] : memref<5120x128xi32, #tpu.memory_space<hbm>> -> memref<16x128xi32, #tpu.memory_space<hbm>>
        %dma_start3A_88 = arith.constant 0 : i32
        %dma_start3A_89 = tpu.memref_slice %arg4[%add3A_53, %dma_start3A_88] : memref<5120x128xi32, #tpu.memory_space<hbm>> -> memref<16x128xi32, #tpu.memory_space<hbm>>
        tpu.enqueue_dma source(%dma_start3A_89 : memref<16x128xi32, #tpu.memory_space<hbm>>) target(%arg7 : memref<16x128xi32, #tpu.memory_space<vmem>>) target_semaphore(%run_scoped3A : memref<!tpu.dma_semaphore, #tpu.memory_space<semaphore_mem>>)
        %dma_wait3A_90 = arith.constant 0 : i32
        %dma_wait3A_91 = tpu.memref_slice %arg4[%add3A_53, %dma_wait3A_90] : memref<5120x128xi32, #tpu.memory_space<hbm>> -> memref<16x128xi32, #tpu.memory_space<hbm>>
        %dma_wait3A_92 = arith.constant 0 : i32
        %dma_wait3A_93 = tpu.memref_slice %arg4[%add3A_53, %dma_wait3A_92] : memref<5120x128xi32, #tpu.memory_space<hbm>> -> memref<16x128xi32, #tpu.memory_space<hbm>>
        tpu.wait_dma2 semaphore(%run_scoped3A : memref<!tpu.dma_semaphore, #tpu.memory_space<semaphore_mem>>) src(%dma_wait3A_93 : memref<16x128xi32, #tpu.memory_space<hbm>>) dst(%arg7 : memref<16x128xi32, #tpu.memory_space<vmem>>)
        tpu.yield
      }) : () -> ()
      %dma_start3A = arith.constant 0 : i32
      %dma_start3A_54 = arith.constant 0 : i32
      %dma_start3A_55 = tpu.memref_slice %arg6[%dma_start3A, %dma_start3A_54] : memref<16x128xi32, #tpu.memory_space<vmem>> -> memref<1x128xi32, #tpu.memory_space<vmem>>
      %dma_start3A_56 = tpu.memref_squeeze %dma_start3A_55 : memref<1x128xi32, #tpu.memory_space<vmem>> -> memref<128xi32, #tpu.memory_space<vmem>>
      %dma_start3A_57 = arith.constant 0 : i32
      %dma_start3A_58 = arith.constant 0 : i32
      %dma_start3A_59 = tpu.memref_slice %arg2[%dma_start3A_57, %dma_start3A_58] : memref<70000x128xf32, #tpu.memory_space<hbm>> -> memref<70000x128xf32, #tpu.memory_space<hbm>>
      tpu.enqueue_indirect_dma source(%dma_start3A_59 : memref<70000x128xf32, #tpu.memory_space<hbm>>) target(%arg8 : memref<128x128xf32, #tpu.memory_space<vmem>>) offsets(%dma_start3A_56 : memref<128xi32, #tpu.memory_space<vmem>>) semaphore(%arg11 : memref<!tpu.dma_semaphore, #tpu.memory_space<semaphore_mem>>)
      %dma_start3A_60 = arith.constant 1 : i32
      %dma_start3A_61 = arith.constant 0 : i32
      %dma_start3A_62 = tpu.memref_slice %arg6[%dma_start3A_60, %dma_start3A_61] : memref<16x128xi32, #tpu.memory_space<vmem>> -> memref<1x128xi32, #tpu.memory_space<vmem>>
      %dma_start3A_63 = tpu.memref_squeeze %dma_start3A_62 : memref<1x128xi32, #tpu.memory_space<vmem>> -> memref<128xi32, #tpu.memory_space<vmem>>
      %dma_start3A_64 = arith.constant 0 : i32
      %dma_start3A_65 = arith.constant 0 : i32
      %dma_start3A_66 = tpu.memref_slice %arg2[%dma_start3A_64, %dma_start3A_65] : memref<70000x128xf32, #tpu.memory_space<hbm>> -> memref<70000x128xf32, #tpu.memory_space<hbm>>
      tpu.enqueue_indirect_dma source(%dma_start3A_66 : memref<70000x128xf32, #tpu.memory_space<hbm>>) target(%arg9 : memref<128x128xf32, #tpu.memory_space<vmem>>) offsets(%dma_start3A_63 : memref<128xi32, #tpu.memory_space<vmem>>) semaphore(%arg12 : memref<!tpu.dma_semaphore, #tpu.memory_space<semaphore_mem>>)
      %scan3A_67 = arith.constant 0 : i32
      %scan3A_68 = arith.constant 0 : i32
      %scan3A_69 = arith.constant 8 : i32
      %scan3A_70 = arith.addi %scan3A_68, %scan3A_69 : i32
      %scan3A_71 = arith.constant 1 : i32
      scf.for %scan3A_86 = %scan3A_68 to %scan3A_70 step %scan3A_71  : i32 {
        %mul3A_87 = arith.constant 2 : i32
        %mul3A_88 = arith.muli %mul3A_87, %scan3A_86 : i32
        %dma_wait3A_89 = arith.constant 0 : i32
        %dma_wait3A_90 = tpu.memref_slice %arg6[%mul3A_88, %dma_wait3A_89] : memref<16x128xi32, #tpu.memory_space<vmem>> -> memref<1x128xi32, #tpu.memory_space<vmem>>
        %dma_wait3A_91 = tpu.memref_squeeze %dma_wait3A_90 : memref<1x128xi32, #tpu.memory_space<vmem>> -> memref<128xi32, #tpu.memory_space<vmem>>
        %dma_wait3A_92 = arith.constant 0 : i32
        %dma_wait3A_93 = arith.constant 0 : i32
        %dma_wait3A_94 = tpu.memref_slice %arg2[%dma_wait3A_92, %dma_wait3A_93] : memref<70000x128xf32, #tpu.memory_space<hbm>> -> memref<70000x128xf32, #tpu.memory_space<hbm>>
        tpu.wait_indirect_dma semaphore(%arg11 : memref<!tpu.dma_semaphore, #tpu.memory_space<semaphore_mem>>) src(%dma_wait3A_94 : memref<70000x128xf32, #tpu.memory_space<hbm>>) dst(%arg8 : memref<128x128xf32, #tpu.memory_space<vmem>>)
        %dma_start3A_95 = arith.constant 0 : i32
        %dma_start3A_96 = tpu.memref_slice %arg7[%mul3A_88, %dma_start3A_95] : memref<16x128xi32, #tpu.memory_space<vmem>> -> memref<1x128xi32, #tpu.memory_space<vmem>>
        %dma_start3A_97 = tpu.memref_squeeze %dma_start3A_96 : memref<1x128xi32, #tpu.memory_space<vmem>> -> memref<128xi32, #tpu.memory_space<vmem>>
        %dma_start3A_98 = arith.constant 0 : i32
        %dma_start3A_99 = arith.constant 0 : i32
        %dma_start3A_100 = tpu.memref_slice %arg10[%dma_start3A_98, %dma_start3A_99] : memref<10240x128xf32, #tpu.memory_space<vmem_shared>> -> memref<10240x128xf32, #tpu.memory_space<vmem_shared>>
        tpu.enqueue_indirect_dma source(%arg8 : memref<128x128xf32, #tpu.memory_space<vmem>>) target(%dma_start3A_100 : memref<10240x128xf32, #tpu.memory_space<vmem_shared>>) offsets(%dma_start3A_97 : memref<128xi32, #tpu.memory_space<vmem>>) semaphore(%arg13 : memref<!tpu.dma_semaphore, #tpu.memory_space<semaphore_mem>>) {add = true}
        %add3A_101 = arith.constant 1 : i32
        %add3A_102 = arith.addi %mul3A_88, %add3A_101 : i32
        %dma_wait3A_103 = arith.constant 0 : i32
        %dma_wait3A_104 = tpu.memref_slice %arg6[%add3A_102, %dma_wait3A_103] : memref<16x128xi32, #tpu.memory_space<vmem>> -> memref<1x128xi32, #tpu.memory_space<vmem>>
        %dma_wait3A_105 = tpu.memref_squeeze %dma_wait3A_104 : memref<1x128xi32, #tpu.memory_space<vmem>> -> memref<128xi32, #tpu.memory_space<vmem>>
        %dma_wait3A_106 = arith.constant 0 : i32
        %dma_wait3A_107 = arith.constant 0 : i32
        %dma_wait3A_108 = tpu.memref_slice %arg2[%dma_wait3A_106, %dma_wait3A_107] : memref<70000x128xf32, #tpu.memory_space<hbm>> -> memref<70000x128xf32, #tpu.memory_space<hbm>>
        tpu.wait_indirect_dma semaphore(%arg12 : memref<!tpu.dma_semaphore, #tpu.memory_space<semaphore_mem>>) src(%dma_wait3A_108 : memref<70000x128xf32, #tpu.memory_space<hbm>>) dst(%arg9 : memref<128x128xf32, #tpu.memory_space<vmem>>)
        %add3A_109 = arith.constant 1 : i32
        %add3A_110 = arith.addi %mul3A_88, %add3A_109 : i32
        %dma_start3A_111 = arith.constant 0 : i32
        %dma_start3A_112 = tpu.memref_slice %arg7[%add3A_110, %dma_start3A_111] : memref<16x128xi32, #tpu.memory_space<vmem>> -> memref<1x128xi32, #tpu.memory_space<vmem>>
        %dma_start3A_113 = tpu.memref_squeeze %dma_start3A_112 : memref<1x128xi32, #tpu.memory_space<vmem>> -> memref<128xi32, #tpu.memory_space<vmem>>
        %dma_start3A_114 = arith.constant 0 : i32
        %dma_start3A_115 = arith.constant 0 : i32
        %dma_start3A_116 = tpu.memref_slice %arg10[%dma_start3A_114, %dma_start3A_115] : memref<10240x128xf32, #tpu.memory_space<vmem_shared>> -> memref<10240x128xf32, #tpu.memory_space<vmem_shared>>
        tpu.enqueue_indirect_dma source(%arg9 : memref<128x128xf32, #tpu.memory_space<vmem>>) target(%dma_start3A_116 : memref<10240x128xf32, #tpu.memory_space<vmem_shared>>) offsets(%dma_start3A_113 : memref<128xi32, #tpu.memory_space<vmem>>) semaphore(%arg14 : memref<!tpu.dma_semaphore, #tpu.memory_space<semaphore_mem>>) {add = true}
        %add3A_117 = arith.constant 2 : i32
        %add3A_118 = arith.addi %mul3A_88, %add3A_117 : i32
        %lt3A = arith.constant 16 : i32
        %lt3A_119 = arith.cmpi slt, %add3A_118, %lt3A : i32
        %convert_element_type3A = arith.extui %lt3A_119 : i1 to i32
        %cond3A = arith.constant 0 : i32
        %cond3A_120 = arith.cmpi ne, %convert_element_type3A, %cond3A : i32
        scf.if %cond3A_120 {
          %dma_wait3A_121 = arith.constant 0 : i32
          %dma_wait3A_122 = tpu.memref_slice %arg7[%mul3A_88, %dma_wait3A_121] : memref<16x128xi32, #tpu.memory_space<vmem>> -> memref<1x128xi32, #tpu.memory_space<vmem>>
          %dma_wait3A_123 = tpu.memref_squeeze %dma_wait3A_122 : memref<1x128xi32, #tpu.memory_space<vmem>> -> memref<128xi32, #tpu.memory_space<vmem>>
          %dma_wait3A_124 = arith.constant 0 : i32
          %dma_wait3A_125 = arith.constant 0 : i32
          %dma_wait3A_126 = tpu.memref_slice %arg10[%dma_wait3A_124, %dma_wait3A_125] : memref<10240x128xf32, #tpu.memory_space<vmem_shared>> -> memref<10240x128xf32, #tpu.memory_space<vmem_shared>>
          tpu.wait_indirect_dma semaphore(%arg13 : memref<!tpu.dma_semaphore, #tpu.memory_space<semaphore_mem>>) src(%arg8 : memref<128x128xf32, #tpu.memory_space<vmem>>) dst(%dma_wait3A_126 : memref<10240x128xf32, #tpu.memory_space<vmem_shared>>)
          %add3A_127 = arith.constant 2 : i32
          %add3A_128 = arith.addi %mul3A_88, %add3A_127 : i32
          %dma_start3A_129 = arith.constant 0 : i32
          %dma_start3A_130 = tpu.memref_slice %arg6[%add3A_128, %dma_start3A_129] : memref<16x128xi32, #tpu.memory_space<vmem>> -> memref<1x128xi32, #tpu.memory_space<vmem>>
          %dma_start3A_131 = tpu.memref_squeeze %dma_start3A_130 : memref<1x128xi32, #tpu.memory_space<vmem>> -> memref<128xi32, #tpu.memory_space<vmem>>
          %dma_start3A_132 = arith.constant 0 : i32
          %dma_start3A_133 = arith.constant 0 : i32
          %dma_start3A_134 = tpu.memref_slice %arg2[%dma_start3A_132, %dma_start3A_133] : memref<70000x128xf32, #tpu.memory_space<hbm>> -> memref<70000x128xf32, #tpu.memory_space<hbm>>
          tpu.enqueue_indirect_dma source(%dma_start3A_134 : memref<70000x128xf32, #tpu.memory_space<hbm>>) target(%arg8 : memref<128x128xf32, #tpu.memory_space<vmem>>) offsets(%dma_start3A_131 : memref<128xi32, #tpu.memory_space<vmem>>) semaphore(%arg11 : memref<!tpu.dma_semaphore, #tpu.memory_space<semaphore_mem>>)
          %add3A_135 = arith.constant 1 : i32
          %add3A_136 = arith.addi %mul3A_88, %add3A_135 : i32
          %dma_wait3A_137 = arith.constant 0 : i32
          %dma_wait3A_138 = tpu.memref_slice %arg7[%add3A_136, %dma_wait3A_137] : memref<16x128xi32, #tpu.memory_space<vmem>> -> memref<1x128xi32, #tpu.memory_space<vmem>>
          %dma_wait3A_139 = tpu.memref_squeeze %dma_wait3A_138 : memref<1x128xi32, #tpu.memory_space<vmem>> -> memref<128xi32, #tpu.memory_space<vmem>>
          %dma_wait3A_140 = arith.constant 0 : i32
          %dma_wait3A_141 = arith.constant 0 : i32
          %dma_wait3A_142 = tpu.memref_slice %arg10[%dma_wait3A_140, %dma_wait3A_141] : memref<10240x128xf32, #tpu.memory_space<vmem_shared>> -> memref<10240x128xf32, #tpu.memory_space<vmem_shared>>
          tpu.wait_indirect_dma semaphore(%arg14 : memref<!tpu.dma_semaphore, #tpu.memory_space<semaphore_mem>>) src(%arg9 : memref<128x128xf32, #tpu.memory_space<vmem>>) dst(%dma_wait3A_142 : memref<10240x128xf32, #tpu.memory_space<vmem_shared>>)
          %add3A_143 = arith.constant 3 : i32
          %add3A_144 = arith.addi %mul3A_88, %add3A_143 : i32
          %dma_start3A_145 = arith.constant 0 : i32
          %dma_start3A_146 = tpu.memref_slice %arg6[%add3A_144, %dma_start3A_145] : memref<16x128xi32, #tpu.memory_space<vmem>> -> memref<1x128xi32, #tpu.memory_space<vmem>>
          %dma_start3A_147 = tpu.memref_squeeze %dma_start3A_146 : memref<1x128xi32, #tpu.memory_space<vmem>> -> memref<128xi32, #tpu.memory_space<vmem>>
          %dma_start3A_148 = arith.constant 0 : i32
          %dma_start3A_149 = arith.constant 0 : i32
          %dma_start3A_150 = tpu.memref_slice %arg2[%dma_start3A_148, %dma_start3A_149] : memref<70000x128xf32, #tpu.memory_space<hbm>> -> memref<70000x128xf32, #tpu.memory_space<hbm>>
          tpu.enqueue_indirect_dma source(%dma_start3A_150 : memref<70000x128xf32, #tpu.memory_space<hbm>>) target(%arg9 : memref<128x128xf32, #tpu.memory_space<vmem>>) offsets(%dma_start3A_147 : memref<128xi32, #tpu.memory_space<vmem>>) semaphore(%arg12 : memref<!tpu.dma_semaphore, #tpu.memory_space<semaphore_mem>>)
        } else {
        }
      }
      %scan3A_72 = arith.constant 8 : i32
      %dma_wait3A = arith.constant 0 : i32
      %dma_wait3A_73 = arith.constant 0 : i32
      %dma_wait3A_74 = tpu.memref_slice %arg7[%dma_wait3A, %dma_wait3A_73] : memref<16x128xi32, #tpu.memory_space<vmem>> -> memref<1x128xi32, #tpu.memory_space<vmem>>
      %dma_wait3A_75 = tpu.memref_squeeze %dma_wait3A_74 : memref<1x128xi32, #tpu.memory_space<vmem>> -> memref<128xi32, #tpu.memory_space<vmem>>
      %dma_wait3A_76 = arith.constant 0 : i32
      %dma_wait3A_77 = arith.constant 0 : i32
      %dma_wait3A_78 = tpu.memref_slice %arg10[%dma_wait3A_76, %dma_wait3A_77] : memref<10240x128xf32, #tpu.memory_space<vmem_shared>> -> memref<10240x128xf32, #tpu.memory_space<vmem_shared>>
      tpu.wait_indirect_dma semaphore(%arg13 : memref<!tpu.dma_semaphore, #tpu.memory_space<semaphore_mem>>) src(%arg8 : memref<128x128xf32, #tpu.memory_space<vmem>>) dst(%dma_wait3A_78 : memref<10240x128xf32, #tpu.memory_space<vmem_shared>>)
      %dma_wait3A_79 = arith.constant 0 : i32
      %dma_wait3A_80 = arith.constant 0 : i32
      %dma_wait3A_81 = tpu.memref_slice %arg7[%dma_wait3A_79, %dma_wait3A_80] : memref<16x128xi32, #tpu.memory_space<vmem>> -> memref<1x128xi32, #tpu.memory_space<vmem>>
      %dma_wait3A_82 = tpu.memref_squeeze %dma_wait3A_81 : memref<1x128xi32, #tpu.memory_space<vmem>> -> memref<128xi32, #tpu.memory_space<vmem>>
      %dma_wait3A_83 = arith.constant 0 : i32
      %dma_wait3A_84 = arith.constant 0 : i32
      %dma_wait3A_85 = tpu.memref_slice %arg10[%dma_wait3A_83, %dma_wait3A_84] : memref<10240x128xf32, #tpu.memory_space<vmem_shared>> -> memref<10240x128xf32, #tpu.memory_space<vmem_shared>>
      tpu.wait_indirect_dma semaphore(%arg14 : memref<!tpu.dma_semaphore, #tpu.memory_space<semaphore_mem>>) src(%arg9 : memref<128x128xf32, #tpu.memory_space<vmem>>) dst(%dma_wait3A_85 : memref<10240x128xf32, #tpu.memory_space<vmem_shared>>)
    }
    %barrier3A_42 = arith.constant 0 : index
    tpu.barrier barrier_id(%barrier3A_42)
    %mul3A_43 = arith.constant 640 : i32
    %mul3A_44 = arith.muli %arg1, %mul3A_43 : i32
    %mul3A_45 = arith.constant 640 : i32
    %mul3A_46 = arith.muli %arg1, %mul3A_45 : i32
    "tpu.region"() ({
      %run_scoped3A = tpu.sem_alloc : memref<!tpu.dma_semaphore, #tpu.memory_space<semaphore_mem>>
      %dma_start3A = arith.constant 0 : i32
      %dma_start3A_47 = tpu.memref_slice %arg5[%arg0, %mul3A_46, %dma_start3A] : memref<2x10240x128xf32, #tpu.memory_space<hbm>> -> memref<1x640x128xf32, #tpu.memory_space<hbm>>
      %dma_start3A_48 = tpu.memref_squeeze %dma_start3A_47 : memref<1x640x128xf32, #tpu.memory_space<hbm>> -> memref<640x128xf32, #tpu.memory_space<hbm>>
      %dma_start3A_49 = arith.constant 0 : i32
      %dma_start3A_50 = tpu.memref_slice %arg10[%mul3A_44, %dma_start3A_49] : memref<10240x128xf32, #tpu.memory_space<vmem_shared>> -> memref<640x128xf32, #tpu.memory_space<vmem_shared>>
      tpu.enqueue_dma source(%dma_start3A_50 : memref<640x128xf32, #tpu.memory_space<vmem_shared>>) target(%dma_start3A_48 : memref<640x128xf32, #tpu.memory_space<hbm>>) target_semaphore(%run_scoped3A : memref<!tpu.dma_semaphore, #tpu.memory_space<semaphore_mem>>)
      %dma_wait3A = arith.constant 0 : i32
      %dma_wait3A_51 = tpu.memref_slice %arg5[%arg0, %mul3A_46, %dma_wait3A] : memref<2x10240x128xf32, #tpu.memory_space<hbm>> -> memref<1x640x128xf32, #tpu.memory_space<hbm>>
      %dma_wait3A_52 = tpu.memref_squeeze %dma_wait3A_51 : memref<1x640x128xf32, #tpu.memory_space<hbm>> -> memref<640x128xf32, #tpu.memory_space<hbm>>
      %dma_wait3A_53 = arith.constant 0 : i32
      %dma_wait3A_54 = tpu.memref_slice %arg10[%mul3A_44, %dma_wait3A_53] : memref<10240x128xf32, #tpu.memory_space<vmem_shared>> -> memref<640x128xf32, #tpu.memory_space<vmem_shared>>
      tpu.wait_dma2 semaphore(%run_scoped3A : memref<!tpu.dma_semaphore, #tpu.memory_space<semaphore_mem>>) src(%dma_wait3A_54 : memref<640x128xf32, #tpu.memory_space<vmem_shared>>) dst(%dma_wait3A_52 : memref<640x128xf32, #tpu.memory_space<hbm>>)
      tpu.yield
    }) : () -> ()
    return
  }
}

module attributes {stable_mosaic.version = 14 : i64} {
  func.func @_mm_body(%arg0: i32, %arg1: memref<1000x128xf32, #tpu.memory_space<vmem>>, %arg2: memref<128x896xf32, #tpu.memory_space<vmem>>, %arg3: memref<128x128xf32, #tpu.memory_space<vmem>>, %arg4: memref<1000x896xf32, #tpu.memory_space<vmem>>, %arg5: memref<1000x128xf32, #tpu.memory_space<vmem>>) attributes {dimension_semantics = [#tpu.dimension_semantics<arbitrary>], iteration_bounds = array<i64: 10>, scalar_prefetch = 0 : i64, scratch_operands = 0 : i64, tpu.core_type = #tpu.core_type<tc>, window_params = [{transform_indices = @transform_0, window_bounds = array<i64: 1000, 128>}, {pipeline_mode = #tpu.pipeline_mode<synchronous>, transform_indices = @transform_1, window_bounds = array<i64: 128, 896>}, {pipeline_mode = #tpu.pipeline_mode<synchronous>, transform_indices = @transform_2, window_bounds = array<i64: 128, 128>}, {transform_indices = @transform_3, window_bounds = array<i64: 1000, 896>}, {transform_indices = @transform_4, window_bounds = array<i64: 1000, 128>}]} {
    %get3A = arith.constant 0 : index
    %get3A_0 = arith.constant 0 : index
    %get3A_1 = vector.load %arg1[%get3A, %get3A_0] : memref<1000x128xf32, #tpu.memory_space<vmem>>, vector<1000x128xf32>
    %get3A_2 = arith.constant 0 : index
    %get3A_3 = arith.constant 0 : index
    %get3A_4 = vector.load %arg2[%get3A_2, %get3A_3] : memref<128x896xf32, #tpu.memory_space<vmem>>, vector<128x896xf32>
    %dot_general3A = arith.constant dense<0.000000e+00> : vector<1000x896xf32>
    %dot_general3A_5 = tpu.matmul %get3A_1, %get3A_4, %dot_general3A {dimension_numbers = #tpu.dot_dimension_numbers<[1], [0], [0], [1], [0, 0, 1, 1], [], []>, precision = #tpu.contract_precision<fp32>, transpose_lhs_hint = false} : vector<1000x128xf32>, vector<128x896xf32>, vector<1000x896xf32> -> vector<1000x896xf32>
    %swap3A = arith.constant 0 : index
    %swap3A_6 = arith.constant 0 : index
    %swap3A_7 = vector.load %arg4[%swap3A, %swap3A_6] : memref<1000x896xf32, #tpu.memory_space<vmem>>, vector<1000x896xf32>
    tpu.vector_store %arg4[%swap3A, %swap3A_6], %dot_general3A_5 {strides = array<i32>} : memref<1000x896xf32, #tpu.memory_space<vmem>>, vector<1000x896xf32>,
    %get3A_8 = arith.constant 0 : index
    %get3A_9 = arith.constant 0 : index
    %get3A_10 = vector.load %arg3[%get3A_8, %get3A_9] : memref<128x128xf32, #tpu.memory_space<vmem>>, vector<128x128xf32>
    %dot_general3A_11 = arith.constant dense<0.000000e+00> : vector<1000x128xf32>
    %dot_general3A_12 = tpu.matmul %get3A_1, %get3A_10, %dot_general3A_11 {dimension_numbers = #tpu.dot_dimension_numbers<[1], [0], [0], [1], [0, 0, 1, 1], [], []>, precision = #tpu.contract_precision<fp32>, transpose_lhs_hint = false} : vector<1000x128xf32>, vector<128x128xf32>, vector<1000x128xf32> -> vector<1000x128xf32>
    %swap3A_13 = arith.constant 0 : index
    %swap3A_14 = arith.constant 0 : index
    %swap3A_15 = vector.load %arg5[%swap3A_13, %swap3A_14] : memref<1000x128xf32, #tpu.memory_space<vmem>>, vector<1000x128xf32>
    tpu.vector_store %arg5[%swap3A_13, %swap3A_14], %dot_general3A_12 {strides = array<i32>} : memref<1000x128xf32, #tpu.memory_space<vmem>>, vector<1000x128xf32>,
    return
  }
  func.func @transform_0(%arg0: i32) -> (i32, i32) {
    %c0_i32 = arith.constant 0 : i32
    %c0_i32_0 = arith.constant 0 : i32
    return %arg0, %c0_i32 : i32, i32
  }
  func.func @transform_1(%arg0: i32) -> (i32, i32) {
    %c0_i32 = arith.constant 0 : i32
    %c0_i32_0 = arith.constant 0 : i32
    %c0_i32_1 = arith.constant 0 : i32
    return %c0_i32, %c0_i32_0 : i32, i32
  }
  func.func @transform_2(%arg0: i32) -> (i32, i32) {
    %c0_i32 = arith.constant 0 : i32
    %c0_i32_0 = arith.constant 0 : i32
    %c0_i32_1 = arith.constant 0 : i32
    return %c0_i32, %c0_i32_0 : i32, i32
  }
  func.func @transform_3(%arg0: i32) -> (i32, i32) {
    %c0_i32 = arith.constant 0 : i32
    %c0_i32_0 = arith.constant 0 : i32
    return %arg0, %c0_i32 : i32, i32
  }
  func.func @transform_4(%arg0: i32) -> (i32, i32) {
    %c0_i32 = arith.constant 0 : i32
    %c0_i32_0 = arith.constant 0 : i32
    return %arg0, %c0_i32 : i32, i32
  }
}

module attributes {stable_mosaic.version = 14 : i64} {
  func.func @_norm_body(%arg0: i32, %arg1: i32, %arg2: memref<2x1000x128xf32, #tpu.memory_space<vmem>>, %arg3: memref<1000x128xf32, #tpu.memory_space<vmem>>, %arg4: memref<1x128xf32, #tpu.memory_space<vmem>>, %arg5: memref<1x128xf32, #tpu.memory_space<vmem>>, %arg6: memref<1x128xf32, #tpu.memory_space<vmem>>, %arg7: memref<1000x128xf32, #tpu.memory_space<vmem>>, %arg8: memref<10000x128xf32, #tpu.memory_space<vmem>>, %arg9: memref<2x128xf32, #tpu.memory_space<vmem>>) attributes {dimension_semantics = [#tpu.dimension_semantics<arbitrary>, #tpu.dimension_semantics<arbitrary>], iteration_bounds = array<i64: 2, 10>, scalar_prefetch = 0 : i64, scratch_operands = 2 : i64, tpu.core_type = #tpu.core_type<tc>, window_params = [{transform_indices = @transform_0, window_bounds = array<i64: 2, 1000, 128>}, {transform_indices = @transform_1, window_bounds = array<i64: 1000, 128>}, {pipeline_mode = #tpu.pipeline_mode<synchronous>, transform_indices = @transform_2, window_bounds = array<i64: 1, 128>}, {pipeline_mode = #tpu.pipeline_mode<synchronous>, transform_indices = @transform_3, window_bounds = array<i64: 1, 128>}, {pipeline_mode = #tpu.pipeline_mode<synchronous>, transform_indices = @transform_4, window_bounds = array<i64: 1, 128>}, {transform_indices = @transform_5, window_bounds = array<i64: 1000, 128>}]} {
    %eq3A = arith.constant 0 : i32
    %eq3A_0 = arith.cmpi eq, %arg0, %eq3A : i32
    %convert_element_type3A = arith.extui %eq3A_0 : i1 to i32
    %cond3A = arith.constant 0 : i32
    %cond3A_1 = arith.cmpi ne, %convert_element_type3A, %cond3A : i32
    scf.if %cond3A_1 {
      %get3A = arith.constant 0 : index
      %get3A_7 = arith.constant 0 : index
      %get3A_8 = arith.constant 0 : index
      %get3A_9 = vector.load %arg2[%get3A, %get3A_7, %get3A_8] : memref<2x1000x128xf32, #tpu.memory_space<vmem>>, vector<1x1000x128xf32>
      %get3A_10 = vector.shape_cast %get3A_9 : vector<1x1000x128xf32> to vector<1000x128xf32>
      %get3A_11 = arith.constant 1 : index
      %get3A_12 = arith.constant 0 : index
      %get3A_13 = arith.constant 0 : index
      %get3A_14 = vector.load %arg2[%get3A_11, %get3A_12, %get3A_13] : memref<2x1000x128xf32, #tpu.memory_space<vmem>>, vector<1x1000x128xf32>
      %get3A_15 = vector.shape_cast %get3A_14 : vector<1x1000x128xf32> to vector<1000x128xf32>
      %add3A = arith.addf %get3A_10, %get3A_15 : vector<1000x128xf32>
      %get3A_16 = arith.constant 0 : index
      %get3A_17 = arith.constant 0 : index
      %get3A_18 = vector.load %arg3[%get3A_16, %get3A_17] : memref<1000x128xf32, #tpu.memory_space<vmem>>, vector<1000x128xf32>
      %add3A_19 = arith.addf %add3A, %get3A_18 : vector<1000x128xf32>
      %get3A_20 = arith.constant 0 : index
      %get3A_21 = arith.constant 0 : index
      %get3A_22 = vector.load %arg4[%get3A_20, %get3A_21] : memref<1x128xf32, #tpu.memory_space<vmem>>, vector<1x128xf32>
      %add3A_23 = vector.broadcast %get3A_22 : vector<1x128xf32> to vector<1000x128xf32>
      %add3A_24 = arith.addf %add3A_19, %add3A_23 : vector<1000x128xf32>
      %mul3A = arith.constant 1000 : i32
      %mul3A_25 = arith.muli %arg1, %mul3A : i32
      %swap3A = arith.index_cast %mul3A_25 : i32 to index
      %swap3A_26 = arith.constant 0 : index
      %swap3A_27 = vector.load %arg8[%swap3A, %swap3A_26] : memref<10000x128xf32, #tpu.memory_space<vmem>>, vector<1000x128xf32>
      tpu.vector_store %arg8[%swap3A, %swap3A_26], %add3A_24 {strides = array<i32>} : memref<10000x128xf32, #tpu.memory_space<vmem>>, vector<1000x128xf32>,
      %eq3A_28 = arith.constant 0 : i32
      %eq3A_29 = arith.cmpi eq, %arg1, %eq3A_28 : i32
      %convert_element_type3A_30 = arith.extui %eq3A_29 : i1 to i32
      %cond3A_31 = arith.constant 0 : i32
      %cond3A_32 = arith.cmpi ne, %convert_element_type3A_30, %cond3A_31 : i32
      scf.if %cond3A_32 {
        %broadcast_in_dim3A_55 = arith.constant 0.000000e+00 : f32
        %broadcast_in_dim3A_56 = vector.broadcast %broadcast_in_dim3A_55 : f32 to vector<2x128xf32>
        %swap3A_57 = arith.constant 0 : index
        %swap3A_58 = arith.constant 0 : index
        %swap3A_59 = vector.load %arg9[%swap3A_57, %swap3A_58] : memref<2x128xf32, #tpu.memory_space<vmem>>, vector<2x128xf32>
        tpu.vector_store %arg9[%swap3A_57, %swap3A_58], %broadcast_in_dim3A_56 {strides = array<i32>} : memref<2x128xf32, #tpu.memory_space<vmem>>, vector<2x128xf32>,
      } else {
      }
      %get3A_33 = arith.constant 0 : index
      %get3A_34 = arith.constant 0 : index
      %get3A_35 = vector.load %arg9[%get3A_33, %get3A_34] : memref<2x128xf32, #tpu.memory_space<vmem>>, vector<1x128xf32>
      %reduce_sum3A = arith.constant dense<0.000000e+00> : vector<128xf32>
      %reduce_sum3A_36 = vector.multi_reduction <add>, %add3A_24, %reduce_sum3A [0] : vector<1000x128xf32> to vector<128xf32>
      %broadcast_in_dim3A = vector.shape_cast %reduce_sum3A_36 : vector<128xf32> to vector<1x128xf32>
      %add3A_37 = arith.addf %get3A_35, %broadcast_in_dim3A : vector<1x128xf32>
      %swap3A_38 = arith.constant 0 : index
      %swap3A_39 = arith.constant 0 : index
      %swap3A_40 = vector.load %arg9[%swap3A_38, %swap3A_39] : memref<2x128xf32, #tpu.memory_space<vmem>>, vector<1x128xf32>
      tpu.vector_store %arg9[%swap3A_38, %swap3A_39], %add3A_37 {strides = array<i32>} : memref<2x128xf32, #tpu.memory_space<vmem>>, vector<1x128xf32>,
      %get3A_41 = arith.constant 1 : index
      %get3A_42 = arith.constant 0 : index
      %get3A_43 = vector.load %arg9[%get3A_41, %get3A_42] : memref<2x128xf32, #tpu.memory_space<vmem>>, vector<1x128xf32>
      %mul3A_44 = arith.mulf %add3A_24, %add3A_24 : vector<1000x128xf32>
      %reduce_sum3A_45 = arith.constant dense<0.000000e+00> : vector<128xf32>
      %reduce_sum3A_46 = vector.multi_reduction <add>, %mul3A_44, %reduce_sum3A_45 [0] : vector<1000x128xf32> to vector<128xf32>
      %broadcast_in_dim3A_47 = vector.shape_cast %reduce_sum3A_46 : vector<128xf32> to vector<1x128xf32>
      %add3A_48 = arith.addf %get3A_43, %broadcast_in_dim3A_47 : vector<1x128xf32>
      %swap3A_49 = arith.constant 1 : index
      %swap3A_50 = arith.constant 0 : index
      %swap3A_51 = vector.load %arg9[%swap3A_49, %swap3A_50] : memref<2x128xf32, #tpu.memory_space<vmem>>, vector<1x128xf32>
      tpu.vector_store %arg9[%swap3A_49, %swap3A_50], %add3A_48 {strides = array<i32>} : memref<2x128xf32, #tpu.memory_space<vmem>>, vector<1x128xf32>,
      %swap3A_52 = arith.constant 0 : index
      %swap3A_53 = arith.constant 0 : index
      %swap3A_54 = vector.load %arg7[%swap3A_52, %swap3A_53] : memref<1000x128xf32, #tpu.memory_space<vmem>>, vector<1000x128xf32>
      tpu.vector_store %arg7[%swap3A_52, %swap3A_53], %add3A_24 {strides = array<i32>} : memref<1000x128xf32, #tpu.memory_space<vmem>>, vector<1000x128xf32>,
    } else {
    }
    %eq3A_2 = arith.constant 1 : i32
    %eq3A_3 = arith.cmpi eq, %arg0, %eq3A_2 : i32
    %convert_element_type3A_4 = arith.extui %eq3A_3 : i1 to i32
    %cond3A_5 = arith.constant 0 : i32
    %cond3A_6 = arith.cmpi ne, %convert_element_type3A_4, %cond3A_5 : i32
    scf.if %cond3A_6 {
      %eq3A_7 = arith.constant 0 : i32
      %eq3A_8 = arith.cmpi eq, %arg1, %eq3A_7 : i32
      %convert_element_type3A_9 = arith.extui %eq3A_8 : i1 to i32
      %cond3A_10 = arith.constant 0 : i32
      %cond3A_11 = arith.cmpi ne, %convert_element_type3A_9, %cond3A_10 : i32
      scf.if %cond3A_11 {
        %get3A_28 = arith.constant 0 : index
        %get3A_29 = arith.constant 0 : index
        %get3A_30 = vector.load %arg9[%get3A_28, %get3A_29] : memref<2x128xf32, #tpu.memory_space<vmem>>, vector<1x128xf32>
        %mul3A_31 = arith.constant 9.99999974E-5 : f32
        %mul3A_32 = vector.broadcast %mul3A_31 : f32 to vector<1x128xf32>
        %mul3A_33 = arith.mulf %get3A_30, %mul3A_32 : vector<1x128xf32>
        %get3A_34 = arith.constant 1 : index
        %get3A_35 = arith.constant 0 : index
        %get3A_36 = vector.load %arg9[%get3A_34, %get3A_35] : memref<2x128xf32, #tpu.memory_space<vmem>>, vector<1x128xf32>
        %mul3A_37 = arith.constant 9.99999974E-5 : f32
        %mul3A_38 = vector.broadcast %mul3A_37 : f32 to vector<1x128xf32>
        %mul3A_39 = arith.mulf %get3A_36, %mul3A_38 : vector<1x128xf32>
        %mul3A_40 = arith.mulf %mul3A_33, %mul3A_33 : vector<1x128xf32>
        %sub3A = arith.subf %mul3A_39, %mul3A_40 : vector<1x128xf32>
        %get3A_41 = arith.constant 0 : index
        %get3A_42 = arith.constant 0 : index
        %get3A_43 = vector.load %arg5[%get3A_41, %get3A_42] : memref<1x128xf32, #tpu.memory_space<vmem>>, vector<1x128xf32>
        %add3A_44 = arith.constant 9.99999974E-6 : f32
        %add3A_45 = vector.broadcast %add3A_44 : f32 to vector<1x128xf32>
        %add3A_46 = arith.addf %sub3A, %add3A_45 : vector<1x128xf32>
        %rsqrt3A = math.rsqrt %add3A_46 : vector<1x128xf32>
        %mul3A_47 = arith.mulf %get3A_43, %rsqrt3A : vector<1x128xf32>
        %get3A_48 = arith.constant 0 : index
        %get3A_49 = arith.constant 0 : index
        %get3A_50 = vector.load %arg6[%get3A_48, %get3A_49] : memref<1x128xf32, #tpu.memory_space<vmem>>, vector<1x128xf32>
        %mul3A_51 = arith.mulf %mul3A_33, %mul3A_47 : vector<1x128xf32>
        %sub3A_52 = arith.subf %get3A_50, %mul3A_51 : vector<1x128xf32>
        %swap3A_53 = arith.constant 0 : index
        %swap3A_54 = arith.constant 0 : index
        %swap3A_55 = vector.load %arg9[%swap3A_53, %swap3A_54] : memref<2x128xf32, #tpu.memory_space<vmem>>, vector<1x128xf32>
        tpu.vector_store %arg9[%swap3A_53, %swap3A_54], %mul3A_47 {strides = array<i32>} : memref<2x128xf32, #tpu.memory_space<vmem>>, vector<1x128xf32>,
        %swap3A_56 = arith.constant 1 : index
        %swap3A_57 = arith.constant 0 : index
        %swap3A_58 = vector.load %arg9[%swap3A_56, %swap3A_57] : memref<2x128xf32, #tpu.memory_space<vmem>>, vector<1x128xf32>
        tpu.vector_store %arg9[%swap3A_56, %swap3A_57], %sub3A_52 {strides = array<i32>} : memref<2x128xf32, #tpu.memory_space<vmem>>, vector<1x128xf32>,
      } else {
      }
      %mul3A = arith.constant 1000 : i32
      %mul3A_12 = arith.muli %arg1, %mul3A : i32
      %get3A = arith.index_cast %mul3A_12 : i32 to index
      %get3A_13 = arith.constant 0 : index
      %get3A_14 = vector.load %arg8[%get3A, %get3A_13] : memref<10000x128xf32, #tpu.memory_space<vmem>>, vector<1000x128xf32>
      %get3A_15 = arith.constant 0 : index
      %get3A_16 = arith.constant 0 : index
      %get3A_17 = vector.load %arg9[%get3A_15, %get3A_16] : memref<2x128xf32, #tpu.memory_space<vmem>>, vector<1x128xf32>
      %mul3A_18 = vector.broadcast %get3A_17 : vector<1x128xf32> to vector<1000x128xf32>
      %mul3A_19 = arith.mulf %get3A_14, %mul3A_18 : vector<1000x128xf32>
      %get3A_20 = arith.constant 1 : index
      %get3A_21 = arith.constant 0 : index
      %get3A_22 = vector.load %arg9[%get3A_20, %get3A_21] : memref<2x128xf32, #tpu.memory_space<vmem>>, vector<1x128xf32>
      %add3A = vector.broadcast %get3A_22 : vector<1x128xf32> to vector<1000x128xf32>
      %add3A_23 = arith.addf %mul3A_19, %add3A : vector<1000x128xf32>
      %max3A = arith.constant 0.000000e+00 : f32
      %max3A_24 = vector.broadcast %max3A : f32 to vector<1000x128xf32>
      %max3A_25 = arith.maximumf %add3A_23, %max3A_24 : vector<1000x128xf32>
      %swap3A = arith.constant 0 : index
      %swap3A_26 = arith.constant 0 : index
      %swap3A_27 = vector.load %arg7[%swap3A, %swap3A_26] : memref<1000x128xf32, #tpu.memory_space<vmem>>, vector<1000x128xf32>
      tpu.vector_store %arg7[%swap3A, %swap3A_26], %max3A_25 {strides = array<i32>} : memref<1000x128xf32, #tpu.memory_space<vmem>>, vector<1000x128xf32>,
    } else {
    }
    return
  }
  func.func @transform_0(%arg0: i32, %arg1: i32) -> (i32, i32, i32) {
    %c0_i32 = arith.constant 0 : i32
    %c0_i32_0 = arith.constant 0 : i32
    %c0_i32_1 = arith.constant 0 : i32
    return %c0_i32, %arg1, %c0_i32_0 : i32, i32, i32
  }
  func.func @transform_1(%arg0: i32, %arg1: i32) -> (i32, i32) {
    %c0_i32 = arith.constant 0 : i32
    %c0_i32_0 = arith.constant 0 : i32
    return %arg1, %c0_i32 : i32, i32
  }
  func.func @transform_2(%arg0: i32, %arg1: i32) -> (i32, i32) {
    %c0_i32 = arith.constant 0 : i32
    %c0_i32_0 = arith.constant 0 : i32
    %c0_i32_1 = arith.constant 0 : i32
    return %c0_i32, %c0_i32_0 : i32, i32
  }
  func.func @transform_3(%arg0: i32, %arg1: i32) -> (i32, i32) {
    %c0_i32 = arith.constant 0 : i32
    %c0_i32_0 = arith.constant 0 : i32
    %c0_i32_1 = arith.constant 0 : i32
    return %c0_i32, %c0_i32_0 : i32, i32
  }
  func.func @transform_4(%arg0: i32, %arg1: i32) -> (i32, i32) {
    %c0_i32 = arith.constant 0 : i32
    %c0_i32_0 = arith.constant 0 : i32
    %c0_i32_1 = arith.constant 0 : i32
    return %c0_i32, %c0_i32_0 : i32, i32
  }
  func.func @transform_5(%arg0: i32, %arg1: i32) -> (i32, i32) {
    %c0_i32 = arith.constant 0 : i32
    %c0_i32_0 = arith.constant 0 : i32
    return %arg1, %c0_i32 : i32, i32
  }
}

</mosaic_0001>

<sc_bundles>
// kernel: kernel.11.cloned.1.call-start
scs
__scs_entry_jumppad:
0x0: {  	(pc) =	sbr.rel $0x88, $3  }
0x1: {  	(tag) =	ssettag $0x0;
	lr =	simm.s32 $0x1  }
0x2: {  	[smem:$0x3F8F] =	sst lr;
	_ =	strace $0xD0000000  }
0x3: {  	_ = 	snop  }
0x4: {  	_ = 	snop  }
0x5: {  	_ = 	snop  }
0x6: {  	_ = 	snop  }
0x7: {  	_ = 	snop  }
__scs_overlays_trampoline_lowered:
0x8: {  	[smem:$0x3F9E] =	sst s0  }
0x9: {  	[smem:$0x3F9F] =	sst s1  }
0xa: {  	[smem:$0x3FA0] =	sst s2  }
0xb: {  	[smem:$0x3FA1] =	sst s3  }
0xc: {  	[smem:$0x3FA2] =	sst s4  }
0xd: {  	[smem:$0x3FA3] =	sst s5  }
0xe: {  	[smem:$0x3FA4] =	sst s6  }
0xf: {  	[smem:$0x3FA5] =	sst s7  }
0x10: {  	[smem:$0x3FA6] =	sst s8  }
0x11: {  	[smem:$0x3FA7] =	sst s9;
	s0 =	simm.s32 @!p0 $0x0  }
0x12: {  	s1 =	sld [smem:$0x3F8D];
	s0 =	simm.s32 @p0 $0x1  }
0x13: {  	[smem:$0x3FA8] =	sst s0;
	s0 =	simm.s32 @!p1 $0x0  }
0x14: {  	s2 =	sld [smem:$0x3F8C];
	s0 =	simm.s32 @p1 $0x1  }
0x15: {  	[smem:$0x3FA9] =	sst s0;
	s0 =	simm.s32 @!p2 $0x0  }
0x16: {  	s3 =	sld [smem:$0x3FDB];
	s0 =	simm.s32 @p2 $0x1  }
0x17: {  	s4 =	simm.s32 $0x1BF5;
	[smem:$0x3FAB] =	sst s0  }
0x18: {  	s0 =	sld [smem:$0x3F8E];
	_ =	swait.ge [sflag:s4], $0x0  }
0x19: {  	s7 =	sld [smem:$0x3F8F]  }
0x1a: {  	s8 =	sadd.s32 $0xFFFFE003, lr  }
0x1b: {  	s9 =	sadd.s32 $0xFFFFFEF7, lr;
	s5 =	simm.s32 $0xFFFFFFFF;
	p2 =	slt.u32 s8, $0xFFFFF086  }
0x1c: {  	p1 =	slt.u32 s9, $0xF7A;
	s5 =	simm.s32 @!p2 $0x0  }
0x1d: {  	s5 =	simm.s32 @p1 $0x1;
	p0 =	seq.s32 s7, s2  }
0x1e: {  	s7 =	smul.u32 @!p0 $0xF7A, s2;
	p2 =	seq.s32 @!p0 s5, $0x0  }
0x1f: {  	s9 =	smul.u32 $0xF7A, s1;
	s8 =	simm.s32 @!p0 $0x1BF5;
	p2 =	por !p2, p0  }
0x20: {  	[sflag:s8] =	ssyncset.s32 @!p0 $0xFFFFF086;
	s6 =	sadd.s32 @!p0 s3, s7;
	s7 =	simm.s32 @!p0 $0x108  }
0x21: {  	s3 =	sadd.s32 s3, s9;
	s6 =	sadd.s32 @!p0 $0x88, s6;
	s7 =	simm.s32 @p2 $0x1082  }
0x22: {  	[simem:s7], [sflag:s8] =	dma.local @!p0 [hbm:s6], $0xF7A  }
0x23: {  	s9 =	sor.u32 $0xD0000000, s2;
	s6 =	simm.s32 $0x108;
	_ =	swait.ge @!p0 [sflag:s8], $0x0  }
0x24: {  	s3 =	sadd.s32 $0x88, s3;
	s6 =	simm.s32 @!p1 $0x1082;
	[sflag:s4] =	ssyncset.s32 $0xFFFFF086  }
0x25: {  	[simem:s6], [sflag:s4] =	dma.local [hbm:s3], $0xF7A  }
0x26: {  	[smem:$0x3F8F] =	sst s1;
	(tag) =	ssettag s2;
	_ =	strace s9  }
0x27: {  	s1 =	sld [smem:$0x3F9F]  }
0x28: {  	s2 =	sld [smem:$0x3FA0]  }
0x29: {  	s4 =	sld [smem:$0x3FA2]  }
0x2a: {  	p0 =	seq.s32 s5, $0x0;
	s5 =	sld [smem:$0x3FA3]  }
0x2b: {  	s6 =	sld [smem:$0x3FA4]  }
0x2c: {  	s7 =	sld [smem:$0x3FA5]  }
0x2d: {  	s3 =	simm.s32 $0x108;
	s8 =	sld [smem:$0x3FA6]  }
0x2e: {  	s3 =	simm.s32 @!p0 $0x1082;
	s9 =	sld [smem:$0x3FA7]  }
0x2f: {  	lr =	sadd.s32 s0, s3;
	s0 =	sld [smem:$0x3F9E]  }
0x30: {  	s3 =	sld [smem:$0x3FA1]  }
0x31: {  	[smem:$0x3FAA] =	sst s10  }
0x32: {  	s10 =	sld [smem:$0x3FA8];
	_ =	sdelay $0x3  }
0x33: {  	p0 =	seq.s32 s10, $0x1;
	s10 =	sld [smem:$0x3FAA];
	_ =	sdelay $0x3  }
0x34: {  	[smem:$0x3FAA] =	sst s10  }
0x35: {  	s10 =	sld [smem:$0x3FA9];
	_ =	sdelay $0x3  }
0x36: {  	p1 =	seq.s32 s10, $0x1;
	s10 =	sld [smem:$0x3FAA];
	_ =	sdelay $0x3  }
0x37: {  	[smem:$0x3FAA] =	sst s10  }
0x38: {  	s10 =	sld [smem:$0x3FAB]  }
0x39: {  	_ = 	snop;
	(pc) =	sbr.ind lr, $3  }
0x3a: {  	_ = 	snop  }
0x3b: {  	_ = 	snop  }
0x3c: {  	p2 =	seq.s32 s10, $0x1;
	s10 =	sld [smem:$0x3FAA]  }
0x3d: {  	_ =	shalt  }
0x3e: {  	_ =	shalt  }
0x3f: {  	_ =	shalt  }
0x40: {  	_ =	shalt  }
0x41: {  	_ =	shalt  }
0x42: {  	_ =	shalt  }
0x43: {  	_ =	shalt  }
0x44: {  	_ =	shalt  }
0x45: {  	_ =	shalt  }
0x46: {  	_ =	shalt  }
0x47: {  	_ =	shalt  }
0x48: {  	_ =	shalt  }
0x49: {  	_ =	shalt  }
0x4a: {  	_ =	shalt  }
0x4b: {  	_ =	shalt  }
0x4c: {  	_ =	shalt  }
0x4d: {  	_ =	shalt  }
0x4e: {  	_ =	shalt  }
0x4f: {  	_ =	shalt  }
0x50: {  	_ =	shalt  }
0x51: {  	_ =	shalt  }
0x52: {  	_ =	shalt  }
0x53: {  	_ =	shalt  }
0x54: {  	_ =	shalt  }
0x55: {  	_ =	shalt  }
0x56: {  	_ =	shalt  }
0x57: {  	_ =	shalt  }
0x58: {  	_ =	shalt  }
0x59: {  	_ =	shalt  }
0x5a: {  	_ =	shalt  }
0x5b: {  	_ =	shalt  }
0x5c: {  	_ =	shalt  }
0x5d: {  	_ =	shalt  }
0x5e: {  	_ =	shalt  }
0x5f: {  	_ =	shalt  }
0x60: {  	_ =	shalt  }
0x61: {  	_ =	shalt  }
0x62: {  	_ =	shalt  }
0x63: {  	_ =	shalt  }
0x64: {  	_ =	shalt  }
0x65: {  	_ =	shalt  }
0x66: {  	_ =	shalt  }
0x67: {  	_ =	shalt  }
0x68: {  	_ =	shalt  }
0x69: {  	_ =	shalt  }
0x6a: {  	_ =	shalt  }
0x6b: {  	_ =	shalt  }
0x6c: {  	_ =	shalt  }
0x6d: {  	_ =	shalt  }
0x6e: {  	_ =	shalt  }
0x6f: {  	_ =	shalt  }
0x70: {  	_ =	shalt  }
0x71: {  	_ =	shalt  }
0x72: {  	_ =	shalt  }
0x73: {  	_ =	shalt  }
0x74: {  	_ =	shalt  }
0x75: {  	_ =	shalt  }
0x76: {  	_ =	shalt  }
0x77: {  	_ =	shalt  }
0x78: {  	_ =	shalt  }
0x79: {  	_ =	shalt  }
0x7a: {  	_ =	shalt  }
0x7b: {  	_ =	shalt  }
0x7c: {  	_ =	shalt  }
0x7d: {  	_ =	shalt  }
0x7e: {  	_ =	shalt  }
0x7f: {  	_ =	shalt  }
0x80: {  	_ =	shalt  }
0x81: {  	_ =	shalt  }
0x82: {  	_ =	shalt  }
0x83: {  	_ =	shalt  }
0x84: {  	_ =	shalt  }
0x85: {  	_ =	shalt  }
0x86: {  	_ =	shalt  }
0x87: {  	_ =	shalt  }
.Lfunc_end0:
.L_simem_size_0:
called_computation_lowered:
.L_overlay_start_0:
0x88: {  	s2 =	sld [smem:$0x3FD9]  }
0x89: {  	s3 =	sld [smem:$0x3FFE];
	_ =	sdelay $0x1  }
0x8a: {  	s1 =	srdreg.scid  }
0x8b: {  	s0 =	sand.u32 $0x1, s1  }
0x8c: {  	s17 =	sshll.u32 s0, $0xA;
	s2 =	sadd.s32 s3, s2  }
0x8d: {  	s2 =	sadd.s32 s2, s17  }
0x8e: {  	[smem:$0x3FB6] =	sst s2  }
0x8f: {  	_ = 	snop  }
0x90: {  	s2 =	sld [smem:$0x3FD0];
	(tm) =	ssettm $0x1  }
0x91: {  	s18 =	sld [smem:$0x3FFB];
	_ =	sdelay $0x3  }
0x92: {  	_ =	strace s18  }
0x93: {  	s3 =	sld [smem:$0x3FFC];
	_ =	sdelay $0x3  }
0x94: {  	_ =	strace s3  }
0x95: {  	s3 =	sld [smem:$0x3FFD];
	_ =	sdelay $0x3  }
0x96: {  	_ =	strace s3  }
0x97: {  	_ =	strace $0x8FFFFFFF  }
0x98: {  	s19 =	sld [smem:$0x3FDB];
	_ =	sdelay $0x1  }
0x99: {  	s4 =	simm.s32 $_scs_section_size  }
0x9a: {  	s5 =	simm.s32 $_size__tile_overlayer_lowered;
	s6 =	simm.s32 $_tile_overlayer_lowered  }
0x9b: {  	s22 =	simm.s32 $0x1BFF;
	s21 =	sshll.u32 s6, $0x1;
	s3 =	sadd.s32 s4, s19  }
0x9c: {  	s7 =	simm.s32 $0x0;
	s20 =	sshll.u32 s5, $0x1;
	s5 =	sadd.s32 s21, s3  }
0x9d: {  	[timem:s7], [sflag:s22] =	dma.local [hbm:s5], s20  }
0x9e: {  	_ =	swait.ge [sflag:s22], s20  }
0x9f: {  	s4 =	ssub.s32 $0x0, s20;
	[sflag:s22] =	ssyncset.done $0x0  }
0xa0: {  	[sflag:s22] =	ssyncadd.s32 s4;
	_ =	sdelay $0x1  }
0xa1: {  	s23 =	simm.s32 $0x1B8B  }
0xa2: {  	_ =	swait.ge [sflag:s23], $0x1  }
0xa3: {  	[sflag:s23] =	ssyncset.done $0x0  }
0xa4: {  	s25 =	simm.s32 $0x1B8E;
	s24 =	sld [smem:$0x3FFE];
	[sflag:s23] =	ssyncadd.s32 $0xFFFFFFFF  }
0xa5: {  	s26 =	simm.s32 $execute0_lowered;
	[smem:$0x3FD2] =	sst s25  }
0xa6: {  	s5 =	sshll.u32 s26, $0x1;
	_ =	strace $0x80000046;
	[dreg:$0x1] =	wrdreg $0xFFFFFFFF  }
0xa7: {  	s28 =	simm.s32 $_size_execute0_lowered;
	s3 =	sadd.s32 s3, s5;
	[dreg:$0x0] =	wrdreg $0x0  }
0xa8: {  	s5 =	sshll.u32 s28, $0x1;
	[dreg:$0x2] =	wrdreg s3  }
0xa9: {  	[dreg:$0x3] =	wrdreg s5  }
0xaa: {  	[dreg:$0x4] =	wrdreg $0xC0  }
0xab: {  	_ =	task [dreg:s7], $0x5FFFF  }
0xac: {  	[dreg:$0x1] =	wrdreg $0xFFFFFFFF  }
0xad: {  	[dreg:$0x0] =	wrdreg $0x60  }
0xae: {  	[dreg:$0x2] =	wrdreg s24  }
0xaf: {  	[dreg:$0x3] =	wrdreg s2  }
0xb0: {  	[dreg:$0x4] =	wrdreg $0x90000  }
0xb1: {  	[dreg:$0x5] =	wrdreg $0x9  }
0xb2: {  	_ =	task.clear_ibuf [dreg:s7], $0x6FFFF;
	_ =	strace $0x90000046  }
0xb3: {  	s29 =	simm.s32 $0x9;
	_ =	strace $0x80000048  }
0xb4: {  	_ =	swait.ge [sflag:s29], $0x1  }
0xb5: {  	[sflag:s29] =	ssyncadd.s32 $0xFFFFFFFF  }
0xb6: {  	_ =	strace $0x90000048  }
0xb7: {  	_ =	sfence  }
0xb8: {  	s30 =	sld [smem:$0x0];
	_ =	sdelay $0x2  }
0xb9: {  	s31 =	sshll.u32 s1, $0xD;
	s1 =	sshrl.u32 s1, $0x2  }
0xba: {  	s3 =	sand.u32 $0x4000, s31;
	s1 =	sadd.s32 s1, s30  }
0xbb: {  	s0 =	sor.u32 s3, s0;
	s1 =	sshll.u32 s1, $0x11  }
0xbc: {  	s0 =	sor.u32 s1, s0  }
0xbd: {  	s0 =	sadd.s32 $0x8F2B, s0  }
0xbe: {  	[sflag:s0] =	ssyncadd.remote.s32 $0x1  }
0xbf: {  	_ =	sfence.sel $0xFFFF  }
0xc0: {  	[dreg:$0x0] =	wrdreg $0xFFFFFFFF;
	(pc) =	sbr.abs _section_cstart, $3  }
0xc1: {  	[dreg:$0x1] =	wrdreg $0xFFFFFFFF  }
0xc2: {  	_ =	task.clear_ibuf [dreg:s7], $0x2FFFF;
	_ =	strace $0x9FFFFFFF  }
0xc3: {  	(tm) =	ssettm $0x7FFFFFFF  }
tec
execute0_lowered:
.L_overlay_start_1:
0x0: {  	(tag) =	ssettag $0x1  }
0x1: {  	s0 =	rddreg [dreg:$0x0]  }
0x2: {  	s1 =	rddreg [dreg:$0x1]  }
0x3: {  	s2 =	rddreg [dreg:$0x2]  }
0x4: {  	s3 =	simm.s32 $0x0;
	s10 =	stileid.u32;
	s4 =	srdreg.scid  }
0x5: {  	s13 =	simm.s32 $0x100;
	s14 =	simm.s32 $0x180;
	s15 =	simm.s32 $0x900  }
0x6: {  	s16 =	simm.s32 $0x980;
	s18 =	simm.s32 $0x200;
	s19 =	simm.s32 $0x280  }
0x7: {  	s20 =	simm.s32 $0xA00;
	s21 =	simm.s32 $0xA80;
	[smem:$0x7FF] =	sst s3  }
0x8: {  	s22 =	simm.s32 $0x300;
	_ =	strace $0x80000047;
	[dreg:$0x7] =	wrdreg s13  }
0x9: {  	s23 =	simm.s32 $0x380;
	s28 =	simm.s32 $0xD80;
	[dreg:$0x8] =	wrdreg s14  }
0xa: {  	s29 =	simm.s32 $0x600;
	s30 =	simm.s32 $0x680;
	[dreg:$0x9] =	wrdreg s15  }
0xb: {  	s31 =	simm.s32 $0xE00;
	s5 =	smul.u32 $0x5000, s10;
	[dreg:$0xa] =	wrdreg s16  }
0xc: {  	s6 =	sand.u32 $0x1, s4;
	s7 =	smul.u32 $0x50000, s10;
	[dreg:$0xb] =	wrdreg s18  }
0xd: {  	s4 =	sadd.s32 $0x115A00, s0;
	p0 =	seq.s32 s6, $0x0;
	[dreg:$0xc] =	wrdreg s19  }
0xe: {  	s24 =	ssub.s32 $0x2, s6;
	s6 =	smul.u32 $0x140000, s6;
	[dreg:$0xd] =	wrdreg s20  }
0xf: {  	s13 =	simm.s32 $0x5;
	s14 =	simm.s32 $0x800;
	[dreg:$0xe] =	wrdreg s21  }
0x10: {  	s15 =	simm.s32 $0x80;
	s16 =	simm.s32 $0x5000;
	[dreg:$0xf] =	wrdreg s22  }
0x11: {  	[dreg:$0x10] =	wrdreg s23;
	s18 =	simm.s32 $0x2;
	s19 =	simm.s32 $0x3  }
0x12: {  	s8 =	sadd.s32 $0x50000, s5;
	s7 =	sshrl.u32 s7, $0x2;
	s9 =	sshrl.u32 s24, $0x1  }
0x13: {  	s8 =	smov.u32 @p0 s5;
	s11 =	sadd.s32 s7, s2;
	s5 =	ssub.s32 s24, s9  }
0x14: {  	s9 =	smul.u32 $0x14000, s10;
	s10 =	simm.s32 $0x880;
	[dreg:$0x14] =	wrdreg s11  }
0x15: {  	s20 =	simm.s32 $0x4;
	s24 =	simm.s32 $0xB00;
	[dreg:$0x6] =	wrdreg s10  }
0x16: {  	s21 =	simm.s32 $0x480;
	s7 =	sadd.s32 $0x4000, s11;
	[dreg:$0x11] =	wrdreg s24  }
0x17: {  	s22 =	simm.s32 $0xC00;
	s25 =	sadd.s32 $0x8000, s11;
	[dreg:$0x15] =	wrdreg s7  }
0x18: {  	s23 =	simm.s32 $0xC80;
	s26 =	sadd.s32 $0xC000, s11;
	[dreg:$0x16] =	wrdreg s25  }
0x19: {  	s8 =	sshrl.u32 s8, $0x3;
	s12 =	sadd.s32 $0x10000, s11;
	[dreg:$0x17] =	wrdreg s26  }
0x1a: {  	s17 =	smax.u32 s5, $0x1;
	s24 =	simm.s32 $0x500;
	[dreg:$0x18] =	wrdreg s12  }
0x1b: {  	s0 =	sadd.s32 s8, s0;
	s6 =	sadd.s32 s9, s6;
	[dreg:$0x1a] =	wrdreg s17  }
0x1c: {  	s12 =	simm.s32 $0x1000;
	s17 =	simm.s32 $0x1;
	s25 =	simm.s32 $0xB80  }
0x1d: {  	s26 =	simm.s32 $0x400;
	s7 =	simm.s32 $0xF00;
	[dreg:$0x12] =	wrdreg s25  }
0x1e: {  	s9 =	simm.s32 $0x0;
	s8 =	sadd.s32 $0x4200, s0;
	[dreg:$0x13] =	wrdreg s26  }
0x1f: {  	s0 =	sadd.s32 $0x18200, s0;
	s6 =	sshrl.u32 s6, $0x3;
	[dreg:$0x4] =	wrdreg s8  }
0x20: {  	s25 =	simm.s32 $0x580;
	s26 =	simm.s32 $0xD00;
	[dreg:$0x5] =	wrdreg s0  }
0x21: {  	s1 =	sadd.s32 s1, s6;
	s0 =	simm.s32 $0xE80;
	s6 =	simm.s32 $0x780  }
0x22: {  	v0 =	vimm.f32 $0.0e+00;
	s8 =	simm.s32 $0xF80;
	[dreg:$0x19] =	wrdreg s1;
	s1 =	simm.s32 $0x700  }
.LBB2_1:
0x23: {  	s10 =	simm.s32 $0x0;
	s11 =	simm.s32 $0x200  }
.LBB2_2:
0x24: {  	p0 =	sne.s32 s11, $0xFE00;
	[tilespmem:s10+$0x1070] =	vst v0  }
0x25: {  	[tilespmem:s10+$0x1000] =	vst v0  }
0x26: {  	[tilespmem:s10+$0x1010] =	vst v0  }
.Ltmp0:
0x27: {  	[tilespmem:s10+$0x1020] =	vst v0;
	(pc) =	sbr.rel @p0 .LBB2_2-.Ltmp0, $4  }
0x28: {  	[tilespmem:s10+$0x1030] =	vst v0  }
0x29: {  	[tilespmem:s10+$0x1040] =	vst v0  }
0x2a: {  	[tilespmem:s10+$0x1050] =	vst v0  }
0x2b: {  	[tilespmem:s10+$0x1060] =	vst v0;
	s10 =	sshra.s32 s11, $0x2;
	s11 =	sadd.s32 $0x200, s11  }
0x2c: {  	[tilespmem:s10+$0x1070] =	vst v0  }
0x2d: {  	[tilespmem:s10+$0x1000] =	vst v0  }
0x2e: {  	[tilespmem:s10+$0x1010] =	vst v0  }
0x2f: {  	[tilespmem:s10+$0x1020] =	vst v0  }
0x30: {  	[tilespmem:s10+$0x1030] =	vst v0  }
0x31: {  	[tilespmem:s10+$0x1040] =	vst v0  }
0x32: {  	[dreg:$0x1b] =	wrdreg s9;
	[tilespmem:s10+$0x1050] =	vst v0  }
0x33: {  	[tilespmem:s10+$0x1060] =	vst v0;
	s5 =	rddreg [dreg:$0x14]  }
0x34: {  	[spmem:s5] =	stream.linear.scatter [tilespmem:s12], [sflag:$0x5], $0x4000, $0x38;
	[tilespmem:$0x1D000] =	vst v63  }
0x35: {  	_ =	swait.ge [sflag:s13], $0x4000  }
0x36: {  	[sflag:s13] =	ssyncset.done $0x0  }
0x37: {  	s10 =	rddreg [dreg:$0x15];
	[sflag:s13] =	ssyncadd.s32 $0xFFFFC000  }
0x38: {  	[spmem:s10] =	stream.linear.scatter [tilespmem:s12], [sflag:$0x5], $0x4000, $0x38;
	[tilespmem:$0x1D000] =	vst v63  }
0x39: {  	_ =	swait.ge [sflag:s13], $0x4000  }
0x3a: {  	[sflag:s13] =	ssyncset.done $0x0  }
0x3b: {  	s11 =	rddreg [dreg:$0x16];
	[sflag:s13] =	ssyncadd.s32 $0xFFFFC000  }
0x3c: {  	[spmem:s11] =	stream.linear.scatter [tilespmem:s12], [sflag:$0x5], $0x4000, $0x38;
	[tilespmem:$0x1D000] =	vst v63  }
0x3d: {  	_ =	swait.ge [sflag:s13], $0x4000  }
0x3e: {  	[sflag:s13] =	ssyncset.done $0x0  }
0x3f: {  	s9 =	rddreg [dreg:$0x17];
	[sflag:s13] =	ssyncadd.s32 $0xFFFFC000  }
0x40: {  	[spmem:s9] =	stream.linear.scatter [tilespmem:s12], [sflag:$0x5], $0x4000, $0x38;
	[tilespmem:$0x1D000] =	vst v63  }
0x41: {  	_ =	swait.ge [sflag:s13], $0x4000  }
0x42: {  	[sflag:s13] =	ssyncset.done $0x0  }
0x43: {  	s10 =	rddreg [dreg:$0x18];
	[sflag:s13] =	ssyncadd.s32 $0xFFFFC000  }
0x44: {  	[spmem:s10] =	stream.linear.scatter [tilespmem:s12], [sflag:$0x5], $0x4000, $0x38;
	[tilespmem:$0x1D000] =	vst v63  }
0x45: {  	_ =	swait.ge [sflag:s13], $0x4000  }
0x46: {  	[sflag:s13] =	ssyncset.done $0x0  }
0x47: {  	[sflag:s13] =	ssyncadd.s32 $0xFFFFC000  }
0x48: {  	[bflag:$0x0] =	sbarrier.arrive $0xFFFF  }
0x49: {  	s11 =	rddreg [dreg:$0x5]  }
0x4a: {  	s5 =	sadd.s32 $0x0, s11  }
0x4b: {  	[tilespmem:s3], [sflag:$0x5] =	stream.linear.gather [hbm4b:s5+s3], $0x800, $0x38;
	[tilespmem:$0x1D000] =	vst v63  }
0x4c: {  	_ =	swait.ge [sflag:s13], $0x800  }
0x4d: {  	s9 =	rddreg [dreg:$0x4];
	[sflag:s13] =	ssyncset.done $0x0  }
0x4e: {  	[sflag:s13] =	ssyncadd.s32 $0xFFFFF800;
	s5 =	sadd.s32 $0x0, s9  }
0x4f: {  	[tilespmem:s14], [sflag:$0x5] =	stream.linear.gather [hbm4b:s5+s3], $0x800, $0x38;
	[tilespmem:$0x1D000] =	vst v63  }
0x50: {  	_ =	swait.ge [sflag:s13], $0x800  }
0x51: {  	[sflag:s13] =	ssyncset.done $0x0  }
0x52: {  	[sflag:s13] =	ssyncadd.s32 $0xFFFFF800  }
0x53: {  	[tilespmem:s12], [sflag:$0x1] =	stream.indirect.gather [hbm4b:s4+s15], $0x80, s3, s15, $0xb8;
	[tilespmem:$0x1D000] =	vst v63  }
0x54: {  	_ = 	snop  }
0x55: {  	[tilespmem:s16], [sflag:$0x2] =	stream.indirect.gather [hbm4b:s4+s15], $0x80, s15, s15, $0xb8;
	[tilespmem:$0x1D000] =	vst v63  }
0x56: {  	_ =	swait.ge [sflag:s17], $0x4000  }
0x57: {  	[sflag:s17] =	ssyncset.done $0x0  }
0x58: {  	[sflag:s17] =	ssyncadd.s32 $0xFFFFC000  }
0x59: {  	[spmem:s2] =	stream.indirect.scatter.add.f32 [tilespmem:s12], [sflag:$0x3], $0x80, s14, s15, $0xb8;
	[tilespmem:$0x1D000] =	vst v63  }
0x5a: {  	_ =	swait.ge [sflag:s18], $0x4000  }
0x5b: {  	[sflag:s18] =	ssyncset.done $0x0  }
0x5c: {  	s10 =	rddreg [dreg:$0x6];
	[sflag:s18] =	ssyncadd.s32 $0xFFFFC000  }
0x5d: {  	[spmem:s2] =	stream.indirect.scatter.add.f32 [tilespmem:s16], [sflag:$0x4], $0x80, s10, s15, $0xb8;
	[tilespmem:$0x1D000] =	vst v63  }
0x5e: {  	_ =	swait.ge [sflag:s19], $0x4000  }
0x5f: {  	[sflag:s19] =	ssyncset.done $0x0  }
0x60: {  	s11 =	rddreg [dreg:$0x7];
	[sflag:s19] =	ssyncadd.s32 $0xFFFFC000  }
0x61: {  	[tilespmem:s12], [sflag:$0x1] =	stream.indirect.gather [hbm4b:s4+s15], $0x80, s11, s15, $0xb8;
	[tilespmem:$0x1D000] =	vst v63  }
0x62: {  	_ =	swait.ge [sflag:s20], $0x4000  }
0x63: {  	[sflag:s20] =	ssyncset.done $0x0  }
0x64: {  	s9 =	rddreg [dreg:$0x8];
	[sflag:s20] =	ssyncadd.s32 $0xFFFFC000  }
0x65: {  	[tilespmem:s16], [sflag:$0x2] =	stream.indirect.gather [hbm4b:s4+s15], $0x80, s9, s15, $0xb8;
	[tilespmem:$0x1D000] =	vst v63  }
0x66: {  	_ =	swait.ge [sflag:s17], $0x4000  }
0x67: {  	[sflag:s17] =	ssyncset.done $0x0  }
0x68: {  	s10 =	rddreg [dreg:$0x9];
	[sflag:s17] =	ssyncadd.s32 $0xFFFFC000  }
0x69: {  	[spmem:s2] =	stream.indirect.scatter.add.f32 [tilespmem:s12], [sflag:$0x3], $0x80, s10, s15, $0xb8;
	[tilespmem:$0x1D000] =	vst v63  }
0x6a: {  	_ =	swait.ge [sflag:s18], $0x4000  }
0x6b: {  	[sflag:s18] =	ssyncset.done $0x0  }
0x6c: {  	s11 =	rddreg [dreg:$0xa];
	[sflag:s18] =	ssyncadd.s32 $0xFFFFC000  }
0x6d: {  	[spmem:s2] =	stream.indirect.scatter.add.f32 [tilespmem:s16], [sflag:$0x4], $0x80, s11, s15, $0xb8;
	[tilespmem:$0x1D000] =	vst v63  }
0x6e: {  	_ =	swait.ge [sflag:s19], $0x4000  }
0x6f: {  	[sflag:s19] =	ssyncset.done $0x0  }
0x70: {  	s9 =	rddreg [dreg:$0xb];
	[sflag:s19] =	ssyncadd.s32 $0xFFFFC000  }
0x71: {  	[tilespmem:s12], [sflag:$0x1] =	stream.indirect.gather [hbm4b:s4+s15], $0x80, s9, s15, $0xb8;
	[tilespmem:$0x1D000] =	vst v63  }
0x72: {  	_ =	swait.ge [sflag:s20], $0x4000  }
0x73: {  	[sflag:s20] =	ssyncset.done $0x0  }
0x74: {  	s10 =	rddreg [dreg:$0xc];
	[sflag:s20] =	ssyncadd.s32 $0xFFFFC000  }
0x75: {  	[tilespmem:s16], [sflag:$0x2] =	stream.indirect.gather [hbm4b:s4+s15], $0x80, s10, s15, $0xb8;
	[tilespmem:$0x1D000] =	vst v63  }
0x76: {  	_ =	swait.ge [sflag:s17], $0x4000  }
0x77: {  	[sflag:s17] =	ssyncset.done $0x0  }
0x78: {  	s11 =	rddreg [dreg:$0xd];
	[sflag:s17] =	ssyncadd.s32 $0xFFFFC000  }
0x79: {  	[spmem:s2] =	stream.indirect.scatter.add.f32 [tilespmem:s12], [sflag:$0x3], $0x80, s11, s15, $0xb8;
	[tilespmem:$0x1D000] =	vst v63  }
0x7a: {  	_ =	swait.ge [sflag:s18], $0x4000  }
0x7b: {  	[sflag:s18] =	ssyncset.done $0x0  }
0x7c: {  	s9 =	rddreg [dreg:$0xe];
	[sflag:s18] =	ssyncadd.s32 $0xFFFFC000  }
0x7d: {  	[spmem:s2] =	stream.indirect.scatter.add.f32 [tilespmem:s16], [sflag:$0x4], $0x80, s9, s15, $0xb8;
	[tilespmem:$0x1D000] =	vst v63  }
0x7e: {  	_ =	swait.ge [sflag:s19], $0x4000  }
0x7f: {  	[sflag:s19] =	ssyncset.done $0x0  }
0x80: {  	s10 =	rddreg [dreg:$0xf];
	[sflag:s19] =	ssyncadd.s32 $0xFFFFC000  }
0x81: {  	[tilespmem:s12], [sflag:$0x1] =	stream.indirect.gather [hbm4b:s4+s15], $0x80, s10, s15, $0xb8;
	[tilespmem:$0x1D000] =	vst v63  }
0x82: {  	_ =	swait.ge [sflag:s20], $0x4000  }
0x83: {  	[sflag:s20] =	ssyncset.done $0x0  }
0x84: {  	s11 =	rddreg [dreg:$0x10];
	[sflag:s20] =	ssyncadd.s32 $0xFFFFC000  }
0x85: {  	[tilespmem:s16], [sflag:$0x2] =	stream.indirect.gather [hbm4b:s4+s15], $0x80, s11, s15, $0xb8;
	[tilespmem:$0x1D000] =	vst v63  }
0x86: {  	_ =	swait.ge [sflag:s17], $0x4000  }
0x87: {  	[sflag:s17] =	ssyncset.done $0x0  }
0x88: {  	s9 =	rddreg [dreg:$0x11];
	[sflag:s17] =	ssyncadd.s32 $0xFFFFC000  }
0x89: {  	[spmem:s2] =	stream.indirect.scatter.add.f32 [tilespmem:s12], [sflag:$0x3], $0x80, s9, s15, $0xb8;
	[tilespmem:$0x1D000] =	vst v63  }
0x8a: {  	_ =	swait.ge [sflag:s18], $0x4000  }
0x8b: {  	[sflag:s18] =	ssyncset.done $0x0  }
0x8c: {  	s10 =	rddreg [dreg:$0x12];
	[sflag:s18] =	ssyncadd.s32 $0xFFFFC000  }
0x8d: {  	[spmem:s2] =	stream.indirect.scatter.add.f32 [tilespmem:s16], [sflag:$0x4], $0x80, s10, s15, $0xb8;
	[tilespmem:$0x1D000] =	vst v63  }
0x8e: {  	_ =	swait.ge [sflag:s19], $0x4000  }
0x8f: {  	[sflag:s19] =	ssyncset.done $0x0  }
0x90: {  	s11 =	rddreg [dreg:$0x13];
	[sflag:s19] =	ssyncadd.s32 $0xFFFFC000  }
0x91: {  	[tilespmem:s12], [sflag:$0x1] =	stream.indirect.gather [hbm4b:s4+s15], $0x80, s11, s15, $0xb8;
	[tilespmem:$0x1D000] =	vst v63  }
0x92: {  	_ =	swait.ge [sflag:s20], $0x4000  }
0x93: {  	[sflag:s20] =	ssyncset.done $0x0  }
0x94: {  	[sflag:s20] =	ssyncadd.s32 $0xFFFFC000  }
0x95: {  	[tilespmem:s16], [sflag:$0x2] =	stream.indirect.gather [hbm4b:s4+s15], $0x80, s21, s15, $0xb8;
	[tilespmem:$0x1D000] =	vst v63  }
0x96: {  	_ =	swait.ge [sflag:s17], $0x4000  }
0x97: {  	[sflag:s17] =	ssyncset.done $0x0  }
0x98: {  	[sflag:s17] =	ssyncadd.s32 $0xFFFFC000  }
0x99: {  	[spmem:s2] =	stream.indirect.scatter.add.f32 [tilespmem:s12], [sflag:$0x3], $0x80, s22, s15, $0xb8;
	[tilespmem:$0x1D000] =	vst v63  }
0x9a: {  	_ =	swait.ge [sflag:s18], $0x4000  }
0x9b: {  	[sflag:s18] =	ssyncset.done $0x0  }
0x9c: {  	[sflag:s18] =	ssyncadd.s32 $0xFFFFC000  }
0x9d: {  	[spmem:s2] =	stream.indirect.scatter.add.f32 [tilespmem:s16], [sflag:$0x4], $0x80, s23, s15, $0xb8;
	[tilespmem:$0x1D000] =	vst v63  }
0x9e: {  	_ =	swait.ge [sflag:s19], $0x4000  }
0x9f: {  	[sflag:s19] =	ssyncset.done $0x0  }
0xa0: {  	[sflag:s19] =	ssyncadd.s32 $0xFFFFC000  }
0xa1: {  	[tilespmem:s12], [sflag:$0x1] =	stream.indirect.gather [hbm4b:s4+s15], $0x80, s24, s15, $0xb8;
	[tilespmem:$0x1D000] =	vst v63  }
0xa2: {  	_ =	swait.ge [sflag:s20], $0x4000  }
0xa3: {  	[sflag:s20] =	ssyncset.done $0x0  }
0xa4: {  	[sflag:s20] =	ssyncadd.s32 $0xFFFFC000  }
0xa5: {  	[tilespmem:s16], [sflag:$0x2] =	stream.indirect.gather [hbm4b:s4+s15], $0x80, s25, s15, $0xb8;
	[tilespmem:$0x1D000] =	vst v63  }
0xa6: {  	_ =	swait.ge [sflag:s17], $0x4000  }
0xa7: {  	[sflag:s17] =	ssyncset.done $0x0  }
0xa8: {  	[sflag:s17] =	ssyncadd.s32 $0xFFFFC000  }
0xa9: {  	[spmem:s2] =	stream.indirect.scatter.add.f32 [tilespmem:s12], [sflag:$0x3], $0x80, s26, s15, $0xb8;
	[tilespmem:$0x1D000] =	vst v63  }
0xaa: {  	_ =	swait.ge [sflag:s18], $0x4000  }
0xab: {  	[sflag:s18] =	ssyncset.done $0x0  }
0xac: {  	[sflag:s18] =	ssyncadd.s32 $0xFFFFC000  }
0xad: {  	[spmem:s2] =	stream.indirect.scatter.add.f32 [tilespmem:s16], [sflag:$0x4], $0x80, s28, s15, $0xb8;
	[tilespmem:$0x1D000] =	vst v63  }
0xae: {  	_ =	swait.ge [sflag:s19], $0x4000  }
0xaf: {  	[sflag:s19] =	ssyncset.done $0x0  }
0xb0: {  	[sflag:s19] =	ssyncadd.s32 $0xFFFFC000  }
0xb1: {  	[tilespmem:s12], [sflag:$0x1] =	stream.indirect.gather [hbm4b:s4+s15], $0x80, s29, s15, $0xb8;
	[tilespmem:$0x1D000] =	vst v63  }
0xb2: {  	_ =	swait.ge [sflag:s20], $0x4000  }
0xb3: {  	[sflag:s20] =	ssyncset.done $0x0  }
0xb4: {  	[sflag:s20] =	ssyncadd.s32 $0xFFFFC000  }
0xb5: {  	[tilespmem:s16], [sflag:$0x2] =	stream.indirect.gather [hbm4b:s4+s15], $0x80, s30, s15, $0xb8;
	[tilespmem:$0x1D000] =	vst v63  }
0xb6: {  	_ =	swait.ge [sflag:s17], $0x4000  }
0xb7: {  	[sflag:s17] =	ssyncset.done $0x0  }
0xb8: {  	[sflag:s17] =	ssyncadd.s32 $0xFFFFC000  }
0xb9: {  	[spmem:s2] =	stream.indirect.scatter.add.f32 [tilespmem:s12], [sflag:$0x3], $0x80, s31, s15, $0xb8;
	[tilespmem:$0x1D000] =	vst v63  }
0xba: {  	_ =	swait.ge [sflag:s18], $0x4000  }
0xbb: {  	[sflag:s18] =	ssyncset.done $0x0  }
0xbc: {  	[sflag:s18] =	ssyncadd.s32 $0xFFFFC000  }
0xbd: {  	[spmem:s2] =	stream.indirect.scatter.add.f32 [tilespmem:s16], [sflag:$0x4], $0x80, s0, s15, $0xb8;
	[tilespmem:$0x1D000] =	vst v63  }
0xbe: {  	_ =	swait.ge [sflag:s19], $0x4000  }
0xbf: {  	[sflag:s19] =	ssyncset.done $0x0  }
0xc0: {  	[sflag:s19] =	ssyncadd.s32 $0xFFFFC000  }
0xc1: {  	[tilespmem:s12], [sflag:$0x1] =	stream.indirect.gather [hbm4b:s4+s15], $0x80, s1, s15, $0xb8;
	[tilespmem:$0x1D000] =	vst v63  }
0xc2: {  	_ =	swait.ge [sflag:s20], $0x4000  }
0xc3: {  	[sflag:s20] =	ssyncset.done $0x0  }
0xc4: {  	[sflag:s20] =	ssyncadd.s32 $0xFFFFC000  }
0xc5: {  	[tilespmem:s16], [sflag:$0x2] =	stream.indirect.gather [hbm4b:s4+s15], $0x80, s6, s15, $0xb8;
	[tilespmem:$0x1D000] =	vst v63  }
0xc6: {  	_ =	swait.ge [sflag:s17], $0x4000  }
0xc7: {  	[sflag:s17] =	ssyncset.done $0x0  }
0xc8: {  	[sflag:s17] =	ssyncadd.s32 $0xFFFFC000  }
0xc9: {  	[spmem:s2] =	stream.indirect.scatter.add.f32 [tilespmem:s12], [sflag:$0x3], $0x80, s7, s15, $0xb8;
	[tilespmem:$0x1D000] =	vst v63  }
0xca: {  	_ =	swait.ge [sflag:s18], $0x4000  }
0xcb: {  	[sflag:s18] =	ssyncset.done $0x0  }
0xcc: {  	[sflag:s18] =	ssyncadd.s32 $0xFFFFC000  }
0xcd: {  	[spmem:s2] =	stream.indirect.scatter.add.f32 [tilespmem:s16], [sflag:$0x4], $0x80, s8, s15, $0xb8;
	[tilespmem:$0x1D000] =	vst v63  }
0xce: {  	_ =	swait.ge [sflag:s19], $0x4000  }
0xcf: {  	[sflag:s19] =	ssyncset.done $0x0  }
0xd0: {  	[sflag:s19] =	ssyncadd.s32 $0xFFFFC000  }
0xd1: {  	s10 =	simm.s32 $0x100;
	_ =	swait.ge [sflag:s20], $0x4000  }
0xd2: {  	s11 =	simm.s32 $0x200;
	s5 =	rddreg [dreg:$0x5];
	[sflag:s20] =	ssyncset.done $0x0  }
.LBB2_4:
0xd3: {  	[sflag:s20] =	ssyncadd.s32 $0xFFFFC000;
	s5 =	sadd.s32 s10, s5  }
0xd4: {  	[tilespmem:s3], [sflag:$0x5] =	stream.linear.gather [hbm4b:s5+s3], $0x800, $0x38;
	[tilespmem:$0x1D000] =	vst v63  }
0xd5: {  	_ =	swait.ge [sflag:s13], $0x800  }
0xd6: {  	s5 =	rddreg [dreg:$0x4];
	[sflag:s13] =	ssyncset.done $0x0  }
0xd7: {  	[sflag:s13] =	ssyncadd.s32 $0xFFFFF800;
	s5 =	sadd.s32 s10, s5  }
0xd8: {  	[tilespmem:s14], [sflag:$0x5] =	stream.linear.gather [hbm4b:s5+s3], $0x800, $0x38;
	[tilespmem:$0x1D000] =	vst v63  }
0xd9: {  	_ =	swait.ge [sflag:s13], $0x800  }
0xda: {  	[sflag:s13] =	ssyncset.done $0x0  }
0xdb: {  	[sflag:s13] =	ssyncadd.s32 $0xFFFFF800  }
0xdc: {  	[tilespmem:s12], [sflag:$0x1] =	stream.indirect.gather [hbm4b:s4+s15], $0x80, s3, s15, $0xb8;
	[tilespmem:$0x1D000] =	vst v63  }
0xdd: {  	_ = 	snop  }
0xde: {  	[tilespmem:s16], [sflag:$0x2] =	stream.indirect.gather [hbm4b:s4+s15], $0x80, s15, s15, $0xb8;
	[tilespmem:$0x1D000] =	vst v63  }
0xdf: {  	_ =	swait.ge [sflag:s17], $0x4000  }
0xe0: {  	[sflag:s17] =	ssyncset.done $0x0  }
0xe1: {  	[sflag:s17] =	ssyncadd.s32 $0xFFFFC000  }
0xe2: {  	[spmem:s2] =	stream.indirect.scatter.add.f32 [tilespmem:s12], [sflag:$0x3], $0x80, s14, s15, $0xb8;
	[tilespmem:$0x1D000] =	vst v63  }
0xe3: {  	_ =	swait.ge [sflag:s18], $0x4000  }
0xe4: {  	s9 =	smov.u32 s11;
	[sflag:s18] =	ssyncset.done $0x0  }
0xe5: {  	s10 =	smov.u32 s9;
	s9 =	rddreg [dreg:$0x6];
	[sflag:s18] =	ssyncadd.s32 $0xFFFFC000  }
0xe6: {  	[spmem:s2] =	stream.indirect.scatter.add.f32 [tilespmem:s16], [sflag:$0x4], $0x80, s9, s15, $0xb8;
	[tilespmem:$0x1D000] =	vst v63  }
0xe7: {  	_ =	swait.ge [sflag:s19], $0x4000  }
0xe8: {  	[sflag:s19] =	ssyncset.done $0x0  }
0xe9: {  	s9 =	rddreg [dreg:$0x7];
	[sflag:s19] =	ssyncadd.s32 $0xFFFFC000  }
0xea: {  	[tilespmem:s12], [sflag:$0x1] =	stream.indirect.gather [hbm4b:s4+s15], $0x80, s9, s15, $0xb8;
	[tilespmem:$0x1D000] =	vst v63  }
0xeb: {  	_ =	swait.ge [sflag:s20], $0x4000  }
0xec: {  	[sflag:s20] =	ssyncset.done $0x0  }
0xed: {  	s9 =	rddreg [dreg:$0x8];
	[sflag:s20] =	ssyncadd.s32 $0xFFFFC000  }
0xee: {  	[tilespmem:s16], [sflag:$0x2] =	stream.indirect.gather [hbm4b:s4+s15], $0x80, s9, s15, $0xb8;
	[tilespmem:$0x1D000] =	vst v63  }
0xef: {  	_ =	swait.ge [sflag:s17], $0x4000  }
0xf0: {  	[sflag:s17] =	ssyncset.done $0x0  }
0xf1: {  	s9 =	rddreg [dreg:$0x9];
	[sflag:s17] =	ssyncadd.s32 $0xFFFFC000  }
0xf2: {  	[spmem:s2] =	stream.indirect.scatter.add.f32 [tilespmem:s12], [sflag:$0x3], $0x80, s9, s15, $0xb8;
	[tilespmem:$0x1D000] =	vst v63  }
0xf3: {  	_ =	swait.ge [sflag:s18], $0x4000  }
0xf4: {  	[sflag:s18] =	ssyncset.done $0x0  }
0xf5: {  	s9 =	rddreg [dreg:$0xa];
	[sflag:s18] =	ssyncadd.s32 $0xFFFFC000  }
0xf6: {  	[spmem:s2] =	stream.indirect.scatter.add.f32 [tilespmem:s16], [sflag:$0x4], $0x80, s9, s15, $0xb8;
	[tilespmem:$0x1D000] =	vst v63  }
0xf7: {  	_ =	swait.ge [sflag:s19], $0x4000  }
0xf8: {  	[sflag:s19] =	ssyncset.done $0x0  }
0xf9: {  	s9 =	rddreg [dreg:$0xb];
	[sflag:s19] =	ssyncadd.s32 $0xFFFFC000  }
0xfa: {  	[tilespmem:s12], [sflag:$0x1] =	stream.indirect.gather [hbm4b:s4+s15], $0x80, s9, s15, $0xb8;
	[tilespmem:$0x1D000] =	vst v63  }
0xfb: {  	_ =	swait.ge [sflag:s20], $0x4000  }
0xfc: {  	[sflag:s20] =	ssyncset.done $0x0  }
0xfd: {  	s9 =	rddreg [dreg:$0xc];
	[sflag:s20] =	ssyncadd.s32 $0xFFFFC000  }
0xfe: {  	[tilespmem:s16], [sflag:$0x2] =	stream.indirect.gather [hbm4b:s4+s15], $0x80, s9, s15, $0xb8;
	[tilespmem:$0x1D000] =	vst v63  }
0xff: {  	_ =	swait.ge [sflag:s17], $0x4000  }
0x100: {  	[sflag:s17] =	ssyncset.done $0x0  }
0x101: {  	s9 =	rddreg [dreg:$0xd];
	[sflag:s17] =	ssyncadd.s32 $0xFFFFC000  }
0x102: {  	[spmem:s2] =	stream.indirect.scatter.add.f32 [tilespmem:s12], [sflag:$0x3], $0x80, s9, s15, $0xb8;
	[tilespmem:$0x1D000] =	vst v63  }
0x103: {  	_ =	swait.ge [sflag:s18], $0x4000  }
0x104: {  	[sflag:s18] =	ssyncset.done $0x0  }
0x105: {  	s9 =	rddreg [dreg:$0xe];
	[sflag:s18] =	ssyncadd.s32 $0xFFFFC000  }
0x106: {  	[spmem:s2] =	stream.indirect.scatter.add.f32 [tilespmem:s16], [sflag:$0x4], $0x80, s9, s15, $0xb8;
	[tilespmem:$0x1D000] =	vst v63  }
0x107: {  	_ =	swait.ge [sflag:s19], $0x4000  }
0x108: {  	[sflag:s19] =	ssyncset.done $0x0  }
0x109: {  	s9 =	rddreg [dreg:$0xf];
	[sflag:s19] =	ssyncadd.s32 $0xFFFFC000  }
0x10a: {  	[tilespmem:s12], [sflag:$0x1] =	stream.indirect.gather [hbm4b:s4+s15], $0x80, s9, s15, $0xb8;
	[tilespmem:$0x1D000] =	vst v63  }
0x10b: {  	_ =	swait.ge [sflag:s20], $0x4000  }
0x10c: {  	[sflag:s20] =	ssyncset.done $0x0  }
0x10d: {  	s9 =	rddreg [dreg:$0x10];
	[sflag:s20] =	ssyncadd.s32 $0xFFFFC000  }
0x10e: {  	[tilespmem:s16], [sflag:$0x2] =	stream.indirect.gather [hbm4b:s4+s15], $0x80, s9, s15, $0xb8;
	[tilespmem:$0x1D000] =	vst v63  }
0x10f: {  	_ =	swait.ge [sflag:s17], $0x4000  }
0x110: {  	[sflag:s17] =	ssyncset.done $0x0  }
0x111: {  	s9 =	rddreg [dreg:$0x11];
	[sflag:s17] =	ssyncadd.s32 $0xFFFFC000  }
0x112: {  	[spmem:s2] =	stream.indirect.scatter.add.f32 [tilespmem:s12], [sflag:$0x3], $0x80, s9, s15, $0xb8;
	[tilespmem:$0x1D000] =	vst v63  }
0x113: {  	_ =	swait.ge [sflag:s18], $0x4000  }
0x114: {  	[sflag:s18] =	ssyncset.done $0x0  }
0x115: {  	s9 =	rddreg [dreg:$0x12];
	[sflag:s18] =	ssyncadd.s32 $0xFFFFC000  }
0x116: {  	[spmem:s2] =	stream.indirect.scatter.add.f32 [tilespmem:s16], [sflag:$0x4], $0x80, s9, s15, $0xb8;
	[tilespmem:$0x1D000] =	vst v63  }
0x117: {  	_ =	swait.ge [sflag:s19], $0x4000  }
0x118: {  	[sflag:s19] =	ssyncset.done $0x0  }
0x119: {  	s9 =	rddreg [dreg:$0x13];
	[sflag:s19] =	ssyncadd.s32 $0xFFFFC000  }
0x11a: {  	[tilespmem:s12], [sflag:$0x1] =	stream.indirect.gather [hbm4b:s4+s15], $0x80, s9, s15, $0xb8;
	[tilespmem:$0x1D000] =	vst v63  }
0x11b: {  	_ =	swait.ge [sflag:s20], $0x4000  }
0x11c: {  	[sflag:s20] =	ssyncset.done $0x0  }
0x11d: {  	[sflag:s20] =	ssyncadd.s32 $0xFFFFC000  }
0x11e: {  	[tilespmem:s16], [sflag:$0x2] =	stream.indirect.gather [hbm4b:s4+s15], $0x80, s21, s15, $0xb8;
	[tilespmem:$0x1D000] =	vst v63  }
0x11f: {  	_ =	swait.ge [sflag:s17], $0x4000  }
0x120: {  	[sflag:s17] =	ssyncset.done $0x0  }
0x121: {  	[sflag:s17] =	ssyncadd.s32 $0xFFFFC000  }
0x122: {  	[spmem:s2] =	stream.indirect.scatter.add.f32 [tilespmem:s12], [sflag:$0x3], $0x80, s22, s15, $0xb8;
	[tilespmem:$0x1D000] =	vst v63  }
0x123: {  	_ =	swait.ge [sflag:s18], $0x4000  }
0x124: {  	[sflag:s18] =	ssyncset.done $0x0  }
0x125: {  	[sflag:s18] =	ssyncadd.s32 $0xFFFFC000  }
0x126: {  	[spmem:s2] =	stream.indirect.scatter.add.f32 [tilespmem:s16], [sflag:$0x4], $0x80, s23, s15, $0xb8;
	[tilespmem:$0x1D000] =	vst v63  }
0x127: {  	_ =	swait.ge [sflag:s19], $0x4000  }
0x128: {  	[sflag:s19] =	ssyncset.done $0x0  }
0x129: {  	[sflag:s19] =	ssyncadd.s32 $0xFFFFC000  }
0x12a: {  	[tilespmem:s12], [sflag:$0x1] =	stream.indirect.gather [hbm4b:s4+s15], $0x80, s24, s15, $0xb8;
	[tilespmem:$0x1D000] =	vst v63  }
0x12b: {  	_ =	swait.ge [sflag:s20], $0x4000  }
0x12c: {  	[sflag:s20] =	ssyncset.done $0x0  }
0x12d: {  	[sflag:s20] =	ssyncadd.s32 $0xFFFFC000  }
0x12e: {  	[tilespmem:s16], [sflag:$0x2] =	stream.indirect.gather [hbm4b:s4+s15], $0x80, s25, s15, $0xb8;
	[tilespmem:$0x1D000] =	vst v63  }
0x12f: {  	_ =	swait.ge [sflag:s17], $0x4000  }
0x130: {  	[sflag:s17] =	ssyncset.done $0x0  }
0x131: {  	[sflag:s17] =	ssyncadd.s32 $0xFFFFC000  }
0x132: {  	[spmem:s2] =	stream.indirect.scatter.add.f32 [tilespmem:s12], [sflag:$0x3], $0x80, s26, s15, $0xb8;
	[tilespmem:$0x1D000] =	vst v63  }
0x133: {  	_ =	swait.ge [sflag:s18], $0x4000  }
0x134: {  	[sflag:s18] =	ssyncset.done $0x0  }
0x135: {  	[sflag:s18] =	ssyncadd.s32 $0xFFFFC000  }
0x136: {  	[spmem:s2] =	stream.indirect.scatter.add.f32 [tilespmem:s16], [sflag:$0x4], $0x80, s28, s15, $0xb8;
	[tilespmem:$0x1D000] =	vst v63  }
0x137: {  	_ =	swait.ge [sflag:s19], $0x4000  }
0x138: {  	[sflag:s19] =	ssyncset.done $0x0  }
0x139: {  	[sflag:s19] =	ssyncadd.s32 $0xFFFFC000  }
0x13a: {  	[tilespmem:s12], [sflag:$0x1] =	stream.indirect.gather [hbm4b:s4+s15], $0x80, s29, s15, $0xb8;
	[tilespmem:$0x1D000] =	vst v63  }
0x13b: {  	_ =	swait.ge [sflag:s20], $0x4000  }
0x13c: {  	[sflag:s20] =	ssyncset.done $0x0  }
0x13d: {  	[sflag:s20] =	ssyncadd.s32 $0xFFFFC000  }
0x13e: {  	[tilespmem:s16], [sflag:$0x2] =	stream.indirect.gather [hbm4b:s4+s15], $0x80, s30, s15, $0xb8;
	[tilespmem:$0x1D000] =	vst v63  }
0x13f: {  	_ =	swait.ge [sflag:s17], $0x4000  }
0x140: {  	[sflag:s17] =	ssyncset.done $0x0  }
0x141: {  	[sflag:s17] =	ssyncadd.s32 $0xFFFFC000  }
0x142: {  	[spmem:s2] =	stream.indirect.scatter.add.f32 [tilespmem:s12], [sflag:$0x3], $0x80, s31, s15, $0xb8;
	[tilespmem:$0x1D000] =	vst v63  }
0x143: {  	_ =	swait.ge [sflag:s18], $0x4000  }
0x144: {  	[sflag:s18] =	ssyncset.done $0x0  }
0x145: {  	[sflag:s18] =	ssyncadd.s32 $0xFFFFC000  }
0x146: {  	[spmem:s2] =	stream.indirect.scatter.add.f32 [tilespmem:s16], [sflag:$0x4], $0x80, s0, s15, $0xb8;
	[tilespmem:$0x1D000] =	vst v63  }
0x147: {  	_ =	swait.ge [sflag:s19], $0x4000  }
0x148: {  	[sflag:s19] =	ssyncset.done $0x0  }
0x149: {  	[sflag:s19] =	ssyncadd.s32 $0xFFFFC000  }
0x14a: {  	[tilespmem:s12], [sflag:$0x1] =	stream.indirect.gather [hbm4b:s4+s15], $0x80, s1, s15, $0xb8;
	[tilespmem:$0x1D000] =	vst v63  }
0x14b: {  	_ =	swait.ge [sflag:s20], $0x4000  }
0x14c: {  	[sflag:s20] =	ssyncset.done $0x0  }
0x14d: {  	[sflag:s20] =	ssyncadd.s32 $0xFFFFC000  }
0x14e: {  	[tilespmem:s16], [sflag:$0x2] =	stream.indirect.gather [hbm4b:s4+s15], $0x80, s6, s15, $0xb8;
	[tilespmem:$0x1D000] =	vst v63  }
0x14f: {  	_ =	swait.ge [sflag:s17], $0x4000  }
0x150: {  	[sflag:s17] =	ssyncset.done $0x0  }
0x151: {  	[sflag:s17] =	ssyncadd.s32 $0xFFFFC000  }
0x152: {  	[spmem:s2] =	stream.indirect.scatter.add.f32 [tilespmem:s12], [sflag:$0x3], $0x80, s7, s15, $0xb8;
	[tilespmem:$0x1D000] =	vst v63  }
0x153: {  	_ =	swait.ge [sflag:s18], $0x4000  }
0x154: {  	[sflag:s18] =	ssyncset.done $0x0  }
0x155: {  	p0 =	sne.s32 s11, $0x900;
	[sflag:s18] =	ssyncadd.s32 $0xFFFFC000  }
0x156: {  	[spmem:s2] =	stream.indirect.scatter.add.f32 [tilespmem:s16], [sflag:$0x4], $0x80, s8, s15, $0xb8;
	[tilespmem:$0x1D000] =	vst v63  }
.Ltmp1:
0x157: {  	_ =	swait.ge [sflag:s19], $0x4000;
	(pc) =	sbr.rel @p0 .LBB2_4-.Ltmp1, $4  }
0x158: {  	[sflag:s19] =	ssyncset.done $0x0  }
0x159: {  	[sflag:s19] =	ssyncadd.s32 $0xFFFFC000  }
0x15a: {  	_ =	swait.ge [sflag:s20], $0x4000  }
0x15b: {  	s11 =	sadd.s32 $0x100, s11;
	s5 =	rddreg [dreg:$0x5];
	[sflag:s20] =	ssyncset.done $0x0  }
0x15c: {  	[sflag:s20] =	ssyncadd.s32 $0xFFFFC000;
	s5 =	sadd.s32 s10, s5  }
0x15d: {  	[tilespmem:s3], [sflag:$0x5] =	stream.linear.gather [hbm4b:s5+s3], $0x800, $0x38;
	[tilespmem:$0x1D000] =	vst v63  }
0x15e: {  	_ =	swait.ge [sflag:s13], $0x800  }
0x15f: {  	s9 =	rddreg [dreg:$0x4];
	[sflag:s13] =	ssyncset.done $0x0  }
0x160: {  	[sflag:s13] =	ssyncadd.s32 $0xFFFFF800;
	s5 =	sadd.s32 s10, s9  }
0x161: {  	[tilespmem:s14], [sflag:$0x5] =	stream.linear.gather [hbm4b:s5+s3], $0x800, $0x38;
	[tilespmem:$0x1D000] =	vst v63  }
0x162: {  	_ =	swait.ge [sflag:s13], $0x800  }
0x163: {  	[sflag:s13] =	ssyncset.done $0x0  }
0x164: {  	[sflag:s13] =	ssyncadd.s32 $0xFFFFF800  }
0x165: {  	[tilespmem:s12], [sflag:$0x1] =	stream.indirect.gather [hbm4b:s4+s15], $0x80, s3, s15, $0xb8;
	[tilespmem:$0x1D000] =	vst v63  }
0x166: {  	_ = 	snop  }
0x167: {  	[tilespmem:s16], [sflag:$0x2] =	stream.indirect.gather [hbm4b:s4+s15], $0x80, s15, s15, $0xb8;
	[tilespmem:$0x1D000] =	vst v63  }
0x168: {  	_ =	swait.ge [sflag:s17], $0x4000  }
0x169: {  	[sflag:s17] =	ssyncset.done $0x0  }
0x16a: {  	[sflag:s17] =	ssyncadd.s32 $0xFFFFC000  }
0x16b: {  	[spmem:s2] =	stream.indirect.scatter.add.f32 [tilespmem:s12], [sflag:$0x3], $0x80, s14, s15, $0xb8;
	[tilespmem:$0x1D000] =	vst v63  }
0x16c: {  	_ =	swait.ge [sflag:s18], $0x4000  }
0x16d: {  	[sflag:s18] =	ssyncset.done $0x0  }
0x16e: {  	s11 =	rddreg [dreg:$0x6];
	[sflag:s18] =	ssyncadd.s32 $0xFFFFC000  }
0x16f: {  	[spmem:s2] =	stream.indirect.scatter.add.f32 [tilespmem:s16], [sflag:$0x4], $0x80, s11, s15, $0xb8;
	[tilespmem:$0x1D000] =	vst v63  }
0x170: {  	_ =	swait.ge [sflag:s19], $0x4000  }
0x171: {  	[sflag:s19] =	ssyncset.done $0x0  }
0x172: {  	s9 =	rddreg [dreg:$0x7];
	[sflag:s19] =	ssyncadd.s32 $0xFFFFC000  }
0x173: {  	[tilespmem:s12], [sflag:$0x1] =	stream.indirect.gather [hbm4b:s4+s15], $0x80, s9, s15, $0xb8;
	[tilespmem:$0x1D000] =	vst v63  }
0x174: {  	_ =	swait.ge [sflag:s20], $0x4000  }
0x175: {  	[sflag:s20] =	ssyncset.done $0x0  }
0x176: {  	s10 =	rddreg [dreg:$0x8];
	[sflag:s20] =	ssyncadd.s32 $0xFFFFC000  }
0x177: {  	[tilespmem:s16], [sflag:$0x2] =	stream.indirect.gather [hbm4b:s4+s15], $0x80, s10, s15, $0xb8;
	[tilespmem:$0x1D000] =	vst v63  }
0x178: {  	_ =	swait.ge [sflag:s17], $0x4000  }
0x179: {  	[sflag:s17] =	ssyncset.done $0x0  }
0x17a: {  	s11 =	rddreg [dreg:$0x9];
	[sflag:s17] =	ssyncadd.s32 $0xFFFFC000  }
0x17b: {  	[spmem:s2] =	stream.indirect.scatter.add.f32 [tilespmem:s12], [sflag:$0x3], $0x80, s11, s15, $0xb8;
	[tilespmem:$0x1D000] =	vst v63  }
0x17c: {  	_ =	swait.ge [sflag:s18], $0x4000  }
0x17d: {  	[sflag:s18] =	ssyncset.done $0x0  }
0x17e: {  	s9 =	rddreg [dreg:$0xa];
	[sflag:s18] =	ssyncadd.s32 $0xFFFFC000  }
0x17f: {  	[spmem:s2] =	stream.indirect.scatter.add.f32 [tilespmem:s16], [sflag:$0x4], $0x80, s9, s15, $0xb8;
	[tilespmem:$0x1D000] =	vst v63  }
0x180: {  	_ =	swait.ge [sflag:s19], $0x4000  }
0x181: {  	[sflag:s19] =	ssyncset.done $0x0  }
0x182: {  	s10 =	rddreg [dreg:$0xb];
	[sflag:s19] =	ssyncadd.s32 $0xFFFFC000  }
0x183: {  	[tilespmem:s12], [sflag:$0x1] =	stream.indirect.gather [hbm4b:s4+s15], $0x80, s10, s15, $0xb8;
	[tilespmem:$0x1D000] =	vst v63  }
0x184: {  	_ =	swait.ge [sflag:s20], $0x4000  }
0x185: {  	[sflag:s20] =	ssyncset.done $0x0  }
0x186: {  	s11 =	rddreg [dreg:$0xc];
	[sflag:s20] =	ssyncadd.s32 $0xFFFFC000  }
0x187: {  	[tilespmem:s16], [sflag:$0x2] =	stream.indirect.gather [hbm4b:s4+s15], $0x80, s11, s15, $0xb8;
	[tilespmem:$0x1D000] =	vst v63  }
0x188: {  	_ =	swait.ge [sflag:s17], $0x4000  }
0x189: {  	[sflag:s17] =	ssyncset.done $0x0  }
0x18a: {  	s9 =	rddreg [dreg:$0xd];
	[sflag:s17] =	ssyncadd.s32 $0xFFFFC000  }
0x18b: {  	[spmem:s2] =	stream.indirect.scatter.add.f32 [tilespmem:s12], [sflag:$0x3], $0x80, s9, s15, $0xb8;
	[tilespmem:$0x1D000] =	vst v63  }
0x18c: {  	_ =	swait.ge [sflag:s18], $0x4000  }
0x18d: {  	[sflag:s18] =	ssyncset.done $0x0  }
0x18e: {  	s10 =	rddreg [dreg:$0xe];
	[sflag:s18] =	ssyncadd.s32 $0xFFFFC000  }
0x18f: {  	[spmem:s2] =	stream.indirect.scatter.add.f32 [tilespmem:s16], [sflag:$0x4], $0x80, s10, s15, $0xb8;
	[tilespmem:$0x1D000] =	vst v63  }
0x190: {  	_ =	swait.ge [sflag:s19], $0x4000  }
0x191: {  	[sflag:s19] =	ssyncset.done $0x0  }
0x192: {  	s11 =	rddreg [dreg:$0xf];
	[sflag:s19] =	ssyncadd.s32 $0xFFFFC000  }
0x193: {  	[tilespmem:s12], [sflag:$0x1] =	stream.indirect.gather [hbm4b:s4+s15], $0x80, s11, s15, $0xb8;
	[tilespmem:$0x1D000] =	vst v63  }
0x194: {  	_ =	swait.ge [sflag:s20], $0x4000  }
0x195: {  	[sflag:s20] =	ssyncset.done $0x0  }
0x196: {  	s9 =	rddreg [dreg:$0x10];
	[sflag:s20] =	ssyncadd.s32 $0xFFFFC000  }
0x197: {  	[tilespmem:s16], [sflag:$0x2] =	stream.indirect.gather [hbm4b:s4+s15], $0x80, s9, s15, $0xb8;
	[tilespmem:$0x1D000] =	vst v63  }
0x198: {  	_ =	swait.ge [sflag:s17], $0x4000  }
0x199: {  	[sflag:s17] =	ssyncset.done $0x0  }
0x19a: {  	s10 =	rddreg [dreg:$0x11];
	[sflag:s17] =	ssyncadd.s32 $0xFFFFC000  }
0x19b: {  	[spmem:s2] =	stream.indirect.scatter.add.f32 [tilespmem:s12], [sflag:$0x3], $0x80, s10, s15, $0xb8;
	[tilespmem:$0x1D000] =	vst v63  }
0x19c: {  	_ =	swait.ge [sflag:s18], $0x4000  }
0x19d: {  	[sflag:s18] =	ssyncset.done $0x0  }
0x19e: {  	s11 =	rddreg [dreg:$0x12];
	[sflag:s18] =	ssyncadd.s32 $0xFFFFC000  }
0x19f: {  	[spmem:s2] =	stream.indirect.scatter.add.f32 [tilespmem:s16], [sflag:$0x4], $0x80, s11, s15, $0xb8;
	[tilespmem:$0x1D000] =	vst v63  }
0x1a0: {  	_ =	swait.ge [sflag:s19], $0x4000  }
0x1a1: {  	[sflag:s19] =	ssyncset.done $0x0  }
0x1a2: {  	s9 =	rddreg [dreg:$0x13];
	[sflag:s19] =	ssyncadd.s32 $0xFFFFC000  }
0x1a3: {  	[tilespmem:s12], [sflag:$0x1] =	stream.indirect.gather [hbm4b:s4+s15], $0x80, s9, s15, $0xb8;
	[tilespmem:$0x1D000] =	vst v63  }
0x1a4: {  	_ =	swait.ge [sflag:s20], $0x4000  }
0x1a5: {  	[sflag:s20] =	ssyncset.done $0x0  }
0x1a6: {  	[sflag:s20] =	ssyncadd.s32 $0xFFFFC000  }
0x1a7: {  	[tilespmem:s16], [sflag:$0x2] =	stream.indirect.gather [hbm4b:s4+s15], $0x80, s21, s15, $0xb8;
	[tilespmem:$0x1D000] =	vst v63  }
0x1a8: {  	_ =	swait.ge [sflag:s17], $0x4000  }
0x1a9: {  	[sflag:s17] =	ssyncset.done $0x0  }
0x1aa: {  	[sflag:s17] =	ssyncadd.s32 $0xFFFFC000  }
0x1ab: {  	[spmem:s2] =	stream.indirect.scatter.add.f32 [tilespmem:s12], [sflag:$0x3], $0x80, s22, s15, $0xb8;
	[tilespmem:$0x1D000] =	vst v63  }
0x1ac: {  	_ =	swait.ge [sflag:s18], $0x4000  }
0x1ad: {  	[sflag:s18] =	ssyncset.done $0x0  }
0x1ae: {  	[sflag:s18] =	ssyncadd.s32 $0xFFFFC000  }
0x1af: {  	[spmem:s2] =	stream.indirect.scatter.add.f32 [tilespmem:s16], [sflag:$0x4], $0x80, s23, s15, $0xb8;
	[tilespmem:$0x1D000] =	vst v63  }
0x1b0: {  	_ =	swait.ge [sflag:s19], $0x4000  }
0x1b1: {  	[sflag:s19] =	ssyncset.done $0x0  }
0x1b2: {  	[sflag:s19] =	ssyncadd.s32 $0xFFFFC000  }
0x1b3: {  	[tilespmem:s12], [sflag:$0x1] =	stream.indirect.gather [hbm4b:s4+s15], $0x80, s24, s15, $0xb8;
	[tilespmem:$0x1D000] =	vst v63  }
0x1b4: {  	_ =	swait.ge [sflag:s20], $0x4000  }
0x1b5: {  	[sflag:s20] =	ssyncset.done $0x0  }
0x1b6: {  	[sflag:s20] =	ssyncadd.s32 $0xFFFFC000  }
0x1b7: {  	[tilespmem:s16], [sflag:$0x2] =	stream.indirect.gather [hbm4b:s4+s15], $0x80, s25, s15, $0xb8;
	[tilespmem:$0x1D000] =	vst v63  }
0x1b8: {  	_ =	swait.ge [sflag:s17], $0x4000  }
0x1b9: {  	[sflag:s17] =	ssyncset.done $0x0  }
0x1ba: {  	[sflag:s17] =	ssyncadd.s32 $0xFFFFC000  }
0x1bb: {  	[spmem:s2] =	stream.indirect.scatter.add.f32 [tilespmem:s12], [sflag:$0x3], $0x80, s26, s15, $0xb8;
	[tilespmem:$0x1D000] =	vst v63  }
0x1bc: {  	_ =	swait.ge [sflag:s18], $0x4000  }
0x1bd: {  	[sflag:s18] =	ssyncset.done $0x0  }
0x1be: {  	[sflag:s18] =	ssyncadd.s32 $0xFFFFC000  }
0x1bf: {  	[spmem:s2] =	stream.indirect.scatter.add.f32 [tilespmem:s16], [sflag:$0x4], $0x80, s28, s15, $0xb8;
	[tilespmem:$0x1D000] =	vst v63  }
0x1c0: {  	_ =	swait.ge [sflag:s19], $0x4000  }
0x1c1: {  	[sflag:s19] =	ssyncset.done $0x0  }
0x1c2: {  	[sflag:s19] =	ssyncadd.s32 $0xFFFFC000  }
0x1c3: {  	[tilespmem:s12], [sflag:$0x1] =	stream.indirect.gather [hbm4b:s4+s15], $0x80, s29, s15, $0xb8;
	[tilespmem:$0x1D000] =	vst v63  }
0x1c4: {  	_ =	swait.ge [sflag:s20], $0x4000  }
0x1c5: {  	[sflag:s20] =	ssyncset.done $0x0  }
0x1c6: {  	[sflag:s20] =	ssyncadd.s32 $0xFFFFC000  }
0x1c7: {  	[tilespmem:s16], [sflag:$0x2] =	stream.indirect.gather [hbm4b:s4+s15], $0x80, s30, s15, $0xb8;
	[tilespmem:$0x1D000] =	vst v63  }
0x1c8: {  	_ =	swait.ge [sflag:s17], $0x4000  }
0x1c9: {  	[sflag:s17] =	ssyncset.done $0x0  }
0x1ca: {  	[sflag:s17] =	ssyncadd.s32 $0xFFFFC000  }
0x1cb: {  	[spmem:s2] =	stream.indirect.scatter.add.f32 [tilespmem:s12], [sflag:$0x3], $0x80, s31, s15, $0xb8;
	[tilespmem:$0x1D000] =	vst v63  }
0x1cc: {  	_ =	swait.ge [sflag:s18], $0x4000  }
0x1cd: {  	[sflag:s18] =	ssyncset.done $0x0  }
0x1ce: {  	[sflag:s18] =	ssyncadd.s32 $0xFFFFC000  }
0x1cf: {  	[spmem:s2] =	stream.indirect.scatter.add.f32 [tilespmem:s16], [sflag:$0x4], $0x80, s0, s15, $0xb8;
	[tilespmem:$0x1D000] =	vst v63  }
0x1d0: {  	_ =	swait.ge [sflag:s19], $0x4000  }
0x1d1: {  	[sflag:s19] =	ssyncset.done $0x0  }
0x1d2: {  	[sflag:s19] =	ssyncadd.s32 $0xFFFFC000  }
0x1d3: {  	[tilespmem:s12], [sflag:$0x1] =	stream.indirect.gather [hbm4b:s4+s15], $0x80, s1, s15, $0xb8;
	[tilespmem:$0x1D000] =	vst v63  }
0x1d4: {  	_ =	swait.ge [sflag:s20], $0x4000  }
0x1d5: {  	[sflag:s20] =	ssyncset.done $0x0  }
0x1d6: {  	[sflag:s20] =	ssyncadd.s32 $0xFFFFC000  }
0x1d7: {  	[tilespmem:s16], [sflag:$0x2] =	stream.indirect.gather [hbm4b:s4+s15], $0x80, s6, s15, $0xb8;
	[tilespmem:$0x1D000] =	vst v63  }
0x1d8: {  	_ =	swait.ge [sflag:s17], $0x4000  }
0x1d9: {  	[sflag:s17] =	ssyncset.done $0x0  }
0x1da: {  	[sflag:s17] =	ssyncadd.s32 $0xFFFFC000  }
0x1db: {  	[spmem:s2] =	stream.indirect.scatter.add.f32 [tilespmem:s12], [sflag:$0x3], $0x80, s7, s15, $0xb8;
	[tilespmem:$0x1D000] =	vst v63  }
0x1dc: {  	_ =	swait.ge [sflag:s18], $0x4000  }
0x1dd: {  	[sflag:s18] =	ssyncset.done $0x0  }
0x1de: {  	[sflag:s18] =	ssyncadd.s32 $0xFFFFC000  }
0x1df: {  	[spmem:s2] =	stream.indirect.scatter.add.f32 [tilespmem:s16], [sflag:$0x4], $0x80, s8, s15, $0xb8;
	[tilespmem:$0x1D000] =	vst v63  }
0x1e0: {  	_ =	swait.ge [sflag:s19], $0x4000  }
0x1e1: {  	[sflag:s19] =	ssyncset.done $0x0  }
0x1e2: {  	[sflag:s19] =	ssyncadd.s32 $0xFFFFC000  }
0x1e3: {  	_ =	swait.ge [sflag:s20], $0x4000  }
0x1e4: {  	[sflag:s20] =	ssyncset.done $0x0  }
0x1e5: {  	[sflag:s20] =	ssyncadd.s32 $0xFFFFC000  }
0x1e6: {  	s10 =	stileid.u32;
	[bflag:$0x0] =	sbarrier.arrive $0xFFFF  }
0x1e7: {  	s5 =	sshll.u32 s10, $0x6;
	s9 =	rddreg [dreg:$0x14]  }
0x1e8: {  	s5 =	sor.u32 $0x1C05, s5;
	s11 =	rddreg [dreg:$0x19];
	s9 =	sshrl.u32 s9, $0x3  }
0x1e9: {  	[hbm:s11], [sflag:s5] =	dma.local [spmem:s9], $0x2800  }
0x1ea: {  	_ =	swait.ge [sflag:s13], $0x2800  }
0x1eb: {  	s10 =	rddreg [dreg:$0x1b]  }
0x1ec: {  	s11 =	rddreg [dreg:$0x1a];
	s9 =	sadd.s32 $0x1, s10  }
0x1ed: {  	p0 =	sne.s32 s9, s11  }
.Ltmp2:
0x1ee: {  	_ = 	snop;
	(pc) =	sbr.rel @p0 .LBB2_1-.Ltmp2, $3  }
0x1ef: {  	_ =	sdelay $0x1  }
0x1f0: {  	[sflag:s13] =	ssyncset.done $0x0  }
0x1f1: {  	[sflag:s13] =	ssyncadd.s32 $0xFFFFD800  }
0x1f2: {  	_ =	sfence.sel $0x180000  }
0x1f3: {  	[bflag:$0x0] =	sbarrier.arrive $0xFFFF  }
0x1f4: {  	_ =	strace $0x90000047  }
0x1f5: {  	s0 =	stileid.u32;
	[bflag:$0x2] =	sbarrier.arrive $0xFFFF  }
0x1f6: {  	p0 =	sne.s32 s0, $0x0;
	s0 =	rddreg [dreg:$0x3]  }
0x1f7: {  	s0 =	sadd.s32 @!p0 $0x100000, s0  }
0x1f8: {  	[sflag:s0] =	ssyncadd.tile.s32 @!p0 $0x1;
	_ =	shalt  }
.Lfunc_end2:
_tile_overlayer_lowered:
.L_overlay_start_2:
0x1f9: {  	(tag) =	ssettag $0x2  }
0x1fa: {  	s0 =	rddreg [dreg:$0x0];
	s2 =	stileid.u32  }
0x1fb: {  	s1 =	rddreg [dreg:$0x1];
	p0 =	sne.s32 s2, $0x0  }
0x1fc: {  	s3 =	rddreg [dreg:$0x2];
	[bflag:$0x3] =	sbarrier.arrive $0xFFFF;
	s2 =	simm.s32 @!p0 $0x1C05  }
0x1fd: {  	[timem:s3], [sflag:s2] =	dma.local @!p0 [hbm:s0], s1  }
0x1fe: {  	s0 =	simm.s32 @!p0 $0x5  }
0x1ff: {  	_ =	swait.ge @!p0 [sflag:s0], s1  }
0x200: {  	s1 =	ssub.s32 @!p0 $0x0, s1;
	[sflag:s0] =	ssyncset.done @!p0 $0x0  }
0x201: {  	[sflag:s0] =	ssyncadd.s32 @!p0 s1  }
0x202: {  	[bflag:$0x3] =	sbarrier.arrive $0xFFFF  }
0x203: {  	_ =	shalt  }

// kernel: kernel.14.cloned.1.call-start
scs
__scs_entry_jumppad:
0x0: {  	(pc) =	sbr.rel $0x88, $3  }
0x1: {  	(tag) =	ssettag $0x0;
	lr =	simm.s32 $0x1  }
0x2: {  	[smem:$0x3F8F] =	sst lr;
	_ =	strace $0xD0000000  }
0x3: {  	_ = 	snop  }
0x4: {  	_ = 	snop  }
0x5: {  	_ = 	snop  }
0x6: {  	_ = 	snop  }
0x7: {  	_ = 	snop  }
__scs_overlays_trampoline_lowered:
0x8: {  	[smem:$0x3F9E] =	sst s0  }
0x9: {  	[smem:$0x3F9F] =	sst s1  }
0xa: {  	[smem:$0x3FA0] =	sst s2  }
0xb: {  	[smem:$0x3FA1] =	sst s3  }
0xc: {  	[smem:$0x3FA2] =	sst s4  }
0xd: {  	[smem:$0x3FA3] =	sst s5  }
0xe: {  	[smem:$0x3FA4] =	sst s6  }
0xf: {  	[smem:$0x3FA5] =	sst s7  }
0x10: {  	[smem:$0x3FA6] =	sst s8  }
0x11: {  	[smem:$0x3FA7] =	sst s9;
	s0 =	simm.s32 @!p0 $0x0  }
0x12: {  	s1 =	sld [smem:$0x3F8D];
	s0 =	simm.s32 @p0 $0x1  }
0x13: {  	[smem:$0x3FA8] =	sst s0;
	s0 =	simm.s32 @!p1 $0x0  }
0x14: {  	s2 =	sld [smem:$0x3F8C];
	s0 =	simm.s32 @p1 $0x1  }
0x15: {  	[smem:$0x3FA9] =	sst s0;
	s0 =	simm.s32 @!p2 $0x0  }
0x16: {  	s3 =	sld [smem:$0x3FDB];
	s0 =	simm.s32 @p2 $0x1  }
0x17: {  	s4 =	simm.s32 $0x1BF5;
	[smem:$0x3FAB] =	sst s0  }
0x18: {  	s0 =	sld [smem:$0x3F8E];
	_ =	swait.ge [sflag:s4], $0x0  }
0x19: {  	s7 =	sld [smem:$0x3F8F]  }
0x1a: {  	s8 =	sadd.s32 $0xFFFFE003, lr  }
0x1b: {  	s9 =	sadd.s32 $0xFFFFFEF7, lr;
	s5 =	simm.s32 $0xFFFFFFFF;
	p2 =	slt.u32 s8, $0xFFFFF086  }
0x1c: {  	p1 =	slt.u32 s9, $0xF7A;
	s5 =	simm.s32 @!p2 $0x0  }
0x1d: {  	s5 =	simm.s32 @p1 $0x1;
	p0 =	seq.s32 s7, s2  }
0x1e: {  	s7 =	smul.u32 @!p0 $0xF7A, s2;
	p2 =	seq.s32 @!p0 s5, $0x0  }
0x1f: {  	s9 =	smul.u32 $0xF7A, s1;
	s8 =	simm.s32 @!p0 $0x1BF5;
	p2 =	por !p2, p0  }
0x20: {  	[sflag:s8] =	ssyncset.s32 @!p0 $0xFFFFF086;
	s6 =	sadd.s32 @!p0 s3, s7;
	s7 =	simm.s32 @!p0 $0x108  }
0x21: {  	s3 =	sadd.s32 s3, s9;
	s6 =	sadd.s32 @!p0 $0x88, s6;
	s7 =	simm.s32 @p2 $0x1082  }
0x22: {  	[simem:s7], [sflag:s8] =	dma.local @!p0 [hbm:s6], $0xF7A  }
0x23: {  	s9 =	sor.u32 $0xD0000000, s2;
	s6 =	simm.s32 $0x108;
	_ =	swait.ge @!p0 [sflag:s8], $0x0  }
0x24: {  	s3 =	sadd.s32 $0x88, s3;
	s6 =	simm.s32 @!p1 $0x1082;
	[sflag:s4] =	ssyncset.s32 $0xFFFFF086  }
0x25: {  	[simem:s6], [sflag:s4] =	dma.local [hbm:s3], $0xF7A  }
0x26: {  	[smem:$0x3F8F] =	sst s1;
	(tag) =	ssettag s2;
	_ =	strace s9  }
0x27: {  	s1 =	sld [smem:$0x3F9F]  }
0x28: {  	s2 =	sld [smem:$0x3FA0]  }
0x29: {  	s4 =	sld [smem:$0x3FA2]  }
0x2a: {  	p0 =	seq.s32 s5, $0x0;
	s5 =	sld [smem:$0x3FA3]  }
0x2b: {  	s6 =	sld [smem:$0x3FA4]  }
0x2c: {  	s7 =	sld [smem:$0x3FA5]  }
0x2d: {  	s3 =	simm.s32 $0x108;
	s8 =	sld [smem:$0x3FA6]  }
0x2e: {  	s3 =	simm.s32 @!p0 $0x1082;
	s9 =	sld [smem:$0x3FA7]  }
0x2f: {  	lr =	sadd.s32 s0, s3;
	s0 =	sld [smem:$0x3F9E]  }
0x30: {  	s3 =	sld [smem:$0x3FA1]  }
0x31: {  	[smem:$0x3FAA] =	sst s10  }
0x32: {  	s10 =	sld [smem:$0x3FA8];
	_ =	sdelay $0x3  }
0x33: {  	p0 =	seq.s32 s10, $0x1;
	s10 =	sld [smem:$0x3FAA];
	_ =	sdelay $0x3  }
0x34: {  	[smem:$0x3FAA] =	sst s10  }
0x35: {  	s10 =	sld [smem:$0x3FA9];
	_ =	sdelay $0x3  }
0x36: {  	p1 =	seq.s32 s10, $0x1;
	s10 =	sld [smem:$0x3FAA];
	_ =	sdelay $0x3  }
0x37: {  	[smem:$0x3FAA] =	sst s10  }
0x38: {  	s10 =	sld [smem:$0x3FAB]  }
0x39: {  	_ = 	snop;
	(pc) =	sbr.ind lr, $3  }
0x3a: {  	_ = 	snop  }
0x3b: {  	_ = 	snop  }
0x3c: {  	p2 =	seq.s32 s10, $0x1;
	s10 =	sld [smem:$0x3FAA]  }
0x3d: {  	_ =	shalt  }
0x3e: {  	_ =	shalt  }
0x3f: {  	_ =	shalt  }
0x40: {  	_ =	shalt  }
0x41: {  	_ =	shalt  }
0x42: {  	_ =	shalt  }
0x43: {  	_ =	shalt  }
0x44: {  	_ =	shalt  }
0x45: {  	_ =	shalt  }
0x46: {  	_ =	shalt  }
0x47: {  	_ =	shalt  }
0x48: {  	_ =	shalt  }
0x49: {  	_ =	shalt  }
0x4a: {  	_ =	shalt  }
0x4b: {  	_ =	shalt  }
0x4c: {  	_ =	shalt  }
0x4d: {  	_ =	shalt  }
0x4e: {  	_ =	shalt  }
0x4f: {  	_ =	shalt  }
0x50: {  	_ =	shalt  }
0x51: {  	_ =	shalt  }
0x52: {  	_ =	shalt  }
0x53: {  	_ =	shalt  }
0x54: {  	_ =	shalt  }
0x55: {  	_ =	shalt  }
0x56: {  	_ =	shalt  }
0x57: {  	_ =	shalt  }
0x58: {  	_ =	shalt  }
0x59: {  	_ =	shalt  }
0x5a: {  	_ =	shalt  }
0x5b: {  	_ =	shalt  }
0x5c: {  	_ =	shalt  }
0x5d: {  	_ =	shalt  }
0x5e: {  	_ =	shalt  }
0x5f: {  	_ =	shalt  }
0x60: {  	_ =	shalt  }
0x61: {  	_ =	shalt  }
0x62: {  	_ =	shalt  }
0x63: {  	_ =	shalt  }
0x64: {  	_ =	shalt  }
0x65: {  	_ =	shalt  }
0x66: {  	_ =	shalt  }
0x67: {  	_ =	shalt  }
0x68: {  	_ =	shalt  }
0x69: {  	_ =	shalt  }
0x6a: {  	_ =	shalt  }
0x6b: {  	_ =	shalt  }
0x6c: {  	_ =	shalt  }
0x6d: {  	_ =	shalt  }
0x6e: {  	_ =	shalt  }
0x6f: {  	_ =	shalt  }
0x70: {  	_ =	shalt  }
0x71: {  	_ =	shalt  }
0x72: {  	_ =	shalt  }
0x73: {  	_ =	shalt  }
0x74: {  	_ =	shalt  }
0x75: {  	_ =	shalt  }
0x76: {  	_ =	shalt  }
0x77: {  	_ =	shalt  }
0x78: {  	_ =	shalt  }
0x79: {  	_ =	shalt  }
0x7a: {  	_ =	shalt  }
0x7b: {  	_ =	shalt  }
0x7c: {  	_ =	shalt  }
0x7d: {  	_ =	shalt  }
0x7e: {  	_ =	shalt  }
0x7f: {  	_ =	shalt  }
0x80: {  	_ =	shalt  }
0x81: {  	_ =	shalt  }
0x82: {  	_ =	shalt  }
0x83: {  	_ =	shalt  }
0x84: {  	_ =	shalt  }
0x85: {  	_ =	shalt  }
0x86: {  	_ =	shalt  }
0x87: {  	_ =	shalt  }
.Lfunc_end0:
.L_simem_size_0:
called_computation.1_lowered:
.L_overlay_start_0:
0x88: {  	s2 =	sld [smem:$0x3FD9]  }
0x89: {  	s3 =	sld [smem:$0x3FFE];
	_ =	sdelay $0x1  }
0x8a: {  	s1 =	srdreg.scid  }
0x8b: {  	s0 =	sand.u32 $0x1, s1  }
0x8c: {  	s17 =	sshll.u32 s0, $0xA;
	s2 =	sadd.s32 s3, s2  }
0x8d: {  	s2 =	sadd.s32 s2, s17  }
0x8e: {  	[smem:$0x3FB6] =	sst s2  }
0x8f: {  	_ = 	snop  }
0x90: {  	s2 =	sld [smem:$0x3FD0];
	(tm) =	ssettm $0x1  }
0x91: {  	s18 =	sld [smem:$0x3FFB];
	_ =	sdelay $0x3  }
0x92: {  	_ =	strace s18  }
0x93: {  	s3 =	sld [smem:$0x3FFC];
	_ =	sdelay $0x3  }
0x94: {  	_ =	strace s3  }
0x95: {  	s3 =	sld [smem:$0x3FFD];
	_ =	sdelay $0x3  }
0x96: {  	_ =	strace s3  }
0x97: {  	_ =	strace $0x8FFFFFFF  }
0x98: {  	s19 =	sld [smem:$0x3FDB];
	_ =	sdelay $0x1  }
0x99: {  	s4 =	simm.s32 $_scs_section_size  }
0x9a: {  	s5 =	simm.s32 $_size__tile_overlayer_lowered;
	s6 =	simm.s32 $_tile_overlayer_lowered  }
0x9b: {  	s22 =	simm.s32 $0x1BFF;
	s21 =	sshll.u32 s6, $0x1;
	s3 =	sadd.s32 s4, s19  }
0x9c: {  	s7 =	simm.s32 $0x0;
	s20 =	sshll.u32 s5, $0x1;
	s5 =	sadd.s32 s21, s3  }
0x9d: {  	[timem:s7], [sflag:s22] =	dma.local [hbm:s5], s20  }
0x9e: {  	_ =	swait.ge [sflag:s22], s20  }
0x9f: {  	s4 =	ssub.s32 $0x0, s20;
	[sflag:s22] =	ssyncset.done $0x0  }
0xa0: {  	[sflag:s22] =	ssyncadd.s32 s4;
	_ =	sdelay $0x1  }
0xa1: {  	s23 =	simm.s32 $0x1B8B  }
0xa2: {  	_ =	swait.ge [sflag:s23], $0x1  }
0xa3: {  	[sflag:s23] =	ssyncset.done $0x0  }
0xa4: {  	s25 =	simm.s32 $0x1B8E;
	s24 =	sld [smem:$0x3FFE];
	[sflag:s23] =	ssyncadd.s32 $0xFFFFFFFF  }
0xa5: {  	s26 =	simm.s32 $execute0_lowered;
	[smem:$0x3FD2] =	sst s25  }
0xa6: {  	s5 =	sshll.u32 s26, $0x1;
	_ =	strace $0x80000049;
	[dreg:$0x1] =	wrdreg $0xFFFFFFFF  }
0xa7: {  	s28 =	simm.s32 $_size_execute0_lowered;
	s3 =	sadd.s32 s3, s5;
	[dreg:$0x0] =	wrdreg $0x0  }
0xa8: {  	s5 =	sshll.u32 s28, $0x1;
	[dreg:$0x2] =	wrdreg s3  }
0xa9: {  	[dreg:$0x3] =	wrdreg s5  }
0xaa: {  	[dreg:$0x4] =	wrdreg $0xC0  }
0xab: {  	_ =	task [dreg:s7], $0x5FFFF  }
0xac: {  	[dreg:$0x1] =	wrdreg $0xFFFFFFFF  }
0xad: {  	[dreg:$0x0] =	wrdreg $0x60  }
0xae: {  	[dreg:$0x2] =	wrdreg s24  }
0xaf: {  	[dreg:$0x3] =	wrdreg s2  }
0xb0: {  	[dreg:$0x4] =	wrdreg $0x90000  }
0xb1: {  	[dreg:$0x5] =	wrdreg $0x9  }
0xb2: {  	_ =	task.clear_ibuf [dreg:s7], $0x6FFFF;
	_ =	strace $0x90000049  }
0xb3: {  	s29 =	simm.s32 $0x9;
	_ =	strace $0x8000004B  }
0xb4: {  	_ =	swait.ge [sflag:s29], $0x1  }
0xb5: {  	[sflag:s29] =	ssyncadd.s32 $0xFFFFFFFF  }
0xb6: {  	_ =	strace $0x9000004B  }
0xb7: {  	_ =	sfence  }
0xb8: {  	s30 =	sld [smem:$0x0];
	_ =	sdelay $0x2  }
0xb9: {  	s31 =	sshll.u32 s1, $0xD;
	s1 =	sshrl.u32 s1, $0x2  }
0xba: {  	s3 =	sand.u32 $0x4000, s31;
	s1 =	sadd.s32 s1, s30  }
0xbb: {  	s0 =	sor.u32 s3, s0;
	s1 =	sshll.u32 s1, $0x11  }
0xbc: {  	s0 =	sor.u32 s1, s0  }
0xbd: {  	s0 =	sadd.s32 $0x8F2B, s0  }
0xbe: {  	[sflag:s0] =	ssyncadd.remote.s32 $0x1  }
0xbf: {  	_ =	sfence.sel $0xFFFF  }
0xc0: {  	[dreg:$0x0] =	wrdreg $0xFFFFFFFF;
	(pc) =	sbr.abs _section_cstart, $3  }
0xc1: {  	[dreg:$0x1] =	wrdreg $0xFFFFFFFF  }
0xc2: {  	_ =	task.clear_ibuf [dreg:s7], $0x2FFFF;
	_ =	strace $0x9FFFFFFF  }
0xc3: {  	(tm) =	ssettm $0x7FFFFFFF  }
tec
execute0_lowered:
.L_overlay_start_1:
0x0: {  	(tag) =	ssettag $0x1  }
0x1: {  	s0 =	rddreg [dreg:$0x0]  }
0x2: {  	s1 =	rddreg [dreg:$0x1]  }
0x3: {  	s2 =	rddreg [dreg:$0x2]  }
0x4: {  	s3 =	simm.s32 $0x0;
	s10 =	stileid.u32;
	s4 =	srdreg.scid  }
0x5: {  	s13 =	simm.s32 $0x100;
	s14 =	simm.s32 $0x180;
	s15 =	simm.s32 $0x900  }
0x6: {  	s16 =	simm.s32 $0x980;
	s18 =	simm.s32 $0x200;
	s19 =	simm.s32 $0x280  }
0x7: {  	s20 =	simm.s32 $0xA00;
	s21 =	simm.s32 $0xA80;
	[smem:$0x7FF] =	sst s3  }
0x8: {  	s22 =	simm.s32 $0x300;
	_ =	strace $0x8000004A;
	[dreg:$0x7] =	wrdreg s13  }
0x9: {  	s23 =	simm.s32 $0x380;
	s28 =	simm.s32 $0xD80;
	[dreg:$0x8] =	wrdreg s14  }
0xa: {  	s29 =	simm.s32 $0x600;
	s30 =	simm.s32 $0x680;
	[dreg:$0x9] =	wrdreg s15  }
0xb: {  	s31 =	simm.s32 $0xE00;
	s5 =	smul.u32 $0x5000, s10;
	[dreg:$0xa] =	wrdreg s16  }
0xc: {  	s6 =	sand.u32 $0x1, s4;
	s7 =	smul.u32 $0x50000, s10;
	[dreg:$0xb] =	wrdreg s18  }
0xd: {  	s4 =	sadd.s32 $0x13DA00, s0;
	p0 =	seq.s32 s6, $0x0;
	[dreg:$0xc] =	wrdreg s19  }
0xe: {  	s24 =	ssub.s32 $0x2, s6;
	s6 =	smul.u32 $0x140000, s6;
	[dreg:$0xd] =	wrdreg s20  }
0xf: {  	s13 =	simm.s32 $0x5;
	s14 =	simm.s32 $0x800;
	[dreg:$0xe] =	wrdreg s21  }
0x10: {  	s15 =	simm.s32 $0x80;
	s16 =	simm.s32 $0x5000;
	[dreg:$0xf] =	wrdreg s22  }
0x11: {  	[dreg:$0x10] =	wrdreg s23;
	s18 =	simm.s32 $0x2;
	s19 =	simm.s32 $0x3  }
0x12: {  	s8 =	sadd.s32 $0x50000, s5;
	s7 =	sshrl.u32 s7, $0x2;
	s9 =	sshrl.u32 s24, $0x1  }
0x13: {  	s8 =	smov.u32 @p0 s5;
	s11 =	sadd.s32 s7, s2;
	s5 =	ssub.s32 s24, s9  }
0x14: {  	s9 =	smul.u32 $0x14000, s10;
	s10 =	simm.s32 $0x880;
	[dreg:$0x14] =	wrdreg s11  }
0x15: {  	s20 =	simm.s32 $0x4;
	s24 =	simm.s32 $0xB00;
	[dreg:$0x6] =	wrdreg s10  }
0x16: {  	s21 =	simm.s32 $0x480;
	s7 =	sadd.s32 $0x4000, s11;
	[dreg:$0x11] =	wrdreg s24  }
0x17: {  	s22 =	simm.s32 $0xC00;
	s25 =	sadd.s32 $0x8000, s11;
	[dreg:$0x15] =	wrdreg s7  }
0x18: {  	s23 =	simm.s32 $0xC80;
	s26 =	sadd.s32 $0xC000, s11;
	[dreg:$0x16] =	wrdreg s25  }
0x19: {  	s8 =	sshrl.u32 s8, $0x3;
	s12 =	sadd.s32 $0x10000, s11;
	[dreg:$0x17] =	wrdreg s26  }
0x1a: {  	s17 =	smax.u32 s5, $0x1;
	s24 =	simm.s32 $0x500;
	[dreg:$0x18] =	wrdreg s12  }
0x1b: {  	s0 =	sadd.s32 s8, s0;
	s6 =	sadd.s32 s9, s6;
	[dreg:$0x1a] =	wrdreg s17  }
0x1c: {  	s12 =	simm.s32 $0x1000;
	s17 =	simm.s32 $0x1;
	s25 =	simm.s32 $0xB80  }
0x1d: {  	s26 =	simm.s32 $0x400;
	s7 =	simm.s32 $0xF00;
	[dreg:$0x12] =	wrdreg s25  }
0x1e: {  	s9 =	simm.s32 $0x0;
	s8 =	sadd.s32 $0x4200, s0;
	[dreg:$0x13] =	wrdreg s26  }
0x1f: {  	s0 =	sadd.s32 $0x18200, s0;
	s6 =	sshrl.u32 s6, $0x3;
	[dreg:$0x4] =	wrdreg s8  }
0x20: {  	s25 =	simm.s32 $0x580;
	s26 =	simm.s32 $0xD00;
	[dreg:$0x5] =	wrdreg s0  }
0x21: {  	s1 =	sadd.s32 s1, s6;
	s0 =	simm.s32 $0xE80;
	s6 =	simm.s32 $0x780  }
0x22: {  	v0 =	vimm.f32 $0.0e+00;
	s8 =	simm.s32 $0xF80;
	[dreg:$0x19] =	wrdreg s1;
	s1 =	simm.s32 $0x700  }
.LBB2_1:
0x23: {  	s10 =	simm.s32 $0x0;
	s11 =	simm.s32 $0x200  }
.LBB2_2:
0x24: {  	p0 =	sne.s32 s11, $0xFE00;
	[tilespmem:s10+$0x1070] =	vst v0  }
0x25: {  	[tilespmem:s10+$0x1000] =	vst v0  }
0x26: {  	[tilespmem:s10+$0x1010] =	vst v0  }
.Ltmp0:
0x27: {  	[tilespmem:s10+$0x1020] =	vst v0;
	(pc) =	sbr.rel @p0 .LBB2_2-.Ltmp0, $4  }
0x28: {  	[tilespmem:s10+$0x1030] =	vst v0  }
0x29: {  	[tilespmem:s10+$0x1040] =	vst v0  }
0x2a: {  	[tilespmem:s10+$0x1050] =	vst v0  }
0x2b: {  	[tilespmem:s10+$0x1060] =	vst v0;
	s10 =	sshra.s32 s11, $0x2;
	s11 =	sadd.s32 $0x200, s11  }
0x2c: {  	[tilespmem:s10+$0x1070] =	vst v0  }
0x2d: {  	[tilespmem:s10+$0x1000] =	vst v0  }
0x2e: {  	[tilespmem:s10+$0x1010] =	vst v0  }
0x2f: {  	[tilespmem:s10+$0x1020] =	vst v0  }
0x30: {  	[tilespmem:s10+$0x1030] =	vst v0  }
0x31: {  	[tilespmem:s10+$0x1040] =	vst v0  }
0x32: {  	[dreg:$0x1b] =	wrdreg s9;
	[tilespmem:s10+$0x1050] =	vst v0  }
0x33: {  	[tilespmem:s10+$0x1060] =	vst v0;
	s5 =	rddreg [dreg:$0x14]  }
0x34: {  	[spmem:s5] =	stream.linear.scatter [tilespmem:s12], [sflag:$0x5], $0x4000, $0x38;
	[tilespmem:$0x1D000] =	vst v63  }
0x35: {  	_ =	swait.ge [sflag:s13], $0x4000  }
0x36: {  	[sflag:s13] =	ssyncset.done $0x0  }
0x37: {  	s10 =	rddreg [dreg:$0x15];
	[sflag:s13] =	ssyncadd.s32 $0xFFFFC000  }
0x38: {  	[spmem:s10] =	stream.linear.scatter [tilespmem:s12], [sflag:$0x5], $0x4000, $0x38;
	[tilespmem:$0x1D000] =	vst v63  }
0x39: {  	_ =	swait.ge [sflag:s13], $0x4000  }
0x3a: {  	[sflag:s13] =	ssyncset.done $0x0  }
0x3b: {  	s11 =	rddreg [dreg:$0x16];
	[sflag:s13] =	ssyncadd.s32 $0xFFFFC000  }
0x3c: {  	[spmem:s11] =	stream.linear.scatter [tilespmem:s12], [sflag:$0x5], $0x4000, $0x38;
	[tilespmem:$0x1D000] =	vst v63  }
0x3d: {  	_ =	swait.ge [sflag:s13], $0x4000  }
0x3e: {  	[sflag:s13] =	ssyncset.done $0x0  }
0x3f: {  	s9 =	rddreg [dreg:$0x17];
	[sflag:s13] =	ssyncadd.s32 $0xFFFFC000  }
0x40: {  	[spmem:s9] =	stream.linear.scatter [tilespmem:s12], [sflag:$0x5], $0x4000, $0x38;
	[tilespmem:$0x1D000] =	vst v63  }
0x41: {  	_ =	swait.ge [sflag:s13], $0x4000  }
0x42: {  	[sflag:s13] =	ssyncset.done $0x0  }
0x43: {  	s10 =	rddreg [dreg:$0x18];
	[sflag:s13] =	ssyncadd.s32 $0xFFFFC000  }
0x44: {  	[spmem:s10] =	stream.linear.scatter [tilespmem:s12], [sflag:$0x5], $0x4000, $0x38;
	[tilespmem:$0x1D000] =	vst v63  }
0x45: {  	_ =	swait.ge [sflag:s13], $0x4000  }
0x46: {  	[sflag:s13] =	ssyncset.done $0x0  }
0x47: {  	[sflag:s13] =	ssyncadd.s32 $0xFFFFC000  }
0x48: {  	[bflag:$0x0] =	sbarrier.arrive $0xFFFF  }
0x49: {  	s11 =	rddreg [dreg:$0x5]  }
0x4a: {  	s5 =	sadd.s32 $0x0, s11  }
0x4b: {  	[tilespmem:s3], [sflag:$0x5] =	stream.linear.gather [hbm4b:s5+s3], $0x800, $0x38;
	[tilespmem:$0x1D000] =	vst v63  }
0x4c: {  	_ =	swait.ge [sflag:s13], $0x800  }
0x4d: {  	s9 =	rddreg [dreg:$0x4];
	[sflag:s13] =	ssyncset.done $0x0  }
0x4e: {  	[sflag:s13] =	ssyncadd.s32 $0xFFFFF800;
	s5 =	sadd.s32 $0x0, s9  }
0x4f: {  	[tilespmem:s14], [sflag:$0x5] =	stream.linear.gather [hbm4b:s5+s3], $0x800, $0x38;
	[tilespmem:$0x1D000] =	vst v63  }
0x50: {  	_ =	swait.ge [sflag:s13], $0x800  }
0x51: {  	[sflag:s13] =	ssyncset.done $0x0  }
0x52: {  	[sflag:s13] =	ssyncadd.s32 $0xFFFFF800  }
0x53: {  	[tilespmem:s12], [sflag:$0x1] =	stream.indirect.gather [hbm4b:s4+s15], $0x80, s3, s15, $0xb8;
	[tilespmem:$0x1D000] =	vst v63  }
0x54: {  	_ = 	snop  }
0x55: {  	[tilespmem:s16], [sflag:$0x2] =	stream.indirect.gather [hbm4b:s4+s15], $0x80, s15, s15, $0xb8;
	[tilespmem:$0x1D000] =	vst v63  }
0x56: {  	_ =	swait.ge [sflag:s17], $0x4000  }
0x57: {  	[sflag:s17] =	ssyncset.done $0x0  }
0x58: {  	[sflag:s17] =	ssyncadd.s32 $0xFFFFC000  }
0x59: {  	[spmem:s2] =	stream.indirect.scatter.add.f32 [tilespmem:s12], [sflag:$0x3], $0x80, s14, s15, $0xb8;
	[tilespmem:$0x1D000] =	vst v63  }
0x5a: {  	_ =	swait.ge [sflag:s18], $0x4000  }
0x5b: {  	[sflag:s18] =	ssyncset.done $0x0  }
0x5c: {  	s10 =	rddreg [dreg:$0x6];
	[sflag:s18] =	ssyncadd.s32 $0xFFFFC000  }
0x5d: {  	[spmem:s2] =	stream.indirect.scatter.add.f32 [tilespmem:s16], [sflag:$0x4], $0x80, s10, s15, $0xb8;
	[tilespmem:$0x1D000] =	vst v63  }
0x5e: {  	_ =	swait.ge [sflag:s19], $0x4000  }
0x5f: {  	[sflag:s19] =	ssyncset.done $0x0  }
0x60: {  	s11 =	rddreg [dreg:$0x7];
	[sflag:s19] =	ssyncadd.s32 $0xFFFFC000  }
0x61: {  	[tilespmem:s12], [sflag:$0x1] =	stream.indirect.gather [hbm4b:s4+s15], $0x80, s11, s15, $0xb8;
	[tilespmem:$0x1D000] =	vst v63  }
0x62: {  	_ =	swait.ge [sflag:s20], $0x4000  }
0x63: {  	[sflag:s20] =	ssyncset.done $0x0  }
0x64: {  	s9 =	rddreg [dreg:$0x8];
	[sflag:s20] =	ssyncadd.s32 $0xFFFFC000  }
0x65: {  	[tilespmem:s16], [sflag:$0x2] =	stream.indirect.gather [hbm4b:s4+s15], $0x80, s9, s15, $0xb8;
	[tilespmem:$0x1D000] =	vst v63  }
0x66: {  	_ =	swait.ge [sflag:s17], $0x4000  }
0x67: {  	[sflag:s17] =	ssyncset.done $0x0  }
0x68: {  	s10 =	rddreg [dreg:$0x9];
	[sflag:s17] =	ssyncadd.s32 $0xFFFFC000  }
0x69: {  	[spmem:s2] =	stream.indirect.scatter.add.f32 [tilespmem:s12], [sflag:$0x3], $0x80, s10, s15, $0xb8;
	[tilespmem:$0x1D000] =	vst v63  }
0x6a: {  	_ =	swait.ge [sflag:s18], $0x4000  }
0x6b: {  	[sflag:s18] =	ssyncset.done $0x0  }
0x6c: {  	s11 =	rddreg [dreg:$0xa];
	[sflag:s18] =	ssyncadd.s32 $0xFFFFC000  }
0x6d: {  	[spmem:s2] =	stream.indirect.scatter.add.f32 [tilespmem:s16], [sflag:$0x4], $0x80, s11, s15, $0xb8;
	[tilespmem:$0x1D000] =	vst v63  }
0x6e: {  	_ =	swait.ge [sflag:s19], $0x4000  }
0x6f: {  	[sflag:s19] =	ssyncset.done $0x0  }
0x70: {  	s9 =	rddreg [dreg:$0xb];
	[sflag:s19] =	ssyncadd.s32 $0xFFFFC000  }
0x71: {  	[tilespmem:s12], [sflag:$0x1] =	stream.indirect.gather [hbm4b:s4+s15], $0x80, s9, s15, $0xb8;
	[tilespmem:$0x1D000] =	vst v63  }
0x72: {  	_ =	swait.ge [sflag:s20], $0x4000  }
0x73: {  	[sflag:s20] =	ssyncset.done $0x0  }
0x74: {  	s10 =	rddreg [dreg:$0xc];
	[sflag:s20] =	ssyncadd.s32 $0xFFFFC000  }
0x75: {  	[tilespmem:s16], [sflag:$0x2] =	stream.indirect.gather [hbm4b:s4+s15], $0x80, s10, s15, $0xb8;
	[tilespmem:$0x1D000] =	vst v63  }
0x76: {  	_ =	swait.ge [sflag:s17], $0x4000  }
0x77: {  	[sflag:s17] =	ssyncset.done $0x0  }
0x78: {  	s11 =	rddreg [dreg:$0xd];
	[sflag:s17] =	ssyncadd.s32 $0xFFFFC000  }
0x79: {  	[spmem:s2] =	stream.indirect.scatter.add.f32 [tilespmem:s12], [sflag:$0x3], $0x80, s11, s15, $0xb8;
	[tilespmem:$0x1D000] =	vst v63  }
0x7a: {  	_ =	swait.ge [sflag:s18], $0x4000  }
0x7b: {  	[sflag:s18] =	ssyncset.done $0x0  }
0x7c: {  	s9 =	rddreg [dreg:$0xe];
	[sflag:s18] =	ssyncadd.s32 $0xFFFFC000  }
0x7d: {  	[spmem:s2] =	stream.indirect.scatter.add.f32 [tilespmem:s16], [sflag:$0x4], $0x80, s9, s15, $0xb8;
	[tilespmem:$0x1D000] =	vst v63  }
0x7e: {  	_ =	swait.ge [sflag:s19], $0x4000  }
0x7f: {  	[sflag:s19] =	ssyncset.done $0x0  }
0x80: {  	s10 =	rddreg [dreg:$0xf];
	[sflag:s19] =	ssyncadd.s32 $0xFFFFC000  }
0x81: {  	[tilespmem:s12], [sflag:$0x1] =	stream.indirect.gather [hbm4b:s4+s15], $0x80, s10, s15, $0xb8;
	[tilespmem:$0x1D000] =	vst v63  }
0x82: {  	_ =	swait.ge [sflag:s20], $0x4000  }
0x83: {  	[sflag:s20] =	ssyncset.done $0x0  }
0x84: {  	s11 =	rddreg [dreg:$0x10];
	[sflag:s20] =	ssyncadd.s32 $0xFFFFC000  }
0x85: {  	[tilespmem:s16], [sflag:$0x2] =	stream.indirect.gather [hbm4b:s4+s15], $0x80, s11, s15, $0xb8;
	[tilespmem:$0x1D000] =	vst v63  }
0x86: {  	_ =	swait.ge [sflag:s17], $0x4000  }
0x87: {  	[sflag:s17] =	ssyncset.done $0x0  }
0x88: {  	s9 =	rddreg [dreg:$0x11];
	[sflag:s17] =	ssyncadd.s32 $0xFFFFC000  }
0x89: {  	[spmem:s2] =	stream.indirect.scatter.add.f32 [tilespmem:s12], [sflag:$0x3], $0x80, s9, s15, $0xb8;
	[tilespmem:$0x1D000] =	vst v63  }
0x8a: {  	_ =	swait.ge [sflag:s18], $0x4000  }
0x8b: {  	[sflag:s18] =	ssyncset.done $0x0  }
0x8c: {  	s10 =	rddreg [dreg:$0x12];
	[sflag:s18] =	ssyncadd.s32 $0xFFFFC000  }
0x8d: {  	[spmem:s2] =	stream.indirect.scatter.add.f32 [tilespmem:s16], [sflag:$0x4], $0x80, s10, s15, $0xb8;
	[tilespmem:$0x1D000] =	vst v63  }
0x8e: {  	_ =	swait.ge [sflag:s19], $0x4000  }
0x8f: {  	[sflag:s19] =	ssyncset.done $0x0  }
0x90: {  	s11 =	rddreg [dreg:$0x13];
	[sflag:s19] =	ssyncadd.s32 $0xFFFFC000  }
0x91: {  	[tilespmem:s12], [sflag:$0x1] =	stream.indirect.gather [hbm4b:s4+s15], $0x80, s11, s15, $0xb8;
	[tilespmem:$0x1D000] =	vst v63  }
0x92: {  	_ =	swait.ge [sflag:s20], $0x4000  }
0x93: {  	[sflag:s20] =	ssyncset.done $0x0  }
0x94: {  	[sflag:s20] =	ssyncadd.s32 $0xFFFFC000  }
0x95: {  	[tilespmem:s16], [sflag:$0x2] =	stream.indirect.gather [hbm4b:s4+s15], $0x80, s21, s15, $0xb8;
	[tilespmem:$0x1D000] =	vst v63  }
0x96: {  	_ =	swait.ge [sflag:s17], $0x4000  }
0x97: {  	[sflag:s17] =	ssyncset.done $0x0  }
0x98: {  	[sflag:s17] =	ssyncadd.s32 $0xFFFFC000  }
0x99: {  	[spmem:s2] =	stream.indirect.scatter.add.f32 [tilespmem:s12], [sflag:$0x3], $0x80, s22, s15, $0xb8;
	[tilespmem:$0x1D000] =	vst v63  }
0x9a: {  	_ =	swait.ge [sflag:s18], $0x4000  }
0x9b: {  	[sflag:s18] =	ssyncset.done $0x0  }
0x9c: {  	[sflag:s18] =	ssyncadd.s32 $0xFFFFC000  }
0x9d: {  	[spmem:s2] =	stream.indirect.scatter.add.f32 [tilespmem:s16], [sflag:$0x4], $0x80, s23, s15, $0xb8;
	[tilespmem:$0x1D000] =	vst v63  }
0x9e: {  	_ =	swait.ge [sflag:s19], $0x4000  }
0x9f: {  	[sflag:s19] =	ssyncset.done $0x0  }
0xa0: {  	[sflag:s19] =	ssyncadd.s32 $0xFFFFC000  }
0xa1: {  	[tilespmem:s12], [sflag:$0x1] =	stream.indirect.gather [hbm4b:s4+s15], $0x80, s24, s15, $0xb8;
	[tilespmem:$0x1D000] =	vst v63  }
0xa2: {  	_ =	swait.ge [sflag:s20], $0x4000  }
0xa3: {  	[sflag:s20] =	ssyncset.done $0x0  }
0xa4: {  	[sflag:s20] =	ssyncadd.s32 $0xFFFFC000  }
0xa5: {  	[tilespmem:s16], [sflag:$0x2] =	stream.indirect.gather [hbm4b:s4+s15], $0x80, s25, s15, $0xb8;
	[tilespmem:$0x1D000] =	vst v63  }
0xa6: {  	_ =	swait.ge [sflag:s17], $0x4000  }
0xa7: {  	[sflag:s17] =	ssyncset.done $0x0  }
0xa8: {  	[sflag:s17] =	ssyncadd.s32 $0xFFFFC000  }
0xa9: {  	[spmem:s2] =	stream.indirect.scatter.add.f32 [tilespmem:s12], [sflag:$0x3], $0x80, s26, s15, $0xb8;
	[tilespmem:$0x1D000] =	vst v63  }
0xaa: {  	_ =	swait.ge [sflag:s18], $0x4000  }
0xab: {  	[sflag:s18] =	ssyncset.done $0x0  }
0xac: {  	[sflag:s18] =	ssyncadd.s32 $0xFFFFC000  }
0xad: {  	[spmem:s2] =	stream.indirect.scatter.add.f32 [tilespmem:s16], [sflag:$0x4], $0x80, s28, s15, $0xb8;
	[tilespmem:$0x1D000] =	vst v63  }
0xae: {  	_ =	swait.ge [sflag:s19], $0x4000  }
0xaf: {  	[sflag:s19] =	ssyncset.done $0x0  }
0xb0: {  	[sflag:s19] =	ssyncadd.s32 $0xFFFFC000  }
0xb1: {  	[tilespmem:s12], [sflag:$0x1] =	stream.indirect.gather [hbm4b:s4+s15], $0x80, s29, s15, $0xb8;
	[tilespmem:$0x1D000] =	vst v63  }
0xb2: {  	_ =	swait.ge [sflag:s20], $0x4000  }
0xb3: {  	[sflag:s20] =	ssyncset.done $0x0  }
0xb4: {  	[sflag:s20] =	ssyncadd.s32 $0xFFFFC000  }
0xb5: {  	[tilespmem:s16], [sflag:$0x2] =	stream.indirect.gather [hbm4b:s4+s15], $0x80, s30, s15, $0xb8;
	[tilespmem:$0x1D000] =	vst v63  }
0xb6: {  	_ =	swait.ge [sflag:s17], $0x4000  }
0xb7: {  	[sflag:s17] =	ssyncset.done $0x0  }
0xb8: {  	[sflag:s17] =	ssyncadd.s32 $0xFFFFC000  }
0xb9: {  	[spmem:s2] =	stream.indirect.scatter.add.f32 [tilespmem:s12], [sflag:$0x3], $0x80, s31, s15, $0xb8;
	[tilespmem:$0x1D000] =	vst v63  }
0xba: {  	_ =	swait.ge [sflag:s18], $0x4000  }
0xbb: {  	[sflag:s18] =	ssyncset.done $0x0  }
0xbc: {  	[sflag:s18] =	ssyncadd.s32 $0xFFFFC000  }
0xbd: {  	[spmem:s2] =	stream.indirect.scatter.add.f32 [tilespmem:s16], [sflag:$0x4], $0x80, s0, s15, $0xb8;
	[tilespmem:$0x1D000] =	vst v63  }
0xbe: {  	_ =	swait.ge [sflag:s19], $0x4000  }
0xbf: {  	[sflag:s19] =	ssyncset.done $0x0  }
0xc0: {  	[sflag:s19] =	ssyncadd.s32 $0xFFFFC000  }
0xc1: {  	[tilespmem:s12], [sflag:$0x1] =	stream.indirect.gather [hbm4b:s4+s15], $0x80, s1, s15, $0xb8;
	[tilespmem:$0x1D000] =	vst v63  }
0xc2: {  	_ =	swait.ge [sflag:s20], $0x4000  }
0xc3: {  	[sflag:s20] =	ssyncset.done $0x0  }
0xc4: {  	[sflag:s20] =	ssyncadd.s32 $0xFFFFC000  }
0xc5: {  	[tilespmem:s16], [sflag:$0x2] =	stream.indirect.gather [hbm4b:s4+s15], $0x80, s6, s15, $0xb8;
	[tilespmem:$0x1D000] =	vst v63  }
0xc6: {  	_ =	swait.ge [sflag:s17], $0x4000  }
0xc7: {  	[sflag:s17] =	ssyncset.done $0x0  }
0xc8: {  	[sflag:s17] =	ssyncadd.s32 $0xFFFFC000  }
0xc9: {  	[spmem:s2] =	stream.indirect.scatter.add.f32 [tilespmem:s12], [sflag:$0x3], $0x80, s7, s15, $0xb8;
	[tilespmem:$0x1D000] =	vst v63  }
0xca: {  	_ =	swait.ge [sflag:s18], $0x4000  }
0xcb: {  	[sflag:s18] =	ssyncset.done $0x0  }
0xcc: {  	[sflag:s18] =	ssyncadd.s32 $0xFFFFC000  }
0xcd: {  	[spmem:s2] =	stream.indirect.scatter.add.f32 [tilespmem:s16], [sflag:$0x4], $0x80, s8, s15, $0xb8;
	[tilespmem:$0x1D000] =	vst v63  }
0xce: {  	_ =	swait.ge [sflag:s19], $0x4000  }
0xcf: {  	[sflag:s19] =	ssyncset.done $0x0  }
0xd0: {  	[sflag:s19] =	ssyncadd.s32 $0xFFFFC000  }
0xd1: {  	s10 =	simm.s32 $0x100;
	_ =	swait.ge [sflag:s20], $0x4000  }
0xd2: {  	s11 =	simm.s32 $0x200;
	s5 =	rddreg [dreg:$0x5];
	[sflag:s20] =	ssyncset.done $0x0  }
.LBB2_4:
0xd3: {  	[sflag:s20] =	ssyncadd.s32 $0xFFFFC000;
	s5 =	sadd.s32 s10, s5  }
0xd4: {  	[tilespmem:s3], [sflag:$0x5] =	stream.linear.gather [hbm4b:s5+s3], $0x800, $0x38;
	[tilespmem:$0x1D000] =	vst v63  }
0xd5: {  	_ =	swait.ge [sflag:s13], $0x800  }
0xd6: {  	s5 =	rddreg [dreg:$0x4];
	[sflag:s13] =	ssyncset.done $0x0  }
0xd7: {  	[sflag:s13] =	ssyncadd.s32 $0xFFFFF800;
	s5 =	sadd.s32 s10, s5  }
0xd8: {  	[tilespmem:s14], [sflag:$0x5] =	stream.linear.gather [hbm4b:s5+s3], $0x800, $0x38;
	[tilespmem:$0x1D000] =	vst v63  }
0xd9: {  	_ =	swait.ge [sflag:s13], $0x800  }
0xda: {  	[sflag:s13] =	ssyncset.done $0x0  }
0xdb: {  	[sflag:s13] =	ssyncadd.s32 $0xFFFFF800  }
0xdc: {  	[tilespmem:s12], [sflag:$0x1] =	stream.indirect.gather [hbm4b:s4+s15], $0x80, s3, s15, $0xb8;
	[tilespmem:$0x1D000] =	vst v63  }
0xdd: {  	_ = 	snop  }
0xde: {  	[tilespmem:s16], [sflag:$0x2] =	stream.indirect.gather [hbm4b:s4+s15], $0x80, s15, s15, $0xb8;
	[tilespmem:$0x1D000] =	vst v63  }
0xdf: {  	_ =	swait.ge [sflag:s17], $0x4000  }
0xe0: {  	[sflag:s17] =	ssyncset.done $0x0  }
0xe1: {  	[sflag:s17] =	ssyncadd.s32 $0xFFFFC000  }
0xe2: {  	[spmem:s2] =	stream.indirect.scatter.add.f32 [tilespmem:s12], [sflag:$0x3], $0x80, s14, s15, $0xb8;
	[tilespmem:$0x1D000] =	vst v63  }
0xe3: {  	_ =	swait.ge [sflag:s18], $0x4000  }
0xe4: {  	s9 =	smov.u32 s11;
	[sflag:s18] =	ssyncset.done $0x0  }
0xe5: {  	s10 =	smov.u32 s9;
	s9 =	rddreg [dreg:$0x6];
	[sflag:s18] =	ssyncadd.s32 $0xFFFFC000  }
0xe6: {  	[spmem:s2] =	stream.indirect.scatter.add.f32 [tilespmem:s16], [sflag:$0x4], $0x80, s9, s15, $0xb8;
	[tilespmem:$0x1D000] =	vst v63  }
0xe7: {  	_ =	swait.ge [sflag:s19], $0x4000  }
0xe8: {  	[sflag:s19] =	ssyncset.done $0x0  }
0xe9: {  	s9 =	rddreg [dreg:$0x7];
	[sflag:s19] =	ssyncadd.s32 $0xFFFFC000  }
0xea: {  	[tilespmem:s12], [sflag:$0x1] =	stream.indirect.gather [hbm4b:s4+s15], $0x80, s9, s15, $0xb8;
	[tilespmem:$0x1D000] =	vst v63  }
0xeb: {  	_ =	swait.ge [sflag:s20], $0x4000  }
0xec: {  	[sflag:s20] =	ssyncset.done $0x0  }
0xed: {  	s9 =	rddreg [dreg:$0x8];
	[sflag:s20] =	ssyncadd.s32 $0xFFFFC000  }
0xee: {  	[tilespmem:s16], [sflag:$0x2] =	stream.indirect.gather [hbm4b:s4+s15], $0x80, s9, s15, $0xb8;
	[tilespmem:$0x1D000] =	vst v63  }
0xef: {  	_ =	swait.ge [sflag:s17], $0x4000  }
0xf0: {  	[sflag:s17] =	ssyncset.done $0x0  }
0xf1: {  	s9 =	rddreg [dreg:$0x9];
	[sflag:s17] =	ssyncadd.s32 $0xFFFFC000  }
0xf2: {  	[spmem:s2] =	stream.indirect.scatter.add.f32 [tilespmem:s12], [sflag:$0x3], $0x80, s9, s15, $0xb8;
	[tilespmem:$0x1D000] =	vst v63  }
0xf3: {  	_ =	swait.ge [sflag:s18], $0x4000  }
0xf4: {  	[sflag:s18] =	ssyncset.done $0x0  }
0xf5: {  	s9 =	rddreg [dreg:$0xa];
	[sflag:s18] =	ssyncadd.s32 $0xFFFFC000  }
0xf6: {  	[spmem:s2] =	stream.indirect.scatter.add.f32 [tilespmem:s16], [sflag:$0x4], $0x80, s9, s15, $0xb8;
	[tilespmem:$0x1D000] =	vst v63  }
0xf7: {  	_ =	swait.ge [sflag:s19], $0x4000  }
0xf8: {  	[sflag:s19] =	ssyncset.done $0x0  }
0xf9: {  	s9 =	rddreg [dreg:$0xb];
	[sflag:s19] =	ssyncadd.s32 $0xFFFFC000  }
0xfa: {  	[tilespmem:s12], [sflag:$0x1] =	stream.indirect.gather [hbm4b:s4+s15], $0x80, s9, s15, $0xb8;
	[tilespmem:$0x1D000] =	vst v63  }
0xfb: {  	_ =	swait.ge [sflag:s20], $0x4000  }
0xfc: {  	[sflag:s20] =	ssyncset.done $0x0  }
0xfd: {  	s9 =	rddreg [dreg:$0xc];
	[sflag:s20] =	ssyncadd.s32 $0xFFFFC000  }
0xfe: {  	[tilespmem:s16], [sflag:$0x2] =	stream.indirect.gather [hbm4b:s4+s15], $0x80, s9, s15, $0xb8;
	[tilespmem:$0x1D000] =	vst v63  }
0xff: {  	_ =	swait.ge [sflag:s17], $0x4000  }
0x100: {  	[sflag:s17] =	ssyncset.done $0x0  }
0x101: {  	s9 =	rddreg [dreg:$0xd];
	[sflag:s17] =	ssyncadd.s32 $0xFFFFC000  }
0x102: {  	[spmem:s2] =	stream.indirect.scatter.add.f32 [tilespmem:s12], [sflag:$0x3], $0x80, s9, s15, $0xb8;
	[tilespmem:$0x1D000] =	vst v63  }
0x103: {  	_ =	swait.ge [sflag:s18], $0x4000  }
0x104: {  	[sflag:s18] =	ssyncset.done $0x0  }
0x105: {  	s9 =	rddreg [dreg:$0xe];
	[sflag:s18] =	ssyncadd.s32 $0xFFFFC000  }
0x106: {  	[spmem:s2] =	stream.indirect.scatter.add.f32 [tilespmem:s16], [sflag:$0x4], $0x80, s9, s15, $0xb8;
	[tilespmem:$0x1D000] =	vst v63  }
0x107: {  	_ =	swait.ge [sflag:s19], $0x4000  }
0x108: {  	[sflag:s19] =	ssyncset.done $0x0  }
0x109: {  	s9 =	rddreg [dreg:$0xf];
	[sflag:s19] =	ssyncadd.s32 $0xFFFFC000  }
0x10a: {  	[tilespmem:s12], [sflag:$0x1] =	stream.indirect.gather [hbm4b:s4+s15], $0x80, s9, s15, $0xb8;
	[tilespmem:$0x1D000] =	vst v63  }
0x10b: {  	_ =	swait.ge [sflag:s20], $0x4000  }
0x10c: {  	[sflag:s20] =	ssyncset.done $0x0  }
0x10d: {  	s9 =	rddreg [dreg:$0x10];
	[sflag:s20] =	ssyncadd.s32 $0xFFFFC000  }
0x10e: {  	[tilespmem:s16], [sflag:$0x2] =	stream.indirect.gather [hbm4b:s4+s15], $0x80, s9, s15, $0xb8;
	[tilespmem:$0x1D000] =	vst v63  }
0x10f: {  	_ =	swait.ge [sflag:s17], $0x4000  }
0x110: {  	[sflag:s17] =	ssyncset.done $0x0  }
0x111: {  	s9 =	rddreg [dreg:$0x11];
	[sflag:s17] =	ssyncadd.s32 $0xFFFFC000  }
0x112: {  	[spmem:s2] =	stream.indirect.scatter.add.f32 [tilespmem:s12], [sflag:$0x3], $0x80, s9, s15, $0xb8;
	[tilespmem:$0x1D000] =	vst v63  }
0x113: {  	_ =	swait.ge [sflag:s18], $0x4000  }
0x114: {  	[sflag:s18] =	ssyncset.done $0x0  }
0x115: {  	s9 =	rddreg [dreg:$0x12];
	[sflag:s18] =	ssyncadd.s32 $0xFFFFC000  }
0x116: {  	[spmem:s2] =	stream.indirect.scatter.add.f32 [tilespmem:s16], [sflag:$0x4], $0x80, s9, s15, $0xb8;
	[tilespmem:$0x1D000] =	vst v63  }
0x117: {  	_ =	swait.ge [sflag:s19], $0x4000  }
0x118: {  	[sflag:s19] =	ssyncset.done $0x0  }
0x119: {  	s9 =	rddreg [dreg:$0x13];
	[sflag:s19] =	ssyncadd.s32 $0xFFFFC000  }
0x11a: {  	[tilespmem:s12], [sflag:$0x1] =	stream.indirect.gather [hbm4b:s4+s15], $0x80, s9, s15, $0xb8;
	[tilespmem:$0x1D000] =	vst v63  }
0x11b: {  	_ =	swait.ge [sflag:s20], $0x4000  }
0x11c: {  	[sflag:s20] =	ssyncset.done $0x0  }
0x11d: {  	[sflag:s20] =	ssyncadd.s32 $0xFFFFC000  }
0x11e: {  	[tilespmem:s16], [sflag:$0x2] =	stream.indirect.gather [hbm4b:s4+s15], $0x80, s21, s15, $0xb8;
	[tilespmem:$0x1D000] =	vst v63  }
0x11f: {  	_ =	swait.ge [sflag:s17], $0x4000  }
0x120: {  	[sflag:s17] =	ssyncset.done $0x0  }
0x121: {  	[sflag:s17] =	ssyncadd.s32 $0xFFFFC000  }
0x122: {  	[spmem:s2] =	stream.indirect.scatter.add.f32 [tilespmem:s12], [sflag:$0x3], $0x80, s22, s15, $0xb8;
	[tilespmem:$0x1D000] =	vst v63  }
0x123: {  	_ =	swait.ge [sflag:s18], $0x4000  }
0x124: {  	[sflag:s18] =	ssyncset.done $0x0  }
0x125: {  	[sflag:s18] =	ssyncadd.s32 $0xFFFFC000  }
0x126: {  	[spmem:s2] =	stream.indirect.scatter.add.f32 [tilespmem:s16], [sflag:$0x4], $0x80, s23, s15, $0xb8;
	[tilespmem:$0x1D000] =	vst v63  }
0x127: {  	_ =	swait.ge [sflag:s19], $0x4000  }
0x128: {  	[sflag:s19] =	ssyncset.done $0x0  }
0x129: {  	[sflag:s19] =	ssyncadd.s32 $0xFFFFC000  }
0x12a: {  	[tilespmem:s12], [sflag:$0x1] =	stream.indirect.gather [hbm4b:s4+s15], $0x80, s24, s15, $0xb8;
	[tilespmem:$0x1D000] =	vst v63  }
0x12b: {  	_ =	swait.ge [sflag:s20], $0x4000  }
0x12c: {  	[sflag:s20] =	ssyncset.done $0x0  }
0x12d: {  	[sflag:s20] =	ssyncadd.s32 $0xFFFFC000  }
0x12e: {  	[tilespmem:s16], [sflag:$0x2] =	stream.indirect.gather [hbm4b:s4+s15], $0x80, s25, s15, $0xb8;
	[tilespmem:$0x1D000] =	vst v63  }
0x12f: {  	_ =	swait.ge [sflag:s17], $0x4000  }
0x130: {  	[sflag:s17] =	ssyncset.done $0x0  }
0x131: {  	[sflag:s17] =	ssyncadd.s32 $0xFFFFC000  }
0x132: {  	[spmem:s2] =	stream.indirect.scatter.add.f32 [tilespmem:s12], [sflag:$0x3], $0x80, s26, s15, $0xb8;
	[tilespmem:$0x1D000] =	vst v63  }
0x133: {  	_ =	swait.ge [sflag:s18], $0x4000  }
0x134: {  	[sflag:s18] =	ssyncset.done $0x0  }
0x135: {  	[sflag:s18] =	ssyncadd.s32 $0xFFFFC000  }
0x136: {  	[spmem:s2] =	stream.indirect.scatter.add.f32 [tilespmem:s16], [sflag:$0x4], $0x80, s28, s15, $0xb8;
	[tilespmem:$0x1D000] =	vst v63  }
0x137: {  	_ =	swait.ge [sflag:s19], $0x4000  }
0x138: {  	[sflag:s19] =	ssyncset.done $0x0  }
0x139: {  	[sflag:s19] =	ssyncadd.s32 $0xFFFFC000  }
0x13a: {  	[tilespmem:s12], [sflag:$0x1] =	stream.indirect.gather [hbm4b:s4+s15], $0x80, s29, s15, $0xb8;
	[tilespmem:$0x1D000] =	vst v63  }
0x13b: {  	_ =	swait.ge [sflag:s20], $0x4000  }
0x13c: {  	[sflag:s20] =	ssyncset.done $0x0  }
0x13d: {  	[sflag:s20] =	ssyncadd.s32 $0xFFFFC000  }
0x13e: {  	[tilespmem:s16], [sflag:$0x2] =	stream.indirect.gather [hbm4b:s4+s15], $0x80, s30, s15, $0xb8;
	[tilespmem:$0x1D000] =	vst v63  }
0x13f: {  	_ =	swait.ge [sflag:s17], $0x4000  }
0x140: {  	[sflag:s17] =	ssyncset.done $0x0  }
0x141: {  	[sflag:s17] =	ssyncadd.s32 $0xFFFFC000  }
0x142: {  	[spmem:s2] =	stream.indirect.scatter.add.f32 [tilespmem:s12], [sflag:$0x3], $0x80, s31, s15, $0xb8;
	[tilespmem:$0x1D000] =	vst v63  }
0x143: {  	_ =	swait.ge [sflag:s18], $0x4000  }
0x144: {  	[sflag:s18] =	ssyncset.done $0x0  }
0x145: {  	[sflag:s18] =	ssyncadd.s32 $0xFFFFC000  }
0x146: {  	[spmem:s2] =	stream.indirect.scatter.add.f32 [tilespmem:s16], [sflag:$0x4], $0x80, s0, s15, $0xb8;
	[tilespmem:$0x1D000] =	vst v63  }
0x147: {  	_ =	swait.ge [sflag:s19], $0x4000  }
0x148: {  	[sflag:s19] =	ssyncset.done $0x0  }
0x149: {  	[sflag:s19] =	ssyncadd.s32 $0xFFFFC000  }
0x14a: {  	[tilespmem:s12], [sflag:$0x1] =	stream.indirect.gather [hbm4b:s4+s15], $0x80, s1, s15, $0xb8;
	[tilespmem:$0x1D000] =	vst v63  }
0x14b: {  	_ =	swait.ge [sflag:s20], $0x4000  }
0x14c: {  	[sflag:s20] =	ssyncset.done $0x0  }
0x14d: {  	[sflag:s20] =	ssyncadd.s32 $0xFFFFC000  }
0x14e: {  	[tilespmem:s16], [sflag:$0x2] =	stream.indirect.gather [hbm4b:s4+s15], $0x80, s6, s15, $0xb8;
	[tilespmem:$0x1D000] =	vst v63  }
0x14f: {  	_ =	swait.ge [sflag:s17], $0x4000  }
0x150: {  	[sflag:s17] =	ssyncset.done $0x0  }
0x151: {  	[sflag:s17] =	ssyncadd.s32 $0xFFFFC000  }
0x152: {  	[spmem:s2] =	stream.indirect.scatter.add.f32 [tilespmem:s12], [sflag:$0x3], $0x80, s7, s15, $0xb8;
	[tilespmem:$0x1D000] =	vst v63  }
0x153: {  	_ =	swait.ge [sflag:s18], $0x4000  }
0x154: {  	[sflag:s18] =	ssyncset.done $0x0  }
0x155: {  	p0 =	sne.s32 s11, $0x900;
	[sflag:s18] =	ssyncadd.s32 $0xFFFFC000  }
0x156: {  	[spmem:s2] =	stream.indirect.scatter.add.f32 [tilespmem:s16], [sflag:$0x4], $0x80, s8, s15, $0xb8;
	[tilespmem:$0x1D000] =	vst v63  }
.Ltmp1:
0x157: {  	_ =	swait.ge [sflag:s19], $0x4000;
	(pc) =	sbr.rel @p0 .LBB2_4-.Ltmp1, $4  }
0x158: {  	[sflag:s19] =	ssyncset.done $0x0  }
0x159: {  	[sflag:s19] =	ssyncadd.s32 $0xFFFFC000  }
0x15a: {  	_ =	swait.ge [sflag:s20], $0x4000  }
0x15b: {  	s11 =	sadd.s32 $0x100, s11;
	s5 =	rddreg [dreg:$0x5];
	[sflag:s20] =	ssyncset.done $0x0  }
0x15c: {  	[sflag:s20] =	ssyncadd.s32 $0xFFFFC000;
	s5 =	sadd.s32 s10, s5  }
0x15d: {  	[tilespmem:s3], [sflag:$0x5] =	stream.linear.gather [hbm4b:s5+s3], $0x800, $0x38;
	[tilespmem:$0x1D000] =	vst v63  }
0x15e: {  	_ =	swait.ge [sflag:s13], $0x800  }
0x15f: {  	s9 =	rddreg [dreg:$0x4];
	[sflag:s13] =	ssyncset.done $0x0  }
0x160: {  	[sflag:s13] =	ssyncadd.s32 $0xFFFFF800;
	s5 =	sadd.s32 s10, s9  }
0x161: {  	[tilespmem:s14], [sflag:$0x5] =	stream.linear.gather [hbm4b:s5+s3], $0x800, $0x38;
	[tilespmem:$0x1D000] =	vst v63  }
0x162: {  	_ =	swait.ge [sflag:s13], $0x800  }
0x163: {  	[sflag:s13] =	ssyncset.done $0x0  }
0x164: {  	[sflag:s13] =	ssyncadd.s32 $0xFFFFF800  }
0x165: {  	[tilespmem:s12], [sflag:$0x1] =	stream.indirect.gather [hbm4b:s4+s15], $0x80, s3, s15, $0xb8;
	[tilespmem:$0x1D000] =	vst v63  }
0x166: {  	_ = 	snop  }
0x167: {  	[tilespmem:s16], [sflag:$0x2] =	stream.indirect.gather [hbm4b:s4+s15], $0x80, s15, s15, $0xb8;
	[tilespmem:$0x1D000] =	vst v63  }
0x168: {  	_ =	swait.ge [sflag:s17], $0x4000  }
0x169: {  	[sflag:s17] =	ssyncset.done $0x0  }
0x16a: {  	[sflag:s17] =	ssyncadd.s32 $0xFFFFC000  }
0x16b: {  	[spmem:s2] =	stream.indirect.scatter.add.f32 [tilespmem:s12], [sflag:$0x3], $0x80, s14, s15, $0xb8;
	[tilespmem:$0x1D000] =	vst v63  }
0x16c: {  	_ =	swait.ge [sflag:s18], $0x4000  }
0x16d: {  	[sflag:s18] =	ssyncset.done $0x0  }
0x16e: {  	s11 =	rddreg [dreg:$0x6];
	[sflag:s18] =	ssyncadd.s32 $0xFFFFC000  }
0x16f: {  	[spmem:s2] =	stream.indirect.scatter.add.f32 [tilespmem:s16], [sflag:$0x4], $0x80, s11, s15, $0xb8;
	[tilespmem:$0x1D000] =	vst v63  }
0x170: {  	_ =	swait.ge [sflag:s19], $0x4000  }
0x171: {  	[sflag:s19] =	ssyncset.done $0x0  }
0x172: {  	s9 =	rddreg [dreg:$0x7];
	[sflag:s19] =	ssyncadd.s32 $0xFFFFC000  }
0x173: {  	[tilespmem:s12], [sflag:$0x1] =	stream.indirect.gather [hbm4b:s4+s15], $0x80, s9, s15, $0xb8;
	[tilespmem:$0x1D000] =	vst v63  }
0x174: {  	_ =	swait.ge [sflag:s20], $0x4000  }
0x175: {  	[sflag:s20] =	ssyncset.done $0x0  }
0x176: {  	s10 =	rddreg [dreg:$0x8];
	[sflag:s20] =	ssyncadd.s32 $0xFFFFC000  }
0x177: {  	[tilespmem:s16], [sflag:$0x2] =	stream.indirect.gather [hbm4b:s4+s15], $0x80, s10, s15, $0xb8;
	[tilespmem:$0x1D000] =	vst v63  }
0x178: {  	_ =	swait.ge [sflag:s17], $0x4000  }
0x179: {  	[sflag:s17] =	ssyncset.done $0x0  }
0x17a: {  	s11 =	rddreg [dreg:$0x9];
	[sflag:s17] =	ssyncadd.s32 $0xFFFFC000  }
0x17b: {  	[spmem:s2] =	stream.indirect.scatter.add.f32 [tilespmem:s12], [sflag:$0x3], $0x80, s11, s15, $0xb8;
	[tilespmem:$0x1D000] =	vst v63  }
0x17c: {  	_ =	swait.ge [sflag:s18], $0x4000  }
0x17d: {  	[sflag:s18] =	ssyncset.done $0x0  }
0x17e: {  	s9 =	rddreg [dreg:$0xa];
	[sflag:s18] =	ssyncadd.s32 $0xFFFFC000  }
0x17f: {  	[spmem:s2] =	stream.indirect.scatter.add.f32 [tilespmem:s16], [sflag:$0x4], $0x80, s9, s15, $0xb8;
	[tilespmem:$0x1D000] =	vst v63  }
0x180: {  	_ =	swait.ge [sflag:s19], $0x4000  }
0x181: {  	[sflag:s19] =	ssyncset.done $0x0  }
0x182: {  	s10 =	rddreg [dreg:$0xb];
	[sflag:s19] =	ssyncadd.s32 $0xFFFFC000  }
0x183: {  	[tilespmem:s12], [sflag:$0x1] =	stream.indirect.gather [hbm4b:s4+s15], $0x80, s10, s15, $0xb8;
	[tilespmem:$0x1D000] =	vst v63  }
0x184: {  	_ =	swait.ge [sflag:s20], $0x4000  }
0x185: {  	[sflag:s20] =	ssyncset.done $0x0  }
0x186: {  	s11 =	rddreg [dreg:$0xc];
	[sflag:s20] =	ssyncadd.s32 $0xFFFFC000  }
0x187: {  	[tilespmem:s16], [sflag:$0x2] =	stream.indirect.gather [hbm4b:s4+s15], $0x80, s11, s15, $0xb8;
	[tilespmem:$0x1D000] =	vst v63  }
0x188: {  	_ =	swait.ge [sflag:s17], $0x4000  }
0x189: {  	[sflag:s17] =	ssyncset.done $0x0  }
0x18a: {  	s9 =	rddreg [dreg:$0xd];
	[sflag:s17] =	ssyncadd.s32 $0xFFFFC000  }
0x18b: {  	[spmem:s2] =	stream.indirect.scatter.add.f32 [tilespmem:s12], [sflag:$0x3], $0x80, s9, s15, $0xb8;
	[tilespmem:$0x1D000] =	vst v63  }
0x18c: {  	_ =	swait.ge [sflag:s18], $0x4000  }
0x18d: {  	[sflag:s18] =	ssyncset.done $0x0  }
0x18e: {  	s10 =	rddreg [dreg:$0xe];
	[sflag:s18] =	ssyncadd.s32 $0xFFFFC000  }
0x18f: {  	[spmem:s2] =	stream.indirect.scatter.add.f32 [tilespmem:s16], [sflag:$0x4], $0x80, s10, s15, $0xb8;
	[tilespmem:$0x1D000] =	vst v63  }
0x190: {  	_ =	swait.ge [sflag:s19], $0x4000  }
0x191: {  	[sflag:s19] =	ssyncset.done $0x0  }
0x192: {  	s11 =	rddreg [dreg:$0xf];
	[sflag:s19] =	ssyncadd.s32 $0xFFFFC000  }
0x193: {  	[tilespmem:s12], [sflag:$0x1] =	stream.indirect.gather [hbm4b:s4+s15], $0x80, s11, s15, $0xb8;
	[tilespmem:$0x1D000] =	vst v63  }
0x194: {  	_ =	swait.ge [sflag:s20], $0x4000  }
0x195: {  	[sflag:s20] =	ssyncset.done $0x0  }
0x196: {  	s9 =	rddreg [dreg:$0x10];
	[sflag:s20] =	ssyncadd.s32 $0xFFFFC000  }
0x197: {  	[tilespmem:s16], [sflag:$0x2] =	stream.indirect.gather [hbm4b:s4+s15], $0x80, s9, s15, $0xb8;
	[tilespmem:$0x1D000] =	vst v63  }
0x198: {  	_ =	swait.ge [sflag:s17], $0x4000  }
0x199: {  	[sflag:s17] =	ssyncset.done $0x0  }
0x19a: {  	s10 =	rddreg [dreg:$0x11];
	[sflag:s17] =	ssyncadd.s32 $0xFFFFC000  }
0x19b: {  	[spmem:s2] =	stream.indirect.scatter.add.f32 [tilespmem:s12], [sflag:$0x3], $0x80, s10, s15, $0xb8;
	[tilespmem:$0x1D000] =	vst v63  }
0x19c: {  	_ =	swait.ge [sflag:s18], $0x4000  }
0x19d: {  	[sflag:s18] =	ssyncset.done $0x0  }
0x19e: {  	s11 =	rddreg [dreg:$0x12];
	[sflag:s18] =	ssyncadd.s32 $0xFFFFC000  }
0x19f: {  	[spmem:s2] =	stream.indirect.scatter.add.f32 [tilespmem:s16], [sflag:$0x4], $0x80, s11, s15, $0xb8;
	[tilespmem:$0x1D000] =	vst v63  }
0x1a0: {  	_ =	swait.ge [sflag:s19], $0x4000  }
0x1a1: {  	[sflag:s19] =	ssyncset.done $0x0  }
0x1a2: {  	s9 =	rddreg [dreg:$0x13];
	[sflag:s19] =	ssyncadd.s32 $0xFFFFC000  }
0x1a3: {  	[tilespmem:s12], [sflag:$0x1] =	stream.indirect.gather [hbm4b:s4+s15], $0x80, s9, s15, $0xb8;
	[tilespmem:$0x1D000] =	vst v63  }
0x1a4: {  	_ =	swait.ge [sflag:s20], $0x4000  }
0x1a5: {  	[sflag:s20] =	ssyncset.done $0x0  }
0x1a6: {  	[sflag:s20] =	ssyncadd.s32 $0xFFFFC000  }
0x1a7: {  	[tilespmem:s16], [sflag:$0x2] =	stream.indirect.gather [hbm4b:s4+s15], $0x80, s21, s15, $0xb8;
	[tilespmem:$0x1D000] =	vst v63  }
0x1a8: {  	_ =	swait.ge [sflag:s17], $0x4000  }
0x1a9: {  	[sflag:s17] =	ssyncset.done $0x0  }
0x1aa: {  	[sflag:s17] =	ssyncadd.s32 $0xFFFFC000  }
0x1ab: {  	[spmem:s2] =	stream.indirect.scatter.add.f32 [tilespmem:s12], [sflag:$0x3], $0x80, s22, s15, $0xb8;
	[tilespmem:$0x1D000] =	vst v63  }
0x1ac: {  	_ =	swait.ge [sflag:s18], $0x4000  }
0x1ad: {  	[sflag:s18] =	ssyncset.done $0x0  }
0x1ae: {  	[sflag:s18] =	ssyncadd.s32 $0xFFFFC000  }
0x1af: {  	[spmem:s2] =	stream.indirect.scatter.add.f32 [tilespmem:s16], [sflag:$0x4], $0x80, s23, s15, $0xb8;
	[tilespmem:$0x1D000] =	vst v63  }
0x1b0: {  	_ =	swait.ge [sflag:s19], $0x4000  }
0x1b1: {  	[sflag:s19] =	ssyncset.done $0x0  }
0x1b2: {  	[sflag:s19] =	ssyncadd.s32 $0xFFFFC000  }
0x1b3: {  	[tilespmem:s12], [sflag:$0x1] =	stream.indirect.gather [hbm4b:s4+s15], $0x80, s24, s15, $0xb8;
	[tilespmem:$0x1D000] =	vst v63  }
0x1b4: {  	_ =	swait.ge [sflag:s20], $0x4000  }
0x1b5: {  	[sflag:s20] =	ssyncset.done $0x0  }
0x1b6: {  	[sflag:s20] =	ssyncadd.s32 $0xFFFFC000  }
0x1b7: {  	[tilespmem:s16], [sflag:$0x2] =	stream.indirect.gather [hbm4b:s4+s15], $0x80, s25, s15, $0xb8;
	[tilespmem:$0x1D000] =	vst v63  }
0x1b8: {  	_ =	swait.ge [sflag:s17], $0x4000  }
0x1b9: {  	[sflag:s17] =	ssyncset.done $0x0  }
0x1ba: {  	[sflag:s17] =	ssyncadd.s32 $0xFFFFC000  }
0x1bb: {  	[spmem:s2] =	stream.indirect.scatter.add.f32 [tilespmem:s12], [sflag:$0x3], $0x80, s26, s15, $0xb8;
	[tilespmem:$0x1D000] =	vst v63  }
0x1bc: {  	_ =	swait.ge [sflag:s18], $0x4000  }
0x1bd: {  	[sflag:s18] =	ssyncset.done $0x0  }
0x1be: {  	[sflag:s18] =	ssyncadd.s32 $0xFFFFC000  }
0x1bf: {  	[spmem:s2] =	stream.indirect.scatter.add.f32 [tilespmem:s16], [sflag:$0x4], $0x80, s28, s15, $0xb8;
	[tilespmem:$0x1D000] =	vst v63  }
0x1c0: {  	_ =	swait.ge [sflag:s19], $0x4000  }
0x1c1: {  	[sflag:s19] =	ssyncset.done $0x0  }
0x1c2: {  	[sflag:s19] =	ssyncadd.s32 $0xFFFFC000  }
0x1c3: {  	[tilespmem:s12], [sflag:$0x1] =	stream.indirect.gather [hbm4b:s4+s15], $0x80, s29, s15, $0xb8;
	[tilespmem:$0x1D000] =	vst v63  }
0x1c4: {  	_ =	swait.ge [sflag:s20], $0x4000  }
0x1c5: {  	[sflag:s20] =	ssyncset.done $0x0  }
0x1c6: {  	[sflag:s20] =	ssyncadd.s32 $0xFFFFC000  }
0x1c7: {  	[tilespmem:s16], [sflag:$0x2] =	stream.indirect.gather [hbm4b:s4+s15], $0x80, s30, s15, $0xb8;
	[tilespmem:$0x1D000] =	vst v63  }
0x1c8: {  	_ =	swait.ge [sflag:s17], $0x4000  }
0x1c9: {  	[sflag:s17] =	ssyncset.done $0x0  }
0x1ca: {  	[sflag:s17] =	ssyncadd.s32 $0xFFFFC000  }
0x1cb: {  	[spmem:s2] =	stream.indirect.scatter.add.f32 [tilespmem:s12], [sflag:$0x3], $0x80, s31, s15, $0xb8;
	[tilespmem:$0x1D000] =	vst v63  }
0x1cc: {  	_ =	swait.ge [sflag:s18], $0x4000  }
0x1cd: {  	[sflag:s18] =	ssyncset.done $0x0  }
0x1ce: {  	[sflag:s18] =	ssyncadd.s32 $0xFFFFC000  }
0x1cf: {  	[spmem:s2] =	stream.indirect.scatter.add.f32 [tilespmem:s16], [sflag:$0x4], $0x80, s0, s15, $0xb8;
	[tilespmem:$0x1D000] =	vst v63  }
0x1d0: {  	_ =	swait.ge [sflag:s19], $0x4000  }
0x1d1: {  	[sflag:s19] =	ssyncset.done $0x0  }
0x1d2: {  	[sflag:s19] =	ssyncadd.s32 $0xFFFFC000  }
0x1d3: {  	[tilespmem:s12], [sflag:$0x1] =	stream.indirect.gather [hbm4b:s4+s15], $0x80, s1, s15, $0xb8;
	[tilespmem:$0x1D000] =	vst v63  }
0x1d4: {  	_ =	swait.ge [sflag:s20], $0x4000  }
0x1d5: {  	[sflag:s20] =	ssyncset.done $0x0  }
0x1d6: {  	[sflag:s20] =	ssyncadd.s32 $0xFFFFC000  }
0x1d7: {  	[tilespmem:s16], [sflag:$0x2] =	stream.indirect.gather [hbm4b:s4+s15], $0x80, s6, s15, $0xb8;
	[tilespmem:$0x1D000] =	vst v63  }
0x1d8: {  	_ =	swait.ge [sflag:s17], $0x4000  }
0x1d9: {  	[sflag:s17] =	ssyncset.done $0x0  }
0x1da: {  	[sflag:s17] =	ssyncadd.s32 $0xFFFFC000  }
0x1db: {  	[spmem:s2] =	stream.indirect.scatter.add.f32 [tilespmem:s12], [sflag:$0x3], $0x80, s7, s15, $0xb8;
	[tilespmem:$0x1D000] =	vst v63  }
0x1dc: {  	_ =	swait.ge [sflag:s18], $0x4000  }
0x1dd: {  	[sflag:s18] =	ssyncset.done $0x0  }
0x1de: {  	[sflag:s18] =	ssyncadd.s32 $0xFFFFC000  }
0x1df: {  	[spmem:s2] =	stream.indirect.scatter.add.f32 [tilespmem:s16], [sflag:$0x4], $0x80, s8, s15, $0xb8;
	[tilespmem:$0x1D000] =	vst v63  }
0x1e0: {  	_ =	swait.ge [sflag:s19], $0x4000  }
0x1e1: {  	[sflag:s19] =	ssyncset.done $0x0  }
0x1e2: {  	[sflag:s19] =	ssyncadd.s32 $0xFFFFC000  }
0x1e3: {  	_ =	swait.ge [sflag:s20], $0x4000  }
0x1e4: {  	[sflag:s20] =	ssyncset.done $0x0  }
0x1e5: {  	[sflag:s20] =	ssyncadd.s32 $0xFFFFC000  }
0x1e6: {  	s10 =	stileid.u32;
	[bflag:$0x0] =	sbarrier.arrive $0xFFFF  }
0x1e7: {  	s5 =	sshll.u32 s10, $0x6;
	s9 =	rddreg [dreg:$0x14]  }
0x1e8: {  	s5 =	sor.u32 $0x1C05, s5;
	s11 =	rddreg [dreg:$0x19];
	s9 =	sshrl.u32 s9, $0x3  }
0x1e9: {  	[hbm:s11], [sflag:s5] =	dma.local [spmem:s9], $0x2800  }
0x1ea: {  	_ =	swait.ge [sflag:s13], $0x2800  }
0x1eb: {  	s10 =	rddreg [dreg:$0x1b]  }
0x1ec: {  	s11 =	rddreg [dreg:$0x1a];
	s9 =	sadd.s32 $0x1, s10  }
0x1ed: {  	p0 =	sne.s32 s9, s11  }
.Ltmp2:
0x1ee: {  	_ = 	snop;
	(pc) =	sbr.rel @p0 .LBB2_1-.Ltmp2, $3  }
0x1ef: {  	_ =	sdelay $0x1  }
0x1f0: {  	[sflag:s13] =	ssyncset.done $0x0  }
0x1f1: {  	[sflag:s13] =	ssyncadd.s32 $0xFFFFD800  }
0x1f2: {  	_ =	sfence.sel $0x180000  }
0x1f3: {  	[bflag:$0x0] =	sbarrier.arrive $0xFFFF  }
0x1f4: {  	_ =	strace $0x9000004A  }
0x1f5: {  	s0 =	stileid.u32;
	[bflag:$0x2] =	sbarrier.arrive $0xFFFF  }
0x1f6: {  	p0 =	sne.s32 s0, $0x0;
	s0 =	rddreg [dreg:$0x3]  }
0x1f7: {  	s0 =	sadd.s32 @!p0 $0x100000, s0  }
0x1f8: {  	[sflag:s0] =	ssyncadd.tile.s32 @!p0 $0x1;
	_ =	shalt  }
.Lfunc_end2:
_tile_overlayer_lowered:
.L_overlay_start_2:
0x1f9: {  	(tag) =	ssettag $0x2  }
0x1fa: {  	s0 =	rddreg [dreg:$0x0];
	s2 =	stileid.u32  }
0x1fb: {  	s1 =	rddreg [dreg:$0x1];
	p0 =	sne.s32 s2, $0x0  }
0x1fc: {  	s3 =	rddreg [dreg:$0x2];
	[bflag:$0x3] =	sbarrier.arrive $0xFFFF;
	s2 =	simm.s32 @!p0 $0x1C05  }
0x1fd: {  	[timem:s3], [sflag:s2] =	dma.local @!p0 [hbm:s0], s1  }
0x1fe: {  	s0 =	simm.s32 @!p0 $0x5  }
0x1ff: {  	_ =	swait.ge @!p0 [sflag:s0], s1  }
0x200: {  	s1 =	ssub.s32 @!p0 $0x0, s1;
	[sflag:s0] =	ssyncset.done @!p0 $0x0  }
0x201: {  	[sflag:s0] =	ssyncadd.s32 @!p0 s1  }
0x202: {  	[bflag:$0x3] =	sbarrier.arrive $0xFFFF  }
0x203: {  	_ =	shalt  }

// kernel: kernel.17.cloned.1.call-start
scs
__scs_entry_jumppad:
0x0: {  	(pc) =	sbr.rel $0x88, $3  }
0x1: {  	(tag) =	ssettag $0x0;
	lr =	simm.s32 $0x1  }
0x2: {  	[smem:$0x3F8F] =	sst lr;
	_ =	strace $0xD0000000  }
0x3: {  	_ = 	snop  }
0x4: {  	_ = 	snop  }
0x5: {  	_ = 	snop  }
0x6: {  	_ = 	snop  }
0x7: {  	_ = 	snop  }
__scs_overlays_trampoline_lowered:
0x8: {  	[smem:$0x3F9E] =	sst s0  }
0x9: {  	[smem:$0x3F9F] =	sst s1  }
0xa: {  	[smem:$0x3FA0] =	sst s2  }
0xb: {  	[smem:$0x3FA1] =	sst s3  }
0xc: {  	[smem:$0x3FA2] =	sst s4  }
0xd: {  	[smem:$0x3FA3] =	sst s5  }
0xe: {  	[smem:$0x3FA4] =	sst s6  }
0xf: {  	[smem:$0x3FA5] =	sst s7  }
0x10: {  	[smem:$0x3FA6] =	sst s8  }
0x11: {  	[smem:$0x3FA7] =	sst s9;
	s0 =	simm.s32 @!p0 $0x0  }
0x12: {  	s1 =	sld [smem:$0x3F8D];
	s0 =	simm.s32 @p0 $0x1  }
0x13: {  	[smem:$0x3FA8] =	sst s0;
	s0 =	simm.s32 @!p1 $0x0  }
0x14: {  	s2 =	sld [smem:$0x3F8C];
	s0 =	simm.s32 @p1 $0x1  }
0x15: {  	[smem:$0x3FA9] =	sst s0;
	s0 =	simm.s32 @!p2 $0x0  }
0x16: {  	s3 =	sld [smem:$0x3FDB];
	s0 =	simm.s32 @p2 $0x1  }
0x17: {  	s4 =	simm.s32 $0x1BF5;
	[smem:$0x3FAB] =	sst s0  }
0x18: {  	s0 =	sld [smem:$0x3F8E];
	_ =	swait.ge [sflag:s4], $0x0  }
0x19: {  	s7 =	sld [smem:$0x3F8F]  }
0x1a: {  	s8 =	sadd.s32 $0xFFFFE003, lr  }
0x1b: {  	s9 =	sadd.s32 $0xFFFFFEF7, lr;
	s5 =	simm.s32 $0xFFFFFFFF;
	p2 =	slt.u32 s8, $0xFFFFF086  }
0x1c: {  	p1 =	slt.u32 s9, $0xF7A;
	s5 =	simm.s32 @!p2 $0x0  }
0x1d: {  	s5 =	simm.s32 @p1 $0x1;
	p0 =	seq.s32 s7, s2  }
0x1e: {  	s7 =	smul.u32 @!p0 $0xF7A, s2;
	p2 =	seq.s32 @!p0 s5, $0x0  }
0x1f: {  	s9 =	smul.u32 $0xF7A, s1;
	s8 =	simm.s32 @!p0 $0x1BF5;
	p2 =	por !p2, p0  }
0x20: {  	[sflag:s8] =	ssyncset.s32 @!p0 $0xFFFFF086;
	s6 =	sadd.s32 @!p0 s3, s7;
	s7 =	simm.s32 @!p0 $0x108  }
0x21: {  	s3 =	sadd.s32 s3, s9;
	s6 =	sadd.s32 @!p0 $0x88, s6;
	s7 =	simm.s32 @p2 $0x1082  }
0x22: {  	[simem:s7], [sflag:s8] =	dma.local @!p0 [hbm:s6], $0xF7A  }
0x23: {  	s9 =	sor.u32 $0xD0000000, s2;
	s6 =	simm.s32 $0x108;
	_ =	swait.ge @!p0 [sflag:s8], $0x0  }
0x24: {  	s3 =	sadd.s32 $0x88, s3;
	s6 =	simm.s32 @!p1 $0x1082;
	[sflag:s4] =	ssyncset.s32 $0xFFFFF086  }
0x25: {  	[simem:s6], [sflag:s4] =	dma.local [hbm:s3], $0xF7A  }
0x26: {  	[smem:$0x3F8F] =	sst s1;
	(tag) =	ssettag s2;
	_ =	strace s9  }
0x27: {  	s1 =	sld [smem:$0x3F9F]  }
0x28: {  	s2 =	sld [smem:$0x3FA0]  }
0x29: {  	s4 =	sld [smem:$0x3FA2]  }
0x2a: {  	p0 =	seq.s32 s5, $0x0;
	s5 =	sld [smem:$0x3FA3]  }
0x2b: {  	s6 =	sld [smem:$0x3FA4]  }
0x2c: {  	s7 =	sld [smem:$0x3FA5]  }
0x2d: {  	s3 =	simm.s32 $0x108;
	s8 =	sld [smem:$0x3FA6]  }
0x2e: {  	s3 =	simm.s32 @!p0 $0x1082;
	s9 =	sld [smem:$0x3FA7]  }
0x2f: {  	lr =	sadd.s32 s0, s3;
	s0 =	sld [smem:$0x3F9E]  }
0x30: {  	s3 =	sld [smem:$0x3FA1]  }
0x31: {  	[smem:$0x3FAA] =	sst s10  }
0x32: {  	s10 =	sld [smem:$0x3FA8];
	_ =	sdelay $0x3  }
0x33: {  	p0 =	seq.s32 s10, $0x1;
	s10 =	sld [smem:$0x3FAA];
	_ =	sdelay $0x3  }
0x34: {  	[smem:$0x3FAA] =	sst s10  }
0x35: {  	s10 =	sld [smem:$0x3FA9];
	_ =	sdelay $0x3  }
0x36: {  	p1 =	seq.s32 s10, $0x1;
	s10 =	sld [smem:$0x3FAA];
	_ =	sdelay $0x3  }
0x37: {  	[smem:$0x3FAA] =	sst s10  }
0x38: {  	s10 =	sld [smem:$0x3FAB]  }
0x39: {  	_ = 	snop;
	(pc) =	sbr.ind lr, $3  }
0x3a: {  	_ = 	snop  }
0x3b: {  	_ = 	snop  }
0x3c: {  	p2 =	seq.s32 s10, $0x1;
	s10 =	sld [smem:$0x3FAA]  }
0x3d: {  	_ =	shalt  }
0x3e: {  	_ =	shalt  }
0x3f: {  	_ =	shalt  }
0x40: {  	_ =	shalt  }
0x41: {  	_ =	shalt  }
0x42: {  	_ =	shalt  }
0x43: {  	_ =	shalt  }
0x44: {  	_ =	shalt  }
0x45: {  	_ =	shalt  }
0x46: {  	_ =	shalt  }
0x47: {  	_ =	shalt  }
0x48: {  	_ =	shalt  }
0x49: {  	_ =	shalt  }
0x4a: {  	_ =	shalt  }
0x4b: {  	_ =	shalt  }
0x4c: {  	_ =	shalt  }
0x4d: {  	_ =	shalt  }
0x4e: {  	_ =	shalt  }
0x4f: {  	_ =	shalt  }
0x50: {  	_ =	shalt  }
0x51: {  	_ =	shalt  }
0x52: {  	_ =	shalt  }
0x53: {  	_ =	shalt  }
0x54: {  	_ =	shalt  }
0x55: {  	_ =	shalt  }
0x56: {  	_ =	shalt  }
0x57: {  	_ =	shalt  }
0x58: {  	_ =	shalt  }
0x59: {  	_ =	shalt  }
0x5a: {  	_ =	shalt  }
0x5b: {  	_ =	shalt  }
0x5c: {  	_ =	shalt  }
0x5d: {  	_ =	shalt  }
0x5e: {  	_ =	shalt  }
0x5f: {  	_ =	shalt  }
0x60: {  	_ =	shalt  }
0x61: {  	_ =	shalt  }
0x62: {  	_ =	shalt  }
0x63: {  	_ =	shalt  }
0x64: {  	_ =	shalt  }
0x65: {  	_ =	shalt  }
0x66: {  	_ =	shalt  }
0x67: {  	_ =	shalt  }
0x68: {  	_ =	shalt  }
0x69: {  	_ =	shalt  }
0x6a: {  	_ =	shalt  }
0x6b: {  	_ =	shalt  }
0x6c: {  	_ =	shalt  }
0x6d: {  	_ =	shalt  }
0x6e: {  	_ =	shalt  }
0x6f: {  	_ =	shalt  }
0x70: {  	_ =	shalt  }
0x71: {  	_ =	shalt  }
0x72: {  	_ =	shalt  }
0x73: {  	_ =	shalt  }
0x74: {  	_ =	shalt  }
0x75: {  	_ =	shalt  }
0x76: {  	_ =	shalt  }
0x77: {  	_ =	shalt  }
0x78: {  	_ =	shalt  }
0x79: {  	_ =	shalt  }
0x7a: {  	_ =	shalt  }
0x7b: {  	_ =	shalt  }
0x7c: {  	_ =	shalt  }
0x7d: {  	_ =	shalt  }
0x7e: {  	_ =	shalt  }
0x7f: {  	_ =	shalt  }
0x80: {  	_ =	shalt  }
0x81: {  	_ =	shalt  }
0x82: {  	_ =	shalt  }
0x83: {  	_ =	shalt  }
0x84: {  	_ =	shalt  }
0x85: {  	_ =	shalt  }
0x86: {  	_ =	shalt  }
0x87: {  	_ =	shalt  }
.Lfunc_end0:
.L_simem_size_0:
called_computation.2_lowered:
.L_overlay_start_0:
0x88: {  	s2 =	sld [smem:$0x3FD9]  }
0x89: {  	s3 =	sld [smem:$0x3FFE];
	_ =	sdelay $0x1  }
0x8a: {  	s1 =	srdreg.scid  }
0x8b: {  	s0 =	sand.u32 $0x1, s1  }
0x8c: {  	s17 =	sshll.u32 s0, $0xA;
	s2 =	sadd.s32 s3, s2  }
0x8d: {  	s2 =	sadd.s32 s2, s17  }
0x8e: {  	[smem:$0x3FB6] =	sst s2  }
0x8f: {  	_ = 	snop  }
0x90: {  	s2 =	sld [smem:$0x3FD0];
	(tm) =	ssettm $0x1  }
0x91: {  	s18 =	sld [smem:$0x3FFB];
	_ =	sdelay $0x3  }
0x92: {  	_ =	strace s18  }
0x93: {  	s3 =	sld [smem:$0x3FFC];
	_ =	sdelay $0x3  }
0x94: {  	_ =	strace s3  }
0x95: {  	s3 =	sld [smem:$0x3FFD];
	_ =	sdelay $0x3  }
0x96: {  	_ =	strace s3  }
0x97: {  	_ =	strace $0x8FFFFFFF  }
0x98: {  	s19 =	sld [smem:$0x3FDB];
	_ =	sdelay $0x1  }
0x99: {  	s4 =	simm.s32 $_scs_section_size  }
0x9a: {  	s5 =	simm.s32 $_size__tile_overlayer_lowered;
	s6 =	simm.s32 $_tile_overlayer_lowered  }
0x9b: {  	s22 =	simm.s32 $0x1BFF;
	s21 =	sshll.u32 s6, $0x1;
	s3 =	sadd.s32 s4, s19  }
0x9c: {  	s7 =	simm.s32 $0x0;
	s20 =	sshll.u32 s5, $0x1;
	s5 =	sadd.s32 s21, s3  }
0x9d: {  	[timem:s7], [sflag:s22] =	dma.local [hbm:s5], s20  }
0x9e: {  	_ =	swait.ge [sflag:s22], s20  }
0x9f: {  	s4 =	ssub.s32 $0x0, s20;
	[sflag:s22] =	ssyncset.done $0x0  }
0xa0: {  	[sflag:s22] =	ssyncadd.s32 s4;
	_ =	sdelay $0x1  }
0xa1: {  	s23 =	simm.s32 $0x1B8B  }
0xa2: {  	_ =	swait.ge [sflag:s23], $0x1  }
0xa3: {  	[sflag:s23] =	ssyncset.done $0x0  }
0xa4: {  	s25 =	simm.s32 $0x1B8E;
	s24 =	sld [smem:$0x3FFE];
	[sflag:s23] =	ssyncadd.s32 $0xFFFFFFFF  }
0xa5: {  	s26 =	simm.s32 $execute0_lowered;
	[smem:$0x3FD2] =	sst s25  }
0xa6: {  	s5 =	sshll.u32 s26, $0x1;
	_ =	strace $0x8000004C;
	[dreg:$0x1] =	wrdreg $0xFFFFFFFF  }
0xa7: {  	s28 =	simm.s32 $_size_execute0_lowered;
	s3 =	sadd.s32 s3, s5;
	[dreg:$0x0] =	wrdreg $0x0  }
0xa8: {  	s5 =	sshll.u32 s28, $0x1;
	[dreg:$0x2] =	wrdreg s3  }
0xa9: {  	[dreg:$0x3] =	wrdreg s5  }
0xaa: {  	[dreg:$0x4] =	wrdreg $0xC0  }
0xab: {  	_ =	task [dreg:s7], $0x5FFFF  }
0xac: {  	[dreg:$0x1] =	wrdreg $0xFFFFFFFF  }
0xad: {  	[dreg:$0x0] =	wrdreg $0x60  }
0xae: {  	[dreg:$0x2] =	wrdreg s24  }
0xaf: {  	[dreg:$0x3] =	wrdreg s2  }
0xb0: {  	[dreg:$0x4] =	wrdreg $0x90000  }
0xb1: {  	[dreg:$0x5] =	wrdreg $0x9  }
0xb2: {  	_ =	task.clear_ibuf [dreg:s7], $0x6FFFF;
	_ =	strace $0x9000004C  }
0xb3: {  	s29 =	simm.s32 $0x9;
	_ =	strace $0x8000004E  }
0xb4: {  	_ =	swait.ge [sflag:s29], $0x1  }
0xb5: {  	[sflag:s29] =	ssyncadd.s32 $0xFFFFFFFF  }
0xb6: {  	_ =	strace $0x9000004E  }
0xb7: {  	_ =	sfence  }
0xb8: {  	s30 =	sld [smem:$0x0];
	_ =	sdelay $0x2  }
0xb9: {  	s31 =	sshll.u32 s1, $0xD;
	s1 =	sshrl.u32 s1, $0x2  }
0xba: {  	s3 =	sand.u32 $0x4000, s31;
	s1 =	sadd.s32 s1, s30  }
0xbb: {  	s0 =	sor.u32 s3, s0;
	s1 =	sshll.u32 s1, $0x11  }
0xbc: {  	s0 =	sor.u32 s1, s0  }
0xbd: {  	s0 =	sadd.s32 $0x8F2B, s0  }
0xbe: {  	[sflag:s0] =	ssyncadd.remote.s32 $0x1  }
0xbf: {  	_ =	sfence.sel $0xFFFF  }
0xc0: {  	[dreg:$0x0] =	wrdreg $0xFFFFFFFF;
	(pc) =	sbr.abs _section_cstart, $3  }
0xc1: {  	[dreg:$0x1] =	wrdreg $0xFFFFFFFF  }
0xc2: {  	_ =	task.clear_ibuf [dreg:s7], $0x2FFFF;
	_ =	strace $0x9FFFFFFF  }
0xc3: {  	(tm) =	ssettm $0x7FFFFFFF  }
tec
execute0_lowered:
.L_overlay_start_1:
0x0: {  	(tag) =	ssettag $0x1  }
0x1: {  	s0 =	rddreg [dreg:$0x0]  }
0x2: {  	s1 =	rddreg [dreg:$0x1]  }
0x3: {  	s2 =	rddreg [dreg:$0x2]  }
0x4: {  	s3 =	simm.s32 $0x0;
	s10 =	stileid.u32;
	s4 =	srdreg.scid  }
0x5: {  	s13 =	simm.s32 $0x100;
	s14 =	simm.s32 $0x180;
	s15 =	simm.s32 $0x900  }
0x6: {  	s16 =	simm.s32 $0x980;
	s18 =	simm.s32 $0x200;
	s19 =	simm.s32 $0x280  }
0x7: {  	s20 =	simm.s32 $0xA00;
	s21 =	simm.s32 $0xA80;
	[smem:$0x7FF] =	sst s3  }
0x8: {  	s22 =	simm.s32 $0x300;
	_ =	strace $0x8000004D;
	[dreg:$0x7] =	wrdreg s13  }
0x9: {  	s23 =	simm.s32 $0x380;
	s28 =	simm.s32 $0xD80;
	[dreg:$0x8] =	wrdreg s14  }
0xa: {  	s29 =	simm.s32 $0x600;
	s30 =	simm.s32 $0x680;
	[dreg:$0x9] =	wrdreg s15  }
0xb: {  	s31 =	simm.s32 $0xE00;
	s5 =	smul.u32 $0x5000, s10;
	[dreg:$0xa] =	wrdreg s16  }
0xc: {  	s6 =	sand.u32 $0x1, s4;
	s7 =	smul.u32 $0x50000, s10;
	[dreg:$0xb] =	wrdreg s18  }
0xd: {  	s4 =	sadd.s32 $0x13DA00, s0;
	p0 =	seq.s32 s6, $0x0;
	[dreg:$0xc] =	wrdreg s19  }
0xe: {  	s24 =	ssub.s32 $0x2, s6;
	s6 =	smul.u32 $0x140000, s6;
	[dreg:$0xd] =	wrdreg s20  }
0xf: {  	s13 =	simm.s32 $0x5;
	s14 =	simm.s32 $0x800;
	[dreg:$0xe] =	wrdreg s21  }
0x10: {  	s15 =	simm.s32 $0x80;
	s16 =	simm.s32 $0x5000;
	[dreg:$0xf] =	wrdreg s22  }
0x11: {  	[dreg:$0x10] =	wrdreg s23;
	s18 =	simm.s32 $0x2;
	s19 =	simm.s32 $0x3  }
0x12: {  	s8 =	sadd.s32 $0x50000, s5;
	s7 =	sshrl.u32 s7, $0x2;
	s9 =	sshrl.u32 s24, $0x1  }
0x13: {  	s8 =	smov.u32 @p0 s5;
	s11 =	sadd.s32 s7, s2;
	s5 =	ssub.s32 s24, s9  }
0x14: {  	s9 =	smul.u32 $0x14000, s10;
	s10 =	simm.s32 $0x880;
	[dreg:$0x14] =	wrdreg s11  }
0x15: {  	s20 =	simm.s32 $0x4;
	s24 =	simm.s32 $0xB00;
	[dreg:$0x6] =	wrdreg s10  }
0x16: {  	s21 =	simm.s32 $0x480;
	s7 =	sadd.s32 $0x4000, s11;
	[dreg:$0x11] =	wrdreg s24  }
0x17: {  	s22 =	simm.s32 $0xC00;
	s25 =	sadd.s32 $0x8000, s11;
	[dreg:$0x15] =	wrdreg s7  }
0x18: {  	s23 =	simm.s32 $0xC80;
	s26 =	sadd.s32 $0xC000, s11;
	[dreg:$0x16] =	wrdreg s25  }
0x19: {  	s8 =	sshrl.u32 s8, $0x3;
	s12 =	sadd.s32 $0x10000, s11;
	[dreg:$0x17] =	wrdreg s26  }
0x1a: {  	s17 =	smax.u32 s5, $0x1;
	s24 =	simm.s32 $0x500;
	[dreg:$0x18] =	wrdreg s12  }
0x1b: {  	s0 =	sadd.s32 s8, s0;
	s6 =	sadd.s32 s9, s6;
	[dreg:$0x1a] =	wrdreg s17  }
0x1c: {  	s12 =	simm.s32 $0x1000;
	s17 =	simm.s32 $0x1;
	s25 =	simm.s32 $0xB80  }
0x1d: {  	s26 =	simm.s32 $0x400;
	s7 =	simm.s32 $0xF00;
	[dreg:$0x12] =	wrdreg s25  }
0x1e: {  	s9 =	simm.s32 $0x0;
	s8 =	sadd.s32 $0x4200, s0;
	[dreg:$0x13] =	wrdreg s26  }
0x1f: {  	s0 =	sadd.s32 $0x18200, s0;
	s6 =	sshrl.u32 s6, $0x3;
	[dreg:$0x4] =	wrdreg s8  }
0x20: {  	s25 =	simm.s32 $0x580;
	s26 =	simm.s32 $0xD00;
	[dreg:$0x5] =	wrdreg s0  }
0x21: {  	s1 =	sadd.s32 s1, s6;
	s0 =	simm.s32 $0xE80;
	s6 =	simm.s32 $0x780  }
0x22: {  	v0 =	vimm.f32 $0.0e+00;
	s8 =	simm.s32 $0xF80;
	[dreg:$0x19] =	wrdreg s1;
	s1 =	simm.s32 $0x700  }
.LBB2_1:
0x23: {  	s10 =	simm.s32 $0x0;
	s11 =	simm.s32 $0x200  }
.LBB2_2:
0x24: {  	p0 =	sne.s32 s11, $0xFE00;
	[tilespmem:s10+$0x1070] =	vst v0  }
0x25: {  	[tilespmem:s10+$0x1000] =	vst v0  }
0x26: {  	[tilespmem:s10+$0x1010] =	vst v0  }
.Ltmp0:
0x27: {  	[tilespmem:s10+$0x1020] =	vst v0;
	(pc) =	sbr.rel @p0 .LBB2_2-.Ltmp0, $4  }
0x28: {  	[tilespmem:s10+$0x1030] =	vst v0  }
0x29: {  	[tilespmem:s10+$0x1040] =	vst v0  }
0x2a: {  	[tilespmem:s10+$0x1050] =	vst v0  }
0x2b: {  	[tilespmem:s10+$0x1060] =	vst v0;
	s10 =	sshra.s32 s11, $0x2;
	s11 =	sadd.s32 $0x200, s11  }
0x2c: {  	[tilespmem:s10+$0x1070] =	vst v0  }
0x2d: {  	[tilespmem:s10+$0x1000] =	vst v0  }
0x2e: {  	[tilespmem:s10+$0x1010] =	vst v0  }
0x2f: {  	[tilespmem:s10+$0x1020] =	vst v0  }
0x30: {  	[tilespmem:s10+$0x1030] =	vst v0  }
0x31: {  	[tilespmem:s10+$0x1040] =	vst v0  }
0x32: {  	[dreg:$0x1b] =	wrdreg s9;
	[tilespmem:s10+$0x1050] =	vst v0  }
0x33: {  	[tilespmem:s10+$0x1060] =	vst v0;
	s5 =	rddreg [dreg:$0x14]  }
0x34: {  	[spmem:s5] =	stream.linear.scatter [tilespmem:s12], [sflag:$0x5], $0x4000, $0x38;
	[tilespmem:$0x1D000] =	vst v63  }
0x35: {  	_ =	swait.ge [sflag:s13], $0x4000  }
0x36: {  	[sflag:s13] =	ssyncset.done $0x0  }
0x37: {  	s10 =	rddreg [dreg:$0x15];
	[sflag:s13] =	ssyncadd.s32 $0xFFFFC000  }
0x38: {  	[spmem:s10] =	stream.linear.scatter [tilespmem:s12], [sflag:$0x5], $0x4000, $0x38;
	[tilespmem:$0x1D000] =	vst v63  }
0x39: {  	_ =	swait.ge [sflag:s13], $0x4000  }
0x3a: {  	[sflag:s13] =	ssyncset.done $0x0  }
0x3b: {  	s11 =	rddreg [dreg:$0x16];
	[sflag:s13] =	ssyncadd.s32 $0xFFFFC000  }
0x3c: {  	[spmem:s11] =	stream.linear.scatter [tilespmem:s12], [sflag:$0x5], $0x4000, $0x38;
	[tilespmem:$0x1D000] =	vst v63  }
0x3d: {  	_ =	swait.ge [sflag:s13], $0x4000  }
0x3e: {  	[sflag:s13] =	ssyncset.done $0x0  }
0x3f: {  	s9 =	rddreg [dreg:$0x17];
	[sflag:s13] =	ssyncadd.s32 $0xFFFFC000  }
0x40: {  	[spmem:s9] =	stream.linear.scatter [tilespmem:s12], [sflag:$0x5], $0x4000, $0x38;
	[tilespmem:$0x1D000] =	vst v63  }
0x41: {  	_ =	swait.ge [sflag:s13], $0x4000  }
0x42: {  	[sflag:s13] =	ssyncset.done $0x0  }
0x43: {  	s10 =	rddreg [dreg:$0x18];
	[sflag:s13] =	ssyncadd.s32 $0xFFFFC000  }
0x44: {  	[spmem:s10] =	stream.linear.scatter [tilespmem:s12], [sflag:$0x5], $0x4000, $0x38;
	[tilespmem:$0x1D000] =	vst v63  }
0x45: {  	_ =	swait.ge [sflag:s13], $0x4000  }
0x46: {  	[sflag:s13] =	ssyncset.done $0x0  }
0x47: {  	[sflag:s13] =	ssyncadd.s32 $0xFFFFC000  }
0x48: {  	[bflag:$0x0] =	sbarrier.arrive $0xFFFF  }
0x49: {  	s11 =	rddreg [dreg:$0x5]  }
0x4a: {  	s5 =	sadd.s32 $0x0, s11  }
0x4b: {  	[tilespmem:s3], [sflag:$0x5] =	stream.linear.gather [hbm4b:s5+s3], $0x800, $0x38;
	[tilespmem:$0x1D000] =	vst v63  }
0x4c: {  	_ =	swait.ge [sflag:s13], $0x800  }
0x4d: {  	s9 =	rddreg [dreg:$0x4];
	[sflag:s13] =	ssyncset.done $0x0  }
0x4e: {  	[sflag:s13] =	ssyncadd.s32 $0xFFFFF800;
	s5 =	sadd.s32 $0x0, s9  }
0x4f: {  	[tilespmem:s14], [sflag:$0x5] =	stream.linear.gather [hbm4b:s5+s3], $0x800, $0x38;
	[tilespmem:$0x1D000] =	vst v63  }
0x50: {  	_ =	swait.ge [sflag:s13], $0x800  }
0x51: {  	[sflag:s13] =	ssyncset.done $0x0  }
0x52: {  	[sflag:s13] =	ssyncadd.s32 $0xFFFFF800  }
0x53: {  	[tilespmem:s12], [sflag:$0x1] =	stream.indirect.gather [hbm4b:s4+s15], $0x80, s3, s15, $0xb8;
	[tilespmem:$0x1D000] =	vst v63  }
0x54: {  	_ = 	snop  }
0x55: {  	[tilespmem:s16], [sflag:$0x2] =	stream.indirect.gather [hbm4b:s4+s15], $0x80, s15, s15, $0xb8;
	[tilespmem:$0x1D000] =	vst v63  }
0x56: {  	_ =	swait.ge [sflag:s17], $0x4000  }
0x57: {  	[sflag:s17] =	ssyncset.done $0x0  }
0x58: {  	[sflag:s17] =	ssyncadd.s32 $0xFFFFC000  }
0x59: {  	[spmem:s2] =	stream.indirect.scatter.add.f32 [tilespmem:s12], [sflag:$0x3], $0x80, s14, s15, $0xb8;
	[tilespmem:$0x1D000] =	vst v63  }
0x5a: {  	_ =	swait.ge [sflag:s18], $0x4000  }
0x5b: {  	[sflag:s18] =	ssyncset.done $0x0  }
0x5c: {  	s10 =	rddreg [dreg:$0x6];
	[sflag:s18] =	ssyncadd.s32 $0xFFFFC000  }
0x5d: {  	[spmem:s2] =	stream.indirect.scatter.add.f32 [tilespmem:s16], [sflag:$0x4], $0x80, s10, s15, $0xb8;
	[tilespmem:$0x1D000] =	vst v63  }
0x5e: {  	_ =	swait.ge [sflag:s19], $0x4000  }
0x5f: {  	[sflag:s19] =	ssyncset.done $0x0  }
0x60: {  	s11 =	rddreg [dreg:$0x7];
	[sflag:s19] =	ssyncadd.s32 $0xFFFFC000  }
0x61: {  	[tilespmem:s12], [sflag:$0x1] =	stream.indirect.gather [hbm4b:s4+s15], $0x80, s11, s15, $0xb8;
	[tilespmem:$0x1D000] =	vst v63  }
0x62: {  	_ =	swait.ge [sflag:s20], $0x4000  }
0x63: {  	[sflag:s20] =	ssyncset.done $0x0  }
0x64: {  	s9 =	rddreg [dreg:$0x8];
	[sflag:s20] =	ssyncadd.s32 $0xFFFFC000  }
0x65: {  	[tilespmem:s16], [sflag:$0x2] =	stream.indirect.gather [hbm4b:s4+s15], $0x80, s9, s15, $0xb8;
	[tilespmem:$0x1D000] =	vst v63  }
0x66: {  	_ =	swait.ge [sflag:s17], $0x4000  }
0x67: {  	[sflag:s17] =	ssyncset.done $0x0  }
0x68: {  	s10 =	rddreg [dreg:$0x9];
	[sflag:s17] =	ssyncadd.s32 $0xFFFFC000  }
0x69: {  	[spmem:s2] =	stream.indirect.scatter.add.f32 [tilespmem:s12], [sflag:$0x3], $0x80, s10, s15, $0xb8;
	[tilespmem:$0x1D000] =	vst v63  }
0x6a: {  	_ =	swait.ge [sflag:s18], $0x4000  }
0x6b: {  	[sflag:s18] =	ssyncset.done $0x0  }
0x6c: {  	s11 =	rddreg [dreg:$0xa];
	[sflag:s18] =	ssyncadd.s32 $0xFFFFC000  }
0x6d: {  	[spmem:s2] =	stream.indirect.scatter.add.f32 [tilespmem:s16], [sflag:$0x4], $0x80, s11, s15, $0xb8;
	[tilespmem:$0x1D000] =	vst v63  }
0x6e: {  	_ =	swait.ge [sflag:s19], $0x4000  }
0x6f: {  	[sflag:s19] =	ssyncset.done $0x0  }
0x70: {  	s9 =	rddreg [dreg:$0xb];
	[sflag:s19] =	ssyncadd.s32 $0xFFFFC000  }
0x71: {  	[tilespmem:s12], [sflag:$0x1] =	stream.indirect.gather [hbm4b:s4+s15], $0x80, s9, s15, $0xb8;
	[tilespmem:$0x1D000] =	vst v63  }
0x72: {  	_ =	swait.ge [sflag:s20], $0x4000  }
0x73: {  	[sflag:s20] =	ssyncset.done $0x0  }
0x74: {  	s10 =	rddreg [dreg:$0xc];
	[sflag:s20] =	ssyncadd.s32 $0xFFFFC000  }
0x75: {  	[tilespmem:s16], [sflag:$0x2] =	stream.indirect.gather [hbm4b:s4+s15], $0x80, s10, s15, $0xb8;
	[tilespmem:$0x1D000] =	vst v63  }
0x76: {  	_ =	swait.ge [sflag:s17], $0x4000  }
0x77: {  	[sflag:s17] =	ssyncset.done $0x0  }
0x78: {  	s11 =	rddreg [dreg:$0xd];
	[sflag:s17] =	ssyncadd.s32 $0xFFFFC000  }
0x79: {  	[spmem:s2] =	stream.indirect.scatter.add.f32 [tilespmem:s12], [sflag:$0x3], $0x80, s11, s15, $0xb8;
	[tilespmem:$0x1D000] =	vst v63  }
0x7a: {  	_ =	swait.ge [sflag:s18], $0x4000  }
0x7b: {  	[sflag:s18] =	ssyncset.done $0x0  }
0x7c: {  	s9 =	rddreg [dreg:$0xe];
	[sflag:s18] =	ssyncadd.s32 $0xFFFFC000  }
0x7d: {  	[spmem:s2] =	stream.indirect.scatter.add.f32 [tilespmem:s16], [sflag:$0x4], $0x80, s9, s15, $0xb8;
	[tilespmem:$0x1D000] =	vst v63  }
0x7e: {  	_ =	swait.ge [sflag:s19], $0x4000  }
0x7f: {  	[sflag:s19] =	ssyncset.done $0x0  }
0x80: {  	s10 =	rddreg [dreg:$0xf];
	[sflag:s19] =	ssyncadd.s32 $0xFFFFC000  }
0x81: {  	[tilespmem:s12], [sflag:$0x1] =	stream.indirect.gather [hbm4b:s4+s15], $0x80, s10, s15, $0xb8;
	[tilespmem:$0x1D000] =	vst v63  }
0x82: {  	_ =	swait.ge [sflag:s20], $0x4000  }
0x83: {  	[sflag:s20] =	ssyncset.done $0x0  }
0x84: {  	s11 =	rddreg [dreg:$0x10];
	[sflag:s20] =	ssyncadd.s32 $0xFFFFC000  }
0x85: {  	[tilespmem:s16], [sflag:$0x2] =	stream.indirect.gather [hbm4b:s4+s15], $0x80, s11, s15, $0xb8;
	[tilespmem:$0x1D000] =	vst v63  }
0x86: {  	_ =	swait.ge [sflag:s17], $0x4000  }
0x87: {  	[sflag:s17] =	ssyncset.done $0x0  }
0x88: {  	s9 =	rddreg [dreg:$0x11];
	[sflag:s17] =	ssyncadd.s32 $0xFFFFC000  }
0x89: {  	[spmem:s2] =	stream.indirect.scatter.add.f32 [tilespmem:s12], [sflag:$0x3], $0x80, s9, s15, $0xb8;
	[tilespmem:$0x1D000] =	vst v63  }
0x8a: {  	_ =	swait.ge [sflag:s18], $0x4000  }
0x8b: {  	[sflag:s18] =	ssyncset.done $0x0  }
0x8c: {  	s10 =	rddreg [dreg:$0x12];
	[sflag:s18] =	ssyncadd.s32 $0xFFFFC000  }
0x8d: {  	[spmem:s2] =	stream.indirect.scatter.add.f32 [tilespmem:s16], [sflag:$0x4], $0x80, s10, s15, $0xb8;
	[tilespmem:$0x1D000] =	vst v63  }
0x8e: {  	_ =	swait.ge [sflag:s19], $0x4000  }
0x8f: {  	[sflag:s19] =	ssyncset.done $0x0  }
0x90: {  	s11 =	rddreg [dreg:$0x13];
	[sflag:s19] =	ssyncadd.s32 $0xFFFFC000  }
0x91: {  	[tilespmem:s12], [sflag:$0x1] =	stream.indirect.gather [hbm4b:s4+s15], $0x80, s11, s15, $0xb8;
	[tilespmem:$0x1D000] =	vst v63  }
0x92: {  	_ =	swait.ge [sflag:s20], $0x4000  }
0x93: {  	[sflag:s20] =	ssyncset.done $0x0  }
0x94: {  	[sflag:s20] =	ssyncadd.s32 $0xFFFFC000  }
0x95: {  	[tilespmem:s16], [sflag:$0x2] =	stream.indirect.gather [hbm4b:s4+s15], $0x80, s21, s15, $0xb8;
	[tilespmem:$0x1D000] =	vst v63  }
0x96: {  	_ =	swait.ge [sflag:s17], $0x4000  }
0x97: {  	[sflag:s17] =	ssyncset.done $0x0  }
0x98: {  	[sflag:s17] =	ssyncadd.s32 $0xFFFFC000  }
0x99: {  	[spmem:s2] =	stream.indirect.scatter.add.f32 [tilespmem:s12], [sflag:$0x3], $0x80, s22, s15, $0xb8;
	[tilespmem:$0x1D000] =	vst v63  }
0x9a: {  	_ =	swait.ge [sflag:s18], $0x4000  }
0x9b: {  	[sflag:s18] =	ssyncset.done $0x0  }
0x9c: {  	[sflag:s18] =	ssyncadd.s32 $0xFFFFC000  }
0x9d: {  	[spmem:s2] =	stream.indirect.scatter.add.f32 [tilespmem:s16], [sflag:$0x4], $0x80, s23, s15, $0xb8;
	[tilespmem:$0x1D000] =	vst v63  }
0x9e: {  	_ =	swait.ge [sflag:s19], $0x4000  }
0x9f: {  	[sflag:s19] =	ssyncset.done $0x0  }
0xa0: {  	[sflag:s19] =	ssyncadd.s32 $0xFFFFC000  }
0xa1: {  	[tilespmem:s12], [sflag:$0x1] =	stream.indirect.gather [hbm4b:s4+s15], $0x80, s24, s15, $0xb8;
	[tilespmem:$0x1D000] =	vst v63  }
0xa2: {  	_ =	swait.ge [sflag:s20], $0x4000  }
0xa3: {  	[sflag:s20] =	ssyncset.done $0x0  }
0xa4: {  	[sflag:s20] =	ssyncadd.s32 $0xFFFFC000  }
0xa5: {  	[tilespmem:s16], [sflag:$0x2] =	stream.indirect.gather [hbm4b:s4+s15], $0x80, s25, s15, $0xb8;
	[tilespmem:$0x1D000] =	vst v63  }
0xa6: {  	_ =	swait.ge [sflag:s17], $0x4000  }
0xa7: {  	[sflag:s17] =	ssyncset.done $0x0  }
0xa8: {  	[sflag:s17] =	ssyncadd.s32 $0xFFFFC000  }
0xa9: {  	[spmem:s2] =	stream.indirect.scatter.add.f32 [tilespmem:s12], [sflag:$0x3], $0x80, s26, s15, $0xb8;
	[tilespmem:$0x1D000] =	vst v63  }
0xaa: {  	_ =	swait.ge [sflag:s18], $0x4000  }
0xab: {  	[sflag:s18] =	ssyncset.done $0x0  }
0xac: {  	[sflag:s18] =	ssyncadd.s32 $0xFFFFC000  }
0xad: {  	[spmem:s2] =	stream.indirect.scatter.add.f32 [tilespmem:s16], [sflag:$0x4], $0x80, s28, s15, $0xb8;
	[tilespmem:$0x1D000] =	vst v63  }
0xae: {  	_ =	swait.ge [sflag:s19], $0x4000  }
0xaf: {  	[sflag:s19] =	ssyncset.done $0x0  }
0xb0: {  	[sflag:s19] =	ssyncadd.s32 $0xFFFFC000  }
0xb1: {  	[tilespmem:s12], [sflag:$0x1] =	stream.indirect.gather [hbm4b:s4+s15], $0x80, s29, s15, $0xb8;
	[tilespmem:$0x1D000] =	vst v63  }
0xb2: {  	_ =	swait.ge [sflag:s20], $0x4000  }
0xb3: {  	[sflag:s20] =	ssyncset.done $0x0  }
0xb4: {  	[sflag:s20] =	ssyncadd.s32 $0xFFFFC000  }
0xb5: {  	[tilespmem:s16], [sflag:$0x2] =	stream.indirect.gather [hbm4b:s4+s15], $0x80, s30, s15, $0xb8;
	[tilespmem:$0x1D000] =	vst v63  }
0xb6: {  	_ =	swait.ge [sflag:s17], $0x4000  }
0xb7: {  	[sflag:s17] =	ssyncset.done $0x0  }
0xb8: {  	[sflag:s17] =	ssyncadd.s32 $0xFFFFC000  }
0xb9: {  	[spmem:s2] =	stream.indirect.scatter.add.f32 [tilespmem:s12], [sflag:$0x3], $0x80, s31, s15, $0xb8;
	[tilespmem:$0x1D000] =	vst v63  }
0xba: {  	_ =	swait.ge [sflag:s18], $0x4000  }
0xbb: {  	[sflag:s18] =	ssyncset.done $0x0  }
0xbc: {  	[sflag:s18] =	ssyncadd.s32 $0xFFFFC000  }
0xbd: {  	[spmem:s2] =	stream.indirect.scatter.add.f32 [tilespmem:s16], [sflag:$0x4], $0x80, s0, s15, $0xb8;
	[tilespmem:$0x1D000] =	vst v63  }
0xbe: {  	_ =	swait.ge [sflag:s19], $0x4000  }
0xbf: {  	[sflag:s19] =	ssyncset.done $0x0  }
0xc0: {  	[sflag:s19] =	ssyncadd.s32 $0xFFFFC000  }
0xc1: {  	[tilespmem:s12], [sflag:$0x1] =	stream.indirect.gather [hbm4b:s4+s15], $0x80, s1, s15, $0xb8;
	[tilespmem:$0x1D000] =	vst v63  }
0xc2: {  	_ =	swait.ge [sflag:s20], $0x4000  }
0xc3: {  	[sflag:s20] =	ssyncset.done $0x0  }
0xc4: {  	[sflag:s20] =	ssyncadd.s32 $0xFFFFC000  }
0xc5: {  	[tilespmem:s16], [sflag:$0x2] =	stream.indirect.gather [hbm4b:s4+s15], $0x80, s6, s15, $0xb8;
	[tilespmem:$0x1D000] =	vst v63  }
0xc6: {  	_ =	swait.ge [sflag:s17], $0x4000  }
0xc7: {  	[sflag:s17] =	ssyncset.done $0x0  }
0xc8: {  	[sflag:s17] =	ssyncadd.s32 $0xFFFFC000  }
0xc9: {  	[spmem:s2] =	stream.indirect.scatter.add.f32 [tilespmem:s12], [sflag:$0x3], $0x80, s7, s15, $0xb8;
	[tilespmem:$0x1D000] =	vst v63  }
0xca: {  	_ =	swait.ge [sflag:s18], $0x4000  }
0xcb: {  	[sflag:s18] =	ssyncset.done $0x0  }
0xcc: {  	[sflag:s18] =	ssyncadd.s32 $0xFFFFC000  }
0xcd: {  	[spmem:s2] =	stream.indirect.scatter.add.f32 [tilespmem:s16], [sflag:$0x4], $0x80, s8, s15, $0xb8;
	[tilespmem:$0x1D000] =	vst v63  }
0xce: {  	_ =	swait.ge [sflag:s19], $0x4000  }
0xcf: {  	[sflag:s19] =	ssyncset.done $0x0  }
0xd0: {  	[sflag:s19] =	ssyncadd.s32 $0xFFFFC000  }
0xd1: {  	s10 =	simm.s32 $0x100;
	_ =	swait.ge [sflag:s20], $0x4000  }
0xd2: {  	s11 =	simm.s32 $0x200;
	s5 =	rddreg [dreg:$0x5];
	[sflag:s20] =	ssyncset.done $0x0  }
.LBB2_4:
0xd3: {  	[sflag:s20] =	ssyncadd.s32 $0xFFFFC000;
	s5 =	sadd.s32 s10, s5  }
0xd4: {  	[tilespmem:s3], [sflag:$0x5] =	stream.linear.gather [hbm4b:s5+s3], $0x800, $0x38;
	[tilespmem:$0x1D000] =	vst v63  }
0xd5: {  	_ =	swait.ge [sflag:s13], $0x800  }
0xd6: {  	s5 =	rddreg [dreg:$0x4];
	[sflag:s13] =	ssyncset.done $0x0  }
0xd7: {  	[sflag:s13] =	ssyncadd.s32 $0xFFFFF800;
	s5 =	sadd.s32 s10, s5  }
0xd8: {  	[tilespmem:s14], [sflag:$0x5] =	stream.linear.gather [hbm4b:s5+s3], $0x800, $0x38;
	[tilespmem:$0x1D000] =	vst v63  }
0xd9: {  	_ =	swait.ge [sflag:s13], $0x800  }
0xda: {  	[sflag:s13] =	ssyncset.done $0x0  }
0xdb: {  	[sflag:s13] =	ssyncadd.s32 $0xFFFFF800  }
0xdc: {  	[tilespmem:s12], [sflag:$0x1] =	stream.indirect.gather [hbm4b:s4+s15], $0x80, s3, s15, $0xb8;
	[tilespmem:$0x1D000] =	vst v63  }
0xdd: {  	_ = 	snop  }
0xde: {  	[tilespmem:s16], [sflag:$0x2] =	stream.indirect.gather [hbm4b:s4+s15], $0x80, s15, s15, $0xb8;
	[tilespmem:$0x1D000] =	vst v63  }
0xdf: {  	_ =	swait.ge [sflag:s17], $0x4000  }
0xe0: {  	[sflag:s17] =	ssyncset.done $0x0  }
0xe1: {  	[sflag:s17] =	ssyncadd.s32 $0xFFFFC000  }
0xe2: {  	[spmem:s2] =	stream.indirect.scatter.add.f32 [tilespmem:s12], [sflag:$0x3], $0x80, s14, s15, $0xb8;
	[tilespmem:$0x1D000] =	vst v63  }
0xe3: {  	_ =	swait.ge [sflag:s18], $0x4000  }
0xe4: {  	s9 =	smov.u32 s11;
	[sflag:s18] =	ssyncset.done $0x0  }
0xe5: {  	s10 =	smov.u32 s9;
	s9 =	rddreg [dreg:$0x6];
	[sflag:s18] =	ssyncadd.s32 $0xFFFFC000  }
0xe6: {  	[spmem:s2] =	stream.indirect.scatter.add.f32 [tilespmem:s16], [sflag:$0x4], $0x80, s9, s15, $0xb8;
	[tilespmem:$0x1D000] =	vst v63  }
0xe7: {  	_ =	swait.ge [sflag:s19], $0x4000  }
0xe8: {  	[sflag:s19] =	ssyncset.done $0x0  }
0xe9: {  	s9 =	rddreg [dreg:$0x7];
	[sflag:s19] =	ssyncadd.s32 $0xFFFFC000  }
0xea: {  	[tilespmem:s12], [sflag:$0x1] =	stream.indirect.gather [hbm4b:s4+s15], $0x80, s9, s15, $0xb8;
	[tilespmem:$0x1D000] =	vst v63  }
0xeb: {  	_ =	swait.ge [sflag:s20], $0x4000  }
0xec: {  	[sflag:s20] =	ssyncset.done $0x0  }
0xed: {  	s9 =	rddreg [dreg:$0x8];
	[sflag:s20] =	ssyncadd.s32 $0xFFFFC000  }
0xee: {  	[tilespmem:s16], [sflag:$0x2] =	stream.indirect.gather [hbm4b:s4+s15], $0x80, s9, s15, $0xb8;
	[tilespmem:$0x1D000] =	vst v63  }
0xef: {  	_ =	swait.ge [sflag:s17], $0x4000  }
0xf0: {  	[sflag:s17] =	ssyncset.done $0x0  }
0xf1: {  	s9 =	rddreg [dreg:$0x9];
	[sflag:s17] =	ssyncadd.s32 $0xFFFFC000  }
0xf2: {  	[spmem:s2] =	stream.indirect.scatter.add.f32 [tilespmem:s12], [sflag:$0x3], $0x80, s9, s15, $0xb8;
	[tilespmem:$0x1D000] =	vst v63  }
0xf3: {  	_ =	swait.ge [sflag:s18], $0x4000  }
0xf4: {  	[sflag:s18] =	ssyncset.done $0x0  }
0xf5: {  	s9 =	rddreg [dreg:$0xa];
	[sflag:s18] =	ssyncadd.s32 $0xFFFFC000  }
0xf6: {  	[spmem:s2] =	stream.indirect.scatter.add.f32 [tilespmem:s16], [sflag:$0x4], $0x80, s9, s15, $0xb8;
	[tilespmem:$0x1D000] =	vst v63  }
0xf7: {  	_ =	swait.ge [sflag:s19], $0x4000  }
0xf8: {  	[sflag:s19] =	ssyncset.done $0x0  }
0xf9: {  	s9 =	rddreg [dreg:$0xb];
	[sflag:s19] =	ssyncadd.s32 $0xFFFFC000  }
0xfa: {  	[tilespmem:s12], [sflag:$0x1] =	stream.indirect.gather [hbm4b:s4+s15], $0x80, s9, s15, $0xb8;
	[tilespmem:$0x1D000] =	vst v63  }
0xfb: {  	_ =	swait.ge [sflag:s20], $0x4000  }
0xfc: {  	[sflag:s20] =	ssyncset.done $0x0  }
0xfd: {  	s9 =	rddreg [dreg:$0xc];
	[sflag:s20] =	ssyncadd.s32 $0xFFFFC000  }
0xfe: {  	[tilespmem:s16], [sflag:$0x2] =	stream.indirect.gather [hbm4b:s4+s15], $0x80, s9, s15, $0xb8;
	[tilespmem:$0x1D000] =	vst v63  }
0xff: {  	_ =	swait.ge [sflag:s17], $0x4000  }
0x100: {  	[sflag:s17] =	ssyncset.done $0x0  }
0x101: {  	s9 =	rddreg [dreg:$0xd];
	[sflag:s17] =	ssyncadd.s32 $0xFFFFC000  }
0x102: {  	[spmem:s2] =	stream.indirect.scatter.add.f32 [tilespmem:s12], [sflag:$0x3], $0x80, s9, s15, $0xb8;
	[tilespmem:$0x1D000] =	vst v63  }
0x103: {  	_ =	swait.ge [sflag:s18], $0x4000  }
0x104: {  	[sflag:s18] =	ssyncset.done $0x0  }
0x105: {  	s9 =	rddreg [dreg:$0xe];
	[sflag:s18] =	ssyncadd.s32 $0xFFFFC000  }
0x106: {  	[spmem:s2] =	stream.indirect.scatter.add.f32 [tilespmem:s16], [sflag:$0x4], $0x80, s9, s15, $0xb8;
	[tilespmem:$0x1D000] =	vst v63  }
0x107: {  	_ =	swait.ge [sflag:s19], $0x4000  }
0x108: {  	[sflag:s19] =	ssyncset.done $0x0  }
0x109: {  	s9 =	rddreg [dreg:$0xf];
	[sflag:s19] =	ssyncadd.s32 $0xFFFFC000  }
0x10a: {  	[tilespmem:s12], [sflag:$0x1] =	stream.indirect.gather [hbm4b:s4+s15], $0x80, s9, s15, $0xb8;
	[tilespmem:$0x1D000] =	vst v63  }
0x10b: {  	_ =	swait.ge [sflag:s20], $0x4000  }
0x10c: {  	[sflag:s20] =	ssyncset.done $0x0  }
0x10d: {  	s9 =	rddreg [dreg:$0x10];
	[sflag:s20] =	ssyncadd.s32 $0xFFFFC000  }
0x10e: {  	[tilespmem:s16], [sflag:$0x2] =	stream.indirect.gather [hbm4b:s4+s15], $0x80, s9, s15, $0xb8;
	[tilespmem:$0x1D000] =	vst v63  }
0x10f: {  	_ =	swait.ge [sflag:s17], $0x4000  }
0x110: {  	[sflag:s17] =	ssyncset.done $0x0  }
0x111: {  	s9 =	rddreg [dreg:$0x11];
	[sflag:s17] =	ssyncadd.s32 $0xFFFFC000  }
0x112: {  	[spmem:s2] =	stream.indirect.scatter.add.f32 [tilespmem:s12], [sflag:$0x3], $0x80, s9, s15, $0xb8;
	[tilespmem:$0x1D000] =	vst v63  }
0x113: {  	_ =	swait.ge [sflag:s18], $0x4000  }
0x114: {  	[sflag:s18] =	ssyncset.done $0x0  }
0x115: {  	s9 =	rddreg [dreg:$0x12];
	[sflag:s18] =	ssyncadd.s32 $0xFFFFC000  }
0x116: {  	[spmem:s2] =	stream.indirect.scatter.add.f32 [tilespmem:s16], [sflag:$0x4], $0x80, s9, s15, $0xb8;
	[tilespmem:$0x1D000] =	vst v63  }
0x117: {  	_ =	swait.ge [sflag:s19], $0x4000  }
0x118: {  	[sflag:s19] =	ssyncset.done $0x0  }
0x119: {  	s9 =	rddreg [dreg:$0x13];
	[sflag:s19] =	ssyncadd.s32 $0xFFFFC000  }
0x11a: {  	[tilespmem:s12], [sflag:$0x1] =	stream.indirect.gather [hbm4b:s4+s15], $0x80, s9, s15, $0xb8;
	[tilespmem:$0x1D000] =	vst v63  }
0x11b: {  	_ =	swait.ge [sflag:s20], $0x4000  }
0x11c: {  	[sflag:s20] =	ssyncset.done $0x0  }
0x11d: {  	[sflag:s20] =	ssyncadd.s32 $0xFFFFC000  }
0x11e: {  	[tilespmem:s16], [sflag:$0x2] =	stream.indirect.gather [hbm4b:s4+s15], $0x80, s21, s15, $0xb8;
	[tilespmem:$0x1D000] =	vst v63  }
0x11f: {  	_ =	swait.ge [sflag:s17], $0x4000  }
0x120: {  	[sflag:s17] =	ssyncset.done $0x0  }
0x121: {  	[sflag:s17] =	ssyncadd.s32 $0xFFFFC000  }
0x122: {  	[spmem:s2] =	stream.indirect.scatter.add.f32 [tilespmem:s12], [sflag:$0x3], $0x80, s22, s15, $0xb8;
	[tilespmem:$0x1D000] =	vst v63  }
0x123: {  	_ =	swait.ge [sflag:s18], $0x4000  }
0x124: {  	[sflag:s18] =	ssyncset.done $0x0  }
0x125: {  	[sflag:s18] =	ssyncadd.s32 $0xFFFFC000  }
0x126: {  	[spmem:s2] =	stream.indirect.scatter.add.f32 [tilespmem:s16], [sflag:$0x4], $0x80, s23, s15, $0xb8;
	[tilespmem:$0x1D000] =	vst v63  }
0x127: {  	_ =	swait.ge [sflag:s19], $0x4000  }
0x128: {  	[sflag:s19] =	ssyncset.done $0x0  }
0x129: {  	[sflag:s19] =	ssyncadd.s32 $0xFFFFC000  }
0x12a: {  	[tilespmem:s12], [sflag:$0x1] =	stream.indirect.gather [hbm4b:s4+s15], $0x80, s24, s15, $0xb8;
	[tilespmem:$0x1D000] =	vst v63  }
0x12b: {  	_ =	swait.ge [sflag:s20], $0x4000  }
0x12c: {  	[sflag:s20] =	ssyncset.done $0x0  }
0x12d: {  	[sflag:s20] =	ssyncadd.s32 $0xFFFFC000  }
0x12e: {  	[tilespmem:s16], [sflag:$0x2] =	stream.indirect.gather [hbm4b:s4+s15], $0x80, s25, s15, $0xb8;
	[tilespmem:$0x1D000] =	vst v63  }
0x12f: {  	_ =	swait.ge [sflag:s17], $0x4000  }
0x130: {  	[sflag:s17] =	ssyncset.done $0x0  }
0x131: {  	[sflag:s17] =	ssyncadd.s32 $0xFFFFC000  }
0x132: {  	[spmem:s2] =	stream.indirect.scatter.add.f32 [tilespmem:s12], [sflag:$0x3], $0x80, s26, s15, $0xb8;
	[tilespmem:$0x1D000] =	vst v63  }
0x133: {  	_ =	swait.ge [sflag:s18], $0x4000  }
0x134: {  	[sflag:s18] =	ssyncset.done $0x0  }
0x135: {  	[sflag:s18] =	ssyncadd.s32 $0xFFFFC000  }
0x136: {  	[spmem:s2] =	stream.indirect.scatter.add.f32 [tilespmem:s16], [sflag:$0x4], $0x80, s28, s15, $0xb8;
	[tilespmem:$0x1D000] =	vst v63  }
0x137: {  	_ =	swait.ge [sflag:s19], $0x4000  }
0x138: {  	[sflag:s19] =	ssyncset.done $0x0  }
0x139: {  	[sflag:s19] =	ssyncadd.s32 $0xFFFFC000  }
0x13a: {  	[tilespmem:s12], [sflag:$0x1] =	stream.indirect.gather [hbm4b:s4+s15], $0x80, s29, s15, $0xb8;
	[tilespmem:$0x1D000] =	vst v63  }
0x13b: {  	_ =	swait.ge [sflag:s20], $0x4000  }
0x13c: {  	[sflag:s20] =	ssyncset.done $0x0  }
0x13d: {  	[sflag:s20] =	ssyncadd.s32 $0xFFFFC000  }
0x13e: {  	[tilespmem:s16], [sflag:$0x2] =	stream.indirect.gather [hbm4b:s4+s15], $0x80, s30, s15, $0xb8;
	[tilespmem:$0x1D000] =	vst v63  }
0x13f: {  	_ =	swait.ge [sflag:s17], $0x4000  }
0x140: {  	[sflag:s17] =	ssyncset.done $0x0  }
0x141: {  	[sflag:s17] =	ssyncadd.s32 $0xFFFFC000  }
0x142: {  	[spmem:s2] =	stream.indirect.scatter.add.f32 [tilespmem:s12], [sflag:$0x3], $0x80, s31, s15, $0xb8;
	[tilespmem:$0x1D000] =	vst v63  }
0x143: {  	_ =	swait.ge [sflag:s18], $0x4000  }
0x144: {  	[sflag:s18] =	ssyncset.done $0x0  }
0x145: {  	[sflag:s18] =	ssyncadd.s32 $0xFFFFC000  }
0x146: {  	[spmem:s2] =	stream.indirect.scatter.add.f32 [tilespmem:s16], [sflag:$0x4], $0x80, s0, s15, $0xb8;
	[tilespmem:$0x1D000] =	vst v63  }
0x147: {  	_ =	swait.ge [sflag:s19], $0x4000  }
0x148: {  	[sflag:s19] =	ssyncset.done $0x0  }
0x149: {  	[sflag:s19] =	ssyncadd.s32 $0xFFFFC000  }
0x14a: {  	[tilespmem:s12], [sflag:$0x1] =	stream.indirect.gather [hbm4b:s4+s15], $0x80, s1, s15, $0xb8;
	[tilespmem:$0x1D000] =	vst v63  }
0x14b: {  	_ =	swait.ge [sflag:s20], $0x4000  }
0x14c: {  	[sflag:s20] =	ssyncset.done $0x0  }
0x14d: {  	[sflag:s20] =	ssyncadd.s32 $0xFFFFC000  }
0x14e: {  	[tilespmem:s16], [sflag:$0x2] =	stream.indirect.gather [hbm4b:s4+s15], $0x80, s6, s15, $0xb8;
	[tilespmem:$0x1D000] =	vst v63  }
0x14f: {  	_ =	swait.ge [sflag:s17], $0x4000  }
0x150: {  	[sflag:s17] =	ssyncset.done $0x0  }
0x151: {  	[sflag:s17] =	ssyncadd.s32 $0xFFFFC000  }
0x152: {  	[spmem:s2] =	stream.indirect.scatter.add.f32 [tilespmem:s12], [sflag:$0x3], $0x80, s7, s15, $0xb8;
	[tilespmem:$0x1D000] =	vst v63  }
0x153: {  	_ =	swait.ge [sflag:s18], $0x4000  }
0x154: {  	[sflag:s18] =	ssyncset.done $0x0  }
0x155: {  	p0 =	sne.s32 s11, $0x900;
	[sflag:s18] =	ssyncadd.s32 $0xFFFFC000  }
0x156: {  	[spmem:s2] =	stream.indirect.scatter.add.f32 [tilespmem:s16], [sflag:$0x4], $0x80, s8, s15, $0xb8;
	[tilespmem:$0x1D000] =	vst v63  }
.Ltmp1:
0x157: {  	_ =	swait.ge [sflag:s19], $0x4000;
	(pc) =	sbr.rel @p0 .LBB2_4-.Ltmp1, $4  }
0x158: {  	[sflag:s19] =	ssyncset.done $0x0  }
0x159: {  	[sflag:s19] =	ssyncadd.s32 $0xFFFFC000  }
0x15a: {  	_ =	swait.ge [sflag:s20], $0x4000  }
0x15b: {  	s11 =	sadd.s32 $0x100, s11;
	s5 =	rddreg [dreg:$0x5];
	[sflag:s20] =	ssyncset.done $0x0  }
0x15c: {  	[sflag:s20] =	ssyncadd.s32 $0xFFFFC000;
	s5 =	sadd.s32 s10, s5  }
0x15d: {  	[tilespmem:s3], [sflag:$0x5] =	stream.linear.gather [hbm4b:s5+s3], $0x800, $0x38;
	[tilespmem:$0x1D000] =	vst v63  }
0x15e: {  	_ =	swait.ge [sflag:s13], $0x800  }
0x15f: {  	s9 =	rddreg [dreg:$0x4];
	[sflag:s13] =	ssyncset.done $0x0  }
0x160: {  	[sflag:s13] =	ssyncadd.s32 $0xFFFFF800;
	s5 =	sadd.s32 s10, s9  }
0x161: {  	[tilespmem:s14], [sflag:$0x5] =	stream.linear.gather [hbm4b:s5+s3], $0x800, $0x38;
	[tilespmem:$0x1D000] =	vst v63  }
0x162: {  	_ =	swait.ge [sflag:s13], $0x800  }
0x163: {  	[sflag:s13] =	ssyncset.done $0x0  }
0x164: {  	[sflag:s13] =	ssyncadd.s32 $0xFFFFF800  }
0x165: {  	[tilespmem:s12], [sflag:$0x1] =	stream.indirect.gather [hbm4b:s4+s15], $0x80, s3, s15, $0xb8;
	[tilespmem:$0x1D000] =	vst v63  }
0x166: {  	_ = 	snop  }
0x167: {  	[tilespmem:s16], [sflag:$0x2] =	stream.indirect.gather [hbm4b:s4+s15], $0x80, s15, s15, $0xb8;
	[tilespmem:$0x1D000] =	vst v63  }
0x168: {  	_ =	swait.ge [sflag:s17], $0x4000  }
0x169: {  	[sflag:s17] =	ssyncset.done $0x0  }
0x16a: {  	[sflag:s17] =	ssyncadd.s32 $0xFFFFC000  }
0x16b: {  	[spmem:s2] =	stream.indirect.scatter.add.f32 [tilespmem:s12], [sflag:$0x3], $0x80, s14, s15, $0xb8;
	[tilespmem:$0x1D000] =	vst v63  }
0x16c: {  	_ =	swait.ge [sflag:s18], $0x4000  }
0x16d: {  	[sflag:s18] =	ssyncset.done $0x0  }
0x16e: {  	s11 =	rddreg [dreg:$0x6];
	[sflag:s18] =	ssyncadd.s32 $0xFFFFC000  }
0x16f: {  	[spmem:s2] =	stream.indirect.scatter.add.f32 [tilespmem:s16], [sflag:$0x4], $0x80, s11, s15, $0xb8;
	[tilespmem:$0x1D000] =	vst v63  }
0x170: {  	_ =	swait.ge [sflag:s19], $0x4000  }
0x171: {  	[sflag:s19] =	ssyncset.done $0x0  }
0x172: {  	s9 =	rddreg [dreg:$0x7];
	[sflag:s19] =	ssyncadd.s32 $0xFFFFC000  }
0x173: {  	[tilespmem:s12], [sflag:$0x1] =	stream.indirect.gather [hbm4b:s4+s15], $0x80, s9, s15, $0xb8;
	[tilespmem:$0x1D000] =	vst v63  }
0x174: {  	_ =	swait.ge [sflag:s20], $0x4000  }
0x175: {  	[sflag:s20] =	ssyncset.done $0x0  }
0x176: {  	s10 =	rddreg [dreg:$0x8];
	[sflag:s20] =	ssyncadd.s32 $0xFFFFC000  }
0x177: {  	[tilespmem:s16], [sflag:$0x2] =	stream.indirect.gather [hbm4b:s4+s15], $0x80, s10, s15, $0xb8;
	[tilespmem:$0x1D000] =	vst v63  }
0x178: {  	_ =	swait.ge [sflag:s17], $0x4000  }
0x179: {  	[sflag:s17] =	ssyncset.done $0x0  }
0x17a: {  	s11 =	rddreg [dreg:$0x9];
	[sflag:s17] =	ssyncadd.s32 $0xFFFFC000  }
0x17b: {  	[spmem:s2] =	stream.indirect.scatter.add.f32 [tilespmem:s12], [sflag:$0x3], $0x80, s11, s15, $0xb8;
	[tilespmem:$0x1D000] =	vst v63  }
0x17c: {  	_ =	swait.ge [sflag:s18], $0x4000  }
0x17d: {  	[sflag:s18] =	ssyncset.done $0x0  }
0x17e: {  	s9 =	rddreg [dreg:$0xa];
	[sflag:s18] =	ssyncadd.s32 $0xFFFFC000  }
0x17f: {  	[spmem:s2] =	stream.indirect.scatter.add.f32 [tilespmem:s16], [sflag:$0x4], $0x80, s9, s15, $0xb8;
	[tilespmem:$0x1D000] =	vst v63  }
0x180: {  	_ =	swait.ge [sflag:s19], $0x4000  }
0x181: {  	[sflag:s19] =	ssyncset.done $0x0  }
0x182: {  	s10 =	rddreg [dreg:$0xb];
	[sflag:s19] =	ssyncadd.s32 $0xFFFFC000  }
0x183: {  	[tilespmem:s12], [sflag:$0x1] =	stream.indirect.gather [hbm4b:s4+s15], $0x80, s10, s15, $0xb8;
	[tilespmem:$0x1D000] =	vst v63  }
0x184: {  	_ =	swait.ge [sflag:s20], $0x4000  }
0x185: {  	[sflag:s20] =	ssyncset.done $0x0  }
0x186: {  	s11 =	rddreg [dreg:$0xc];
	[sflag:s20] =	ssyncadd.s32 $0xFFFFC000  }
0x187: {  	[tilespmem:s16], [sflag:$0x2] =	stream.indirect.gather [hbm4b:s4+s15], $0x80, s11, s15, $0xb8;
	[tilespmem:$0x1D000] =	vst v63  }
0x188: {  	_ =	swait.ge [sflag:s17], $0x4000  }
0x189: {  	[sflag:s17] =	ssyncset.done $0x0  }
0x18a: {  	s9 =	rddreg [dreg:$0xd];
	[sflag:s17] =	ssyncadd.s32 $0xFFFFC000  }
0x18b: {  	[spmem:s2] =	stream.indirect.scatter.add.f32 [tilespmem:s12], [sflag:$0x3], $0x80, s9, s15, $0xb8;
	[tilespmem:$0x1D000] =	vst v63  }
0x18c: {  	_ =	swait.ge [sflag:s18], $0x4000  }
0x18d: {  	[sflag:s18] =	ssyncset.done $0x0  }
0x18e: {  	s10 =	rddreg [dreg:$0xe];
	[sflag:s18] =	ssyncadd.s32 $0xFFFFC000  }
0x18f: {  	[spmem:s2] =	stream.indirect.scatter.add.f32 [tilespmem:s16], [sflag:$0x4], $0x80, s10, s15, $0xb8;
	[tilespmem:$0x1D000] =	vst v63  }
0x190: {  	_ =	swait.ge [sflag:s19], $0x4000  }
0x191: {  	[sflag:s19] =	ssyncset.done $0x0  }
0x192: {  	s11 =	rddreg [dreg:$0xf];
	[sflag:s19] =	ssyncadd.s32 $0xFFFFC000  }
0x193: {  	[tilespmem:s12], [sflag:$0x1] =	stream.indirect.gather [hbm4b:s4+s15], $0x80, s11, s15, $0xb8;
	[tilespmem:$0x1D000] =	vst v63  }
0x194: {  	_ =	swait.ge [sflag:s20], $0x4000  }
0x195: {  	[sflag:s20] =	ssyncset.done $0x0  }
0x196: {  	s9 =	rddreg [dreg:$0x10];
	[sflag:s20] =	ssyncadd.s32 $0xFFFFC000  }
0x197: {  	[tilespmem:s16], [sflag:$0x2] =	stream.indirect.gather [hbm4b:s4+s15], $0x80, s9, s15, $0xb8;
	[tilespmem:$0x1D000] =	vst v63  }
0x198: {  	_ =	swait.ge [sflag:s17], $0x4000  }
0x199: {  	[sflag:s17] =	ssyncset.done $0x0  }
0x19a: {  	s10 =	rddreg [dreg:$0x11];
	[sflag:s17] =	ssyncadd.s32 $0xFFFFC000  }
0x19b: {  	[spmem:s2] =	stream.indirect.scatter.add.f32 [tilespmem:s12], [sflag:$0x3], $0x80, s10, s15, $0xb8;
	[tilespmem:$0x1D000] =	vst v63  }
0x19c: {  	_ =	swait.ge [sflag:s18], $0x4000  }
0x19d: {  	[sflag:s18] =	ssyncset.done $0x0  }
0x19e: {  	s11 =	rddreg [dreg:$0x12];
	[sflag:s18] =	ssyncadd.s32 $0xFFFFC000  }
0x19f: {  	[spmem:s2] =	stream.indirect.scatter.add.f32 [tilespmem:s16], [sflag:$0x4], $0x80, s11, s15, $0xb8;
	[tilespmem:$0x1D000] =	vst v63  }
0x1a0: {  	_ =	swait.ge [sflag:s19], $0x4000  }
0x1a1: {  	[sflag:s19] =	ssyncset.done $0x0  }
0x1a2: {  	s9 =	rddreg [dreg:$0x13];
	[sflag:s19] =	ssyncadd.s32 $0xFFFFC000  }
0x1a3: {  	[tilespmem:s12], [sflag:$0x1] =	stream.indirect.gather [hbm4b:s4+s15], $0x80, s9, s15, $0xb8;
	[tilespmem:$0x1D000] =	vst v63  }
0x1a4: {  	_ =	swait.ge [sflag:s20], $0x4000  }
0x1a5: {  	[sflag:s20] =	ssyncset.done $0x0  }
0x1a6: {  	[sflag:s20] =	ssyncadd.s32 $0xFFFFC000  }
0x1a7: {  	[tilespmem:s16], [sflag:$0x2] =	stream.indirect.gather [hbm4b:s4+s15], $0x80, s21, s15, $0xb8;
	[tilespmem:$0x1D000] =	vst v63  }
0x1a8: {  	_ =	swait.ge [sflag:s17], $0x4000  }
0x1a9: {  	[sflag:s17] =	ssyncset.done $0x0  }
0x1aa: {  	[sflag:s17] =	ssyncadd.s32 $0xFFFFC000  }
0x1ab: {  	[spmem:s2] =	stream.indirect.scatter.add.f32 [tilespmem:s12], [sflag:$0x3], $0x80, s22, s15, $0xb8;
	[tilespmem:$0x1D000] =	vst v63  }
0x1ac: {  	_ =	swait.ge [sflag:s18], $0x4000  }
0x1ad: {  	[sflag:s18] =	ssyncset.done $0x0  }
0x1ae: {  	[sflag:s18] =	ssyncadd.s32 $0xFFFFC000  }
0x1af: {  	[spmem:s2] =	stream.indirect.scatter.add.f32 [tilespmem:s16], [sflag:$0x4], $0x80, s23, s15, $0xb8;
	[tilespmem:$0x1D000] =	vst v63  }
0x1b0: {  	_ =	swait.ge [sflag:s19], $0x4000  }
0x1b1: {  	[sflag:s19] =	ssyncset.done $0x0  }
0x1b2: {  	[sflag:s19] =	ssyncadd.s32 $0xFFFFC000  }
0x1b3: {  	[tilespmem:s12], [sflag:$0x1] =	stream.indirect.gather [hbm4b:s4+s15], $0x80, s24, s15, $0xb8;
	[tilespmem:$0x1D000] =	vst v63  }
0x1b4: {  	_ =	swait.ge [sflag:s20], $0x4000  }
0x1b5: {  	[sflag:s20] =	ssyncset.done $0x0  }
0x1b6: {  	[sflag:s20] =	ssyncadd.s32 $0xFFFFC000  }
0x1b7: {  	[tilespmem:s16], [sflag:$0x2] =	stream.indirect.gather [hbm4b:s4+s15], $0x80, s25, s15, $0xb8;
	[tilespmem:$0x1D000] =	vst v63  }
0x1b8: {  	_ =	swait.ge [sflag:s17], $0x4000  }
0x1b9: {  	[sflag:s17] =	ssyncset.done $0x0  }
0x1ba: {  	[sflag:s17] =	ssyncadd.s32 $0xFFFFC000  }
0x1bb: {  	[spmem:s2] =	stream.indirect.scatter.add.f32 [tilespmem:s12], [sflag:$0x3], $0x80, s26, s15, $0xb8;
	[tilespmem:$0x1D000] =	vst v63  }
0x1bc: {  	_ =	swait.ge [sflag:s18], $0x4000  }
0x1bd: {  	[sflag:s18] =	ssyncset.done $0x0  }
0x1be: {  	[sflag:s18] =	ssyncadd.s32 $0xFFFFC000  }
0x1bf: {  	[spmem:s2] =	stream.indirect.scatter.add.f32 [tilespmem:s16], [sflag:$0x4], $0x80, s28, s15, $0xb8;
	[tilespmem:$0x1D000] =	vst v63  }
0x1c0: {  	_ =	swait.ge [sflag:s19], $0x4000  }
0x1c1: {  	[sflag:s19] =	ssyncset.done $0x0  }
0x1c2: {  	[sflag:s19] =	ssyncadd.s32 $0xFFFFC000  }
0x1c3: {  	[tilespmem:s12], [sflag:$0x1] =	stream.indirect.gather [hbm4b:s4+s15], $0x80, s29, s15, $0xb8;
	[tilespmem:$0x1D000] =	vst v63  }
0x1c4: {  	_ =	swait.ge [sflag:s20], $0x4000  }
0x1c5: {  	[sflag:s20] =	ssyncset.done $0x0  }
0x1c6: {  	[sflag:s20] =	ssyncadd.s32 $0xFFFFC000  }
0x1c7: {  	[tilespmem:s16], [sflag:$0x2] =	stream.indirect.gather [hbm4b:s4+s15], $0x80, s30, s15, $0xb8;
	[tilespmem:$0x1D000] =	vst v63  }
0x1c8: {  	_ =	swait.ge [sflag:s17], $0x4000  }
0x1c9: {  	[sflag:s17] =	ssyncset.done $0x0  }
0x1ca: {  	[sflag:s17] =	ssyncadd.s32 $0xFFFFC000  }
0x1cb: {  	[spmem:s2] =	stream.indirect.scatter.add.f32 [tilespmem:s12], [sflag:$0x3], $0x80, s31, s15, $0xb8;
	[tilespmem:$0x1D000] =	vst v63  }
0x1cc: {  	_ =	swait.ge [sflag:s18], $0x4000  }
0x1cd: {  	[sflag:s18] =	ssyncset.done $0x0  }
0x1ce: {  	[sflag:s18] =	ssyncadd.s32 $0xFFFFC000  }
0x1cf: {  	[spmem:s2] =	stream.indirect.scatter.add.f32 [tilespmem:s16], [sflag:$0x4], $0x80, s0, s15, $0xb8;
	[tilespmem:$0x1D000] =	vst v63  }
0x1d0: {  	_ =	swait.ge [sflag:s19], $0x4000  }
0x1d1: {  	[sflag:s19] =	ssyncset.done $0x0  }
0x1d2: {  	[sflag:s19] =	ssyncadd.s32 $0xFFFFC000  }
0x1d3: {  	[tilespmem:s12], [sflag:$0x1] =	stream.indirect.gather [hbm4b:s4+s15], $0x80, s1, s15, $0xb8;
	[tilespmem:$0x1D000] =	vst v63  }
0x1d4: {  	_ =	swait.ge [sflag:s20], $0x4000  }
0x1d5: {  	[sflag:s20] =	ssyncset.done $0x0  }
0x1d6: {  	[sflag:s20] =	ssyncadd.s32 $0xFFFFC000  }
0x1d7: {  	[tilespmem:s16], [sflag:$0x2] =	stream.indirect.gather [hbm4b:s4+s15], $0x80, s6, s15, $0xb8;
	[tilespmem:$0x1D000] =	vst v63  }
0x1d8: {  	_ =	swait.ge [sflag:s17], $0x4000  }
0x1d9: {  	[sflag:s17] =	ssyncset.done $0x0  }
0x1da: {  	[sflag:s17] =	ssyncadd.s32 $0xFFFFC000  }
0x1db: {  	[spmem:s2] =	stream.indirect.scatter.add.f32 [tilespmem:s12], [sflag:$0x3], $0x80, s7, s15, $0xb8;
	[tilespmem:$0x1D000] =	vst v63  }
0x1dc: {  	_ =	swait.ge [sflag:s18], $0x4000  }
0x1dd: {  	[sflag:s18] =	ssyncset.done $0x0  }
0x1de: {  	[sflag:s18] =	ssyncadd.s32 $0xFFFFC000  }
0x1df: {  	[spmem:s2] =	stream.indirect.scatter.add.f32 [tilespmem:s16], [sflag:$0x4], $0x80, s8, s15, $0xb8;
	[tilespmem:$0x1D000] =	vst v63  }
0x1e0: {  	_ =	swait.ge [sflag:s19], $0x4000  }
0x1e1: {  	[sflag:s19] =	ssyncset.done $0x0  }
0x1e2: {  	[sflag:s19] =	ssyncadd.s32 $0xFFFFC000  }
0x1e3: {  	_ =	swait.ge [sflag:s20], $0x4000  }
0x1e4: {  	[sflag:s20] =	ssyncset.done $0x0  }
0x1e5: {  	[sflag:s20] =	ssyncadd.s32 $0xFFFFC000  }
0x1e6: {  	s10 =	stileid.u32;
	[bflag:$0x0] =	sbarrier.arrive $0xFFFF  }
0x1e7: {  	s5 =	sshll.u32 s10, $0x6;
	s9 =	rddreg [dreg:$0x14]  }
0x1e8: {  	s5 =	sor.u32 $0x1C05, s5;
	s11 =	rddreg [dreg:$0x19];
	s9 =	sshrl.u32 s9, $0x3  }
0x1e9: {  	[hbm:s11], [sflag:s5] =	dma.local [spmem:s9], $0x2800  }
0x1ea: {  	_ =	swait.ge [sflag:s13], $0x2800  }
0x1eb: {  	s10 =	rddreg [dreg:$0x1b]  }
0x1ec: {  	s11 =	rddreg [dreg:$0x1a];
	s9 =	sadd.s32 $0x1, s10  }
0x1ed: {  	p0 =	sne.s32 s9, s11  }
.Ltmp2:
0x1ee: {  	_ = 	snop;
	(pc) =	sbr.rel @p0 .LBB2_1-.Ltmp2, $3  }
0x1ef: {  	_ =	sdelay $0x1  }
0x1f0: {  	[sflag:s13] =	ssyncset.done $0x0  }
0x1f1: {  	[sflag:s13] =	ssyncadd.s32 $0xFFFFD800  }
0x1f2: {  	_ =	sfence.sel $0x180000  }
0x1f3: {  	[bflag:$0x0] =	sbarrier.arrive $0xFFFF  }
0x1f4: {  	_ =	strace $0x9000004D  }
0x1f5: {  	s0 =	stileid.u32;
	[bflag:$0x2] =	sbarrier.arrive $0xFFFF  }
0x1f6: {  	p0 =	sne.s32 s0, $0x0;
	s0 =	rddreg [dreg:$0x3]  }
0x1f7: {  	s0 =	sadd.s32 @!p0 $0x100000, s0  }
0x1f8: {  	[sflag:s0] =	ssyncadd.tile.s32 @!p0 $0x1;
	_ =	shalt  }
.Lfunc_end2:
_tile_overlayer_lowered:
.L_overlay_start_2:
0x1f9: {  	(tag) =	ssettag $0x2  }
0x1fa: {  	s0 =	rddreg [dreg:$0x0];
	s2 =	stileid.u32  }
0x1fb: {  	s1 =	rddreg [dreg:$0x1];
	p0 =	sne.s32 s2, $0x0  }
0x1fc: {  	s3 =	rddreg [dreg:$0x2];
	[bflag:$0x3] =	sbarrier.arrive $0xFFFF;
	s2 =	simm.s32 @!p0 $0x1C05  }
0x1fd: {  	[timem:s3], [sflag:s2] =	dma.local @!p0 [hbm:s0], s1  }
0x1fe: {  	s0 =	simm.s32 @!p0 $0x5  }
0x1ff: {  	_ =	swait.ge @!p0 [sflag:s0], s1  }
0x200: {  	s1 =	ssub.s32 @!p0 $0x0, s1;
	[sflag:s0] =	ssyncset.done @!p0 $0x0  }
0x201: {  	[sflag:s0] =	ssyncadd.s32 @!p0 s1  }
0x202: {  	[bflag:$0x3] =	sbarrier.arrive $0xFFFF  }
0x203: {  	_ =	shalt  }

</sc_bundles>
